<compile_context>
chip_gen: v7x
topology: tpu7x:2x2x1
jax: 0.10.2.dev20260603
libtpu: 0.0.44.dev20260713+nightly
codegen_flags: <defaults>
</compile_context>

<pallas_src>
import functools

import jax
import jax.numpy as jnp
from jax import lax
from jax.experimental import pallas as pl
from jax.experimental.pallas import tpu as pltpu
from jax.experimental.pallas import tpu_sc as plsc

NC = 2
NS = 16
NW = NC * NS
LN = 16
K = 80


def _degree_body(src, dst, hout, hin, sbuf, dbuf, ho, hi):
    cc = lax.axis_index("c")
    s = lax.axis_index("s")
    wid = cc * NS + s
    npad = ho.shape[0]
    ep = sbuf.shape[0]
    zeros = jnp.zeros((LN,), jnp.float32)
    ones = jnp.ones((LN,), jnp.float32)

    def zbody(i, carry):
        ho[pl.ds(i * LN, LN)] = zeros
        hi[pl.ds(i * LN, LN)] = zeros
        return carry

    lax.fori_loop(0, npad // LN, zbody, 0)
    pltpu.sync_copy(src.at[wid], sbuf)
    pltpu.sync_copy(dst.at[wid], dbuf)

    def ebody(i, carry):
        si = sbuf[pl.ds(i * LN, LN)]
        di = dbuf[pl.ds(i * LN, LN)]
        plsc.addupdate_scatter(ho, [si], ones)
        plsc.addupdate_scatter(hi, [di], ones)
        return carry

    lax.fori_loop(0, ep // LN, ebody, 0)
    pltpu.sync_copy(ho, hout.at[wid])
    pltpu.sync_copy(hi, hin.at[wid])


def _spmm_body(x, er, out, ibuf, gbuf, acc, sem_i, sem_g, sem_s):
    cc = lax.axis_index("c")
    s = lax.axis_index("s")
    wid = cc * NS + s
    d = gbuf.shape[2]
    nch = er.shape[1]
    zeros = jnp.zeros((LN,), jnp.float32)

    def zbody(i, carry):
        r = i // (d // LN)
        col = (i % (d // LN)) * LN
        gbuf[0, r, pl.ds(col, LN)] = zeros
        return carry

    lax.fori_loop(0, K * d // LN, zbody, 0)
    rows_per_tile = acc.shape[0] // NS
    base = s * rows_per_tile
    nzfull = rows_per_tile // K
    rem = rows_per_tile % K
    for j in range(nzfull):
        pltpu.async_copy(gbuf.at[0], acc.at[pl.ds(base + j * K, K)], sem_s)
    if rem:
        pltpu.async_copy(
            gbuf.at[0, pl.ds(0, rem)],
            acc.at[pl.ds(base + nzfull * K, rem)], sem_s)
    for j in range(nzfull):
        pltpu.make_async_copy(
            gbuf.at[0], acc.at[pl.ds(base + j * K, K)], sem_s).wait()
    if rem:
        pltpu.make_async_copy(
            gbuf.at[0, pl.ds(0, rem)],
            acc.at[pl.ds(base + nzfull * K, rem)], sem_s).wait()
    plsc.subcore_barrier()

    pltpu.sync_copy(er.at[wid, 0], ibuf.at[0])
    pltpu.async_copy(x.at[ibuf.at[0, 0]], gbuf.at[0], sem_g.at[0])
    pltpu.async_copy(er.at[wid, 1], ibuf.at[1], sem_i.at[1])
    pltpu.async_copy(er.at[wid, 2], ibuf.at[2], sem_i.at[0])
    pltpu.make_async_copy(er.at[wid, 1], ibuf.at[1], sem_i.at[1]).wait()
    pltpu.async_copy(x.at[ibuf.at[1, 0]], gbuf.at[1], sem_g.at[1])

    def ebody(c, carry):
        par = lax.rem(c, 2)
        i3 = lax.rem(c, 3)
        i4 = lax.rem(c, 4)
        p3 = lax.rem(c + 2, 3)
        p4 = lax.rem(c + 3, 4)
        n3 = lax.rem(c + 2, 3)
        n4 = lax.rem(c + 2, 4)
        npar = lax.rem(c + 1, 2)
        pltpu.make_async_copy(
            x.at[ibuf.at[i4, 0]], gbuf.at[i3], sem_g.at[par]).wait()

        @pl.when(c > 0)
        def _():
            pltpu.make_async_copy(
                gbuf.at[p3], acc.at[ibuf.at[p4, 1]], sem_s).wait()

        pltpu.async_copy(gbuf.at[i3], acc.at[ibuf.at[i4, 1]], sem_s,
                         add=True)

        @pl.when(c + 2 < nch)
        def _():
            pltpu.make_async_copy(
                er.at[wid, c + 2], ibuf.at[n4], sem_i.at[par]).wait()
            pltpu.async_copy(x.at[ibuf.at[n4, 0]], gbuf.at[n3],
                             sem_g.at[par])

        @pl.when(c + 3 < nch)
        def _():
            pltpu.async_copy(er.at[wid, c + 3], ibuf.at[p4],
                             sem_i.at[npar])

        return carry

    lax.fori_loop(0, nch, ebody, 0)
    pltpu.make_async_copy(
        gbuf.at[(nch - 1) % 3], acc.at[ibuf.at[(nch - 1) % 4, 1]],
        sem_s).wait()
    plsc.subcore_barrier()
    sl = pl.ds(base, rows_per_tile)
    pltpu.sync_copy(acc.at[sl], out.at[cc, sl])


def _scales_x0_body(houtT, hinT, x_ref, x0_ref, g_ref, a_ref, b_ref,
                    raw_ref):
    dout = jnp.sum(houtT[...], axis=1, keepdims=True)
    din = jnp.sum(hinT[...], axis=1, keepdims=True)
    a = lax.rsqrt(jnp.maximum(dout, 1.0))
    b = lax.rsqrt(jnp.maximum(din, 1.0))
    x0_ref[...] = x_ref[...] * a
    g_ref[...] = a * b
    a_ref[...] = a
    b_ref[...] = b
    raw_ref[...] = din


def _combine_body(p0_ref, p1_ref, s_ref, a_ref, brow_ref, o_ref):
    o_ref[...] = ((p0_ref[0] + p1_ref[0]) * s_ref[...]
                  + a_ref[...] * brow_ref[...])


def _matmul_body(p0_ref, p1_ref, w_ref, raw_ref, brow_ref, o_ref):
    h = p0_ref[0] + p1_ref[0]
    o_ref[...] = (
        jnp.dot(h, w_ref[...], preferred_element_type=jnp.float32,
                precision=lax.Precision.HIGHEST)
        + raw_ref[...] * brow_ref[...]
    )


@functools.lru_cache(maxsize=None)
def _build(n, e, d):
    npad = -(-(n + 1) // (NS * 8)) * (NS * 8)
    ep = e // NW
    nch = -(-ep // K)
    mesh = plsc.VectorSubcoreMesh(core_axis_name="c", subcore_axis_name="s")
    sc_params = pltpu.CompilerParams(needs_layout_passes=False)

    degree = pl.kernel(
        _degree_body,
        out_type=[jax.ShapeDtypeStruct((NW, npad), jnp.float32)] * 2,
        mesh=mesh,
        compiler_params=sc_params,
        scratch_types=[
            pltpu.VMEM((ep,), jnp.int32),
            pltpu.VMEM((ep,), jnp.int32),
            pltpu.VMEM((npad,), jnp.float32),
            pltpu.VMEM((npad,), jnp.float32),
        ],
    )

    spmm = pl.kernel(
        _spmm_body,
        out_type=jax.ShapeDtypeStruct((NC, npad, d), jnp.float32),
        mesh=mesh,
        compiler_params=sc_params,
        scratch_types=[
            pltpu.VMEM((4, 2, K), jnp.int32),
            pltpu.VMEM((3, K, d), jnp.float32),
            pltpu.VMEM_SHARED((npad, d), jnp.float32),
            pltpu.SemaphoreType.DMA((2,)),
            pltpu.SemaphoreType.DMA((2,)),
            pltpu.SemaphoreType.DMA,
        ],
    )

    R1 = 1280
    scales_x0 = pl.pallas_call(
        _scales_x0_body,
        grid=(-(-npad // R1),),
        in_specs=[
            pl.BlockSpec((R1, NW), lambda i: (i, 0)),
            pl.BlockSpec((R1, NW), lambda i: (i, 0)),
            pl.BlockSpec((R1, d), lambda i: (i, 0)),
        ],
        out_specs=[
            pl.BlockSpec((R1, d), lambda i: (i, 0)),
            pl.BlockSpec((R1, 1), lambda i: (i, 0)),
            pl.BlockSpec((R1, 1), lambda i: (i, 0)),
            pl.BlockSpec((R1, 1), lambda i: (i, 0)),
            pl.BlockSpec((R1, 1), lambda i: (i, 0)),
        ],
        out_shape=[
            jax.ShapeDtypeStruct((npad, d), jnp.float32),
            jax.ShapeDtypeStruct((npad, 1), jnp.float32),
            jax.ShapeDtypeStruct((npad, 1), jnp.float32),
            jax.ShapeDtypeStruct((npad, 1), jnp.float32),
            jax.ShapeDtypeStruct((npad, 1), jnp.float32),
        ],
    )

    R = 400
    grid = (n // R,)
    vec_spec = pl.BlockSpec((R, 1), lambda i: (i, 0))
    row_spec = pl.BlockSpec((R, d), lambda i: (i, 0))
    part0_spec = pl.BlockSpec((1, R, d), lambda i: (0, i, 0))
    part1_spec = pl.BlockSpec((1, R, d), lambda i: (1, i, 0))
    brow_spec = pl.BlockSpec((1, d), lambda i: (0, 0))

    combine = pl.pallas_call(
        _combine_body,
        grid=grid,
        in_specs=[part0_spec, part1_spec, vec_spec, vec_spec, brow_spec],
        out_specs=row_spec,
        out_shape=jax.ShapeDtypeStruct((npad, d), jnp.float32),
    )

    matmul = pl.pallas_call(
        _matmul_body,
        grid=grid,
        in_specs=[part0_spec, part1_spec,
                  pl.BlockSpec((d, d), lambda i: (0, 0)),
                  vec_spec, brow_spec],
        out_specs=row_spec,
        out_shape=jax.ShapeDtypeStruct((n, d), jnp.float32),
    )

    return degree, spmm, scales_x0, combine, matmul, npad, nch


def kernel(graph_embedding, edge_index, W1, b0, b1):
    x = graph_embedding
    n, d = x.shape
    e = edge_index.shape[1]
    degree, spmm, scales_x0, combine, matmul, npad, nch = _build(n, e, d)
    ep = e // NW
    etp = nch * K

    pad = jnp.full((NW, etp - ep), n, jnp.int32)
    srcp = jnp.concatenate(
        [edge_index[0].reshape(NW, ep), pad], axis=1).reshape(NW, nch, K)
    dstp = jnp.concatenate(
        [edge_index[1].reshape(NW, ep), pad], axis=1).reshape(NW, nch, K)
    er = jnp.stack([srcp, dstp], axis=2)

    hout, hin = degree(edge_index[0].reshape(NW, ep),
                       edge_index[1].reshape(NW, ep))
    x0, g, a, b, raw = scales_x0(hout.T, hin.T, x)
    zrow = jnp.zeros((1, d), jnp.float32)

    p = spmm(x0, er)
    x1 = combine(p, p, g, a, b0[None, :].astype(jnp.float32))
    q = spmm(x1, er)
    x2 = combine(q, q, b, a, zrow)
    r = spmm(x2, er)
    return matmul(r, r, W1, raw, b1[None, :].astype(jnp.float32))

# --- scband reference (transcript-rebuilt; emitter-appended) ---
"""Pipeline reference for scband-prompt-gcn-21534966022320 (READ-ONLY COPY).

The authoritative reference and input builder live on the scoring server;
editing this copy changes nothing except your own understanding.
"""

import jax, jax.numpy as jnp
import numpy as np

N = 10000
E = 320000
D = 128


def setup_inputs(seed: int = 0) -> dict:
    key = jax.random.key(seed)
    k1, k2, k3 = jax.random.split(key, 3)
    graph_embedding = jax.random.normal(k1, (N, D), dtype=jnp.float32)
    edge_index = jax.random.randint(k2, (2, E), 0, N, dtype=jnp.int32)
    # Learned parameters: layer0 is GraphConv(weight=False) -> bias only;
    # layer1 is GraphConv with weight + bias.
    W1 = jax.random.normal(k3, (D, D), dtype=jnp.float32) * 0.05
    b0 = jnp.zeros((D,), dtype=jnp.float32)
    b1 = jnp.zeros((D,), dtype=jnp.float32)
    return {
        'graph_embedding': graph_embedding,
        'edge_index': edge_index,
        'W1': W1,
        'b0': b0,
        'b1': b1,
    }


def _graph_conv(x, src, dst, W, b, n):
    # DGL GraphConv with norm='both' (symmetric normalization).
    # in_feats == out_feats -> aggregate first, then matmul.
    deg_out = jnp.clip(jnp.zeros((n,), dtype=x.dtype).at[src].add(1.0), 1.0, None)
    h = x * (deg_out ** -0.5)[:, None]
    agg = jnp.zeros_like(x).at[dst].add(h[src])
    deg_in = jnp.clip(jnp.zeros((n,), dtype=x.dtype).at[dst].add(1.0), 1.0, None)
    agg = agg * (deg_in ** -0.5)[:, None]
    if W is not None:
        agg = agg @ W
    return agg + b


def reference(graph_embedding, edge_index, W1, b0, b1):
    # Dropout layers act as identity in eval/inference mode.
    src = edge_index[0]
    dst = edge_index[1]
    n = graph_embedding.shape[0]
    # layer 0: GraphConv(input_dim, input_dim, weight=False) -> bias only
    h = _graph_conv(graph_embedding, src, dst, None, b0, n)
    # layer 1: GraphConv(input_dim, input_dim) with weight + bias
    h = _graph_conv(h, src, dst, W1, b1, n)
    # final update_all(copy_u('ft','m'), sum('m','ft')): unnormalized scatter-add
    out = jnp.zeros_like(h).at[dst].add(h[src])
    return out

if __name__ == "__main__":
    import jax
    _d = setup_inputs()
    print(jax.jit(kernel)(*tuple(_d.values())))

</pallas_src>

<mosaic_0001>
#map = affine_map<(d0, d1) -> (0, 0)>
#map1 = affine_map<(d0, d1) -> (0, 0, 0, 0)>
#map2 = affine_map<(d0, d1) -> (0, 0, 0)>
module attributes {stable_mosaic.version = 14 : i64} {
  func.func @_spmm_body(%arg0: i32, %arg1: i32, %arg2: memref<10112x128xf32, #tpu.memory_space<hbm>>, %arg3: memref<32x125x2x80xi32, #tpu.memory_space<hbm>>, %arg4: memref<2x10112x128xf32, #tpu.memory_space<hbm>>, %arg5: memref<4x2x80xi32, #tpu.memory_space<vmem>>, %arg6: memref<3x80x128xf32, #tpu.memory_space<vmem>>, %arg7: memref<10112x128xf32, #tpu.memory_space<vmem_shared>>, %arg8: memref<2x!tpu.dma_semaphore, #tpu.memory_space<semaphore_mem>>, %arg9: memref<2x!tpu.dma_semaphore, #tpu.memory_space<semaphore_mem>>, %arg10: memref<!tpu.dma_semaphore, #tpu.memory_space<semaphore_mem>>) attributes {dimension_semantics = [#tpu.dimension_semantics<core_parallel>, #tpu.dimension_semantics<subcore_parallel>], iteration_bounds = array<i64: 2, 16>, scalar_prefetch = 0 : i64, scratch_operands = 6 : i64, tpu.core_type = #tpu.core_type<sc_vector_subcore>, window_params = [{transform_indices = #map}, {transform_indices = #map1}, {transform_indices = #map2}]} {
    %mul3A = arith.constant 16 : i32
    %mul3A_0 = arith.muli %arg0, %mul3A : i32
    %add3A = arith.addi %mul3A_0, %arg1 : i32
    %broadcast_in_dim3A = arith.constant 0.000000e+00 : f32
    %broadcast_in_dim3A_1 = vector.broadcast %broadcast_in_dim3A : f32 to vector<16xf32>
    %scan3A = arith.constant 0 : i32
    %scan3A_2 = arith.constant 0 : i32
    %scan3A_3 = arith.constant 640 : i32
    %scan3A_4 = arith.addi %scan3A_2, %scan3A_3 : i32
    %scan3A_5 = arith.constant 1 : i32
    scf.for %scan3A_363 = %scan3A_2 to %scan3A_4 step %scan3A_5  : i32 {
      %jit3A = arith.constant 8 : i32
      %div3A = arith.divsi %scan3A_363, %jit3A : i32
      %sign3A = arith.constant 0 : i32
      %sign3A_364 = arith.cmpi sgt, %scan3A_363, %sign3A : i32
      %sign3A_365 = arith.extui %sign3A_364 : i1 to i32
      %sign3A_366 = arith.constant 0 : i32
      %sign3A_367 = arith.cmpi slt, %scan3A_363, %sign3A_366 : i32
      %sign3A_368 = arith.extui %sign3A_367 : i1 to i32
      %sign3A_369 = arith.subi %sign3A_365, %sign3A_368 : i32
      %sign3A_370 = arith.constant 0 : i32
      %sign3A_371 = arith.cmpi sgt, %jit3A, %sign3A_370 : i32
      %sign3A_372 = arith.extui %sign3A_371 : i1 to i32
      %sign3A_373 = arith.constant 0 : i32
      %sign3A_374 = arith.cmpi slt, %jit3A, %sign3A_373 : i32
      %sign3A_375 = arith.extui %sign3A_374 : i1 to i32
      %sign3A_376 = arith.subi %sign3A_372, %sign3A_375 : i32
      %ne3A = arith.cmpi ne, %sign3A_369, %sign3A_376 : i32
      %rem3A = arith.remsi %scan3A_363, %jit3A : i32
      %ne3A_377 = arith.constant 0 : i32
      %ne3A_378 = arith.cmpi ne, %rem3A, %ne3A_377 : i32
      %and3A = arith.andi %ne3A, %ne3A_378 : i1
      %sub3A = arith.constant 1 : i32
      %sub3A_379 = arith.subi %div3A, %sub3A : i32
      %select_n3A = arith.select %and3A, %sub3A_379, %div3A : i32
      %jit3A_380 = arith.constant 8 : i32
      %eq3A = arith.constant 0 : i32
      %eq3A_381 = arith.cmpi eq, %jit3A_380, %eq3A : i32
      %jit3A_382 = arith.constant 1 : i32
      %select_n3A_383 = arith.select %eq3A_381, %jit3A_382, %jit3A_380 : i32
      %rem3A_384 = arith.remsi %scan3A_363, %select_n3A_383 : i32
      %ne3A_385 = arith.constant 0 : i32
      %ne3A_386 = arith.cmpi ne, %rem3A_384, %ne3A_385 : i32
      %lt3A = arith.constant 0 : i32
      %lt3A_387 = arith.cmpi slt, %rem3A_384, %lt3A : i32
      %lt3A_388 = arith.constant 0 : i32
      %lt3A_389 = arith.cmpi slt, %select_n3A_383, %lt3A_388 : i32
      %ne3A_390 = arith.xori %lt3A_387, %lt3A_389 : i1
      %and3A_391 = arith.andi %ne3A_390, %ne3A_386 : i1
      %add3A_392 = arith.addi %rem3A_384, %select_n3A_383 : i32
      %select_n3A_393 = arith.select %and3A_391, %add3A_392, %rem3A_384 : i32
      %mul3A_394 = arith.constant 16 : i32
      %mul3A_395 = arith.muli %select_n3A_393, %mul3A_394 : i32
      %swap3A = arith.constant 0 : i32
      %swap3A_396 = arith.index_cast %swap3A : i32 to index
      %swap3A_397 = arith.index_cast %select_n3A : i32 to index
      %swap3A_398 = arith.index_cast %mul3A_395 : i32 to index
      %swap3A_399 = tpu.vector_load %arg6[%swap3A_396, %swap3A_397, %swap3A_398] {strides = array<i32>} : memref<3x80x128xf32, #tpu.memory_space<vmem>>, vector<16xf32>,
      tpu.vector_store %arg6[%swap3A_396, %swap3A_397, %swap3A_398], %broadcast_in_dim3A_1 {strides = array<i32>} : memref<3x80x128xf32, #tpu.memory_space<vmem>>, vector<16xf32>,
    }
    %scan3A_6 = arith.constant 640 : i32
    %mul3A_7 = arith.constant 632 : i32
    %mul3A_8 = arith.muli %arg1, %mul3A_7 : i32
    %add3A_9 = arith.constant 0 : i32
    %add3A_10 = arith.addi %mul3A_8, %add3A_9 : i32
    %dma_start3A = arith.constant 0 : i32
    %dma_start3A_11 = arith.constant 0 : i32
    %dma_start3A_12 = arith.constant 0 : i32
    %dma_start3A_13 = tpu.memref_slice %arg6[%dma_start3A, %dma_start3A_11, %dma_start3A_12] : memref<3x80x128xf32, #tpu.memory_space<vmem>> -> memref<1x80x128xf32, #tpu.memory_space<vmem>>
    %dma_start3A_14 = tpu.memref_squeeze %dma_start3A_13 : memref<1x80x128xf32, #tpu.memory_space<vmem>> -> memref<80x128xf32, #tpu.memory_space<vmem>>
    %dma_start3A_15 = arith.constant 0 : i32
    %dma_start3A_16 = tpu.memref_slice %arg7[%add3A_10, %dma_start3A_15] : memref<10112x128xf32, #tpu.memory_space<vmem_shared>> -> memref<80x128xf32, #tpu.memory_space<vmem_shared>>
    %dma_start3A_17 = arith.constant 0 : i32
    %dma_start3A_18 = tpu.memref_slice %arg7[%add3A_10, %dma_start3A_17] : memref<10112x128xf32, #tpu.memory_space<vmem_shared>> -> memref<80x128xf32, #tpu.memory_space<vmem_shared>>
    %dma_start3A_19 = arith.constant 0 : i32
    %dma_start3A_20 = arith.constant 0 : i32
    %dma_start3A_21 = tpu.memref_slice %arg6[%dma_start3A, %dma_start3A_19, %dma_start3A_20] : memref<3x80x128xf32, #tpu.memory_space<vmem>> -> memref<1x80x128xf32, #tpu.memory_space<vmem>>
    %dma_start3A_22 = tpu.memref_squeeze %dma_start3A_21 : memref<1x80x128xf32, #tpu.memory_space<vmem>> -> memref<80x128xf32, #tpu.memory_space<vmem>>
    tpu.enqueue_dma source(%dma_start3A_22 : memref<80x128xf32, #tpu.memory_space<vmem>>) target(%dma_start3A_18 : memref<80x128xf32, #tpu.memory_space<vmem_shared>>) target_semaphore(%arg10 : memref<!tpu.dma_semaphore, #tpu.memory_space<semaphore_mem>>)
    %add3A_23 = arith.constant 80 : i32
    %add3A_24 = arith.addi %mul3A_8, %add3A_23 : i32
    %dma_start3A_25 = arith.constant 0 : i32
    %dma_start3A_26 = arith.constant 0 : i32
    %dma_start3A_27 = arith.constant 0 : i32
    %dma_start3A_28 = tpu.memref_slice %arg6[%dma_start3A_25, %dma_start3A_26, %dma_start3A_27] : memref<3x80x128xf32, #tpu.memory_space<vmem>> -> memref<1x80x128xf32, #tpu.memory_space<vmem>>
    %dma_start3A_29 = tpu.memref_squeeze %dma_start3A_28 : memref<1x80x128xf32, #tpu.memory_space<vmem>> -> memref<80x128xf32, #tpu.memory_space<vmem>>
    %dma_start3A_30 = arith.constant 0 : i32
    %dma_start3A_31 = tpu.memref_slice %arg7[%add3A_24, %dma_start3A_30] : memref<10112x128xf32, #tpu.memory_space<vmem_shared>> -> memref<80x128xf32, #tpu.memory_space<vmem_shared>>
    %dma_start3A_32 = arith.constant 0 : i32
    %dma_start3A_33 = tpu.memref_slice %arg7[%add3A_24, %dma_start3A_32] : memref<10112x128xf32, #tpu.memory_space<vmem_shared>> -> memref<80x128xf32, #tpu.memory_space<vmem_shared>>
    %dma_start3A_34 = arith.constant 0 : i32
    %dma_start3A_35 = arith.constant 0 : i32
    %dma_start3A_36 = tpu.memref_slice %arg6[%dma_start3A_25, %dma_start3A_34, %dma_start3A_35] : memref<3x80x128xf32, #tpu.memory_space<vmem>> -> memref<1x80x128xf32, #tpu.memory_space<vmem>>
    %dma_start3A_37 = tpu.memref_squeeze %dma_start3A_36 : memref<1x80x128xf32, #tpu.memory_space<vmem>> -> memref<80x128xf32, #tpu.memory_space<vmem>>
    tpu.enqueue_dma source(%dma_start3A_37 : memref<80x128xf32, #tpu.memory_space<vmem>>) target(%dma_start3A_33 : memref<80x128xf32, #tpu.memory_space<vmem_shared>>) target_semaphore(%arg10 : memref<!tpu.dma_semaphore, #tpu.memory_space<semaphore_mem>>)
    %add3A_38 = arith.constant 160 : i32
    %add3A_39 = arith.addi %mul3A_8, %add3A_38 : i32
    %dma_start3A_40 = arith.constant 0 : i32
    %dma_start3A_41 = arith.constant 0 : i32
    %dma_start3A_42 = arith.constant 0 : i32
    %dma_start3A_43 = tpu.memref_slice %arg6[%dma_start3A_40, %dma_start3A_41, %dma_start3A_42] : memref<3x80x128xf32, #tpu.memory_space<vmem>> -> memref<1x80x128xf32, #tpu.memory_space<vmem>>
    %dma_start3A_44 = tpu.memref_squeeze %dma_start3A_43 : memref<1x80x128xf32, #tpu.memory_space<vmem>> -> memref<80x128xf32, #tpu.memory_space<vmem>>
    %dma_start3A_45 = arith.constant 0 : i32
    %dma_start3A_46 = tpu.memref_slice %arg7[%add3A_39, %dma_start3A_45] : memref<10112x128xf32, #tpu.memory_space<vmem_shared>> -> memref<80x128xf32, #tpu.memory_space<vmem_shared>>
    %dma_start3A_47 = arith.constant 0 : i32
    %dma_start3A_48 = tpu.memref_slice %arg7[%add3A_39, %dma_start3A_47] : memref<10112x128xf32, #tpu.memory_space<vmem_shared>> -> memref<80x128xf32, #tpu.memory_space<vmem_shared>>
    %dma_start3A_49 = arith.constant 0 : i32
    %dma_start3A_50 = arith.constant 0 : i32
    %dma_start3A_51 = tpu.memref_slice %arg6[%dma_start3A_40, %dma_start3A_49, %dma_start3A_50] : memref<3x80x128xf32, #tpu.memory_space<vmem>> -> memref<1x80x128xf32, #tpu.memory_space<vmem>>
    %dma_start3A_52 = tpu.memref_squeeze %dma_start3A_51 : memref<1x80x128xf32, #tpu.memory_space<vmem>> -> memref<80x128xf32, #tpu.memory_space<vmem>>
    tpu.enqueue_dma source(%dma_start3A_52 : memref<80x128xf32, #tpu.memory_space<vmem>>) target(%dma_start3A_48 : memref<80x128xf32, #tpu.memory_space<vmem_shared>>) target_semaphore(%arg10 : memref<!tpu.dma_semaphore, #tpu.memory_space<semaphore_mem>>)
    %add3A_53 = arith.constant 240 : i32
    %add3A_54 = arith.addi %mul3A_8, %add3A_53 : i32
    %dma_start3A_55 = arith.constant 0 : i32
    %dma_start3A_56 = arith.constant 0 : i32
    %dma_start3A_57 = arith.constant 0 : i32
    %dma_start3A_58 = tpu.memref_slice %arg6[%dma_start3A_55, %dma_start3A_56, %dma_start3A_57] : memref<3x80x128xf32, #tpu.memory_space<vmem>> -> memref<1x80x128xf32, #tpu.memory_space<vmem>>
    %dma_start3A_59 = tpu.memref_squeeze %dma_start3A_58 : memref<1x80x128xf32, #tpu.memory_space<vmem>> -> memref<80x128xf32, #tpu.memory_space<vmem>>
    %dma_start3A_60 = arith.constant 0 : i32
    %dma_start3A_61 = tpu.memref_slice %arg7[%add3A_54, %dma_start3A_60] : memref<10112x128xf32, #tpu.memory_space<vmem_shared>> -> memref<80x128xf32, #tpu.memory_space<vmem_shared>>
    %dma_start3A_62 = arith.constant 0 : i32
    %dma_start3A_63 = tpu.memref_slice %arg7[%add3A_54, %dma_start3A_62] : memref<10112x128xf32, #tpu.memory_space<vmem_shared>> -> memref<80x128xf32, #tpu.memory_space<vmem_shared>>
    %dma_start3A_64 = arith.constant 0 : i32
    %dma_start3A_65 = arith.constant 0 : i32
    %dma_start3A_66 = tpu.memref_slice %arg6[%dma_start3A_55, %dma_start3A_64, %dma_start3A_65] : memref<3x80x128xf32, #tpu.memory_space<vmem>> -> memref<1x80x128xf32, #tpu.memory_space<vmem>>
    %dma_start3A_67 = tpu.memref_squeeze %dma_start3A_66 : memref<1x80x128xf32, #tpu.memory_space<vmem>> -> memref<80x128xf32, #tpu.memory_space<vmem>>
    tpu.enqueue_dma source(%dma_start3A_67 : memref<80x128xf32, #tpu.memory_space<vmem>>) target(%dma_start3A_63 : memref<80x128xf32, #tpu.memory_space<vmem_shared>>) target_semaphore(%arg10 : memref<!tpu.dma_semaphore, #tpu.memory_space<semaphore_mem>>)
    %add3A_68 = arith.constant 320 : i32
    %add3A_69 = arith.addi %mul3A_8, %add3A_68 : i32
    %dma_start3A_70 = arith.constant 0 : i32
    %dma_start3A_71 = arith.constant 0 : i32
    %dma_start3A_72 = arith.constant 0 : i32
    %dma_start3A_73 = tpu.memref_slice %arg6[%dma_start3A_70, %dma_start3A_71, %dma_start3A_72] : memref<3x80x128xf32, #tpu.memory_space<vmem>> -> memref<1x80x128xf32, #tpu.memory_space<vmem>>
    %dma_start3A_74 = tpu.memref_squeeze %dma_start3A_73 : memref<1x80x128xf32, #tpu.memory_space<vmem>> -> memref<80x128xf32, #tpu.memory_space<vmem>>
    %dma_start3A_75 = arith.constant 0 : i32
    %dma_start3A_76 = tpu.memref_slice %arg7[%add3A_69, %dma_start3A_75] : memref<10112x128xf32, #tpu.memory_space<vmem_shared>> -> memref<80x128xf32, #tpu.memory_space<vmem_shared>>
    %dma_start3A_77 = arith.constant 0 : i32
    %dma_start3A_78 = tpu.memref_slice %arg7[%add3A_69, %dma_start3A_77] : memref<10112x128xf32, #tpu.memory_space<vmem_shared>> -> memref<80x128xf32, #tpu.memory_space<vmem_shared>>
    %dma_start3A_79 = arith.constant 0 : i32
    %dma_start3A_80 = arith.constant 0 : i32
    %dma_start3A_81 = tpu.memref_slice %arg6[%dma_start3A_70, %dma_start3A_79, %dma_start3A_80] : memref<3x80x128xf32, #tpu.memory_space<vmem>> -> memref<1x80x128xf32, #tpu.memory_space<vmem>>
    %dma_start3A_82 = tpu.memref_squeeze %dma_start3A_81 : memref<1x80x128xf32, #tpu.memory_space<vmem>> -> memref<80x128xf32, #tpu.memory_space<vmem>>
    tpu.enqueue_dma source(%dma_start3A_82 : memref<80x128xf32, #tpu.memory_space<vmem>>) target(%dma_start3A_78 : memref<80x128xf32, #tpu.memory_space<vmem_shared>>) target_semaphore(%arg10 : memref<!tpu.dma_semaphore, #tpu.memory_space<semaphore_mem>>)
    %add3A_83 = arith.constant 400 : i32
    %add3A_84 = arith.addi %mul3A_8, %add3A_83 : i32
    %dma_start3A_85 = arith.constant 0 : i32
    %dma_start3A_86 = arith.constant 0 : i32
    %dma_start3A_87 = arith.constant 0 : i32
    %dma_start3A_88 = tpu.memref_slice %arg6[%dma_start3A_85, %dma_start3A_86, %dma_start3A_87] : memref<3x80x128xf32, #tpu.memory_space<vmem>> -> memref<1x80x128xf32, #tpu.memory_space<vmem>>
    %dma_start3A_89 = tpu.memref_squeeze %dma_start3A_88 : memref<1x80x128xf32, #tpu.memory_space<vmem>> -> memref<80x128xf32, #tpu.memory_space<vmem>>
    %dma_start3A_90 = arith.constant 0 : i32
    %dma_start3A_91 = tpu.memref_slice %arg7[%add3A_84, %dma_start3A_90] : memref<10112x128xf32, #tpu.memory_space<vmem_shared>> -> memref<80x128xf32, #tpu.memory_space<vmem_shared>>
    %dma_start3A_92 = arith.constant 0 : i32
    %dma_start3A_93 = tpu.memref_slice %arg7[%add3A_84, %dma_start3A_92] : memref<10112x128xf32, #tpu.memory_space<vmem_shared>> -> memref<80x128xf32, #tpu.memory_space<vmem_shared>>
    %dma_start3A_94 = arith.constant 0 : i32
    %dma_start3A_95 = arith.constant 0 : i32
    %dma_start3A_96 = tpu.memref_slice %arg6[%dma_start3A_85, %dma_start3A_94, %dma_start3A_95] : memref<3x80x128xf32, #tpu.memory_space<vmem>> -> memref<1x80x128xf32, #tpu.memory_space<vmem>>
    %dma_start3A_97 = tpu.memref_squeeze %dma_start3A_96 : memref<1x80x128xf32, #tpu.memory_space<vmem>> -> memref<80x128xf32, #tpu.memory_space<vmem>>
    tpu.enqueue_dma source(%dma_start3A_97 : memref<80x128xf32, #tpu.memory_space<vmem>>) target(%dma_start3A_93 : memref<80x128xf32, #tpu.memory_space<vmem_shared>>) target_semaphore(%arg10 : memref<!tpu.dma_semaphore, #tpu.memory_space<semaphore_mem>>)
    %add3A_98 = arith.constant 480 : i32
    %add3A_99 = arith.addi %mul3A_8, %add3A_98 : i32
    %dma_start3A_100 = arith.constant 0 : i32
    %dma_start3A_101 = arith.constant 0 : i32
    %dma_start3A_102 = arith.constant 0 : i32
    %dma_start3A_103 = tpu.memref_slice %arg6[%dma_start3A_100, %dma_start3A_101, %dma_start3A_102] : memref<3x80x128xf32, #tpu.memory_space<vmem>> -> memref<1x80x128xf32, #tpu.memory_space<vmem>>
    %dma_start3A_104 = tpu.memref_squeeze %dma_start3A_103 : memref<1x80x128xf32, #tpu.memory_space<vmem>> -> memref<80x128xf32, #tpu.memory_space<vmem>>
    %dma_start3A_105 = arith.constant 0 : i32
    %dma_start3A_106 = tpu.memref_slice %arg7[%add3A_99, %dma_start3A_105] : memref<10112x128xf32, #tpu.memory_space<vmem_shared>> -> memref<80x128xf32, #tpu.memory_space<vmem_shared>>
    %dma_start3A_107 = arith.constant 0 : i32
    %dma_start3A_108 = tpu.memref_slice %arg7[%add3A_99, %dma_start3A_107] : memref<10112x128xf32, #tpu.memory_space<vmem_shared>> -> memref<80x128xf32, #tpu.memory_space<vmem_shared>>
    %dma_start3A_109 = arith.constant 0 : i32
    %dma_start3A_110 = arith.constant 0 : i32
    %dma_start3A_111 = tpu.memref_slice %arg6[%dma_start3A_100, %dma_start3A_109, %dma_start3A_110] : memref<3x80x128xf32, #tpu.memory_space<vmem>> -> memref<1x80x128xf32, #tpu.memory_space<vmem>>
    %dma_start3A_112 = tpu.memref_squeeze %dma_start3A_111 : memref<1x80x128xf32, #tpu.memory_space<vmem>> -> memref<80x128xf32, #tpu.memory_space<vmem>>
    tpu.enqueue_dma source(%dma_start3A_112 : memref<80x128xf32, #tpu.memory_space<vmem>>) target(%dma_start3A_108 : memref<80x128xf32, #tpu.memory_space<vmem_shared>>) target_semaphore(%arg10 : memref<!tpu.dma_semaphore, #tpu.memory_space<semaphore_mem>>)
    %add3A_113 = arith.constant 560 : i32
    %add3A_114 = arith.addi %mul3A_8, %add3A_113 : i32
    %dma_start3A_115 = arith.constant 0 : i32
    %dma_start3A_116 = arith.constant 0 : i32
    %dma_start3A_117 = arith.constant 0 : i32
    %dma_start3A_118 = tpu.memref_slice %arg6[%dma_start3A_115, %dma_start3A_116, %dma_start3A_117] : memref<3x80x128xf32, #tpu.memory_space<vmem>> -> memref<1x72x128xf32, #tpu.memory_space<vmem>>
    %dma_start3A_119 = tpu.memref_squeeze %dma_start3A_118 : memref<1x72x128xf32, #tpu.memory_space<vmem>> -> memref<72x128xf32, #tpu.memory_space<vmem>>
    %dma_start3A_120 = arith.constant 0 : i32
    %dma_start3A_121 = tpu.memref_slice %arg7[%add3A_114, %dma_start3A_120] : memref<10112x128xf32, #tpu.memory_space<vmem_shared>> -> memref<72x128xf32, #tpu.memory_space<vmem_shared>>
    %dma_start3A_122 = arith.constant 0 : i32
    %dma_start3A_123 = tpu.memref_slice %arg7[%add3A_114, %dma_start3A_122] : memref<10112x128xf32, #tpu.memory_space<vmem_shared>> -> memref<72x128xf32, #tpu.memory_space<vmem_shared>>
    %dma_start3A_124 = arith.constant 0 : i32
    %dma_start3A_125 = arith.constant 0 : i32
    %dma_start3A_126 = tpu.memref_slice %arg6[%dma_start3A_115, %dma_start3A_124, %dma_start3A_125] : memref<3x80x128xf32, #tpu.memory_space<vmem>> -> memref<1x72x128xf32, #tpu.memory_space<vmem>>
    %dma_start3A_127 = tpu.memref_squeeze %dma_start3A_126 : memref<1x72x128xf32, #tpu.memory_space<vmem>> -> memref<72x128xf32, #tpu.memory_space<vmem>>
    tpu.enqueue_dma source(%dma_start3A_127 : memref<72x128xf32, #tpu.memory_space<vmem>>) target(%dma_start3A_123 : memref<72x128xf32, #tpu.memory_space<vmem_shared>>) target_semaphore(%arg10 : memref<!tpu.dma_semaphore, #tpu.memory_space<semaphore_mem>>)
    %add3A_128 = arith.constant 0 : i32
    %add3A_129 = arith.addi %mul3A_8, %add3A_128 : i32
    %dma_wait3A = arith.constant 0 : i32
    %dma_wait3A_130 = arith.constant 0 : i32
    %dma_wait3A_131 = arith.constant 0 : i32
    %dma_wait3A_132 = tpu.memref_slice %arg6[%dma_wait3A, %dma_wait3A_130, %dma_wait3A_131] : memref<3x80x128xf32, #tpu.memory_space<vmem>> -> memref<1x80x128xf32, #tpu.memory_space<vmem>>
    %dma_wait3A_133 = tpu.memref_squeeze %dma_wait3A_132 : memref<1x80x128xf32, #tpu.memory_space<vmem>> -> memref<80x128xf32, #tpu.memory_space<vmem>>
    %dma_wait3A_134 = arith.constant 0 : i32
    %dma_wait3A_135 = tpu.memref_slice %arg7[%add3A_129, %dma_wait3A_134] : memref<10112x128xf32, #tpu.memory_space<vmem_shared>> -> memref<80x128xf32, #tpu.memory_space<vmem_shared>>
    %dma_wait3A_136 = arith.constant 0 : i32
    %dma_wait3A_137 = tpu.memref_slice %arg7[%add3A_129, %dma_wait3A_136] : memref<10112x128xf32, #tpu.memory_space<vmem_shared>> -> memref<80x128xf32, #tpu.memory_space<vmem_shared>>
    %dma_wait3A_138 = arith.constant 0 : i32
    %dma_wait3A_139 = arith.constant 0 : i32
    %dma_wait3A_140 = tpu.memref_slice %arg6[%dma_wait3A, %dma_wait3A_138, %dma_wait3A_139] : memref<3x80x128xf32, #tpu.memory_space<vmem>> -> memref<1x80x128xf32, #tpu.memory_space<vmem>>
    %dma_wait3A_141 = tpu.memref_squeeze %dma_wait3A_140 : memref<1x80x128xf32, #tpu.memory_space<vmem>> -> memref<80x128xf32, #tpu.memory_space<vmem>>
    tpu.wait_dma2 semaphore(%arg10 : memref<!tpu.dma_semaphore, #tpu.memory_space<semaphore_mem>>) src(%dma_wait3A_141 : memref<80x128xf32, #tpu.memory_space<vmem>>) dst(%dma_wait3A_137 : memref<80x128xf32, #tpu.memory_space<vmem_shared>>)
    %add3A_142 = arith.constant 80 : i32
    %add3A_143 = arith.addi %mul3A_8, %add3A_142 : i32
    %dma_wait3A_144 = arith.constant 0 : i32
    %dma_wait3A_145 = arith.constant 0 : i32
    %dma_wait3A_146 = arith.constant 0 : i32
    %dma_wait3A_147 = tpu.memref_slice %arg6[%dma_wait3A_144, %dma_wait3A_145, %dma_wait3A_146] : memref<3x80x128xf32, #tpu.memory_space<vmem>> -> memref<1x80x128xf32, #tpu.memory_space<vmem>>
    %dma_wait3A_148 = tpu.memref_squeeze %dma_wait3A_147 : memref<1x80x128xf32, #tpu.memory_space<vmem>> -> memref<80x128xf32, #tpu.memory_space<vmem>>
    %dma_wait3A_149 = arith.constant 0 : i32
    %dma_wait3A_150 = tpu.memref_slice %arg7[%add3A_143, %dma_wait3A_149] : memref<10112x128xf32, #tpu.memory_space<vmem_shared>> -> memref<80x128xf32, #tpu.memory_space<vmem_shared>>
    %dma_wait3A_151 = arith.constant 0 : i32
    %dma_wait3A_152 = tpu.memref_slice %arg7[%add3A_143, %dma_wait3A_151] : memref<10112x128xf32, #tpu.memory_space<vmem_shared>> -> memref<80x128xf32, #tpu.memory_space<vmem_shared>>
    %dma_wait3A_153 = arith.constant 0 : i32
    %dma_wait3A_154 = arith.constant 0 : i32
    %dma_wait3A_155 = tpu.memref_slice %arg6[%dma_wait3A_144, %dma_wait3A_153, %dma_wait3A_154] : memref<3x80x128xf32, #tpu.memory_space<vmem>> -> memref<1x80x128xf32, #tpu.memory_space<vmem>>
    %dma_wait3A_156 = tpu.memref_squeeze %dma_wait3A_155 : memref<1x80x128xf32, #tpu.memory_space<vmem>> -> memref<80x128xf32, #tpu.memory_space<vmem>>
    tpu.wait_dma2 semaphore(%arg10 : memref<!tpu.dma_semaphore, #tpu.memory_space<semaphore_mem>>) src(%dma_wait3A_156 : memref<80x128xf32, #tpu.memory_space<vmem>>) dst(%dma_wait3A_152 : memref<80x128xf32, #tpu.memory_space<vmem_shared>>)
    %add3A_157 = arith.constant 160 : i32
    %add3A_158 = arith.addi %mul3A_8, %add3A_157 : i32
    %dma_wait3A_159 = arith.constant 0 : i32
    %dma_wait3A_160 = arith.constant 0 : i32
    %dma_wait3A_161 = arith.constant 0 : i32
    %dma_wait3A_162 = tpu.memref_slice %arg6[%dma_wait3A_159, %dma_wait3A_160, %dma_wait3A_161] : memref<3x80x128xf32, #tpu.memory_space<vmem>> -> memref<1x80x128xf32, #tpu.memory_space<vmem>>
    %dma_wait3A_163 = tpu.memref_squeeze %dma_wait3A_162 : memref<1x80x128xf32, #tpu.memory_space<vmem>> -> memref<80x128xf32, #tpu.memory_space<vmem>>
    %dma_wait3A_164 = arith.constant 0 : i32
    %dma_wait3A_165 = tpu.memref_slice %arg7[%add3A_158, %dma_wait3A_164] : memref<10112x128xf32, #tpu.memory_space<vmem_shared>> -> memref<80x128xf32, #tpu.memory_space<vmem_shared>>
    %dma_wait3A_166 = arith.constant 0 : i32
    %dma_wait3A_167 = tpu.memref_slice %arg7[%add3A_158, %dma_wait3A_166] : memref<10112x128xf32, #tpu.memory_space<vmem_shared>> -> memref<80x128xf32, #tpu.memory_space<vmem_shared>>
    %dma_wait3A_168 = arith.constant 0 : i32
    %dma_wait3A_169 = arith.constant 0 : i32
    %dma_wait3A_170 = tpu.memref_slice %arg6[%dma_wait3A_159, %dma_wait3A_168, %dma_wait3A_169] : memref<3x80x128xf32, #tpu.memory_space<vmem>> -> memref<1x80x128xf32, #tpu.memory_space<vmem>>
    %dma_wait3A_171 = tpu.memref_squeeze %dma_wait3A_170 : memref<1x80x128xf32, #tpu.memory_space<vmem>> -> memref<80x128xf32, #tpu.memory_space<vmem>>
    tpu.wait_dma2 semaphore(%arg10 : memref<!tpu.dma_semaphore, #tpu.memory_space<semaphore_mem>>) src(%dma_wait3A_171 : memref<80x128xf32, #tpu.memory_space<vmem>>) dst(%dma_wait3A_167 : memref<80x128xf32, #tpu.memory_space<vmem_shared>>)
    %add3A_172 = arith.constant 240 : i32
    %add3A_173 = arith.addi %mul3A_8, %add3A_172 : i32
    %dma_wait3A_174 = arith.constant 0 : i32
    %dma_wait3A_175 = arith.constant 0 : i32
    %dma_wait3A_176 = arith.constant 0 : i32
    %dma_wait3A_177 = tpu.memref_slice %arg6[%dma_wait3A_174, %dma_wait3A_175, %dma_wait3A_176] : memref<3x80x128xf32, #tpu.memory_space<vmem>> -> memref<1x80x128xf32, #tpu.memory_space<vmem>>
    %dma_wait3A_178 = tpu.memref_squeeze %dma_wait3A_177 : memref<1x80x128xf32, #tpu.memory_space<vmem>> -> memref<80x128xf32, #tpu.memory_space<vmem>>
    %dma_wait3A_179 = arith.constant 0 : i32
    %dma_wait3A_180 = tpu.memref_slice %arg7[%add3A_173, %dma_wait3A_179] : memref<10112x128xf32, #tpu.memory_space<vmem_shared>> -> memref<80x128xf32, #tpu.memory_space<vmem_shared>>
    %dma_wait3A_181 = arith.constant 0 : i32
    %dma_wait3A_182 = tpu.memref_slice %arg7[%add3A_173, %dma_wait3A_181] : memref<10112x128xf32, #tpu.memory_space<vmem_shared>> -> memref<80x128xf32, #tpu.memory_space<vmem_shared>>
    %dma_wait3A_183 = arith.constant 0 : i32
    %dma_wait3A_184 = arith.constant 0 : i32
    %dma_wait3A_185 = tpu.memref_slice %arg6[%dma_wait3A_174, %dma_wait3A_183, %dma_wait3A_184] : memref<3x80x128xf32, #tpu.memory_space<vmem>> -> memref<1x80x128xf32, #tpu.memory_space<vmem>>
    %dma_wait3A_186 = tpu.memref_squeeze %dma_wait3A_185 : memref<1x80x128xf32, #tpu.memory_space<vmem>> -> memref<80x128xf32, #tpu.memory_space<vmem>>
    tpu.wait_dma2 semaphore(%arg10 : memref<!tpu.dma_semaphore, #tpu.memory_space<semaphore_mem>>) src(%dma_wait3A_186 : memref<80x128xf32, #tpu.memory_space<vmem>>) dst(%dma_wait3A_182 : memref<80x128xf32, #tpu.memory_space<vmem_shared>>)
    %add3A_187 = arith.constant 320 : i32
    %add3A_188 = arith.addi %mul3A_8, %add3A_187 : i32
    %dma_wait3A_189 = arith.constant 0 : i32
    %dma_wait3A_190 = arith.constant 0 : i32
    %dma_wait3A_191 = arith.constant 0 : i32
    %dma_wait3A_192 = tpu.memref_slice %arg6[%dma_wait3A_189, %dma_wait3A_190, %dma_wait3A_191] : memref<3x80x128xf32, #tpu.memory_space<vmem>> -> memref<1x80x128xf32, #tpu.memory_space<vmem>>
    %dma_wait3A_193 = tpu.memref_squeeze %dma_wait3A_192 : memref<1x80x128xf32, #tpu.memory_space<vmem>> -> memref<80x128xf32, #tpu.memory_space<vmem>>
    %dma_wait3A_194 = arith.constant 0 : i32
    %dma_wait3A_195 = tpu.memref_slice %arg7[%add3A_188, %dma_wait3A_194] : memref<10112x128xf32, #tpu.memory_space<vmem_shared>> -> memref<80x128xf32, #tpu.memory_space<vmem_shared>>
    %dma_wait3A_196 = arith.constant 0 : i32
    %dma_wait3A_197 = tpu.memref_slice %arg7[%add3A_188, %dma_wait3A_196] : memref<10112x128xf32, #tpu.memory_space<vmem_shared>> -> memref<80x128xf32, #tpu.memory_space<vmem_shared>>
    %dma_wait3A_198 = arith.constant 0 : i32
    %dma_wait3A_199 = arith.constant 0 : i32
    %dma_wait3A_200 = tpu.memref_slice %arg6[%dma_wait3A_189, %dma_wait3A_198, %dma_wait3A_199] : memref<3x80x128xf32, #tpu.memory_space<vmem>> -> memref<1x80x128xf32, #tpu.memory_space<vmem>>
    %dma_wait3A_201 = tpu.memref_squeeze %dma_wait3A_200 : memref<1x80x128xf32, #tpu.memory_space<vmem>> -> memref<80x128xf32, #tpu.memory_space<vmem>>
    tpu.wait_dma2 semaphore(%arg10 : memref<!tpu.dma_semaphore, #tpu.memory_space<semaphore_mem>>) src(%dma_wait3A_201 : memref<80x128xf32, #tpu.memory_space<vmem>>) dst(%dma_wait3A_197 : memref<80x128xf32, #tpu.memory_space<vmem_shared>>)
    %add3A_202 = arith.constant 400 : i32
    %add3A_203 = arith.addi %mul3A_8, %add3A_202 : i32
    %dma_wait3A_204 = arith.constant 0 : i32
    %dma_wait3A_205 = arith.constant 0 : i32
    %dma_wait3A_206 = arith.constant 0 : i32
    %dma_wait3A_207 = tpu.memref_slice %arg6[%dma_wait3A_204, %dma_wait3A_205, %dma_wait3A_206] : memref<3x80x128xf32, #tpu.memory_space<vmem>> -> memref<1x80x128xf32, #tpu.memory_space<vmem>>
    %dma_wait3A_208 = tpu.memref_squeeze %dma_wait3A_207 : memref<1x80x128xf32, #tpu.memory_space<vmem>> -> memref<80x128xf32, #tpu.memory_space<vmem>>
    %dma_wait3A_209 = arith.constant 0 : i32
    %dma_wait3A_210 = tpu.memref_slice %arg7[%add3A_203, %dma_wait3A_209] : memref<10112x128xf32, #tpu.memory_space<vmem_shared>> -> memref<80x128xf32, #tpu.memory_space<vmem_shared>>
    %dma_wait3A_211 = arith.constant 0 : i32
    %dma_wait3A_212 = tpu.memref_slice %arg7[%add3A_203, %dma_wait3A_211] : memref<10112x128xf32, #tpu.memory_space<vmem_shared>> -> memref<80x128xf32, #tpu.memory_space<vmem_shared>>
    %dma_wait3A_213 = arith.constant 0 : i32
    %dma_wait3A_214 = arith.constant 0 : i32
    %dma_wait3A_215 = tpu.memref_slice %arg6[%dma_wait3A_204, %dma_wait3A_213, %dma_wait3A_214] : memref<3x80x128xf32, #tpu.memory_space<vmem>> -> memref<1x80x128xf32, #tpu.memory_space<vmem>>
    %dma_wait3A_216 = tpu.memref_squeeze %dma_wait3A_215 : memref<1x80x128xf32, #tpu.memory_space<vmem>> -> memref<80x128xf32, #tpu.memory_space<vmem>>
    tpu.wait_dma2 semaphore(%arg10 : memref<!tpu.dma_semaphore, #tpu.memory_space<semaphore_mem>>) src(%dma_wait3A_216 : memref<80x128xf32, #tpu.memory_space<vmem>>) dst(%dma_wait3A_212 : memref<80x128xf32, #tpu.memory_space<vmem_shared>>)
    %add3A_217 = arith.constant 480 : i32
    %add3A_218 = arith.addi %mul3A_8, %add3A_217 : i32
    %dma_wait3A_219 = arith.constant 0 : i32
    %dma_wait3A_220 = arith.constant 0 : i32
    %dma_wait3A_221 = arith.constant 0 : i32
    %dma_wait3A_222 = tpu.memref_slice %arg6[%dma_wait3A_219, %dma_wait3A_220, %dma_wait3A_221] : memref<3x80x128xf32, #tpu.memory_space<vmem>> -> memref<1x80x128xf32, #tpu.memory_space<vmem>>
    %dma_wait3A_223 = tpu.memref_squeeze %dma_wait3A_222 : memref<1x80x128xf32, #tpu.memory_space<vmem>> -> memref<80x128xf32, #tpu.memory_space<vmem>>
    %dma_wait3A_224 = arith.constant 0 : i32
    %dma_wait3A_225 = tpu.memref_slice %arg7[%add3A_218, %dma_wait3A_224] : memref<10112x128xf32, #tpu.memory_space<vmem_shared>> -> memref<80x128xf32, #tpu.memory_space<vmem_shared>>
    %dma_wait3A_226 = arith.constant 0 : i32
    %dma_wait3A_227 = tpu.memref_slice %arg7[%add3A_218, %dma_wait3A_226] : memref<10112x128xf32, #tpu.memory_space<vmem_shared>> -> memref<80x128xf32, #tpu.memory_space<vmem_shared>>
    %dma_wait3A_228 = arith.constant 0 : i32
    %dma_wait3A_229 = arith.constant 0 : i32
    %dma_wait3A_230 = tpu.memref_slice %arg6[%dma_wait3A_219, %dma_wait3A_228, %dma_wait3A_229] : memref<3x80x128xf32, #tpu.memory_space<vmem>> -> memref<1x80x128xf32, #tpu.memory_space<vmem>>
    %dma_wait3A_231 = tpu.memref_squeeze %dma_wait3A_230 : memref<1x80x128xf32, #tpu.memory_space<vmem>> -> memref<80x128xf32, #tpu.memory_space<vmem>>
    tpu.wait_dma2 semaphore(%arg10 : memref<!tpu.dma_semaphore, #tpu.memory_space<semaphore_mem>>) src(%dma_wait3A_231 : memref<80x128xf32, #tpu.memory_space<vmem>>) dst(%dma_wait3A_227 : memref<80x128xf32, #tpu.memory_space<vmem_shared>>)
    %add3A_232 = arith.constant 560 : i32
    %add3A_233 = arith.addi %mul3A_8, %add3A_232 : i32
    %dma_wait3A_234 = arith.constant 0 : i32
    %dma_wait3A_235 = arith.constant 0 : i32
    %dma_wait3A_236 = arith.constant 0 : i32
    %dma_wait3A_237 = tpu.memref_slice %arg6[%dma_wait3A_234, %dma_wait3A_235, %dma_wait3A_236] : memref<3x80x128xf32, #tpu.memory_space<vmem>> -> memref<1x72x128xf32, #tpu.memory_space<vmem>>
    %dma_wait3A_238 = tpu.memref_squeeze %dma_wait3A_237 : memref<1x72x128xf32, #tpu.memory_space<vmem>> -> memref<72x128xf32, #tpu.memory_space<vmem>>
    %dma_wait3A_239 = arith.constant 0 : i32
    %dma_wait3A_240 = tpu.memref_slice %arg7[%add3A_233, %dma_wait3A_239] : memref<10112x128xf32, #tpu.memory_space<vmem_shared>> -> memref<72x128xf32, #tpu.memory_space<vmem_shared>>
    %dma_wait3A_241 = arith.constant 0 : i32
    %dma_wait3A_242 = tpu.memref_slice %arg7[%add3A_233, %dma_wait3A_241] : memref<10112x128xf32, #tpu.memory_space<vmem_shared>> -> memref<72x128xf32, #tpu.memory_space<vmem_shared>>
    %dma_wait3A_243 = arith.constant 0 : i32
    %dma_wait3A_244 = arith.constant 0 : i32
    %dma_wait3A_245 = tpu.memref_slice %arg6[%dma_wait3A_234, %dma_wait3A_243, %dma_wait3A_244] : memref<3x80x128xf32, #tpu.memory_space<vmem>> -> memref<1x72x128xf32, #tpu.memory_space<vmem>>
    %dma_wait3A_246 = tpu.memref_squeeze %dma_wait3A_245 : memref<1x72x128xf32, #tpu.memory_space<vmem>> -> memref<72x128xf32, #tpu.memory_space<vmem>>
    tpu.wait_dma2 semaphore(%arg10 : memref<!tpu.dma_semaphore, #tpu.memory_space<semaphore_mem>>) src(%dma_wait3A_246 : memref<72x128xf32, #tpu.memory_space<vmem>>) dst(%dma_wait3A_242 : memref<72x128xf32, #tpu.memory_space<vmem_shared>>)
    %barrier3A = arith.constant 0 : index
    tpu.barrier barrier_id(%barrier3A)
    %run_scoped3A = arith.constant 0 : i32
    %run_scoped3A_247 = arith.constant 0 : i32
    "tpu.region"() ({
      %run_scoped3A_363 = tpu.sem_alloc : memref<!tpu.dma_semaphore, #tpu.memory_space<semaphore_mem>>
      %dma_start3A_364 = arith.constant 0 : i32
      %dma_start3A_365 = arith.constant 0 : i32
      %dma_start3A_366 = tpu.memref_slice %arg5[%run_scoped3A_247, %dma_start3A_364, %dma_start3A_365] : memref<4x2x80xi32, #tpu.memory_space<vmem>> -> memref<1x2x80xi32, #tpu.memory_space<vmem>>
      %dma_start3A_367 = tpu.memref_squeeze %dma_start3A_366 : memref<1x2x80xi32, #tpu.memory_space<vmem>> -> memref<2x80xi32, #tpu.memory_space<vmem>>
      %dma_start3A_368 = arith.constant 0 : i32
      %dma_start3A_369 = arith.constant 0 : i32
      %dma_start3A_370 = tpu.memref_slice %arg3[%add3A, %run_scoped3A, %dma_start3A_368, %dma_start3A_369] : memref<32x125x2x80xi32, #tpu.memory_space<hbm>> -> memref<1x1x2x80xi32, #tpu.memory_space<hbm>>
      %dma_start3A_371 = tpu.memref_squeeze %dma_start3A_370 : memref<1x1x2x80xi32, #tpu.memory_space<hbm>> -> memref<2x80xi32, #tpu.memory_space<hbm>>
      %dma_start3A_372 = arith.constant 0 : i32
      %dma_start3A_373 = arith.constant 0 : i32
      %dma_start3A_374 = tpu.memref_slice %arg5[%run_scoped3A_247, %dma_start3A_372, %dma_start3A_373] : memref<4x2x80xi32, #tpu.memory_space<vmem>> -> memref<1x2x80xi32, #tpu.memory_space<vmem>>
      %dma_start3A_375 = tpu.memref_squeeze %dma_start3A_374 : memref<1x2x80xi32, #tpu.memory_space<vmem>> -> memref<2x80xi32, #tpu.memory_space<vmem>>
      %dma_start3A_376 = arith.constant 0 : i32
      %dma_start3A_377 = arith.constant 0 : i32
      %dma_start3A_378 = tpu.memref_slice %arg3[%add3A, %run_scoped3A, %dma_start3A_376, %dma_start3A_377] : memref<32x125x2x80xi32, #tpu.memory_space<hbm>> -> memref<1x1x2x80xi32, #tpu.memory_space<hbm>>
      %dma_start3A_379 = tpu.memref_squeeze %dma_start3A_378 : memref<1x1x2x80xi32, #tpu.memory_space<hbm>> -> memref<2x80xi32, #tpu.memory_space<hbm>>
      tpu.enqueue_dma source(%dma_start3A_379 : memref<2x80xi32, #tpu.memory_space<hbm>>) target(%dma_start3A_375 : memref<2x80xi32, #tpu.memory_space<vmem>>) target_semaphore(%run_scoped3A_363 : memref<!tpu.dma_semaphore, #tpu.memory_space<semaphore_mem>>)
      %dma_wait3A_380 = arith.constant 0 : i32
      %dma_wait3A_381 = arith.constant 0 : i32
      %dma_wait3A_382 = tpu.memref_slice %arg5[%run_scoped3A_247, %dma_wait3A_380, %dma_wait3A_381] : memref<4x2x80xi32, #tpu.memory_space<vmem>> -> memref<1x2x80xi32, #tpu.memory_space<vmem>>
      %dma_wait3A_383 = tpu.memref_squeeze %dma_wait3A_382 : memref<1x2x80xi32, #tpu.memory_space<vmem>> -> memref<2x80xi32, #tpu.memory_space<vmem>>
      %dma_wait3A_384 = arith.constant 0 : i32
      %dma_wait3A_385 = arith.constant 0 : i32
      %dma_wait3A_386 = tpu.memref_slice %arg3[%add3A, %run_scoped3A, %dma_wait3A_384, %dma_wait3A_385] : memref<32x125x2x80xi32, #tpu.memory_space<hbm>> -> memref<1x1x2x80xi32, #tpu.memory_space<hbm>>
      %dma_wait3A_387 = tpu.memref_squeeze %dma_wait3A_386 : memref<1x1x2x80xi32, #tpu.memory_space<hbm>> -> memref<2x80xi32, #tpu.memory_space<hbm>>
      %dma_wait3A_388 = arith.constant 0 : i32
      %dma_wait3A_389 = arith.constant 0 : i32
      %dma_wait3A_390 = tpu.memref_slice %arg5[%run_scoped3A_247, %dma_wait3A_388, %dma_wait3A_389] : memref<4x2x80xi32, #tpu.memory_space<vmem>> -> memref<1x2x80xi32, #tpu.memory_space<vmem>>
      %dma_wait3A_391 = tpu.memref_squeeze %dma_wait3A_390 : memref<1x2x80xi32, #tpu.memory_space<vmem>> -> memref<2x80xi32, #tpu.memory_space<vmem>>
      %dma_wait3A_392 = arith.constant 0 : i32
      %dma_wait3A_393 = arith.constant 0 : i32
      %dma_wait3A_394 = tpu.memref_slice %arg3[%add3A, %run_scoped3A, %dma_wait3A_392, %dma_wait3A_393] : memref<32x125x2x80xi32, #tpu.memory_space<hbm>> -> memref<1x1x2x80xi32, #tpu.memory_space<hbm>>
      %dma_wait3A_395 = tpu.memref_squeeze %dma_wait3A_394 : memref<1x1x2x80xi32, #tpu.memory_space<hbm>> -> memref<2x80xi32, #tpu.memory_space<hbm>>
      tpu.wait_dma2 semaphore(%run_scoped3A_363 : memref<!tpu.dma_semaphore, #tpu.memory_space<semaphore_mem>>) src(%dma_wait3A_395 : memref<2x80xi32, #tpu.memory_space<hbm>>) dst(%dma_wait3A_391 : memref<2x80xi32, #tpu.memory_space<vmem>>)
      tpu.yield
    }) : () -> ()
    %dma_start3A_248 = arith.constant 0 : i32
    %dma_start3A_249 = arith.constant 0 : i32
    %dma_start3A_250 = arith.constant 0 : i32
    %dma_start3A_251 = arith.constant 0 : i32
    %dma_start3A_252 = arith.constant 0 : i32
    %dma_start3A_253 = arith.constant 0 : i32
    %dma_start3A_254 = tpu.memref_slice %arg6[%dma_start3A_250, %dma_start3A_252, %dma_start3A_253] : memref<3x80x128xf32, #tpu.memory_space<vmem>> -> memref<1x80x128xf32, #tpu.memory_space<vmem>>
    %dma_start3A_255 = tpu.memref_squeeze %dma_start3A_254 : memref<1x80x128xf32, #tpu.memory_space<vmem>> -> memref<80x128xf32, #tpu.memory_space<vmem>>
    %dma_start3A_256 = arith.constant 0 : i32
    %dma_start3A_257 = tpu.memref_slice %arg5[%dma_start3A_248, %dma_start3A_249, %dma_start3A_256] : memref<4x2x80xi32, #tpu.memory_space<vmem>> -> memref<1x1x80xi32, #tpu.memory_space<vmem>>
    %dma_start3A_258 = tpu.memref_squeeze %dma_start3A_257 : memref<1x1x80xi32, #tpu.memory_space<vmem>> -> memref<80xi32, #tpu.memory_space<vmem>>
    %dma_start3A_259 = arith.constant 0 : i32
    %dma_start3A_260 = arith.constant 0 : i32
    %dma_start3A_261 = tpu.memref_slice %arg2[%dma_start3A_259, %dma_start3A_260] : memref<10112x128xf32, #tpu.memory_space<hbm>> -> memref<10112x128xf32, #tpu.memory_space<hbm>>
    %dma_start3A_262 = tpu.memref_slice %arg9[%dma_start3A_251] : memref<2x!tpu.dma_semaphore, #tpu.memory_space<semaphore_mem>> -> memref<1x!tpu.dma_semaphore, #tpu.memory_space<semaphore_mem>>
    %dma_start3A_263 = tpu.memref_squeeze %dma_start3A_262 : memref<1x!tpu.dma_semaphore, #tpu.memory_space<semaphore_mem>> -> memref<!tpu.dma_semaphore, #tpu.memory_space<semaphore_mem>>
    tpu.enqueue_indirect_dma source(%dma_start3A_261 : memref<10112x128xf32, #tpu.memory_space<hbm>>) target(%dma_start3A_255 : memref<80x128xf32, #tpu.memory_space<vmem>>) offsets(%dma_start3A_258 : memref<80xi32, #tpu.memory_space<vmem>>) semaphore(%dma_start3A_263 : memref<!tpu.dma_semaphore, #tpu.memory_space<semaphore_mem>>)
    %dma_start3A_264 = arith.constant 1 : i32
    %dma_start3A_265 = arith.constant 1 : i32
    %dma_start3A_266 = arith.constant 1 : i32
    %dma_start3A_267 = arith.constant 0 : i32
    %dma_start3A_268 = arith.constant 0 : i32
    %dma_start3A_269 = tpu.memref_slice %arg5[%dma_start3A_265, %dma_start3A_267, %dma_start3A_268] : memref<4x2x80xi32, #tpu.memory_space<vmem>> -> memref<1x2x80xi32, #tpu.memory_space<vmem>>
    %dma_start3A_270 = tpu.memref_squeeze %dma_start3A_269 : memref<1x2x80xi32, #tpu.memory_space<vmem>> -> memref<2x80xi32, #tpu.memory_space<vmem>>
    %dma_start3A_271 = arith.constant 0 : i32
    %dma_start3A_272 = arith.constant 0 : i32
    %dma_start3A_273 = tpu.memref_slice %arg3[%add3A, %dma_start3A_264, %dma_start3A_271, %dma_start3A_272] : memref<32x125x2x80xi32, #tpu.memory_space<hbm>> -> memref<1x1x2x80xi32, #tpu.memory_space<hbm>>
    %dma_start3A_274 = tpu.memref_squeeze %dma_start3A_273 : memref<1x1x2x80xi32, #tpu.memory_space<hbm>> -> memref<2x80xi32, #tpu.memory_space<hbm>>
    %dma_start3A_275 = tpu.memref_slice %arg8[%dma_start3A_266] : memref<2x!tpu.dma_semaphore, #tpu.memory_space<semaphore_mem>> -> memref<1x!tpu.dma_semaphore, #tpu.memory_space<semaphore_mem>>
    %dma_start3A_276 = tpu.memref_squeeze %dma_start3A_275 : memref<1x!tpu.dma_semaphore, #tpu.memory_space<semaphore_mem>> -> memref<!tpu.dma_semaphore, #tpu.memory_space<semaphore_mem>>
    %dma_start3A_277 = arith.constant 0 : i32
    %dma_start3A_278 = arith.constant 0 : i32
    %dma_start3A_279 = tpu.memref_slice %arg5[%dma_start3A_265, %dma_start3A_277, %dma_start3A_278] : memref<4x2x80xi32, #tpu.memory_space<vmem>> -> memref<1x2x80xi32, #tpu.memory_space<vmem>>
    %dma_start3A_280 = tpu.memref_squeeze %dma_start3A_279 : memref<1x2x80xi32, #tpu.memory_space<vmem>> -> memref<2x80xi32, #tpu.memory_space<vmem>>
    %dma_start3A_281 = arith.constant 0 : i32
    %dma_start3A_282 = arith.constant 0 : i32
    %dma_start3A_283 = tpu.memref_slice %arg3[%add3A, %dma_start3A_264, %dma_start3A_281, %dma_start3A_282] : memref<32x125x2x80xi32, #tpu.memory_space<hbm>> -> memref<1x1x2x80xi32, #tpu.memory_space<hbm>>
    %dma_start3A_284 = tpu.memref_squeeze %dma_start3A_283 : memref<1x1x2x80xi32, #tpu.memory_space<hbm>> -> memref<2x80xi32, #tpu.memory_space<hbm>>
    tpu.enqueue_dma source(%dma_start3A_284 : memref<2x80xi32, #tpu.memory_space<hbm>>) target(%dma_start3A_280 : memref<2x80xi32, #tpu.memory_space<vmem>>) target_semaphore(%dma_start3A_276 : memref<!tpu.dma_semaphore, #tpu.memory_space<semaphore_mem>>)
    %dma_start3A_285 = arith.constant 2 : i32
    %dma_start3A_286 = arith.constant 2 : i32
    %dma_start3A_287 = arith.constant 0 : i32
    %dma_start3A_288 = arith.constant 0 : i32
    %dma_start3A_289 = arith.constant 0 : i32
    %dma_start3A_290 = tpu.memref_slice %arg5[%dma_start3A_286, %dma_start3A_288, %dma_start3A_289] : memref<4x2x80xi32, #tpu.memory_space<vmem>> -> memref<1x2x80xi32, #tpu.memory_space<vmem>>
    %dma_start3A_291 = tpu.memref_squeeze %dma_start3A_290 : memref<1x2x80xi32, #tpu.memory_space<vmem>> -> memref<2x80xi32, #tpu.memory_space<vmem>>
    %dma_start3A_292 = arith.constant 0 : i32
    %dma_start3A_293 = arith.constant 0 : i32
    %dma_start3A_294 = tpu.memref_slice %arg3[%add3A, %dma_start3A_285, %dma_start3A_292, %dma_start3A_293] : memref<32x125x2x80xi32, #tpu.memory_space<hbm>> -> memref<1x1x2x80xi32, #tpu.memory_space<hbm>>
    %dma_start3A_295 = tpu.memref_squeeze %dma_start3A_294 : memref<1x1x2x80xi32, #tpu.memory_space<hbm>> -> memref<2x80xi32, #tpu.memory_space<hbm>>
    %dma_start3A_296 = tpu.memref_slice %arg8[%dma_start3A_287] : memref<2x!tpu.dma_semaphore, #tpu.memory_space<semaphore_mem>> -> memref<1x!tpu.dma_semaphore, #tpu.memory_space<semaphore_mem>>
    %dma_start3A_297 = tpu.memref_squeeze %dma_start3A_296 : memref<1x!tpu.dma_semaphore, #tpu.memory_space<semaphore_mem>> -> memref<!tpu.dma_semaphore, #tpu.memory_space<semaphore_mem>>
    %dma_start3A_298 = arith.constant 0 : i32
    %dma_start3A_299 = arith.constant 0 : i32
    %dma_start3A_300 = tpu.memref_slice %arg5[%dma_start3A_286, %dma_start3A_298, %dma_start3A_299] : memref<4x2x80xi32, #tpu.memory_space<vmem>> -> memref<1x2x80xi32, #tpu.memory_space<vmem>>
    %dma_start3A_301 = tpu.memref_squeeze %dma_start3A_300 : memref<1x2x80xi32, #tpu.memory_space<vmem>> -> memref<2x80xi32, #tpu.memory_space<vmem>>
    %dma_start3A_302 = arith.constant 0 : i32
    %dma_start3A_303 = arith.constant 0 : i32
    %dma_start3A_304 = tpu.memref_slice %arg3[%add3A, %dma_start3A_285, %dma_start3A_302, %dma_start3A_303] : memref<32x125x2x80xi32, #tpu.memory_space<hbm>> -> memref<1x1x2x80xi32, #tpu.memory_space<hbm>>
    %dma_start3A_305 = tpu.memref_squeeze %dma_start3A_304 : memref<1x1x2x80xi32, #tpu.memory_space<hbm>> -> memref<2x80xi32, #tpu.memory_space<hbm>>
    tpu.enqueue_dma source(%dma_start3A_305 : memref<2x80xi32, #tpu.memory_space<hbm>>) target(%dma_start3A_301 : memref<2x80xi32, #tpu.memory_space<vmem>>) target_semaphore(%dma_start3A_297 : memref<!tpu.dma_semaphore, #tpu.memory_space<semaphore_mem>>)
    %dma_wait3A_306 = arith.constant 1 : i32
    %dma_wait3A_307 = arith.constant 1 : i32
    %dma_wait3A_308 = arith.constant 1 : i32
    %dma_wait3A_309 = arith.constant 0 : i32
    %dma_wait3A_310 = arith.constant 0 : i32
    %dma_wait3A_311 = tpu.memref_slice %arg5[%dma_wait3A_307, %dma_wait3A_309, %dma_wait3A_310] : memref<4x2x80xi32, #tpu.memory_space<vmem>> -> memref<1x2x80xi32, #tpu.memory_space<vmem>>
    %dma_wait3A_312 = tpu.memref_squeeze %dma_wait3A_311 : memref<1x2x80xi32, #tpu.memory_space<vmem>> -> memref<2x80xi32, #tpu.memory_space<vmem>>
    %dma_wait3A_313 = arith.constant 0 : i32
    %dma_wait3A_314 = arith.constant 0 : i32
    %dma_wait3A_315 = tpu.memref_slice %arg3[%add3A, %dma_wait3A_306, %dma_wait3A_313, %dma_wait3A_314] : memref<32x125x2x80xi32, #tpu.memory_space<hbm>> -> memref<1x1x2x80xi32, #tpu.memory_space<hbm>>
    %dma_wait3A_316 = tpu.memref_squeeze %dma_wait3A_315 : memref<1x1x2x80xi32, #tpu.memory_space<hbm>> -> memref<2x80xi32, #tpu.memory_space<hbm>>
    %dma_wait3A_317 = tpu.memref_slice %arg8[%dma_wait3A_308] : memref<2x!tpu.dma_semaphore, #tpu.memory_space<semaphore_mem>> -> memref<1x!tpu.dma_semaphore, #tpu.memory_space<semaphore_mem>>
    %dma_wait3A_318 = tpu.memref_squeeze %dma_wait3A_317 : memref<1x!tpu.dma_semaphore, #tpu.memory_space<semaphore_mem>> -> memref<!tpu.dma_semaphore, #tpu.memory_space<semaphore_mem>>
    %dma_wait3A_319 = arith.constant 0 : i32
    %dma_wait3A_320 = arith.constant 0 : i32
    %dma_wait3A_321 = tpu.memref_slice %arg5[%dma_wait3A_307, %dma_wait3A_319, %dma_wait3A_320] : memref<4x2x80xi32, #tpu.memory_space<vmem>> -> memref<1x2x80xi32, #tpu.memory_space<vmem>>
    %dma_wait3A_322 = tpu.memref_squeeze %dma_wait3A_321 : memref<1x2x80xi32, #tpu.memory_space<vmem>> -> memref<2x80xi32, #tpu.memory_space<vmem>>
    %dma_wait3A_323 = arith.constant 0 : i32
    %dma_wait3A_324 = arith.constant 0 : i32
    %dma_wait3A_325 = tpu.memref_slice %arg3[%add3A, %dma_wait3A_306, %dma_wait3A_323, %dma_wait3A_324] : memref<32x125x2x80xi32, #tpu.memory_space<hbm>> -> memref<1x1x2x80xi32, #tpu.memory_space<hbm>>
    %dma_wait3A_326 = tpu.memref_squeeze %dma_wait3A_325 : memref<1x1x2x80xi32, #tpu.memory_space<hbm>> -> memref<2x80xi32, #tpu.memory_space<hbm>>
    tpu.wait_dma2 semaphore(%dma_wait3A_318 : memref<!tpu.dma_semaphore, #tpu.memory_space<semaphore_mem>>) src(%dma_wait3A_326 : memref<2x80xi32, #tpu.memory_space<hbm>>) dst(%dma_wait3A_322 : memref<2x80xi32, #tpu.memory_space<vmem>>)
    %dma_start3A_327 = arith.constant 1 : i32
    %dma_start3A_328 = arith.constant 0 : i32
    %dma_start3A_329 = arith.constant 1 : i32
    %dma_start3A_330 = arith.constant 1 : i32
    %dma_start3A_331 = arith.constant 0 : i32
    %dma_start3A_332 = arith.constant 0 : i32
    %dma_start3A_333 = tpu.memref_slice %arg6[%dma_start3A_329, %dma_start3A_331, %dma_start3A_332] : memref<3x80x128xf32, #tpu.memory_space<vmem>> -> memref<1x80x128xf32, #tpu.memory_space<vmem>>
    %dma_start3A_334 = tpu.memref_squeeze %dma_start3A_333 : memref<1x80x128xf32, #tpu.memory_space<vmem>> -> memref<80x128xf32, #tpu.memory_space<vmem>>
    %dma_start3A_335 = arith.constant 0 : i32
    %dma_start3A_336 = tpu.memref_slice %arg5[%dma_start3A_327, %dma_start3A_328, %dma_start3A_335] : memref<4x2x80xi32, #tpu.memory_space<vmem>> -> memref<1x1x80xi32, #tpu.memory_space<vmem>>
    %dma_start3A_337 = tpu.memref_squeeze %dma_start3A_336 : memref<1x1x80xi32, #tpu.memory_space<vmem>> -> memref<80xi32, #tpu.memory_space<vmem>>
    %dma_start3A_338 = arith.constant 0 : i32
    %dma_start3A_339 = arith.constant 0 : i32
    %dma_start3A_340 = tpu.memref_slice %arg2[%dma_start3A_338, %dma_start3A_339] : memref<10112x128xf32, #tpu.memory_space<hbm>> -> memref<10112x128xf32, #tpu.memory_space<hbm>>
    %dma_start3A_341 = tpu.memref_slice %arg9[%dma_start3A_330] : memref<2x!tpu.dma_semaphore, #tpu.memory_space<semaphore_mem>> -> memref<1x!tpu.dma_semaphore, #tpu.memory_space<semaphore_mem>>
    %dma_start3A_342 = tpu.memref_squeeze %dma_start3A_341 : memref<1x!tpu.dma_semaphore, #tpu.memory_space<semaphore_mem>> -> memref<!tpu.dma_semaphore, #tpu.memory_space<semaphore_mem>>
    tpu.enqueue_indirect_dma source(%dma_start3A_340 : memref<10112x128xf32, #tpu.memory_space<hbm>>) target(%dma_start3A_334 : memref<80x128xf32, #tpu.memory_space<vmem>>) offsets(%dma_start3A_337 : memref<80xi32, #tpu.memory_space<vmem>>) semaphore(%dma_start3A_342 : memref<!tpu.dma_semaphore, #tpu.memory_space<semaphore_mem>>)
    %scan3A_343 = arith.constant 0 : i32
    %scan3A_344 = arith.constant 0 : i32
    %scan3A_345 = arith.constant 125 : i32
    %scan3A_346 = arith.addi %scan3A_344, %scan3A_345 : i32
    %scan3A_347 = arith.constant 1 : i32
    scf.for %scan3A_363 = %scan3A_344 to %scan3A_346 step %scan3A_347  : i32 {
      %rem3A = arith.constant 2 : i32
      %rem3A_364 = arith.remsi %scan3A_363, %rem3A : i32
      %rem3A_365 = arith.constant 3 : i32
      %rem3A_366 = arith.remsi %scan3A_363, %rem3A_365 : i32
      %rem3A_367 = arith.constant 4 : i32
      %rem3A_368 = arith.remsi %scan3A_363, %rem3A_367 : i32
      %add3A_369 = arith.constant 2 : i32
      %add3A_370 = arith.addi %scan3A_363, %add3A_369 : i32
      %rem3A_371 = arith.constant 3 : i32
      %rem3A_372 = arith.remsi %add3A_370, %rem3A_371 : i32
      %add3A_373 = arith.constant 3 : i32
      %add3A_374 = arith.addi %scan3A_363, %add3A_373 : i32
      %rem3A_375 = arith.constant 4 : i32
      %rem3A_376 = arith.remsi %add3A_374, %rem3A_375 : i32
      %add3A_377 = arith.constant 2 : i32
      %add3A_378 = arith.addi %scan3A_363, %add3A_377 : i32
      %rem3A_379 = arith.constant 3 : i32
      %rem3A_380 = arith.remsi %add3A_378, %rem3A_379 : i32
      %add3A_381 = arith.constant 2 : i32
      %add3A_382 = arith.addi %scan3A_363, %add3A_381 : i32
      %rem3A_383 = arith.constant 4 : i32
      %rem3A_384 = arith.remsi %add3A_382, %rem3A_383 : i32
      %add3A_385 = arith.constant 1 : i32
      %add3A_386 = arith.addi %scan3A_363, %add3A_385 : i32
      %rem3A_387 = arith.constant 2 : i32
      %rem3A_388 = arith.remsi %add3A_386, %rem3A_387 : i32
      %dma_wait3A_389 = arith.constant 0 : i32
      %dma_wait3A_390 = arith.constant 0 : i32
      %dma_wait3A_391 = arith.constant 0 : i32
      %dma_wait3A_392 = tpu.memref_slice %arg6[%rem3A_366, %dma_wait3A_390, %dma_wait3A_391] : memref<3x80x128xf32, #tpu.memory_space<vmem>> -> memref<1x80x128xf32, #tpu.memory_space<vmem>>
      %dma_wait3A_393 = tpu.memref_squeeze %dma_wait3A_392 : memref<1x80x128xf32, #tpu.memory_space<vmem>> -> memref<80x128xf32, #tpu.memory_space<vmem>>
      %dma_wait3A_394 = arith.constant 0 : i32
      %dma_wait3A_395 = tpu.memref_slice %arg5[%rem3A_368, %dma_wait3A_389, %dma_wait3A_394] : memref<4x2x80xi32, #tpu.memory_space<vmem>> -> memref<1x1x80xi32, #tpu.memory_space<vmem>>
      %dma_wait3A_396 = tpu.memref_squeeze %dma_wait3A_395 : memref<1x1x80xi32, #tpu.memory_space<vmem>> -> memref<80xi32, #tpu.memory_space<vmem>>
      %dma_wait3A_397 = arith.constant 0 : i32
      %dma_wait3A_398 = arith.constant 0 : i32
      %dma_wait3A_399 = tpu.memref_slice %arg2[%dma_wait3A_397, %dma_wait3A_398] : memref<10112x128xf32, #tpu.memory_space<hbm>> -> memref<10112x128xf32, #tpu.memory_space<hbm>>
      %dma_wait3A_400 = tpu.memref_slice %arg9[%rem3A_364] : memref<2x!tpu.dma_semaphore, #tpu.memory_space<semaphore_mem>> -> memref<1x!tpu.dma_semaphore, #tpu.memory_space<semaphore_mem>>
      %dma_wait3A_401 = tpu.memref_squeeze %dma_wait3A_400 : memref<1x!tpu.dma_semaphore, #tpu.memory_space<semaphore_mem>> -> memref<!tpu.dma_semaphore, #tpu.memory_space<semaphore_mem>>
      tpu.wait_indirect_dma semaphore(%dma_wait3A_401 : memref<!tpu.dma_semaphore, #tpu.memory_space<semaphore_mem>>) src(%dma_wait3A_399 : memref<10112x128xf32, #tpu.memory_space<hbm>>) dst(%dma_wait3A_393 : memref<80x128xf32, #tpu.memory_space<vmem>>)
      %gt3A = arith.constant 0 : i32
      %gt3A_402 = arith.cmpi sgt, %scan3A_363, %gt3A : i32
      %convert_element_type3A = arith.extui %gt3A_402 : i1 to i32
      %cond3A = arith.constant 0 : i32
      %cond3A_403 = arith.cmpi ne, %convert_element_type3A, %cond3A : i32
      scf.if %cond3A_403 {
        %dma_wait3A_428 = arith.constant 1 : i32
        %dma_wait3A_429 = arith.constant 0 : i32
        %dma_wait3A_430 = arith.constant 0 : i32
        %dma_wait3A_431 = tpu.memref_slice %arg6[%rem3A_372, %dma_wait3A_429, %dma_wait3A_430] : memref<3x80x128xf32, #tpu.memory_space<vmem>> -> memref<1x80x128xf32, #tpu.memory_space<vmem>>
        %dma_wait3A_432 = tpu.memref_squeeze %dma_wait3A_431 : memref<1x80x128xf32, #tpu.memory_space<vmem>> -> memref<80x128xf32, #tpu.memory_space<vmem>>
        %dma_wait3A_433 = arith.constant 0 : i32
        %dma_wait3A_434 = tpu.memref_slice %arg5[%rem3A_376, %dma_wait3A_428, %dma_wait3A_433] : memref<4x2x80xi32, #tpu.memory_space<vmem>> -> memref<1x1x80xi32, #tpu.memory_space<vmem>>
        %dma_wait3A_435 = tpu.memref_squeeze %dma_wait3A_434 : memref<1x1x80xi32, #tpu.memory_space<vmem>> -> memref<80xi32, #tpu.memory_space<vmem>>
        %dma_wait3A_436 = arith.constant 0 : i32
        %dma_wait3A_437 = arith.constant 0 : i32
        %dma_wait3A_438 = tpu.memref_slice %arg7[%dma_wait3A_436, %dma_wait3A_437] : memref<10112x128xf32, #tpu.memory_space<vmem_shared>> -> memref<10112x128xf32, #tpu.memory_space<vmem_shared>>
        tpu.wait_indirect_dma semaphore(%arg10 : memref<!tpu.dma_semaphore, #tpu.memory_space<semaphore_mem>>) src(%dma_wait3A_432 : memref<80x128xf32, #tpu.memory_space<vmem>>) dst(%dma_wait3A_438 : memref<10112x128xf32, #tpu.memory_space<vmem_shared>>)
      } else {
      }
      %dma_start3A_404 = arith.constant 1 : i32
      %dma_start3A_405 = arith.constant 0 : i32
      %dma_start3A_406 = arith.constant 0 : i32
      %dma_start3A_407 = tpu.memref_slice %arg6[%rem3A_366, %dma_start3A_405, %dma_start3A_406] : memref<3x80x128xf32, #tpu.memory_space<vmem>> -> memref<1x80x128xf32, #tpu.memory_space<vmem>>
      %dma_start3A_408 = tpu.memref_squeeze %dma_start3A_407 : memref<1x80x128xf32, #tpu.memory_space<vmem>> -> memref<80x128xf32, #tpu.memory_space<vmem>>
      %dma_start3A_409 = arith.constant 0 : i32
      %dma_start3A_410 = tpu.memref_slice %arg5[%rem3A_368, %dma_start3A_404, %dma_start3A_409] : memref<4x2x80xi32, #tpu.memory_space<vmem>> -> memref<1x1x80xi32, #tpu.memory_space<vmem>>
      %dma_start3A_411 = tpu.memref_squeeze %dma_start3A_410 : memref<1x1x80xi32, #tpu.memory_space<vmem>> -> memref<80xi32, #tpu.memory_space<vmem>>
      %dma_start3A_412 = arith.constant 0 : i32
      %dma_start3A_413 = arith.constant 0 : i32
      %dma_start3A_414 = tpu.memref_slice %arg7[%dma_start3A_412, %dma_start3A_413] : memref<10112x128xf32, #tpu.memory_space<vmem_shared>> -> memref<10112x128xf32, #tpu.memory_space<vmem_shared>>
      tpu.enqueue_indirect_dma source(%dma_start3A_408 : memref<80x128xf32, #tpu.memory_space<vmem>>) target(%dma_start3A_414 : memref<10112x128xf32, #tpu.memory_space<vmem_shared>>) offsets(%dma_start3A_411 : memref<80xi32, #tpu.memory_space<vmem>>) semaphore(%arg10 : memref<!tpu.dma_semaphore, #tpu.memory_space<semaphore_mem>>) {add = true}
      %add3A_415 = arith.constant 2 : i32
      %add3A_416 = arith.addi %scan3A_363, %add3A_415 : i32
      %lt3A = arith.constant 125 : i32
      %lt3A_417 = arith.cmpi slt, %add3A_416, %lt3A : i32
      %convert_element_type3A_418 = arith.extui %lt3A_417 : i1 to i32
      %cond3A_419 = arith.constant 0 : i32
      %cond3A_420 = arith.cmpi ne, %convert_element_type3A_418, %cond3A_419 : i32
      scf.if %cond3A_420 {
        %add3A_428 = arith.constant 2 : i32
        %add3A_429 = arith.addi %scan3A_363, %add3A_428 : i32
        %dma_wait3A_430 = arith.constant 0 : i32
        %dma_wait3A_431 = arith.constant 0 : i32
        %dma_wait3A_432 = tpu.memref_slice %arg5[%rem3A_384, %dma_wait3A_430, %dma_wait3A_431] : memref<4x2x80xi32, #tpu.memory_space<vmem>> -> memref<1x2x80xi32, #tpu.memory_space<vmem>>
        %dma_wait3A_433 = tpu.memref_squeeze %dma_wait3A_432 : memref<1x2x80xi32, #tpu.memory_space<vmem>> -> memref<2x80xi32, #tpu.memory_space<vmem>>
        %dma_wait3A_434 = arith.constant 0 : i32
        %dma_wait3A_435 = arith.constant 0 : i32
        %dma_wait3A_436 = tpu.memref_slice %arg3[%add3A, %add3A_429, %dma_wait3A_434, %dma_wait3A_435] : memref<32x125x2x80xi32, #tpu.memory_space<hbm>> -> memref<1x1x2x80xi32, #tpu.memory_space<hbm>>
        %dma_wait3A_437 = tpu.memref_squeeze %dma_wait3A_436 : memref<1x1x2x80xi32, #tpu.memory_space<hbm>> -> memref<2x80xi32, #tpu.memory_space<hbm>>
        %dma_wait3A_438 = tpu.memref_slice %arg8[%rem3A_364] : memref<2x!tpu.dma_semaphore, #tpu.memory_space<semaphore_mem>> -> memref<1x!tpu.dma_semaphore, #tpu.memory_space<semaphore_mem>>
        %dma_wait3A_439 = tpu.memref_squeeze %dma_wait3A_438 : memref<1x!tpu.dma_semaphore, #tpu.memory_space<semaphore_mem>> -> memref<!tpu.dma_semaphore, #tpu.memory_space<semaphore_mem>>
        %dma_wait3A_440 = arith.constant 0 : i32
        %dma_wait3A_441 = arith.constant 0 : i32
        %dma_wait3A_442 = tpu.memref_slice %arg5[%rem3A_384, %dma_wait3A_440, %dma_wait3A_441] : memref<4x2x80xi32, #tpu.memory_space<vmem>> -> memref<1x2x80xi32, #tpu.memory_space<vmem>>
        %dma_wait3A_443 = tpu.memref_squeeze %dma_wait3A_442 : memref<1x2x80xi32, #tpu.memory_space<vmem>> -> memref<2x80xi32, #tpu.memory_space<vmem>>
        %dma_wait3A_444 = arith.constant 0 : i32
        %dma_wait3A_445 = arith.constant 0 : i32
        %dma_wait3A_446 = tpu.memref_slice %arg3[%add3A, %add3A_429, %dma_wait3A_444, %dma_wait3A_445] : memref<32x125x2x80xi32, #tpu.memory_space<hbm>> -> memref<1x1x2x80xi32, #tpu.memory_space<hbm>>
        %dma_wait3A_447 = tpu.memref_squeeze %dma_wait3A_446 : memref<1x1x2x80xi32, #tpu.memory_space<hbm>> -> memref<2x80xi32, #tpu.memory_space<hbm>>
        tpu.wait_dma2 semaphore(%dma_wait3A_439 : memref<!tpu.dma_semaphore, #tpu.memory_space<semaphore_mem>>) src(%dma_wait3A_447 : memref<2x80xi32, #tpu.memory_space<hbm>>) dst(%dma_wait3A_443 : memref<2x80xi32, #tpu.memory_space<vmem>>)
        %dma_start3A_448 = arith.constant 0 : i32
        %dma_start3A_449 = arith.constant 0 : i32
        %dma_start3A_450 = arith.constant 0 : i32
        %dma_start3A_451 = tpu.memref_slice %arg6[%rem3A_380, %dma_start3A_449, %dma_start3A_450] : memref<3x80x128xf32, #tpu.memory_space<vmem>> -> memref<1x80x128xf32, #tpu.memory_space<vmem>>
        %dma_start3A_452 = tpu.memref_squeeze %dma_start3A_451 : memref<1x80x128xf32, #tpu.memory_space<vmem>> -> memref<80x128xf32, #tpu.memory_space<vmem>>
        %dma_start3A_453 = arith.constant 0 : i32
        %dma_start3A_454 = tpu.memref_slice %arg5[%rem3A_384, %dma_start3A_448, %dma_start3A_453] : memref<4x2x80xi32, #tpu.memory_space<vmem>> -> memref<1x1x80xi32, #tpu.memory_space<vmem>>
        %dma_start3A_455 = tpu.memref_squeeze %dma_start3A_454 : memref<1x1x80xi32, #tpu.memory_space<vmem>> -> memref<80xi32, #tpu.memory_space<vmem>>
        %dma_start3A_456 = arith.constant 0 : i32
        %dma_start3A_457 = arith.constant 0 : i32
        %dma_start3A_458 = tpu.memref_slice %arg2[%dma_start3A_456, %dma_start3A_457] : memref<10112x128xf32, #tpu.memory_space<hbm>> -> memref<10112x128xf32, #tpu.memory_space<hbm>>
        %dma_start3A_459 = tpu.memref_slice %arg9[%rem3A_364] : memref<2x!tpu.dma_semaphore, #tpu.memory_space<semaphore_mem>> -> memref<1x!tpu.dma_semaphore, #tpu.memory_space<semaphore_mem>>
        %dma_start3A_460 = tpu.memref_squeeze %dma_start3A_459 : memref<1x!tpu.dma_semaphore, #tpu.memory_space<semaphore_mem>> -> memref<!tpu.dma_semaphore, #tpu.memory_space<semaphore_mem>>
        tpu.enqueue_indirect_dma source(%dma_start3A_458 : memref<10112x128xf32, #tpu.memory_space<hbm>>) target(%dma_start3A_452 : memref<80x128xf32, #tpu.memory_space<vmem>>) offsets(%dma_start3A_455 : memref<80xi32, #tpu.memory_space<vmem>>) semaphore(%dma_start3A_460 : memref<!tpu.dma_semaphore, #tpu.memory_space<semaphore_mem>>)
      } else {
      }
      %add3A_421 = arith.constant 3 : i32
      %add3A_422 = arith.addi %scan3A_363, %add3A_421 : i32
      %lt3A_423 = arith.constant 125 : i32
      %lt3A_424 = arith.cmpi slt, %add3A_422, %lt3A_423 : i32
      %convert_element_type3A_425 = arith.extui %lt3A_424 : i1 to i32
      %cond3A_426 = arith.constant 0 : i32
      %cond3A_427 = arith.cmpi ne, %convert_element_type3A_425, %cond3A_426 : i32
      scf.if %cond3A_427 {
        %add3A_428 = arith.constant 3 : i32
        %add3A_429 = arith.addi %scan3A_363, %add3A_428 : i32
        %dma_start3A_430 = arith.constant 0 : i32
        %dma_start3A_431 = arith.constant 0 : i32
        %dma_start3A_432 = tpu.memref_slice %arg5[%rem3A_376, %dma_start3A_430, %dma_start3A_431] : memref<4x2x80xi32, #tpu.memory_space<vmem>> -> memref<1x2x80xi32, #tpu.memory_space<vmem>>
        %dma_start3A_433 = tpu.memref_squeeze %dma_start3A_432 : memref<1x2x80xi32, #tpu.memory_space<vmem>> -> memref<2x80xi32, #tpu.memory_space<vmem>>
        %dma_start3A_434 = arith.constant 0 : i32
        %dma_start3A_435 = arith.constant 0 : i32
        %dma_start3A_436 = tpu.memref_slice %arg3[%add3A, %add3A_429, %dma_start3A_434, %dma_start3A_435] : memref<32x125x2x80xi32, #tpu.memory_space<hbm>> -> memref<1x1x2x80xi32, #tpu.memory_space<hbm>>
        %dma_start3A_437 = tpu.memref_squeeze %dma_start3A_436 : memref<1x1x2x80xi32, #tpu.memory_space<hbm>> -> memref<2x80xi32, #tpu.memory_space<hbm>>
        %dma_start3A_438 = tpu.memref_slice %arg8[%rem3A_388] : memref<2x!tpu.dma_semaphore, #tpu.memory_space<semaphore_mem>> -> memref<1x!tpu.dma_semaphore, #tpu.memory_space<semaphore_mem>>
        %dma_start3A_439 = tpu.memref_squeeze %dma_start3A_438 : memref<1x!tpu.dma_semaphore, #tpu.memory_space<semaphore_mem>> -> memref<!tpu.dma_semaphore, #tpu.memory_space<semaphore_mem>>
        %dma_start3A_440 = arith.constant 0 : i32
        %dma_start3A_441 = arith.constant 0 : i32
        %dma_start3A_442 = tpu.memref_slice %arg5[%rem3A_376, %dma_start3A_440, %dma_start3A_441] : memref<4x2x80xi32, #tpu.memory_space<vmem>> -> memref<1x2x80xi32, #tpu.memory_space<vmem>>
        %dma_start3A_443 = tpu.memref_squeeze %dma_start3A_442 : memref<1x2x80xi32, #tpu.memory_space<vmem>> -> memref<2x80xi32, #tpu.memory_space<vmem>>
        %dma_start3A_444 = arith.constant 0 : i32
        %dma_start3A_445 = arith.constant 0 : i32
        %dma_start3A_446 = tpu.memref_slice %arg3[%add3A, %add3A_429, %dma_start3A_444, %dma_start3A_445] : memref<32x125x2x80xi32, #tpu.memory_space<hbm>> -> memref<1x1x2x80xi32, #tpu.memory_space<hbm>>
        %dma_start3A_447 = tpu.memref_squeeze %dma_start3A_446 : memref<1x1x2x80xi32, #tpu.memory_space<hbm>> -> memref<2x80xi32, #tpu.memory_space<hbm>>
        tpu.enqueue_dma source(%dma_start3A_447 : memref<2x80xi32, #tpu.memory_space<hbm>>) target(%dma_start3A_443 : memref<2x80xi32, #tpu.memory_space<vmem>>) target_semaphore(%dma_start3A_439 : memref<!tpu.dma_semaphore, #tpu.memory_space<semaphore_mem>>)
      } else {
      }
    }
    %scan3A_348 = arith.constant 125 : i32
    %dma_wait3A_349 = arith.constant 1 : i32
    %dma_wait3A_350 = arith.constant 0 : i32
    %dma_wait3A_351 = arith.constant 1 : i32
    %dma_wait3A_352 = arith.constant 0 : i32
    %dma_wait3A_353 = arith.constant 0 : i32
    %dma_wait3A_354 = tpu.memref_slice %arg6[%dma_wait3A_349, %dma_wait3A_352, %dma_wait3A_353] : memref<3x80x128xf32, #tpu.memory_space<vmem>> -> memref<1x80x128xf32, #tpu.memory_space<vmem>>
    %dma_wait3A_355 = tpu.memref_squeeze %dma_wait3A_354 : memref<1x80x128xf32, #tpu.memory_space<vmem>> -> memref<80x128xf32, #tpu.memory_space<vmem>>
    %dma_wait3A_356 = arith.constant 0 : i32
    %dma_wait3A_357 = tpu.memref_slice %arg5[%dma_wait3A_350, %dma_wait3A_351, %dma_wait3A_356] : memref<4x2x80xi32, #tpu.memory_space<vmem>> -> memref<1x1x80xi32, #tpu.memory_space<vmem>>
    %dma_wait3A_358 = tpu.memref_squeeze %dma_wait3A_357 : memref<1x1x80xi32, #tpu.memory_space<vmem>> -> memref<80xi32, #tpu.memory_space<vmem>>
    %dma_wait3A_359 = arith.constant 0 : i32
    %dma_wait3A_360 = arith.constant 0 : i32
    %dma_wait3A_361 = tpu.memref_slice %arg7[%dma_wait3A_359, %dma_wait3A_360] : memref<10112x128xf32, #tpu.memory_space<vmem_shared>> -> memref<10112x128xf32, #tpu.memory_space<vmem_shared>>
    tpu.wait_indirect_dma semaphore(%arg10 : memref<!tpu.dma_semaphore, #tpu.memory_space<semaphore_mem>>) src(%dma_wait3A_355 : memref<80x128xf32, #tpu.memory_space<vmem>>) dst(%dma_wait3A_361 : memref<10112x128xf32, #tpu.memory_space<vmem_shared>>)
    %barrier3A_362 = arith.constant 0 : index
    tpu.barrier barrier_id(%barrier3A_362)
    "tpu.region"() ({
      %run_scoped3A_363 = tpu.sem_alloc : memref<!tpu.dma_semaphore, #tpu.memory_space<semaphore_mem>>
      %dma_start3A_364 = arith.constant 0 : i32
      %dma_start3A_365 = tpu.memref_slice %arg4[%arg0, %mul3A_8, %dma_start3A_364] : memref<2x10112x128xf32, #tpu.memory_space<hbm>> -> memref<1x632x128xf32, #tpu.memory_space<hbm>>
      %dma_start3A_366 = tpu.memref_squeeze %dma_start3A_365 : memref<1x632x128xf32, #tpu.memory_space<hbm>> -> memref<632x128xf32, #tpu.memory_space<hbm>>
      %dma_start3A_367 = arith.constant 0 : i32
      %dma_start3A_368 = tpu.memref_slice %arg7[%mul3A_8, %dma_start3A_367] : memref<10112x128xf32, #tpu.memory_space<vmem_shared>> -> memref<632x128xf32, #tpu.memory_space<vmem_shared>>
      tpu.enqueue_dma source(%dma_start3A_368 : memref<632x128xf32, #tpu.memory_space<vmem_shared>>) target(%dma_start3A_366 : memref<632x128xf32, #tpu.memory_space<hbm>>) target_semaphore(%run_scoped3A_363 : memref<!tpu.dma_semaphore, #tpu.memory_space<semaphore_mem>>)
      %dma_wait3A_369 = arith.constant 0 : i32
      %dma_wait3A_370 = tpu.memref_slice %arg4[%arg0, %mul3A_8, %dma_wait3A_369] : memref<2x10112x128xf32, #tpu.memory_space<hbm>> -> memref<1x632x128xf32, #tpu.memory_space<hbm>>
      %dma_wait3A_371 = tpu.memref_squeeze %dma_wait3A_370 : memref<1x632x128xf32, #tpu.memory_space<hbm>> -> memref<632x128xf32, #tpu.memory_space<hbm>>
      %dma_wait3A_372 = arith.constant 0 : i32
      %dma_wait3A_373 = tpu.memref_slice %arg7[%mul3A_8, %dma_wait3A_372] : memref<10112x128xf32, #tpu.memory_space<vmem_shared>> -> memref<632x128xf32, #tpu.memory_space<vmem_shared>>
      tpu.wait_dma2 semaphore(%run_scoped3A_363 : memref<!tpu.dma_semaphore, #tpu.memory_space<semaphore_mem>>) src(%dma_wait3A_373 : memref<632x128xf32, #tpu.memory_space<vmem_shared>>) dst(%dma_wait3A_371 : memref<632x128xf32, #tpu.memory_space<hbm>>)
      tpu.yield
    }) : () -> ()
    return
  }
}

#map = affine_map<(d0, d1) -> (0, 0)>
module attributes {stable_mosaic.version = 14 : i64} {
  func.func @_degree_body(%arg0: i32, %arg1: i32, %arg2: memref<32x10000xi32, #tpu.memory_space<hbm>>, %arg3: memref<32x10000xi32, #tpu.memory_space<hbm>>, %arg4: memref<32x10112xf32, #tpu.memory_space<hbm>>, %arg5: memref<32x10112xf32, #tpu.memory_space<hbm>>, %arg6: memref<10000xi32, #tpu.memory_space<vmem>>, %arg7: memref<10000xi32, #tpu.memory_space<vmem>>, %arg8: memref<10112xf32, #tpu.memory_space<vmem>>, %arg9: memref<10112xf32, #tpu.memory_space<vmem>>) attributes {dimension_semantics = [#tpu.dimension_semantics<core_parallel>, #tpu.dimension_semantics<subcore_parallel>], iteration_bounds = array<i64: 2, 16>, scalar_prefetch = 0 : i64, scratch_operands = 4 : i64, tpu.core_type = #tpu.core_type<sc_vector_subcore>, window_params = [{transform_indices = #map}, {transform_indices = #map}, {transform_indices = #map}, {transform_indices = #map}]} {
    %mul3A = arith.constant 16 : i32
    %mul3A_0 = arith.muli %arg0, %mul3A : i32
    %add3A = arith.addi %mul3A_0, %arg1 : i32
    %broadcast_in_dim3A = arith.constant 0.000000e+00 : f32
    %broadcast_in_dim3A_1 = vector.broadcast %broadcast_in_dim3A : f32 to vector<16xf32>
    %broadcast_in_dim3A_2 = arith.constant 1.000000e+00 : f32
    %broadcast_in_dim3A_3 = vector.broadcast %broadcast_in_dim3A_2 : f32 to vector<16xf32>
    %scan3A = arith.constant 0 : i32
    %scan3A_4 = arith.constant 0 : i32
    %scan3A_5 = arith.constant 632 : i32
    %scan3A_6 = arith.addi %scan3A_4, %scan3A_5 : i32
    %scan3A_7 = arith.constant 1 : i32
    scf.for %scan3A_15 = %scan3A_4 to %scan3A_6 step %scan3A_7  : i32 {
      %mul3A_16 = arith.constant 16 : i32
      %mul3A_17 = arith.muli %scan3A_15, %mul3A_16 : i32
      %swap3A = arith.index_cast %mul3A_17 : i32 to index
      %swap3A_18 = tpu.vector_load %arg8[%swap3A] {strides = array<i32>} : memref<10112xf32, #tpu.memory_space<vmem>>, vector<16xf32>,
      tpu.vector_store %arg8[%swap3A], %broadcast_in_dim3A_1 {strides = array<i32>} : memref<10112xf32, #tpu.memory_space<vmem>>, vector<16xf32>,
      %mul3A_19 = arith.constant 16 : i32
      %mul3A_20 = arith.muli %scan3A_15, %mul3A_19 : i32
      %swap3A_21 = arith.index_cast %mul3A_20 : i32 to index
      %swap3A_22 = tpu.vector_load %arg9[%swap3A_21] {strides = array<i32>} : memref<10112xf32, #tpu.memory_space<vmem>>, vector<16xf32>,
      tpu.vector_store %arg9[%swap3A_21], %broadcast_in_dim3A_1 {strides = array<i32>} : memref<10112xf32, #tpu.memory_space<vmem>>, vector<16xf32>,
    }
    %scan3A_8 = arith.constant 632 : i32
    "tpu.region"() ({
      %run_scoped3A = tpu.sem_alloc : memref<!tpu.dma_semaphore, #tpu.memory_space<semaphore_mem>>
      %dma_start3A = arith.constant 0 : i32
      %dma_start3A_15 = tpu.memref_slice %arg2[%add3A, %dma_start3A] : memref<32x10000xi32, #tpu.memory_space<hbm>> -> memref<1x10000xi32, #tpu.memory_space<hbm>>
      %dma_start3A_16 = tpu.memref_squeeze %dma_start3A_15 : memref<1x10000xi32, #tpu.memory_space<hbm>> -> memref<10000xi32, #tpu.memory_space<hbm>>
      %dma_start3A_17 = arith.constant 0 : i32
      %dma_start3A_18 = tpu.memref_slice %arg2[%add3A, %dma_start3A_17] : memref<32x10000xi32, #tpu.memory_space<hbm>> -> memref<1x10000xi32, #tpu.memory_space<hbm>>
      %dma_start3A_19 = tpu.memref_squeeze %dma_start3A_18 : memref<1x10000xi32, #tpu.memory_space<hbm>> -> memref<10000xi32, #tpu.memory_space<hbm>>
      tpu.enqueue_dma source(%dma_start3A_19 : memref<10000xi32, #tpu.memory_space<hbm>>) target(%arg6 : memref<10000xi32, #tpu.memory_space<vmem>>) target_semaphore(%run_scoped3A : memref<!tpu.dma_semaphore, #tpu.memory_space<semaphore_mem>>)
      %dma_wait3A = arith.constant 0 : i32
      %dma_wait3A_20 = tpu.memref_slice %arg2[%add3A, %dma_wait3A] : memref<32x10000xi32, #tpu.memory_space<hbm>> -> memref<1x10000xi32, #tpu.memory_space<hbm>>
      %dma_wait3A_21 = tpu.memref_squeeze %dma_wait3A_20 : memref<1x10000xi32, #tpu.memory_space<hbm>> -> memref<10000xi32, #tpu.memory_space<hbm>>
      %dma_wait3A_22 = arith.constant 0 : i32
      %dma_wait3A_23 = tpu.memref_slice %arg2[%add3A, %dma_wait3A_22] : memref<32x10000xi32, #tpu.memory_space<hbm>> -> memref<1x10000xi32, #tpu.memory_space<hbm>>
      %dma_wait3A_24 = tpu.memref_squeeze %dma_wait3A_23 : memref<1x10000xi32, #tpu.memory_space<hbm>> -> memref<10000xi32, #tpu.memory_space<hbm>>
      tpu.wait_dma2 semaphore(%run_scoped3A : memref<!tpu.dma_semaphore, #tpu.memory_space<semaphore_mem>>) src(%dma_wait3A_24 : memref<10000xi32, #tpu.memory_space<hbm>>) dst(%arg6 : memref<10000xi32, #tpu.memory_space<vmem>>)
      tpu.yield
    }) : () -> ()
    "tpu.region"() ({
      %run_scoped3A = tpu.sem_alloc : memref<!tpu.dma_semaphore, #tpu.memory_space<semaphore_mem>>
      %dma_start3A = arith.constant 0 : i32
      %dma_start3A_15 = tpu.memref_slice %arg3[%add3A, %dma_start3A] : memref<32x10000xi32, #tpu.memory_space<hbm>> -> memref<1x10000xi32, #tpu.memory_space<hbm>>
      %dma_start3A_16 = tpu.memref_squeeze %dma_start3A_15 : memref<1x10000xi32, #tpu.memory_space<hbm>> -> memref<10000xi32, #tpu.memory_space<hbm>>
      %dma_start3A_17 = arith.constant 0 : i32
      %dma_start3A_18 = tpu.memref_slice %arg3[%add3A, %dma_start3A_17] : memref<32x10000xi32, #tpu.memory_space<hbm>> -> memref<1x10000xi32, #tpu.memory_space<hbm>>
      %dma_start3A_19 = tpu.memref_squeeze %dma_start3A_18 : memref<1x10000xi32, #tpu.memory_space<hbm>> -> memref<10000xi32, #tpu.memory_space<hbm>>
      tpu.enqueue_dma source(%dma_start3A_19 : memref<10000xi32, #tpu.memory_space<hbm>>) target(%arg7 : memref<10000xi32, #tpu.memory_space<vmem>>) target_semaphore(%run_scoped3A : memref<!tpu.dma_semaphore, #tpu.memory_space<semaphore_mem>>)
      %dma_wait3A = arith.constant 0 : i32
      %dma_wait3A_20 = tpu.memref_slice %arg3[%add3A, %dma_wait3A] : memref<32x10000xi32, #tpu.memory_space<hbm>> -> memref<1x10000xi32, #tpu.memory_space<hbm>>
      %dma_wait3A_21 = tpu.memref_squeeze %dma_wait3A_20 : memref<1x10000xi32, #tpu.memory_space<hbm>> -> memref<10000xi32, #tpu.memory_space<hbm>>
      %dma_wait3A_22 = arith.constant 0 : i32
      %dma_wait3A_23 = tpu.memref_slice %arg3[%add3A, %dma_wait3A_22] : memref<32x10000xi32, #tpu.memory_space<hbm>> -> memref<1x10000xi32, #tpu.memory_space<hbm>>
      %dma_wait3A_24 = tpu.memref_squeeze %dma_wait3A_23 : memref<1x10000xi32, #tpu.memory_space<hbm>> -> memref<10000xi32, #tpu.memory_space<hbm>>
      tpu.wait_dma2 semaphore(%run_scoped3A : memref<!tpu.dma_semaphore, #tpu.memory_space<semaphore_mem>>) src(%dma_wait3A_24 : memref<10000xi32, #tpu.memory_space<hbm>>) dst(%arg7 : memref<10000xi32, #tpu.memory_space<vmem>>)
      tpu.yield
    }) : () -> ()
    %scan3A_9 = arith.constant 0 : i32
    %scan3A_10 = arith.constant 0 : i32
    %scan3A_11 = arith.constant 625 : i32
    %scan3A_12 = arith.addi %scan3A_10, %scan3A_11 : i32
    %scan3A_13 = arith.constant 1 : i32
    scf.for %scan3A_15 = %scan3A_10 to %scan3A_12 step %scan3A_13  : i32 {
      %mul3A_16 = arith.constant 16 : i32
      %mul3A_17 = arith.muli %scan3A_15, %mul3A_16 : i32
      %get3A = arith.index_cast %mul3A_17 : i32 to index
      %get3A_18 = tpu.vector_load %arg6[%get3A] {strides = array<i32>} : memref<10000xi32, #tpu.memory_space<vmem>>, vector<16xi32>,
      %mul3A_19 = arith.constant 16 : i32
      %mul3A_20 = arith.muli %scan3A_15, %mul3A_19 : i32
      %get3A_21 = arith.index_cast %mul3A_20 : i32 to index
      %get3A_22 = tpu.vector_load %arg7[%get3A_21] {strides = array<i32>} : memref<10000xi32, #tpu.memory_space<vmem>>, vector<16xi32>,
      tpu.vector_store_idx %arg8[%get3A_18], %broadcast_in_dim3A_3 {add = true} : memref<10112xf32, #tpu.memory_space<vmem>>[vector<16xi32>], vector<16xf32>,
      tpu.vector_store_idx %arg9[%get3A_22], %broadcast_in_dim3A_3 {add = true} : memref<10112xf32, #tpu.memory_space<vmem>>[vector<16xi32>], vector<16xf32>,
    }
    %scan3A_14 = arith.constant 625 : i32
    "tpu.region"() ({
      %run_scoped3A = tpu.sem_alloc : memref<!tpu.dma_semaphore, #tpu.memory_space<semaphore_mem>>
      %dma_start3A = arith.constant 0 : i32
      %dma_start3A_15 = tpu.memref_slice %arg4[%add3A, %dma_start3A] : memref<32x10112xf32, #tpu.memory_space<hbm>> -> memref<1x10112xf32, #tpu.memory_space<hbm>>
      %dma_start3A_16 = tpu.memref_squeeze %dma_start3A_15 : memref<1x10112xf32, #tpu.memory_space<hbm>> -> memref<10112xf32, #tpu.memory_space<hbm>>
      %dma_start3A_17 = arith.constant 0 : i32
      %dma_start3A_18 = tpu.memref_slice %arg4[%add3A, %dma_start3A_17] : memref<32x10112xf32, #tpu.memory_space<hbm>> -> memref<1x10112xf32, #tpu.memory_space<hbm>>
      %dma_start3A_19 = tpu.memref_squeeze %dma_start3A_18 : memref<1x10112xf32, #tpu.memory_space<hbm>> -> memref<10112xf32, #tpu.memory_space<hbm>>
      tpu.enqueue_dma source(%arg8 : memref<10112xf32, #tpu.memory_space<vmem>>) target(%dma_start3A_19 : memref<10112xf32, #tpu.memory_space<hbm>>) target_semaphore(%run_scoped3A : memref<!tpu.dma_semaphore, #tpu.memory_space<semaphore_mem>>)
      %dma_wait3A = arith.constant 0 : i32
      %dma_wait3A_20 = tpu.memref_slice %arg4[%add3A, %dma_wait3A] : memref<32x10112xf32, #tpu.memory_space<hbm>> -> memref<1x10112xf32, #tpu.memory_space<hbm>>
      %dma_wait3A_21 = tpu.memref_squeeze %dma_wait3A_20 : memref<1x10112xf32, #tpu.memory_space<hbm>> -> memref<10112xf32, #tpu.memory_space<hbm>>
      %dma_wait3A_22 = arith.constant 0 : i32
      %dma_wait3A_23 = tpu.memref_slice %arg4[%add3A, %dma_wait3A_22] : memref<32x10112xf32, #tpu.memory_space<hbm>> -> memref<1x10112xf32, #tpu.memory_space<hbm>>
      %dma_wait3A_24 = tpu.memref_squeeze %dma_wait3A_23 : memref<1x10112xf32, #tpu.memory_space<hbm>> -> memref<10112xf32, #tpu.memory_space<hbm>>
      tpu.wait_dma2 semaphore(%run_scoped3A : memref<!tpu.dma_semaphore, #tpu.memory_space<semaphore_mem>>) src(%arg8 : memref<10112xf32, #tpu.memory_space<vmem>>) dst(%dma_wait3A_24 : memref<10112xf32, #tpu.memory_space<hbm>>)
      tpu.yield
    }) : () -> ()
    "tpu.region"() ({
      %run_scoped3A = tpu.sem_alloc : memref<!tpu.dma_semaphore, #tpu.memory_space<semaphore_mem>>
      %dma_start3A = arith.constant 0 : i32
      %dma_start3A_15 = tpu.memref_slice %arg5[%add3A, %dma_start3A] : memref<32x10112xf32, #tpu.memory_space<hbm>> -> memref<1x10112xf32, #tpu.memory_space<hbm>>
      %dma_start3A_16 = tpu.memref_squeeze %dma_start3A_15 : memref<1x10112xf32, #tpu.memory_space<hbm>> -> memref<10112xf32, #tpu.memory_space<hbm>>
      %dma_start3A_17 = arith.constant 0 : i32
      %dma_start3A_18 = tpu.memref_slice %arg5[%add3A, %dma_start3A_17] : memref<32x10112xf32, #tpu.memory_space<hbm>> -> memref<1x10112xf32, #tpu.memory_space<hbm>>
      %dma_start3A_19 = tpu.memref_squeeze %dma_start3A_18 : memref<1x10112xf32, #tpu.memory_space<hbm>> -> memref<10112xf32, #tpu.memory_space<hbm>>
      tpu.enqueue_dma source(%arg9 : memref<10112xf32, #tpu.memory_space<vmem>>) target(%dma_start3A_19 : memref<10112xf32, #tpu.memory_space<hbm>>) target_semaphore(%run_scoped3A : memref<!tpu.dma_semaphore, #tpu.memory_space<semaphore_mem>>)
      %dma_wait3A = arith.constant 0 : i32
      %dma_wait3A_20 = tpu.memref_slice %arg5[%add3A, %dma_wait3A] : memref<32x10112xf32, #tpu.memory_space<hbm>> -> memref<1x10112xf32, #tpu.memory_space<hbm>>
      %dma_wait3A_21 = tpu.memref_squeeze %dma_wait3A_20 : memref<1x10112xf32, #tpu.memory_space<hbm>> -> memref<10112xf32, #tpu.memory_space<hbm>>
      %dma_wait3A_22 = arith.constant 0 : i32
      %dma_wait3A_23 = tpu.memref_slice %arg5[%add3A, %dma_wait3A_22] : memref<32x10112xf32, #tpu.memory_space<hbm>> -> memref<1x10112xf32, #tpu.memory_space<hbm>>
      %dma_wait3A_24 = tpu.memref_squeeze %dma_wait3A_23 : memref<1x10112xf32, #tpu.memory_space<hbm>> -> memref<10112xf32, #tpu.memory_space<hbm>>
      tpu.wait_dma2 semaphore(%run_scoped3A : memref<!tpu.dma_semaphore, #tpu.memory_space<semaphore_mem>>) src(%arg9 : memref<10112xf32, #tpu.memory_space<vmem>>) dst(%dma_wait3A_24 : memref<10112xf32, #tpu.memory_space<hbm>>)
      tpu.yield
    }) : () -> ()
    return
  }
}

#map = affine_map<(d0, d1) -> (0, 0)>
#map1 = affine_map<(d0, d1) -> (0, 0, 0, 0)>
#map2 = affine_map<(d0, d1) -> (0, 0, 0)>
module attributes {stable_mosaic.version = 14 : i64} {
  func.func @_spmm_body(%arg0: i32, %arg1: i32, %arg2: memref<10112x128xf32, #tpu.memory_space<hbm>>, %arg3: memref<32x125x2x80xi32, #tpu.memory_space<hbm>>, %arg4: memref<2x10112x128xf32, #tpu.memory_space<hbm>>, %arg5: memref<4x2x80xi32, #tpu.memory_space<vmem>>, %arg6: memref<3x80x128xf32, #tpu.memory_space<vmem>>, %arg7: memref<10112x128xf32, #tpu.memory_space<vmem_shared>>, %arg8: memref<2x!tpu.dma_semaphore, #tpu.memory_space<semaphore_mem>>, %arg9: memref<2x!tpu.dma_semaphore, #tpu.memory_space<semaphore_mem>>, %arg10: memref<!tpu.dma_semaphore, #tpu.memory_space<semaphore_mem>>) attributes {dimension_semantics = [#tpu.dimension_semantics<core_parallel>, #tpu.dimension_semantics<subcore_parallel>], iteration_bounds = array<i64: 2, 16>, scalar_prefetch = 0 : i64, scratch_operands = 6 : i64, tpu.core_type = #tpu.core_type<sc_vector_subcore>, window_params = [{transform_indices = #map}, {transform_indices = #map1}, {transform_indices = #map2}]} {
    %mul3A = arith.constant 16 : i32
    %mul3A_0 = arith.muli %arg0, %mul3A : i32
    %add3A = arith.addi %mul3A_0, %arg1 : i32
    %broadcast_in_dim3A = arith.constant 0.000000e+00 : f32
    %broadcast_in_dim3A_1 = vector.broadcast %broadcast_in_dim3A : f32 to vector<16xf32>
    %scan3A = arith.constant 0 : i32
    %scan3A_2 = arith.constant 0 : i32
    %scan3A_3 = arith.constant 640 : i32
    %scan3A_4 = arith.addi %scan3A_2, %scan3A_3 : i32
    %scan3A_5 = arith.constant 1 : i32
    scf.for %scan3A_363 = %scan3A_2 to %scan3A_4 step %scan3A_5  : i32 {
      %jit3A = arith.constant 8 : i32
      %div3A = arith.divsi %scan3A_363, %jit3A : i32
      %sign3A = arith.constant 0 : i32
      %sign3A_364 = arith.cmpi sgt, %scan3A_363, %sign3A : i32
      %sign3A_365 = arith.extui %sign3A_364 : i1 to i32
      %sign3A_366 = arith.constant 0 : i32
      %sign3A_367 = arith.cmpi slt, %scan3A_363, %sign3A_366 : i32
      %sign3A_368 = arith.extui %sign3A_367 : i1 to i32
      %sign3A_369 = arith.subi %sign3A_365, %sign3A_368 : i32
      %sign3A_370 = arith.constant 0 : i32
      %sign3A_371 = arith.cmpi sgt, %jit3A, %sign3A_370 : i32
      %sign3A_372 = arith.extui %sign3A_371 : i1 to i32
      %sign3A_373 = arith.constant 0 : i32
      %sign3A_374 = arith.cmpi slt, %jit3A, %sign3A_373 : i32
      %sign3A_375 = arith.extui %sign3A_374 : i1 to i32
      %sign3A_376 = arith.subi %sign3A_372, %sign3A_375 : i32
      %ne3A = arith.cmpi ne, %sign3A_369, %sign3A_376 : i32
      %rem3A = arith.remsi %scan3A_363, %jit3A : i32
      %ne3A_377 = arith.constant 0 : i32
      %ne3A_378 = arith.cmpi ne, %rem3A, %ne3A_377 : i32
      %and3A = arith.andi %ne3A, %ne3A_378 : i1
      %sub3A = arith.constant 1 : i32
      %sub3A_379 = arith.subi %div3A, %sub3A : i32
      %select_n3A = arith.select %and3A, %sub3A_379, %div3A : i32
      %jit3A_380 = arith.constant 8 : i32
      %eq3A = arith.constant 0 : i32
      %eq3A_381 = arith.cmpi eq, %jit3A_380, %eq3A : i32
      %jit3A_382 = arith.constant 1 : i32
      %select_n3A_383 = arith.select %eq3A_381, %jit3A_382, %jit3A_380 : i32
      %rem3A_384 = arith.remsi %scan3A_363, %select_n3A_383 : i32
      %ne3A_385 = arith.constant 0 : i32
      %ne3A_386 = arith.cmpi ne, %rem3A_384, %ne3A_385 : i32
      %lt3A = arith.constant 0 : i32
      %lt3A_387 = arith.cmpi slt, %rem3A_384, %lt3A : i32
      %lt3A_388 = arith.constant 0 : i32
      %lt3A_389 = arith.cmpi slt, %select_n3A_383, %lt3A_388 : i32
      %ne3A_390 = arith.xori %lt3A_387, %lt3A_389 : i1
      %and3A_391 = arith.andi %ne3A_390, %ne3A_386 : i1
      %add3A_392 = arith.addi %rem3A_384, %select_n3A_383 : i32
      %select_n3A_393 = arith.select %and3A_391, %add3A_392, %rem3A_384 : i32
      %mul3A_394 = arith.constant 16 : i32
      %mul3A_395 = arith.muli %select_n3A_393, %mul3A_394 : i32
      %swap3A = arith.constant 0 : i32
      %swap3A_396 = arith.index_cast %swap3A : i32 to index
      %swap3A_397 = arith.index_cast %select_n3A : i32 to index
      %swap3A_398 = arith.index_cast %mul3A_395 : i32 to index
      %swap3A_399 = tpu.vector_load %arg6[%swap3A_396, %swap3A_397, %swap3A_398] {strides = array<i32>} : memref<3x80x128xf32, #tpu.memory_space<vmem>>, vector<16xf32>,
      tpu.vector_store %arg6[%swap3A_396, %swap3A_397, %swap3A_398], %broadcast_in_dim3A_1 {strides = array<i32>} : memref<3x80x128xf32, #tpu.memory_space<vmem>>, vector<16xf32>,
    }
    %scan3A_6 = arith.constant 640 : i32
    %mul3A_7 = arith.constant 632 : i32
    %mul3A_8 = arith.muli %arg1, %mul3A_7 : i32
    %add3A_9 = arith.constant 0 : i32
    %add3A_10 = arith.addi %mul3A_8, %add3A_9 : i32
    %dma_start3A = arith.constant 0 : i32
    %dma_start3A_11 = arith.constant 0 : i32
    %dma_start3A_12 = arith.constant 0 : i32
    %dma_start3A_13 = tpu.memref_slice %arg6[%dma_start3A, %dma_start3A_11, %dma_start3A_12] : memref<3x80x128xf32, #tpu.memory_space<vmem>> -> memref<1x80x128xf32, #tpu.memory_space<vmem>>
    %dma_start3A_14 = tpu.memref_squeeze %dma_start3A_13 : memref<1x80x128xf32, #tpu.memory_space<vmem>> -> memref<80x128xf32, #tpu.memory_space<vmem>>
    %dma_start3A_15 = arith.constant 0 : i32
    %dma_start3A_16 = tpu.memref_slice %arg7[%add3A_10, %dma_start3A_15] : memref<10112x128xf32, #tpu.memory_space<vmem_shared>> -> memref<80x128xf32, #tpu.memory_space<vmem_shared>>
    %dma_start3A_17 = arith.constant 0 : i32
    %dma_start3A_18 = tpu.memref_slice %arg7[%add3A_10, %dma_start3A_17] : memref<10112x128xf32, #tpu.memory_space<vmem_shared>> -> memref<80x128xf32, #tpu.memory_space<vmem_shared>>
    %dma_start3A_19 = arith.constant 0 : i32
    %dma_start3A_20 = arith.constant 0 : i32
    %dma_start3A_21 = tpu.memref_slice %arg6[%dma_start3A, %dma_start3A_19, %dma_start3A_20] : memref<3x80x128xf32, #tpu.memory_space<vmem>> -> memref<1x80x128xf32, #tpu.memory_space<vmem>>
    %dma_start3A_22 = tpu.memref_squeeze %dma_start3A_21 : memref<1x80x128xf32, #tpu.memory_space<vmem>> -> memref<80x128xf32, #tpu.memory_space<vmem>>
    tpu.enqueue_dma source(%dma_start3A_22 : memref<80x128xf32, #tpu.memory_space<vmem>>) target(%dma_start3A_18 : memref<80x128xf32, #tpu.memory_space<vmem_shared>>) target_semaphore(%arg10 : memref<!tpu.dma_semaphore, #tpu.memory_space<semaphore_mem>>)
    %add3A_23 = arith.constant 80 : i32
    %add3A_24 = arith.addi %mul3A_8, %add3A_23 : i32
    %dma_start3A_25 = arith.constant 0 : i32
    %dma_start3A_26 = arith.constant 0 : i32
    %dma_start3A_27 = arith.constant 0 : i32
    %dma_start3A_28 = tpu.memref_slice %arg6[%dma_start3A_25, %dma_start3A_26, %dma_start3A_27] : memref<3x80x128xf32, #tpu.memory_space<vmem>> -> memref<1x80x128xf32, #tpu.memory_space<vmem>>
    %dma_start3A_29 = tpu.memref_squeeze %dma_start3A_28 : memref<1x80x128xf32, #tpu.memory_space<vmem>> -> memref<80x128xf32, #tpu.memory_space<vmem>>
    %dma_start3A_30 = arith.constant 0 : i32
    %dma_start3A_31 = tpu.memref_slice %arg7[%add3A_24, %dma_start3A_30] : memref<10112x128xf32, #tpu.memory_space<vmem_shared>> -> memref<80x128xf32, #tpu.memory_space<vmem_shared>>
    %dma_start3A_32 = arith.constant 0 : i32
    %dma_start3A_33 = tpu.memref_slice %arg7[%add3A_24, %dma_start3A_32] : memref<10112x128xf32, #tpu.memory_space<vmem_shared>> -> memref<80x128xf32, #tpu.memory_space<vmem_shared>>
    %dma_start3A_34 = arith.constant 0 : i32
    %dma_start3A_35 = arith.constant 0 : i32
    %dma_start3A_36 = tpu.memref_slice %arg6[%dma_start3A_25, %dma_start3A_34, %dma_start3A_35] : memref<3x80x128xf32, #tpu.memory_space<vmem>> -> memref<1x80x128xf32, #tpu.memory_space<vmem>>
    %dma_start3A_37 = tpu.memref_squeeze %dma_start3A_36 : memref<1x80x128xf32, #tpu.memory_space<vmem>> -> memref<80x128xf32, #tpu.memory_space<vmem>>
    tpu.enqueue_dma source(%dma_start3A_37 : memref<80x128xf32, #tpu.memory_space<vmem>>) target(%dma_start3A_33 : memref<80x128xf32, #tpu.memory_space<vmem_shared>>) target_semaphore(%arg10 : memref<!tpu.dma_semaphore, #tpu.memory_space<semaphore_mem>>)
    %add3A_38 = arith.constant 160 : i32
    %add3A_39 = arith.addi %mul3A_8, %add3A_38 : i32
    %dma_start3A_40 = arith.constant 0 : i32
    %dma_start3A_41 = arith.constant 0 : i32
    %dma_start3A_42 = arith.constant 0 : i32
    %dma_start3A_43 = tpu.memref_slice %arg6[%dma_start3A_40, %dma_start3A_41, %dma_start3A_42] : memref<3x80x128xf32, #tpu.memory_space<vmem>> -> memref<1x80x128xf32, #tpu.memory_space<vmem>>
    %dma_start3A_44 = tpu.memref_squeeze %dma_start3A_43 : memref<1x80x128xf32, #tpu.memory_space<vmem>> -> memref<80x128xf32, #tpu.memory_space<vmem>>
    %dma_start3A_45 = arith.constant 0 : i32
    %dma_start3A_46 = tpu.memref_slice %arg7[%add3A_39, %dma_start3A_45] : memref<10112x128xf32, #tpu.memory_space<vmem_shared>> -> memref<80x128xf32, #tpu.memory_space<vmem_shared>>
    %dma_start3A_47 = arith.constant 0 : i32
    %dma_start3A_48 = tpu.memref_slice %arg7[%add3A_39, %dma_start3A_47] : memref<10112x128xf32, #tpu.memory_space<vmem_shared>> -> memref<80x128xf32, #tpu.memory_space<vmem_shared>>
    %dma_start3A_49 = arith.constant 0 : i32
    %dma_start3A_50 = arith.constant 0 : i32
    %dma_start3A_51 = tpu.memref_slice %arg6[%dma_start3A_40, %dma_start3A_49, %dma_start3A_50] : memref<3x80x128xf32, #tpu.memory_space<vmem>> -> memref<1x80x128xf32, #tpu.memory_space<vmem>>
    %dma_start3A_52 = tpu.memref_squeeze %dma_start3A_51 : memref<1x80x128xf32, #tpu.memory_space<vmem>> -> memref<80x128xf32, #tpu.memory_space<vmem>>
    tpu.enqueue_dma source(%dma_start3A_52 : memref<80x128xf32, #tpu.memory_space<vmem>>) target(%dma_start3A_48 : memref<80x128xf32, #tpu.memory_space<vmem_shared>>) target_semaphore(%arg10 : memref<!tpu.dma_semaphore, #tpu.memory_space<semaphore_mem>>)
    %add3A_53 = arith.constant 240 : i32
    %add3A_54 = arith.addi %mul3A_8, %add3A_53 : i32
    %dma_start3A_55 = arith.constant 0 : i32
    %dma_start3A_56 = arith.constant 0 : i32
    %dma_start3A_57 = arith.constant 0 : i32
    %dma_start3A_58 = tpu.memref_slice %arg6[%dma_start3A_55, %dma_start3A_56, %dma_start3A_57] : memref<3x80x128xf32, #tpu.memory_space<vmem>> -> memref<1x80x128xf32, #tpu.memory_space<vmem>>
    %dma_start3A_59 = tpu.memref_squeeze %dma_start3A_58 : memref<1x80x128xf32, #tpu.memory_space<vmem>> -> memref<80x128xf32, #tpu.memory_space<vmem>>
    %dma_start3A_60 = arith.constant 0 : i32
    %dma_start3A_61 = tpu.memref_slice %arg7[%add3A_54, %dma_start3A_60] : memref<10112x128xf32, #tpu.memory_space<vmem_shared>> -> memref<80x128xf32, #tpu.memory_space<vmem_shared>>
    %dma_start3A_62 = arith.constant 0 : i32
    %dma_start3A_63 = tpu.memref_slice %arg7[%add3A_54, %dma_start3A_62] : memref<10112x128xf32, #tpu.memory_space<vmem_shared>> -> memref<80x128xf32, #tpu.memory_space<vmem_shared>>
    %dma_start3A_64 = arith.constant 0 : i32
    %dma_start3A_65 = arith.constant 0 : i32
    %dma_start3A_66 = tpu.memref_slice %arg6[%dma_start3A_55, %dma_start3A_64, %dma_start3A_65] : memref<3x80x128xf32, #tpu.memory_space<vmem>> -> memref<1x80x128xf32, #tpu.memory_space<vmem>>
    %dma_start3A_67 = tpu.memref_squeeze %dma_start3A_66 : memref<1x80x128xf32, #tpu.memory_space<vmem>> -> memref<80x128xf32, #tpu.memory_space<vmem>>
    tpu.enqueue_dma source(%dma_start3A_67 : memref<80x128xf32, #tpu.memory_space<vmem>>) target(%dma_start3A_63 : memref<80x128xf32, #tpu.memory_space<vmem_shared>>) target_semaphore(%arg10 : memref<!tpu.dma_semaphore, #tpu.memory_space<semaphore_mem>>)
    %add3A_68 = arith.constant 320 : i32
    %add3A_69 = arith.addi %mul3A_8, %add3A_68 : i32
    %dma_start3A_70 = arith.constant 0 : i32
    %dma_start3A_71 = arith.constant 0 : i32
    %dma_start3A_72 = arith.constant 0 : i32
    %dma_start3A_73 = tpu.memref_slice %arg6[%dma_start3A_70, %dma_start3A_71, %dma_start3A_72] : memref<3x80x128xf32, #tpu.memory_space<vmem>> -> memref<1x80x128xf32, #tpu.memory_space<vmem>>
    %dma_start3A_74 = tpu.memref_squeeze %dma_start3A_73 : memref<1x80x128xf32, #tpu.memory_space<vmem>> -> memref<80x128xf32, #tpu.memory_space<vmem>>
    %dma_start3A_75 = arith.constant 0 : i32
    %dma_start3A_76 = tpu.memref_slice %arg7[%add3A_69, %dma_start3A_75] : memref<10112x128xf32, #tpu.memory_space<vmem_shared>> -> memref<80x128xf32, #tpu.memory_space<vmem_shared>>
    %dma_start3A_77 = arith.constant 0 : i32
    %dma_start3A_78 = tpu.memref_slice %arg7[%add3A_69, %dma_start3A_77] : memref<10112x128xf32, #tpu.memory_space<vmem_shared>> -> memref<80x128xf32, #tpu.memory_space<vmem_shared>>
    %dma_start3A_79 = arith.constant 0 : i32
    %dma_start3A_80 = arith.constant 0 : i32
    %dma_start3A_81 = tpu.memref_slice %arg6[%dma_start3A_70, %dma_start3A_79, %dma_start3A_80] : memref<3x80x128xf32, #tpu.memory_space<vmem>> -> memref<1x80x128xf32, #tpu.memory_space<vmem>>
    %dma_start3A_82 = tpu.memref_squeeze %dma_start3A_81 : memref<1x80x128xf32, #tpu.memory_space<vmem>> -> memref<80x128xf32, #tpu.memory_space<vmem>>
    tpu.enqueue_dma source(%dma_start3A_82 : memref<80x128xf32, #tpu.memory_space<vmem>>) target(%dma_start3A_78 : memref<80x128xf32, #tpu.memory_space<vmem_shared>>) target_semaphore(%arg10 : memref<!tpu.dma_semaphore, #tpu.memory_space<semaphore_mem>>)
    %add3A_83 = arith.constant 400 : i32
    %add3A_84 = arith.addi %mul3A_8, %add3A_83 : i32
    %dma_start3A_85 = arith.constant 0 : i32
    %dma_start3A_86 = arith.constant 0 : i32
    %dma_start3A_87 = arith.constant 0 : i32
    %dma_start3A_88 = tpu.memref_slice %arg6[%dma_start3A_85, %dma_start3A_86, %dma_start3A_87] : memref<3x80x128xf32, #tpu.memory_space<vmem>> -> memref<1x80x128xf32, #tpu.memory_space<vmem>>
    %dma_start3A_89 = tpu.memref_squeeze %dma_start3A_88 : memref<1x80x128xf32, #tpu.memory_space<vmem>> -> memref<80x128xf32, #tpu.memory_space<vmem>>
    %dma_start3A_90 = arith.constant 0 : i32
    %dma_start3A_91 = tpu.memref_slice %arg7[%add3A_84, %dma_start3A_90] : memref<10112x128xf32, #tpu.memory_space<vmem_shared>> -> memref<80x128xf32, #tpu.memory_space<vmem_shared>>
    %dma_start3A_92 = arith.constant 0 : i32
    %dma_start3A_93 = tpu.memref_slice %arg7[%add3A_84, %dma_start3A_92] : memref<10112x128xf32, #tpu.memory_space<vmem_shared>> -> memref<80x128xf32, #tpu.memory_space<vmem_shared>>
    %dma_start3A_94 = arith.constant 0 : i32
    %dma_start3A_95 = arith.constant 0 : i32
    %dma_start3A_96 = tpu.memref_slice %arg6[%dma_start3A_85, %dma_start3A_94, %dma_start3A_95] : memref<3x80x128xf32, #tpu.memory_space<vmem>> -> memref<1x80x128xf32, #tpu.memory_space<vmem>>
    %dma_start3A_97 = tpu.memref_squeeze %dma_start3A_96 : memref<1x80x128xf32, #tpu.memory_space<vmem>> -> memref<80x128xf32, #tpu.memory_space<vmem>>
    tpu.enqueue_dma source(%dma_start3A_97 : memref<80x128xf32, #tpu.memory_space<vmem>>) target(%dma_start3A_93 : memref<80x128xf32, #tpu.memory_space<vmem_shared>>) target_semaphore(%arg10 : memref<!tpu.dma_semaphore, #tpu.memory_space<semaphore_mem>>)
    %add3A_98 = arith.constant 480 : i32
    %add3A_99 = arith.addi %mul3A_8, %add3A_98 : i32
    %dma_start3A_100 = arith.constant 0 : i32
    %dma_start3A_101 = arith.constant 0 : i32
    %dma_start3A_102 = arith.constant 0 : i32
    %dma_start3A_103 = tpu.memref_slice %arg6[%dma_start3A_100, %dma_start3A_101, %dma_start3A_102] : memref<3x80x128xf32, #tpu.memory_space<vmem>> -> memref<1x80x128xf32, #tpu.memory_space<vmem>>
    %dma_start3A_104 = tpu.memref_squeeze %dma_start3A_103 : memref<1x80x128xf32, #tpu.memory_space<vmem>> -> memref<80x128xf32, #tpu.memory_space<vmem>>
    %dma_start3A_105 = arith.constant 0 : i32
    %dma_start3A_106 = tpu.memref_slice %arg7[%add3A_99, %dma_start3A_105] : memref<10112x128xf32, #tpu.memory_space<vmem_shared>> -> memref<80x128xf32, #tpu.memory_space<vmem_shared>>
    %dma_start3A_107 = arith.constant 0 : i32
    %dma_start3A_108 = tpu.memref_slice %arg7[%add3A_99, %dma_start3A_107] : memref<10112x128xf32, #tpu.memory_space<vmem_shared>> -> memref<80x128xf32, #tpu.memory_space<vmem_shared>>
    %dma_start3A_109 = arith.constant 0 : i32
    %dma_start3A_110 = arith.constant 0 : i32
    %dma_start3A_111 = tpu.memref_slice %arg6[%dma_start3A_100, %dma_start3A_109, %dma_start3A_110] : memref<3x80x128xf32, #tpu.memory_space<vmem>> -> memref<1x80x128xf32, #tpu.memory_space<vmem>>
    %dma_start3A_112 = tpu.memref_squeeze %dma_start3A_111 : memref<1x80x128xf32, #tpu.memory_space<vmem>> -> memref<80x128xf32, #tpu.memory_space<vmem>>
    tpu.enqueue_dma source(%dma_start3A_112 : memref<80x128xf32, #tpu.memory_space<vmem>>) target(%dma_start3A_108 : memref<80x128xf32, #tpu.memory_space<vmem_shared>>) target_semaphore(%arg10 : memref<!tpu.dma_semaphore, #tpu.memory_space<semaphore_mem>>)
    %add3A_113 = arith.constant 560 : i32
    %add3A_114 = arith.addi %mul3A_8, %add3A_113 : i32
    %dma_start3A_115 = arith.constant 0 : i32
    %dma_start3A_116 = arith.constant 0 : i32
    %dma_start3A_117 = arith.constant 0 : i32
    %dma_start3A_118 = tpu.memref_slice %arg6[%dma_start3A_115, %dma_start3A_116, %dma_start3A_117] : memref<3x80x128xf32, #tpu.memory_space<vmem>> -> memref<1x72x128xf32, #tpu.memory_space<vmem>>
    %dma_start3A_119 = tpu.memref_squeeze %dma_start3A_118 : memref<1x72x128xf32, #tpu.memory_space<vmem>> -> memref<72x128xf32, #tpu.memory_space<vmem>>
    %dma_start3A_120 = arith.constant 0 : i32
    %dma_start3A_121 = tpu.memref_slice %arg7[%add3A_114, %dma_start3A_120] : memref<10112x128xf32, #tpu.memory_space<vmem_shared>> -> memref<72x128xf32, #tpu.memory_space<vmem_shared>>
    %dma_start3A_122 = arith.constant 0 : i32
    %dma_start3A_123 = tpu.memref_slice %arg7[%add3A_114, %dma_start3A_122] : memref<10112x128xf32, #tpu.memory_space<vmem_shared>> -> memref<72x128xf32, #tpu.memory_space<vmem_shared>>
    %dma_start3A_124 = arith.constant 0 : i32
    %dma_start3A_125 = arith.constant 0 : i32
    %dma_start3A_126 = tpu.memref_slice %arg6[%dma_start3A_115, %dma_start3A_124, %dma_start3A_125] : memref<3x80x128xf32, #tpu.memory_space<vmem>> -> memref<1x72x128xf32, #tpu.memory_space<vmem>>
    %dma_start3A_127 = tpu.memref_squeeze %dma_start3A_126 : memref<1x72x128xf32, #tpu.memory_space<vmem>> -> memref<72x128xf32, #tpu.memory_space<vmem>>
    tpu.enqueue_dma source(%dma_start3A_127 : memref<72x128xf32, #tpu.memory_space<vmem>>) target(%dma_start3A_123 : memref<72x128xf32, #tpu.memory_space<vmem_shared>>) target_semaphore(%arg10 : memref<!tpu.dma_semaphore, #tpu.memory_space<semaphore_mem>>)
    %add3A_128 = arith.constant 0 : i32
    %add3A_129 = arith.addi %mul3A_8, %add3A_128 : i32
    %dma_wait3A = arith.constant 0 : i32
    %dma_wait3A_130 = arith.constant 0 : i32
    %dma_wait3A_131 = arith.constant 0 : i32
    %dma_wait3A_132 = tpu.memref_slice %arg6[%dma_wait3A, %dma_wait3A_130, %dma_wait3A_131] : memref<3x80x128xf32, #tpu.memory_space<vmem>> -> memref<1x80x128xf32, #tpu.memory_space<vmem>>
    %dma_wait3A_133 = tpu.memref_squeeze %dma_wait3A_132 : memref<1x80x128xf32, #tpu.memory_space<vmem>> -> memref<80x128xf32, #tpu.memory_space<vmem>>
    %dma_wait3A_134 = arith.constant 0 : i32
    %dma_wait3A_135 = tpu.memref_slice %arg7[%add3A_129, %dma_wait3A_134] : memref<10112x128xf32, #tpu.memory_space<vmem_shared>> -> memref<80x128xf32, #tpu.memory_space<vmem_shared>>
    %dma_wait3A_136 = arith.constant 0 : i32
    %dma_wait3A_137 = tpu.memref_slice %arg7[%add3A_129, %dma_wait3A_136] : memref<10112x128xf32, #tpu.memory_space<vmem_shared>> -> memref<80x128xf32, #tpu.memory_space<vmem_shared>>
    %dma_wait3A_138 = arith.constant 0 : i32
    %dma_wait3A_139 = arith.constant 0 : i32
    %dma_wait3A_140 = tpu.memref_slice %arg6[%dma_wait3A, %dma_wait3A_138, %dma_wait3A_139] : memref<3x80x128xf32, #tpu.memory_space<vmem>> -> memref<1x80x128xf32, #tpu.memory_space<vmem>>
    %dma_wait3A_141 = tpu.memref_squeeze %dma_wait3A_140 : memref<1x80x128xf32, #tpu.memory_space<vmem>> -> memref<80x128xf32, #tpu.memory_space<vmem>>
    tpu.wait_dma2 semaphore(%arg10 : memref<!tpu.dma_semaphore, #tpu.memory_space<semaphore_mem>>) src(%dma_wait3A_141 : memref<80x128xf32, #tpu.memory_space<vmem>>) dst(%dma_wait3A_137 : memref<80x128xf32, #tpu.memory_space<vmem_shared>>)
    %add3A_142 = arith.constant 80 : i32
    %add3A_143 = arith.addi %mul3A_8, %add3A_142 : i32
    %dma_wait3A_144 = arith.constant 0 : i32
    %dma_wait3A_145 = arith.constant 0 : i32
    %dma_wait3A_146 = arith.constant 0 : i32
    %dma_wait3A_147 = tpu.memref_slice %arg6[%dma_wait3A_144, %dma_wait3A_145, %dma_wait3A_146] : memref<3x80x128xf32, #tpu.memory_space<vmem>> -> memref<1x80x128xf32, #tpu.memory_space<vmem>>
    %dma_wait3A_148 = tpu.memref_squeeze %dma_wait3A_147 : memref<1x80x128xf32, #tpu.memory_space<vmem>> -> memref<80x128xf32, #tpu.memory_space<vmem>>
    %dma_wait3A_149 = arith.constant 0 : i32
    %dma_wait3A_150 = tpu.memref_slice %arg7[%add3A_143, %dma_wait3A_149] : memref<10112x128xf32, #tpu.memory_space<vmem_shared>> -> memref<80x128xf32, #tpu.memory_space<vmem_shared>>
    %dma_wait3A_151 = arith.constant 0 : i32
    %dma_wait3A_152 = tpu.memref_slice %arg7[%add3A_143, %dma_wait3A_151] : memref<10112x128xf32, #tpu.memory_space<vmem_shared>> -> memref<80x128xf32, #tpu.memory_space<vmem_shared>>
    %dma_wait3A_153 = arith.constant 0 : i32
    %dma_wait3A_154 = arith.constant 0 : i32
    %dma_wait3A_155 = tpu.memref_slice %arg6[%dma_wait3A_144, %dma_wait3A_153, %dma_wait3A_154] : memref<3x80x128xf32, #tpu.memory_space<vmem>> -> memref<1x80x128xf32, #tpu.memory_space<vmem>>
    %dma_wait3A_156 = tpu.memref_squeeze %dma_wait3A_155 : memref<1x80x128xf32, #tpu.memory_space<vmem>> -> memref<80x128xf32, #tpu.memory_space<vmem>>
    tpu.wait_dma2 semaphore(%arg10 : memref<!tpu.dma_semaphore, #tpu.memory_space<semaphore_mem>>) src(%dma_wait3A_156 : memref<80x128xf32, #tpu.memory_space<vmem>>) dst(%dma_wait3A_152 : memref<80x128xf32, #tpu.memory_space<vmem_shared>>)
    %add3A_157 = arith.constant 160 : i32
    %add3A_158 = arith.addi %mul3A_8, %add3A_157 : i32
    %dma_wait3A_159 = arith.constant 0 : i32
    %dma_wait3A_160 = arith.constant 0 : i32
    %dma_wait3A_161 = arith.constant 0 : i32
    %dma_wait3A_162 = tpu.memref_slice %arg6[%dma_wait3A_159, %dma_wait3A_160, %dma_wait3A_161] : memref<3x80x128xf32, #tpu.memory_space<vmem>> -> memref<1x80x128xf32, #tpu.memory_space<vmem>>
    %dma_wait3A_163 = tpu.memref_squeeze %dma_wait3A_162 : memref<1x80x128xf32, #tpu.memory_space<vmem>> -> memref<80x128xf32, #tpu.memory_space<vmem>>
    %dma_wait3A_164 = arith.constant 0 : i32
    %dma_wait3A_165 = tpu.memref_slice %arg7[%add3A_158, %dma_wait3A_164] : memref<10112x128xf32, #tpu.memory_space<vmem_shared>> -> memref<80x128xf32, #tpu.memory_space<vmem_shared>>
    %dma_wait3A_166 = arith.constant 0 : i32
    %dma_wait3A_167 = tpu.memref_slice %arg7[%add3A_158, %dma_wait3A_166] : memref<10112x128xf32, #tpu.memory_space<vmem_shared>> -> memref<80x128xf32, #tpu.memory_space<vmem_shared>>
    %dma_wait3A_168 = arith.constant 0 : i32
    %dma_wait3A_169 = arith.constant 0 : i32
    %dma_wait3A_170 = tpu.memref_slice %arg6[%dma_wait3A_159, %dma_wait3A_168, %dma_wait3A_169] : memref<3x80x128xf32, #tpu.memory_space<vmem>> -> memref<1x80x128xf32, #tpu.memory_space<vmem>>
    %dma_wait3A_171 = tpu.memref_squeeze %dma_wait3A_170 : memref<1x80x128xf32, #tpu.memory_space<vmem>> -> memref<80x128xf32, #tpu.memory_space<vmem>>
    tpu.wait_dma2 semaphore(%arg10 : memref<!tpu.dma_semaphore, #tpu.memory_space<semaphore_mem>>) src(%dma_wait3A_171 : memref<80x128xf32, #tpu.memory_space<vmem>>) dst(%dma_wait3A_167 : memref<80x128xf32, #tpu.memory_space<vmem_shared>>)
    %add3A_172 = arith.constant 240 : i32
    %add3A_173 = arith.addi %mul3A_8, %add3A_172 : i32
    %dma_wait3A_174 = arith.constant 0 : i32
    %dma_wait3A_175 = arith.constant 0 : i32
    %dma_wait3A_176 = arith.constant 0 : i32
    %dma_wait3A_177 = tpu.memref_slice %arg6[%dma_wait3A_174, %dma_wait3A_175, %dma_wait3A_176] : memref<3x80x128xf32, #tpu.memory_space<vmem>> -> memref<1x80x128xf32, #tpu.memory_space<vmem>>
    %dma_wait3A_178 = tpu.memref_squeeze %dma_wait3A_177 : memref<1x80x128xf32, #tpu.memory_space<vmem>> -> memref<80x128xf32, #tpu.memory_space<vmem>>
    %dma_wait3A_179 = arith.constant 0 : i32
    %dma_wait3A_180 = tpu.memref_slice %arg7[%add3A_173, %dma_wait3A_179] : memref<10112x128xf32, #tpu.memory_space<vmem_shared>> -> memref<80x128xf32, #tpu.memory_space<vmem_shared>>
    %dma_wait3A_181 = arith.constant 0 : i32
    %dma_wait3A_182 = tpu.memref_slice %arg7[%add3A_173, %dma_wait3A_181] : memref<10112x128xf32, #tpu.memory_space<vmem_shared>> -> memref<80x128xf32, #tpu.memory_space<vmem_shared>>
    %dma_wait3A_183 = arith.constant 0 : i32
    %dma_wait3A_184 = arith.constant 0 : i32
    %dma_wait3A_185 = tpu.memref_slice %arg6[%dma_wait3A_174, %dma_wait3A_183, %dma_wait3A_184] : memref<3x80x128xf32, #tpu.memory_space<vmem>> -> memref<1x80x128xf32, #tpu.memory_space<vmem>>
    %dma_wait3A_186 = tpu.memref_squeeze %dma_wait3A_185 : memref<1x80x128xf32, #tpu.memory_space<vmem>> -> memref<80x128xf32, #tpu.memory_space<vmem>>
    tpu.wait_dma2 semaphore(%arg10 : memref<!tpu.dma_semaphore, #tpu.memory_space<semaphore_mem>>) src(%dma_wait3A_186 : memref<80x128xf32, #tpu.memory_space<vmem>>) dst(%dma_wait3A_182 : memref<80x128xf32, #tpu.memory_space<vmem_shared>>)
    %add3A_187 = arith.constant 320 : i32
    %add3A_188 = arith.addi %mul3A_8, %add3A_187 : i32
    %dma_wait3A_189 = arith.constant 0 : i32
    %dma_wait3A_190 = arith.constant 0 : i32
    %dma_wait3A_191 = arith.constant 0 : i32
    %dma_wait3A_192 = tpu.memref_slice %arg6[%dma_wait3A_189, %dma_wait3A_190, %dma_wait3A_191] : memref<3x80x128xf32, #tpu.memory_space<vmem>> -> memref<1x80x128xf32, #tpu.memory_space<vmem>>
    %dma_wait3A_193 = tpu.memref_squeeze %dma_wait3A_192 : memref<1x80x128xf32, #tpu.memory_space<vmem>> -> memref<80x128xf32, #tpu.memory_space<vmem>>
    %dma_wait3A_194 = arith.constant 0 : i32
    %dma_wait3A_195 = tpu.memref_slice %arg7[%add3A_188, %dma_wait3A_194] : memref<10112x128xf32, #tpu.memory_space<vmem_shared>> -> memref<80x128xf32, #tpu.memory_space<vmem_shared>>
    %dma_wait3A_196 = arith.constant 0 : i32
    %dma_wait3A_197 = tpu.memref_slice %arg7[%add3A_188, %dma_wait3A_196] : memref<10112x128xf32, #tpu.memory_space<vmem_shared>> -> memref<80x128xf32, #tpu.memory_space<vmem_shared>>
    %dma_wait3A_198 = arith.constant 0 : i32
    %dma_wait3A_199 = arith.constant 0 : i32
    %dma_wait3A_200 = tpu.memref_slice %arg6[%dma_wait3A_189, %dma_wait3A_198, %dma_wait3A_199] : memref<3x80x128xf32, #tpu.memory_space<vmem>> -> memref<1x80x128xf32, #tpu.memory_space<vmem>>
    %dma_wait3A_201 = tpu.memref_squeeze %dma_wait3A_200 : memref<1x80x128xf32, #tpu.memory_space<vmem>> -> memref<80x128xf32, #tpu.memory_space<vmem>>
    tpu.wait_dma2 semaphore(%arg10 : memref<!tpu.dma_semaphore, #tpu.memory_space<semaphore_mem>>) src(%dma_wait3A_201 : memref<80x128xf32, #tpu.memory_space<vmem>>) dst(%dma_wait3A_197 : memref<80x128xf32, #tpu.memory_space<vmem_shared>>)
    %add3A_202 = arith.constant 400 : i32
    %add3A_203 = arith.addi %mul3A_8, %add3A_202 : i32
    %dma_wait3A_204 = arith.constant 0 : i32
    %dma_wait3A_205 = arith.constant 0 : i32
    %dma_wait3A_206 = arith.constant 0 : i32
    %dma_wait3A_207 = tpu.memref_slice %arg6[%dma_wait3A_204, %dma_wait3A_205, %dma_wait3A_206] : memref<3x80x128xf32, #tpu.memory_space<vmem>> -> memref<1x80x128xf32, #tpu.memory_space<vmem>>
    %dma_wait3A_208 = tpu.memref_squeeze %dma_wait3A_207 : memref<1x80x128xf32, #tpu.memory_space<vmem>> -> memref<80x128xf32, #tpu.memory_space<vmem>>
    %dma_wait3A_209 = arith.constant 0 : i32
    %dma_wait3A_210 = tpu.memref_slice %arg7[%add3A_203, %dma_wait3A_209] : memref<10112x128xf32, #tpu.memory_space<vmem_shared>> -> memref<80x128xf32, #tpu.memory_space<vmem_shared>>
    %dma_wait3A_211 = arith.constant 0 : i32
    %dma_wait3A_212 = tpu.memref_slice %arg7[%add3A_203, %dma_wait3A_211] : memref<10112x128xf32, #tpu.memory_space<vmem_shared>> -> memref<80x128xf32, #tpu.memory_space<vmem_shared>>
    %dma_wait3A_213 = arith.constant 0 : i32
    %dma_wait3A_214 = arith.constant 0 : i32
    %dma_wait3A_215 = tpu.memref_slice %arg6[%dma_wait3A_204, %dma_wait3A_213, %dma_wait3A_214] : memref<3x80x128xf32, #tpu.memory_space<vmem>> -> memref<1x80x128xf32, #tpu.memory_space<vmem>>
    %dma_wait3A_216 = tpu.memref_squeeze %dma_wait3A_215 : memref<1x80x128xf32, #tpu.memory_space<vmem>> -> memref<80x128xf32, #tpu.memory_space<vmem>>
    tpu.wait_dma2 semaphore(%arg10 : memref<!tpu.dma_semaphore, #tpu.memory_space<semaphore_mem>>) src(%dma_wait3A_216 : memref<80x128xf32, #tpu.memory_space<vmem>>) dst(%dma_wait3A_212 : memref<80x128xf32, #tpu.memory_space<vmem_shared>>)
    %add3A_217 = arith.constant 480 : i32
    %add3A_218 = arith.addi %mul3A_8, %add3A_217 : i32
    %dma_wait3A_219 = arith.constant 0 : i32
    %dma_wait3A_220 = arith.constant 0 : i32
    %dma_wait3A_221 = arith.constant 0 : i32
    %dma_wait3A_222 = tpu.memref_slice %arg6[%dma_wait3A_219, %dma_wait3A_220, %dma_wait3A_221] : memref<3x80x128xf32, #tpu.memory_space<vmem>> -> memref<1x80x128xf32, #tpu.memory_space<vmem>>
    %dma_wait3A_223 = tpu.memref_squeeze %dma_wait3A_222 : memref<1x80x128xf32, #tpu.memory_space<vmem>> -> memref<80x128xf32, #tpu.memory_space<vmem>>
    %dma_wait3A_224 = arith.constant 0 : i32
    %dma_wait3A_225 = tpu.memref_slice %arg7[%add3A_218, %dma_wait3A_224] : memref<10112x128xf32, #tpu.memory_space<vmem_shared>> -> memref<80x128xf32, #tpu.memory_space<vmem_shared>>
    %dma_wait3A_226 = arith.constant 0 : i32
    %dma_wait3A_227 = tpu.memref_slice %arg7[%add3A_218, %dma_wait3A_226] : memref<10112x128xf32, #tpu.memory_space<vmem_shared>> -> memref<80x128xf32, #tpu.memory_space<vmem_shared>>
    %dma_wait3A_228 = arith.constant 0 : i32
    %dma_wait3A_229 = arith.constant 0 : i32
    %dma_wait3A_230 = tpu.memref_slice %arg6[%dma_wait3A_219, %dma_wait3A_228, %dma_wait3A_229] : memref<3x80x128xf32, #tpu.memory_space<vmem>> -> memref<1x80x128xf32, #tpu.memory_space<vmem>>
    %dma_wait3A_231 = tpu.memref_squeeze %dma_wait3A_230 : memref<1x80x128xf32, #tpu.memory_space<vmem>> -> memref<80x128xf32, #tpu.memory_space<vmem>>
    tpu.wait_dma2 semaphore(%arg10 : memref<!tpu.dma_semaphore, #tpu.memory_space<semaphore_mem>>) src(%dma_wait3A_231 : memref<80x128xf32, #tpu.memory_space<vmem>>) dst(%dma_wait3A_227 : memref<80x128xf32, #tpu.memory_space<vmem_shared>>)
    %add3A_232 = arith.constant 560 : i32
    %add3A_233 = arith.addi %mul3A_8, %add3A_232 : i32
    %dma_wait3A_234 = arith.constant 0 : i32
    %dma_wait3A_235 = arith.constant 0 : i32
    %dma_wait3A_236 = arith.constant 0 : i32
    %dma_wait3A_237 = tpu.memref_slice %arg6[%dma_wait3A_234, %dma_wait3A_235, %dma_wait3A_236] : memref<3x80x128xf32, #tpu.memory_space<vmem>> -> memref<1x72x128xf32, #tpu.memory_space<vmem>>
    %dma_wait3A_238 = tpu.memref_squeeze %dma_wait3A_237 : memref<1x72x128xf32, #tpu.memory_space<vmem>> -> memref<72x128xf32, #tpu.memory_space<vmem>>
    %dma_wait3A_239 = arith.constant 0 : i32
    %dma_wait3A_240 = tpu.memref_slice %arg7[%add3A_233, %dma_wait3A_239] : memref<10112x128xf32, #tpu.memory_space<vmem_shared>> -> memref<72x128xf32, #tpu.memory_space<vmem_shared>>
    %dma_wait3A_241 = arith.constant 0 : i32
    %dma_wait3A_242 = tpu.memref_slice %arg7[%add3A_233, %dma_wait3A_241] : memref<10112x128xf32, #tpu.memory_space<vmem_shared>> -> memref<72x128xf32, #tpu.memory_space<vmem_shared>>
    %dma_wait3A_243 = arith.constant 0 : i32
    %dma_wait3A_244 = arith.constant 0 : i32
    %dma_wait3A_245 = tpu.memref_slice %arg6[%dma_wait3A_234, %dma_wait3A_243, %dma_wait3A_244] : memref<3x80x128xf32, #tpu.memory_space<vmem>> -> memref<1x72x128xf32, #tpu.memory_space<vmem>>
    %dma_wait3A_246 = tpu.memref_squeeze %dma_wait3A_245 : memref<1x72x128xf32, #tpu.memory_space<vmem>> -> memref<72x128xf32, #tpu.memory_space<vmem>>
    tpu.wait_dma2 semaphore(%arg10 : memref<!tpu.dma_semaphore, #tpu.memory_space<semaphore_mem>>) src(%dma_wait3A_246 : memref<72x128xf32, #tpu.memory_space<vmem>>) dst(%dma_wait3A_242 : memref<72x128xf32, #tpu.memory_space<vmem_shared>>)
    %barrier3A = arith.constant 0 : index
    tpu.barrier barrier_id(%barrier3A)
    %run_scoped3A = arith.constant 0 : i32
    %run_scoped3A_247 = arith.constant 0 : i32
    "tpu.region"() ({
      %run_scoped3A_363 = tpu.sem_alloc : memref<!tpu.dma_semaphore, #tpu.memory_space<semaphore_mem>>
      %dma_start3A_364 = arith.constant 0 : i32
      %dma_start3A_365 = arith.constant 0 : i32
      %dma_start3A_366 = tpu.memref_slice %arg5[%run_scoped3A_247, %dma_start3A_364, %dma_start3A_365] : memref<4x2x80xi32, #tpu.memory_space<vmem>> -> memref<1x2x80xi32, #tpu.memory_space<vmem>>
      %dma_start3A_367 = tpu.memref_squeeze %dma_start3A_366 : memref<1x2x80xi32, #tpu.memory_space<vmem>> -> memref<2x80xi32, #tpu.memory_space<vmem>>
      %dma_start3A_368 = arith.constant 0 : i32
      %dma_start3A_369 = arith.constant 0 : i32
      %dma_start3A_370 = tpu.memref_slice %arg3[%add3A, %run_scoped3A, %dma_start3A_368, %dma_start3A_369] : memref<32x125x2x80xi32, #tpu.memory_space<hbm>> -> memref<1x1x2x80xi32, #tpu.memory_space<hbm>>
      %dma_start3A_371 = tpu.memref_squeeze %dma_start3A_370 : memref<1x1x2x80xi32, #tpu.memory_space<hbm>> -> memref<2x80xi32, #tpu.memory_space<hbm>>
      %dma_start3A_372 = arith.constant 0 : i32
      %dma_start3A_373 = arith.constant 0 : i32
      %dma_start3A_374 = tpu.memref_slice %arg5[%run_scoped3A_247, %dma_start3A_372, %dma_start3A_373] : memref<4x2x80xi32, #tpu.memory_space<vmem>> -> memref<1x2x80xi32, #tpu.memory_space<vmem>>
      %dma_start3A_375 = tpu.memref_squeeze %dma_start3A_374 : memref<1x2x80xi32, #tpu.memory_space<vmem>> -> memref<2x80xi32, #tpu.memory_space<vmem>>
      %dma_start3A_376 = arith.constant 0 : i32
      %dma_start3A_377 = arith.constant 0 : i32
      %dma_start3A_378 = tpu.memref_slice %arg3[%add3A, %run_scoped3A, %dma_start3A_376, %dma_start3A_377] : memref<32x125x2x80xi32, #tpu.memory_space<hbm>> -> memref<1x1x2x80xi32, #tpu.memory_space<hbm>>
      %dma_start3A_379 = tpu.memref_squeeze %dma_start3A_378 : memref<1x1x2x80xi32, #tpu.memory_space<hbm>> -> memref<2x80xi32, #tpu.memory_space<hbm>>
      tpu.enqueue_dma source(%dma_start3A_379 : memref<2x80xi32, #tpu.memory_space<hbm>>) target(%dma_start3A_375 : memref<2x80xi32, #tpu.memory_space<vmem>>) target_semaphore(%run_scoped3A_363 : memref<!tpu.dma_semaphore, #tpu.memory_space<semaphore_mem>>)
      %dma_wait3A_380 = arith.constant 0 : i32
      %dma_wait3A_381 = arith.constant 0 : i32
      %dma_wait3A_382 = tpu.memref_slice %arg5[%run_scoped3A_247, %dma_wait3A_380, %dma_wait3A_381] : memref<4x2x80xi32, #tpu.memory_space<vmem>> -> memref<1x2x80xi32, #tpu.memory_space<vmem>>
      %dma_wait3A_383 = tpu.memref_squeeze %dma_wait3A_382 : memref<1x2x80xi32, #tpu.memory_space<vmem>> -> memref<2x80xi32, #tpu.memory_space<vmem>>
      %dma_wait3A_384 = arith.constant 0 : i32
      %dma_wait3A_385 = arith.constant 0 : i32
      %dma_wait3A_386 = tpu.memref_slice %arg3[%add3A, %run_scoped3A, %dma_wait3A_384, %dma_wait3A_385] : memref<32x125x2x80xi32, #tpu.memory_space<hbm>> -> memref<1x1x2x80xi32, #tpu.memory_space<hbm>>
      %dma_wait3A_387 = tpu.memref_squeeze %dma_wait3A_386 : memref<1x1x2x80xi32, #tpu.memory_space<hbm>> -> memref<2x80xi32, #tpu.memory_space<hbm>>
      %dma_wait3A_388 = arith.constant 0 : i32
      %dma_wait3A_389 = arith.constant 0 : i32
      %dma_wait3A_390 = tpu.memref_slice %arg5[%run_scoped3A_247, %dma_wait3A_388, %dma_wait3A_389] : memref<4x2x80xi32, #tpu.memory_space<vmem>> -> memref<1x2x80xi32, #tpu.memory_space<vmem>>
      %dma_wait3A_391 = tpu.memref_squeeze %dma_wait3A_390 : memref<1x2x80xi32, #tpu.memory_space<vmem>> -> memref<2x80xi32, #tpu.memory_space<vmem>>
      %dma_wait3A_392 = arith.constant 0 : i32
      %dma_wait3A_393 = arith.constant 0 : i32
      %dma_wait3A_394 = tpu.memref_slice %arg3[%add3A, %run_scoped3A, %dma_wait3A_392, %dma_wait3A_393] : memref<32x125x2x80xi32, #tpu.memory_space<hbm>> -> memref<1x1x2x80xi32, #tpu.memory_space<hbm>>
      %dma_wait3A_395 = tpu.memref_squeeze %dma_wait3A_394 : memref<1x1x2x80xi32, #tpu.memory_space<hbm>> -> memref<2x80xi32, #tpu.memory_space<hbm>>
      tpu.wait_dma2 semaphore(%run_scoped3A_363 : memref<!tpu.dma_semaphore, #tpu.memory_space<semaphore_mem>>) src(%dma_wait3A_395 : memref<2x80xi32, #tpu.memory_space<hbm>>) dst(%dma_wait3A_391 : memref<2x80xi32, #tpu.memory_space<vmem>>)
      tpu.yield
    }) : () -> ()
    %dma_start3A_248 = arith.constant 0 : i32
    %dma_start3A_249 = arith.constant 0 : i32
    %dma_start3A_250 = arith.constant 0 : i32
    %dma_start3A_251 = arith.constant 0 : i32
    %dma_start3A_252 = arith.constant 0 : i32
    %dma_start3A_253 = arith.constant 0 : i32
    %dma_start3A_254 = tpu.memref_slice %arg6[%dma_start3A_250, %dma_start3A_252, %dma_start3A_253] : memref<3x80x128xf32, #tpu.memory_space<vmem>> -> memref<1x80x128xf32, #tpu.memory_space<vmem>>
    %dma_start3A_255 = tpu.memref_squeeze %dma_start3A_254 : memref<1x80x128xf32, #tpu.memory_space<vmem>> -> memref<80x128xf32, #tpu.memory_space<vmem>>
    %dma_start3A_256 = arith.constant 0 : i32
    %dma_start3A_257 = tpu.memref_slice %arg5[%dma_start3A_248, %dma_start3A_249, %dma_start3A_256] : memref<4x2x80xi32, #tpu.memory_space<vmem>> -> memref<1x1x80xi32, #tpu.memory_space<vmem>>
    %dma_start3A_258 = tpu.memref_squeeze %dma_start3A_257 : memref<1x1x80xi32, #tpu.memory_space<vmem>> -> memref<80xi32, #tpu.memory_space<vmem>>
    %dma_start3A_259 = arith.constant 0 : i32
    %dma_start3A_260 = arith.constant 0 : i32
    %dma_start3A_261 = tpu.memref_slice %arg2[%dma_start3A_259, %dma_start3A_260] : memref<10112x128xf32, #tpu.memory_space<hbm>> -> memref<10112x128xf32, #tpu.memory_space<hbm>>
    %dma_start3A_262 = tpu.memref_slice %arg9[%dma_start3A_251] : memref<2x!tpu.dma_semaphore, #tpu.memory_space<semaphore_mem>> -> memref<1x!tpu.dma_semaphore, #tpu.memory_space<semaphore_mem>>
    %dma_start3A_263 = tpu.memref_squeeze %dma_start3A_262 : memref<1x!tpu.dma_semaphore, #tpu.memory_space<semaphore_mem>> -> memref<!tpu.dma_semaphore, #tpu.memory_space<semaphore_mem>>
    tpu.enqueue_indirect_dma source(%dma_start3A_261 : memref<10112x128xf32, #tpu.memory_space<hbm>>) target(%dma_start3A_255 : memref<80x128xf32, #tpu.memory_space<vmem>>) offsets(%dma_start3A_258 : memref<80xi32, #tpu.memory_space<vmem>>) semaphore(%dma_start3A_263 : memref<!tpu.dma_semaphore, #tpu.memory_space<semaphore_mem>>)
    %dma_start3A_264 = arith.constant 1 : i32
    %dma_start3A_265 = arith.constant 1 : i32
    %dma_start3A_266 = arith.constant 1 : i32
    %dma_start3A_267 = arith.constant 0 : i32
    %dma_start3A_268 = arith.constant 0 : i32
    %dma_start3A_269 = tpu.memref_slice %arg5[%dma_start3A_265, %dma_start3A_267, %dma_start3A_268] : memref<4x2x80xi32, #tpu.memory_space<vmem>> -> memref<1x2x80xi32, #tpu.memory_space<vmem>>
    %dma_start3A_270 = tpu.memref_squeeze %dma_start3A_269 : memref<1x2x80xi32, #tpu.memory_space<vmem>> -> memref<2x80xi32, #tpu.memory_space<vmem>>
    %dma_start3A_271 = arith.constant 0 : i32
    %dma_start3A_272 = arith.constant 0 : i32
    %dma_start3A_273 = tpu.memref_slice %arg3[%add3A, %dma_start3A_264, %dma_start3A_271, %dma_start3A_272] : memref<32x125x2x80xi32, #tpu.memory_space<hbm>> -> memref<1x1x2x80xi32, #tpu.memory_space<hbm>>
    %dma_start3A_274 = tpu.memref_squeeze %dma_start3A_273 : memref<1x1x2x80xi32, #tpu.memory_space<hbm>> -> memref<2x80xi32, #tpu.memory_space<hbm>>
    %dma_start3A_275 = tpu.memref_slice %arg8[%dma_start3A_266] : memref<2x!tpu.dma_semaphore, #tpu.memory_space<semaphore_mem>> -> memref<1x!tpu.dma_semaphore, #tpu.memory_space<semaphore_mem>>
    %dma_start3A_276 = tpu.memref_squeeze %dma_start3A_275 : memref<1x!tpu.dma_semaphore, #tpu.memory_space<semaphore_mem>> -> memref<!tpu.dma_semaphore, #tpu.memory_space<semaphore_mem>>
    %dma_start3A_277 = arith.constant 0 : i32
    %dma_start3A_278 = arith.constant 0 : i32
    %dma_start3A_279 = tpu.memref_slice %arg5[%dma_start3A_265, %dma_start3A_277, %dma_start3A_278] : memref<4x2x80xi32, #tpu.memory_space<vmem>> -> memref<1x2x80xi32, #tpu.memory_space<vmem>>
    %dma_start3A_280 = tpu.memref_squeeze %dma_start3A_279 : memref<1x2x80xi32, #tpu.memory_space<vmem>> -> memref<2x80xi32, #tpu.memory_space<vmem>>
    %dma_start3A_281 = arith.constant 0 : i32
    %dma_start3A_282 = arith.constant 0 : i32
    %dma_start3A_283 = tpu.memref_slice %arg3[%add3A, %dma_start3A_264, %dma_start3A_281, %dma_start3A_282] : memref<32x125x2x80xi32, #tpu.memory_space<hbm>> -> memref<1x1x2x80xi32, #tpu.memory_space<hbm>>
    %dma_start3A_284 = tpu.memref_squeeze %dma_start3A_283 : memref<1x1x2x80xi32, #tpu.memory_space<hbm>> -> memref<2x80xi32, #tpu.memory_space<hbm>>
    tpu.enqueue_dma source(%dma_start3A_284 : memref<2x80xi32, #tpu.memory_space<hbm>>) target(%dma_start3A_280 : memref<2x80xi32, #tpu.memory_space<vmem>>) target_semaphore(%dma_start3A_276 : memref<!tpu.dma_semaphore, #tpu.memory_space<semaphore_mem>>)
    %dma_start3A_285 = arith.constant 2 : i32
    %dma_start3A_286 = arith.constant 2 : i32
    %dma_start3A_287 = arith.constant 0 : i32
    %dma_start3A_288 = arith.constant 0 : i32
    %dma_start3A_289 = arith.constant 0 : i32
    %dma_start3A_290 = tpu.memref_slice %arg5[%dma_start3A_286, %dma_start3A_288, %dma_start3A_289] : memref<4x2x80xi32, #tpu.memory_space<vmem>> -> memref<1x2x80xi32, #tpu.memory_space<vmem>>
    %dma_start3A_291 = tpu.memref_squeeze %dma_start3A_290 : memref<1x2x80xi32, #tpu.memory_space<vmem>> -> memref<2x80xi32, #tpu.memory_space<vmem>>
    %dma_start3A_292 = arith.constant 0 : i32
    %dma_start3A_293 = arith.constant 0 : i32
    %dma_start3A_294 = tpu.memref_slice %arg3[%add3A, %dma_start3A_285, %dma_start3A_292, %dma_start3A_293] : memref<32x125x2x80xi32, #tpu.memory_space<hbm>> -> memref<1x1x2x80xi32, #tpu.memory_space<hbm>>
    %dma_start3A_295 = tpu.memref_squeeze %dma_start3A_294 : memref<1x1x2x80xi32, #tpu.memory_space<hbm>> -> memref<2x80xi32, #tpu.memory_space<hbm>>
    %dma_start3A_296 = tpu.memref_slice %arg8[%dma_start3A_287] : memref<2x!tpu.dma_semaphore, #tpu.memory_space<semaphore_mem>> -> memref<1x!tpu.dma_semaphore, #tpu.memory_space<semaphore_mem>>
    %dma_start3A_297 = tpu.memref_squeeze %dma_start3A_296 : memref<1x!tpu.dma_semaphore, #tpu.memory_space<semaphore_mem>> -> memref<!tpu.dma_semaphore, #tpu.memory_space<semaphore_mem>>
    %dma_start3A_298 = arith.constant 0 : i32
    %dma_start3A_299 = arith.constant 0 : i32
    %dma_start3A_300 = tpu.memref_slice %arg5[%dma_start3A_286, %dma_start3A_298, %dma_start3A_299] : memref<4x2x80xi32, #tpu.memory_space<vmem>> -> memref<1x2x80xi32, #tpu.memory_space<vmem>>
    %dma_start3A_301 = tpu.memref_squeeze %dma_start3A_300 : memref<1x2x80xi32, #tpu.memory_space<vmem>> -> memref<2x80xi32, #tpu.memory_space<vmem>>
    %dma_start3A_302 = arith.constant 0 : i32
    %dma_start3A_303 = arith.constant 0 : i32
    %dma_start3A_304 = tpu.memref_slice %arg3[%add3A, %dma_start3A_285, %dma_start3A_302, %dma_start3A_303] : memref<32x125x2x80xi32, #tpu.memory_space<hbm>> -> memref<1x1x2x80xi32, #tpu.memory_space<hbm>>
    %dma_start3A_305 = tpu.memref_squeeze %dma_start3A_304 : memref<1x1x2x80xi32, #tpu.memory_space<hbm>> -> memref<2x80xi32, #tpu.memory_space<hbm>>
    tpu.enqueue_dma source(%dma_start3A_305 : memref<2x80xi32, #tpu.memory_space<hbm>>) target(%dma_start3A_301 : memref<2x80xi32, #tpu.memory_space<vmem>>) target_semaphore(%dma_start3A_297 : memref<!tpu.dma_semaphore, #tpu.memory_space<semaphore_mem>>)
    %dma_wait3A_306 = arith.constant 1 : i32
    %dma_wait3A_307 = arith.constant 1 : i32
    %dma_wait3A_308 = arith.constant 1 : i32
    %dma_wait3A_309 = arith.constant 0 : i32
    %dma_wait3A_310 = arith.constant 0 : i32
    %dma_wait3A_311 = tpu.memref_slice %arg5[%dma_wait3A_307, %dma_wait3A_309, %dma_wait3A_310] : memref<4x2x80xi32, #tpu.memory_space<vmem>> -> memref<1x2x80xi32, #tpu.memory_space<vmem>>
    %dma_wait3A_312 = tpu.memref_squeeze %dma_wait3A_311 : memref<1x2x80xi32, #tpu.memory_space<vmem>> -> memref<2x80xi32, #tpu.memory_space<vmem>>
    %dma_wait3A_313 = arith.constant 0 : i32
    %dma_wait3A_314 = arith.constant 0 : i32
    %dma_wait3A_315 = tpu.memref_slice %arg3[%add3A, %dma_wait3A_306, %dma_wait3A_313, %dma_wait3A_314] : memref<32x125x2x80xi32, #tpu.memory_space<hbm>> -> memref<1x1x2x80xi32, #tpu.memory_space<hbm>>
    %dma_wait3A_316 = tpu.memref_squeeze %dma_wait3A_315 : memref<1x1x2x80xi32, #tpu.memory_space<hbm>> -> memref<2x80xi32, #tpu.memory_space<hbm>>
    %dma_wait3A_317 = tpu.memref_slice %arg8[%dma_wait3A_308] : memref<2x!tpu.dma_semaphore, #tpu.memory_space<semaphore_mem>> -> memref<1x!tpu.dma_semaphore, #tpu.memory_space<semaphore_mem>>
    %dma_wait3A_318 = tpu.memref_squeeze %dma_wait3A_317 : memref<1x!tpu.dma_semaphore, #tpu.memory_space<semaphore_mem>> -> memref<!tpu.dma_semaphore, #tpu.memory_space<semaphore_mem>>
    %dma_wait3A_319 = arith.constant 0 : i32
    %dma_wait3A_320 = arith.constant 0 : i32
    %dma_wait3A_321 = tpu.memref_slice %arg5[%dma_wait3A_307, %dma_wait3A_319, %dma_wait3A_320] : memref<4x2x80xi32, #tpu.memory_space<vmem>> -> memref<1x2x80xi32, #tpu.memory_space<vmem>>
    %dma_wait3A_322 = tpu.memref_squeeze %dma_wait3A_321 : memref<1x2x80xi32, #tpu.memory_space<vmem>> -> memref<2x80xi32, #tpu.memory_space<vmem>>
    %dma_wait3A_323 = arith.constant 0 : i32
    %dma_wait3A_324 = arith.constant 0 : i32
    %dma_wait3A_325 = tpu.memref_slice %arg3[%add3A, %dma_wait3A_306, %dma_wait3A_323, %dma_wait3A_324] : memref<32x125x2x80xi32, #tpu.memory_space<hbm>> -> memref<1x1x2x80xi32, #tpu.memory_space<hbm>>
    %dma_wait3A_326 = tpu.memref_squeeze %dma_wait3A_325 : memref<1x1x2x80xi32, #tpu.memory_space<hbm>> -> memref<2x80xi32, #tpu.memory_space<hbm>>
    tpu.wait_dma2 semaphore(%dma_wait3A_318 : memref<!tpu.dma_semaphore, #tpu.memory_space<semaphore_mem>>) src(%dma_wait3A_326 : memref<2x80xi32, #tpu.memory_space<hbm>>) dst(%dma_wait3A_322 : memref<2x80xi32, #tpu.memory_space<vmem>>)
    %dma_start3A_327 = arith.constant 1 : i32
    %dma_start3A_328 = arith.constant 0 : i32
    %dma_start3A_329 = arith.constant 1 : i32
    %dma_start3A_330 = arith.constant 1 : i32
    %dma_start3A_331 = arith.constant 0 : i32
    %dma_start3A_332 = arith.constant 0 : i32
    %dma_start3A_333 = tpu.memref_slice %arg6[%dma_start3A_329, %dma_start3A_331, %dma_start3A_332] : memref<3x80x128xf32, #tpu.memory_space<vmem>> -> memref<1x80x128xf32, #tpu.memory_space<vmem>>
    %dma_start3A_334 = tpu.memref_squeeze %dma_start3A_333 : memref<1x80x128xf32, #tpu.memory_space<vmem>> -> memref<80x128xf32, #tpu.memory_space<vmem>>
    %dma_start3A_335 = arith.constant 0 : i32
    %dma_start3A_336 = tpu.memref_slice %arg5[%dma_start3A_327, %dma_start3A_328, %dma_start3A_335] : memref<4x2x80xi32, #tpu.memory_space<vmem>> -> memref<1x1x80xi32, #tpu.memory_space<vmem>>
    %dma_start3A_337 = tpu.memref_squeeze %dma_start3A_336 : memref<1x1x80xi32, #tpu.memory_space<vmem>> -> memref<80xi32, #tpu.memory_space<vmem>>
    %dma_start3A_338 = arith.constant 0 : i32
    %dma_start3A_339 = arith.constant 0 : i32
    %dma_start3A_340 = tpu.memref_slice %arg2[%dma_start3A_338, %dma_start3A_339] : memref<10112x128xf32, #tpu.memory_space<hbm>> -> memref<10112x128xf32, #tpu.memory_space<hbm>>
    %dma_start3A_341 = tpu.memref_slice %arg9[%dma_start3A_330] : memref<2x!tpu.dma_semaphore, #tpu.memory_space<semaphore_mem>> -> memref<1x!tpu.dma_semaphore, #tpu.memory_space<semaphore_mem>>
    %dma_start3A_342 = tpu.memref_squeeze %dma_start3A_341 : memref<1x!tpu.dma_semaphore, #tpu.memory_space<semaphore_mem>> -> memref<!tpu.dma_semaphore, #tpu.memory_space<semaphore_mem>>
    tpu.enqueue_indirect_dma source(%dma_start3A_340 : memref<10112x128xf32, #tpu.memory_space<hbm>>) target(%dma_start3A_334 : memref<80x128xf32, #tpu.memory_space<vmem>>) offsets(%dma_start3A_337 : memref<80xi32, #tpu.memory_space<vmem>>) semaphore(%dma_start3A_342 : memref<!tpu.dma_semaphore, #tpu.memory_space<semaphore_mem>>)
    %scan3A_343 = arith.constant 0 : i32
    %scan3A_344 = arith.constant 0 : i32
    %scan3A_345 = arith.constant 125 : i32
    %scan3A_346 = arith.addi %scan3A_344, %scan3A_345 : i32
    %scan3A_347 = arith.constant 1 : i32
    scf.for %scan3A_363 = %scan3A_344 to %scan3A_346 step %scan3A_347  : i32 {
      %rem3A = arith.constant 2 : i32
      %rem3A_364 = arith.remsi %scan3A_363, %rem3A : i32
      %rem3A_365 = arith.constant 3 : i32
      %rem3A_366 = arith.remsi %scan3A_363, %rem3A_365 : i32
      %rem3A_367 = arith.constant 4 : i32
      %rem3A_368 = arith.remsi %scan3A_363, %rem3A_367 : i32
      %add3A_369 = arith.constant 2 : i32
      %add3A_370 = arith.addi %scan3A_363, %add3A_369 : i32
      %rem3A_371 = arith.constant 3 : i32
      %rem3A_372 = arith.remsi %add3A_370, %rem3A_371 : i32
      %add3A_373 = arith.constant 3 : i32
      %add3A_374 = arith.addi %scan3A_363, %add3A_373 : i32
      %rem3A_375 = arith.constant 4 : i32
      %rem3A_376 = arith.remsi %add3A_374, %rem3A_375 : i32
      %add3A_377 = arith.constant 2 : i32
      %add3A_378 = arith.addi %scan3A_363, %add3A_377 : i32
      %rem3A_379 = arith.constant 3 : i32
      %rem3A_380 = arith.remsi %add3A_378, %rem3A_379 : i32
      %add3A_381 = arith.constant 2 : i32
      %add3A_382 = arith.addi %scan3A_363, %add3A_381 : i32
      %rem3A_383 = arith.constant 4 : i32
      %rem3A_384 = arith.remsi %add3A_382, %rem3A_383 : i32
      %add3A_385 = arith.constant 1 : i32
      %add3A_386 = arith.addi %scan3A_363, %add3A_385 : i32
      %rem3A_387 = arith.constant 2 : i32
      %rem3A_388 = arith.remsi %add3A_386, %rem3A_387 : i32
      %dma_wait3A_389 = arith.constant 0 : i32
      %dma_wait3A_390 = arith.constant 0 : i32
      %dma_wait3A_391 = arith.constant 0 : i32
      %dma_wait3A_392 = tpu.memref_slice %arg6[%rem3A_366, %dma_wait3A_390, %dma_wait3A_391] : memref<3x80x128xf32, #tpu.memory_space<vmem>> -> memref<1x80x128xf32, #tpu.memory_space<vmem>>
      %dma_wait3A_393 = tpu.memref_squeeze %dma_wait3A_392 : memref<1x80x128xf32, #tpu.memory_space<vmem>> -> memref<80x128xf32, #tpu.memory_space<vmem>>
      %dma_wait3A_394 = arith.constant 0 : i32
      %dma_wait3A_395 = tpu.memref_slice %arg5[%rem3A_368, %dma_wait3A_389, %dma_wait3A_394] : memref<4x2x80xi32, #tpu.memory_space<vmem>> -> memref<1x1x80xi32, #tpu.memory_space<vmem>>
      %dma_wait3A_396 = tpu.memref_squeeze %dma_wait3A_395 : memref<1x1x80xi32, #tpu.memory_space<vmem>> -> memref<80xi32, #tpu.memory_space<vmem>>
      %dma_wait3A_397 = arith.constant 0 : i32
      %dma_wait3A_398 = arith.constant 0 : i32
      %dma_wait3A_399 = tpu.memref_slice %arg2[%dma_wait3A_397, %dma_wait3A_398] : memref<10112x128xf32, #tpu.memory_space<hbm>> -> memref<10112x128xf32, #tpu.memory_space<hbm>>
      %dma_wait3A_400 = tpu.memref_slice %arg9[%rem3A_364] : memref<2x!tpu.dma_semaphore, #tpu.memory_space<semaphore_mem>> -> memref<1x!tpu.dma_semaphore, #tpu.memory_space<semaphore_mem>>
      %dma_wait3A_401 = tpu.memref_squeeze %dma_wait3A_400 : memref<1x!tpu.dma_semaphore, #tpu.memory_space<semaphore_mem>> -> memref<!tpu.dma_semaphore, #tpu.memory_space<semaphore_mem>>
      tpu.wait_indirect_dma semaphore(%dma_wait3A_401 : memref<!tpu.dma_semaphore, #tpu.memory_space<semaphore_mem>>) src(%dma_wait3A_399 : memref<10112x128xf32, #tpu.memory_space<hbm>>) dst(%dma_wait3A_393 : memref<80x128xf32, #tpu.memory_space<vmem>>)
      %gt3A = arith.constant 0 : i32
      %gt3A_402 = arith.cmpi sgt, %scan3A_363, %gt3A : i32
      %convert_element_type3A = arith.extui %gt3A_402 : i1 to i32
      %cond3A = arith.constant 0 : i32
      %cond3A_403 = arith.cmpi ne, %convert_element_type3A, %cond3A : i32
      scf.if %cond3A_403 {
        %dma_wait3A_428 = arith.constant 1 : i32
        %dma_wait3A_429 = arith.constant 0 : i32
        %dma_wait3A_430 = arith.constant 0 : i32
        %dma_wait3A_431 = tpu.memref_slice %arg6[%rem3A_372, %dma_wait3A_429, %dma_wait3A_430] : memref<3x80x128xf32, #tpu.memory_space<vmem>> -> memref<1x80x128xf32, #tpu.memory_space<vmem>>
        %dma_wait3A_432 = tpu.memref_squeeze %dma_wait3A_431 : memref<1x80x128xf32, #tpu.memory_space<vmem>> -> memref<80x128xf32, #tpu.memory_space<vmem>>
        %dma_wait3A_433 = arith.constant 0 : i32
        %dma_wait3A_434 = tpu.memref_slice %arg5[%rem3A_376, %dma_wait3A_428, %dma_wait3A_433] : memref<4x2x80xi32, #tpu.memory_space<vmem>> -> memref<1x1x80xi32, #tpu.memory_space<vmem>>
        %dma_wait3A_435 = tpu.memref_squeeze %dma_wait3A_434 : memref<1x1x80xi32, #tpu.memory_space<vmem>> -> memref<80xi32, #tpu.memory_space<vmem>>
        %dma_wait3A_436 = arith.constant 0 : i32
        %dma_wait3A_437 = arith.constant 0 : i32
        %dma_wait3A_438 = tpu.memref_slice %arg7[%dma_wait3A_436, %dma_wait3A_437] : memref<10112x128xf32, #tpu.memory_space<vmem_shared>> -> memref<10112x128xf32, #tpu.memory_space<vmem_shared>>
        tpu.wait_indirect_dma semaphore(%arg10 : memref<!tpu.dma_semaphore, #tpu.memory_space<semaphore_mem>>) src(%dma_wait3A_432 : memref<80x128xf32, #tpu.memory_space<vmem>>) dst(%dma_wait3A_438 : memref<10112x128xf32, #tpu.memory_space<vmem_shared>>)
      } else {
      }
      %dma_start3A_404 = arith.constant 1 : i32
      %dma_start3A_405 = arith.constant 0 : i32
      %dma_start3A_406 = arith.constant 0 : i32
      %dma_start3A_407 = tpu.memref_slice %arg6[%rem3A_366, %dma_start3A_405, %dma_start3A_406] : memref<3x80x128xf32, #tpu.memory_space<vmem>> -> memref<1x80x128xf32, #tpu.memory_space<vmem>>
      %dma_start3A_408 = tpu.memref_squeeze %dma_start3A_407 : memref<1x80x128xf32, #tpu.memory_space<vmem>> -> memref<80x128xf32, #tpu.memory_space<vmem>>
      %dma_start3A_409 = arith.constant 0 : i32
      %dma_start3A_410 = tpu.memref_slice %arg5[%rem3A_368, %dma_start3A_404, %dma_start3A_409] : memref<4x2x80xi32, #tpu.memory_space<vmem>> -> memref<1x1x80xi32, #tpu.memory_space<vmem>>
      %dma_start3A_411 = tpu.memref_squeeze %dma_start3A_410 : memref<1x1x80xi32, #tpu.memory_space<vmem>> -> memref<80xi32, #tpu.memory_space<vmem>>
      %dma_start3A_412 = arith.constant 0 : i32
      %dma_start3A_413 = arith.constant 0 : i32
      %dma_start3A_414 = tpu.memref_slice %arg7[%dma_start3A_412, %dma_start3A_413] : memref<10112x128xf32, #tpu.memory_space<vmem_shared>> -> memref<10112x128xf32, #tpu.memory_space<vmem_shared>>
      tpu.enqueue_indirect_dma source(%dma_start3A_408 : memref<80x128xf32, #tpu.memory_space<vmem>>) target(%dma_start3A_414 : memref<10112x128xf32, #tpu.memory_space<vmem_shared>>) offsets(%dma_start3A_411 : memref<80xi32, #tpu.memory_space<vmem>>) semaphore(%arg10 : memref<!tpu.dma_semaphore, #tpu.memory_space<semaphore_mem>>) {add = true}
      %add3A_415 = arith.constant 2 : i32
      %add3A_416 = arith.addi %scan3A_363, %add3A_415 : i32
      %lt3A = arith.constant 125 : i32
      %lt3A_417 = arith.cmpi slt, %add3A_416, %lt3A : i32
      %convert_element_type3A_418 = arith.extui %lt3A_417 : i1 to i32
      %cond3A_419 = arith.constant 0 : i32
      %cond3A_420 = arith.cmpi ne, %convert_element_type3A_418, %cond3A_419 : i32
      scf.if %cond3A_420 {
        %add3A_428 = arith.constant 2 : i32
        %add3A_429 = arith.addi %scan3A_363, %add3A_428 : i32
        %dma_wait3A_430 = arith.constant 0 : i32
        %dma_wait3A_431 = arith.constant 0 : i32
        %dma_wait3A_432 = tpu.memref_slice %arg5[%rem3A_384, %dma_wait3A_430, %dma_wait3A_431] : memref<4x2x80xi32, #tpu.memory_space<vmem>> -> memref<1x2x80xi32, #tpu.memory_space<vmem>>
        %dma_wait3A_433 = tpu.memref_squeeze %dma_wait3A_432 : memref<1x2x80xi32, #tpu.memory_space<vmem>> -> memref<2x80xi32, #tpu.memory_space<vmem>>
        %dma_wait3A_434 = arith.constant 0 : i32
        %dma_wait3A_435 = arith.constant 0 : i32
        %dma_wait3A_436 = tpu.memref_slice %arg3[%add3A, %add3A_429, %dma_wait3A_434, %dma_wait3A_435] : memref<32x125x2x80xi32, #tpu.memory_space<hbm>> -> memref<1x1x2x80xi32, #tpu.memory_space<hbm>>
        %dma_wait3A_437 = tpu.memref_squeeze %dma_wait3A_436 : memref<1x1x2x80xi32, #tpu.memory_space<hbm>> -> memref<2x80xi32, #tpu.memory_space<hbm>>
        %dma_wait3A_438 = tpu.memref_slice %arg8[%rem3A_364] : memref<2x!tpu.dma_semaphore, #tpu.memory_space<semaphore_mem>> -> memref<1x!tpu.dma_semaphore, #tpu.memory_space<semaphore_mem>>
        %dma_wait3A_439 = tpu.memref_squeeze %dma_wait3A_438 : memref<1x!tpu.dma_semaphore, #tpu.memory_space<semaphore_mem>> -> memref<!tpu.dma_semaphore, #tpu.memory_space<semaphore_mem>>
        %dma_wait3A_440 = arith.constant 0 : i32
        %dma_wait3A_441 = arith.constant 0 : i32
        %dma_wait3A_442 = tpu.memref_slice %arg5[%rem3A_384, %dma_wait3A_440, %dma_wait3A_441] : memref<4x2x80xi32, #tpu.memory_space<vmem>> -> memref<1x2x80xi32, #tpu.memory_space<vmem>>
        %dma_wait3A_443 = tpu.memref_squeeze %dma_wait3A_442 : memref<1x2x80xi32, #tpu.memory_space<vmem>> -> memref<2x80xi32, #tpu.memory_space<vmem>>
        %dma_wait3A_444 = arith.constant 0 : i32
        %dma_wait3A_445 = arith.constant 0 : i32
        %dma_wait3A_446 = tpu.memref_slice %arg3[%add3A, %add3A_429, %dma_wait3A_444, %dma_wait3A_445] : memref<32x125x2x80xi32, #tpu.memory_space<hbm>> -> memref<1x1x2x80xi32, #tpu.memory_space<hbm>>
        %dma_wait3A_447 = tpu.memref_squeeze %dma_wait3A_446 : memref<1x1x2x80xi32, #tpu.memory_space<hbm>> -> memref<2x80xi32, #tpu.memory_space<hbm>>
        tpu.wait_dma2 semaphore(%dma_wait3A_439 : memref<!tpu.dma_semaphore, #tpu.memory_space<semaphore_mem>>) src(%dma_wait3A_447 : memref<2x80xi32, #tpu.memory_space<hbm>>) dst(%dma_wait3A_443 : memref<2x80xi32, #tpu.memory_space<vmem>>)
        %dma_start3A_448 = arith.constant 0 : i32
        %dma_start3A_449 = arith.constant 0 : i32
        %dma_start3A_450 = arith.constant 0 : i32
        %dma_start3A_451 = tpu.memref_slice %arg6[%rem3A_380, %dma_start3A_449, %dma_start3A_450] : memref<3x80x128xf32, #tpu.memory_space<vmem>> -> memref<1x80x128xf32, #tpu.memory_space<vmem>>
        %dma_start3A_452 = tpu.memref_squeeze %dma_start3A_451 : memref<1x80x128xf32, #tpu.memory_space<vmem>> -> memref<80x128xf32, #tpu.memory_space<vmem>>
        %dma_start3A_453 = arith.constant 0 : i32
        %dma_start3A_454 = tpu.memref_slice %arg5[%rem3A_384, %dma_start3A_448, %dma_start3A_453] : memref<4x2x80xi32, #tpu.memory_space<vmem>> -> memref<1x1x80xi32, #tpu.memory_space<vmem>>
        %dma_start3A_455 = tpu.memref_squeeze %dma_start3A_454 : memref<1x1x80xi32, #tpu.memory_space<vmem>> -> memref<80xi32, #tpu.memory_space<vmem>>
        %dma_start3A_456 = arith.constant 0 : i32
        %dma_start3A_457 = arith.constant 0 : i32
        %dma_start3A_458 = tpu.memref_slice %arg2[%dma_start3A_456, %dma_start3A_457] : memref<10112x128xf32, #tpu.memory_space<hbm>> -> memref<10112x128xf32, #tpu.memory_space<hbm>>
        %dma_start3A_459 = tpu.memref_slice %arg9[%rem3A_364] : memref<2x!tpu.dma_semaphore, #tpu.memory_space<semaphore_mem>> -> memref<1x!tpu.dma_semaphore, #tpu.memory_space<semaphore_mem>>
        %dma_start3A_460 = tpu.memref_squeeze %dma_start3A_459 : memref<1x!tpu.dma_semaphore, #tpu.memory_space<semaphore_mem>> -> memref<!tpu.dma_semaphore, #tpu.memory_space<semaphore_mem>>
        tpu.enqueue_indirect_dma source(%dma_start3A_458 : memref<10112x128xf32, #tpu.memory_space<hbm>>) target(%dma_start3A_452 : memref<80x128xf32, #tpu.memory_space<vmem>>) offsets(%dma_start3A_455 : memref<80xi32, #tpu.memory_space<vmem>>) semaphore(%dma_start3A_460 : memref<!tpu.dma_semaphore, #tpu.memory_space<semaphore_mem>>)
      } else {
      }
      %add3A_421 = arith.constant 3 : i32
      %add3A_422 = arith.addi %scan3A_363, %add3A_421 : i32
      %lt3A_423 = arith.constant 125 : i32
      %lt3A_424 = arith.cmpi slt, %add3A_422, %lt3A_423 : i32
      %convert_element_type3A_425 = arith.extui %lt3A_424 : i1 to i32
      %cond3A_426 = arith.constant 0 : i32
      %cond3A_427 = arith.cmpi ne, %convert_element_type3A_425, %cond3A_426 : i32
      scf.if %cond3A_427 {
        %add3A_428 = arith.constant 3 : i32
        %add3A_429 = arith.addi %scan3A_363, %add3A_428 : i32
        %dma_start3A_430 = arith.constant 0 : i32
        %dma_start3A_431 = arith.constant 0 : i32
        %dma_start3A_432 = tpu.memref_slice %arg5[%rem3A_376, %dma_start3A_430, %dma_start3A_431] : memref<4x2x80xi32, #tpu.memory_space<vmem>> -> memref<1x2x80xi32, #tpu.memory_space<vmem>>
        %dma_start3A_433 = tpu.memref_squeeze %dma_start3A_432 : memref<1x2x80xi32, #tpu.memory_space<vmem>> -> memref<2x80xi32, #tpu.memory_space<vmem>>
        %dma_start3A_434 = arith.constant 0 : i32
        %dma_start3A_435 = arith.constant 0 : i32
        %dma_start3A_436 = tpu.memref_slice %arg3[%add3A, %add3A_429, %dma_start3A_434, %dma_start3A_435] : memref<32x125x2x80xi32, #tpu.memory_space<hbm>> -> memref<1x1x2x80xi32, #tpu.memory_space<hbm>>
        %dma_start3A_437 = tpu.memref_squeeze %dma_start3A_436 : memref<1x1x2x80xi32, #tpu.memory_space<hbm>> -> memref<2x80xi32, #tpu.memory_space<hbm>>
        %dma_start3A_438 = tpu.memref_slice %arg8[%rem3A_388] : memref<2x!tpu.dma_semaphore, #tpu.memory_space<semaphore_mem>> -> memref<1x!tpu.dma_semaphore, #tpu.memory_space<semaphore_mem>>
        %dma_start3A_439 = tpu.memref_squeeze %dma_start3A_438 : memref<1x!tpu.dma_semaphore, #tpu.memory_space<semaphore_mem>> -> memref<!tpu.dma_semaphore, #tpu.memory_space<semaphore_mem>>
        %dma_start3A_440 = arith.constant 0 : i32
        %dma_start3A_441 = arith.constant 0 : i32
        %dma_start3A_442 = tpu.memref_slice %arg5[%rem3A_376, %dma_start3A_440, %dma_start3A_441] : memref<4x2x80xi32, #tpu.memory_space<vmem>> -> memref<1x2x80xi32, #tpu.memory_space<vmem>>
        %dma_start3A_443 = tpu.memref_squeeze %dma_start3A_442 : memref<1x2x80xi32, #tpu.memory_space<vmem>> -> memref<2x80xi32, #tpu.memory_space<vmem>>
        %dma_start3A_444 = arith.constant 0 : i32
        %dma_start3A_445 = arith.constant 0 : i32
        %dma_start3A_446 = tpu.memref_slice %arg3[%add3A, %add3A_429, %dma_start3A_444, %dma_start3A_445] : memref<32x125x2x80xi32, #tpu.memory_space<hbm>> -> memref<1x1x2x80xi32, #tpu.memory_space<hbm>>
        %dma_start3A_447 = tpu.memref_squeeze %dma_start3A_446 : memref<1x1x2x80xi32, #tpu.memory_space<hbm>> -> memref<2x80xi32, #tpu.memory_space<hbm>>
        tpu.enqueue_dma source(%dma_start3A_447 : memref<2x80xi32, #tpu.memory_space<hbm>>) target(%dma_start3A_443 : memref<2x80xi32, #tpu.memory_space<vmem>>) target_semaphore(%dma_start3A_439 : memref<!tpu.dma_semaphore, #tpu.memory_space<semaphore_mem>>)
      } else {
      }
    }
    %scan3A_348 = arith.constant 125 : i32
    %dma_wait3A_349 = arith.constant 1 : i32
    %dma_wait3A_350 = arith.constant 0 : i32
    %dma_wait3A_351 = arith.constant 1 : i32
    %dma_wait3A_352 = arith.constant 0 : i32
    %dma_wait3A_353 = arith.constant 0 : i32
    %dma_wait3A_354 = tpu.memref_slice %arg6[%dma_wait3A_349, %dma_wait3A_352, %dma_wait3A_353] : memref<3x80x128xf32, #tpu.memory_space<vmem>> -> memref<1x80x128xf32, #tpu.memory_space<vmem>>
    %dma_wait3A_355 = tpu.memref_squeeze %dma_wait3A_354 : memref<1x80x128xf32, #tpu.memory_space<vmem>> -> memref<80x128xf32, #tpu.memory_space<vmem>>
    %dma_wait3A_356 = arith.constant 0 : i32
    %dma_wait3A_357 = tpu.memref_slice %arg5[%dma_wait3A_350, %dma_wait3A_351, %dma_wait3A_356] : memref<4x2x80xi32, #tpu.memory_space<vmem>> -> memref<1x1x80xi32, #tpu.memory_space<vmem>>
    %dma_wait3A_358 = tpu.memref_squeeze %dma_wait3A_357 : memref<1x1x80xi32, #tpu.memory_space<vmem>> -> memref<80xi32, #tpu.memory_space<vmem>>
    %dma_wait3A_359 = arith.constant 0 : i32
    %dma_wait3A_360 = arith.constant 0 : i32
    %dma_wait3A_361 = tpu.memref_slice %arg7[%dma_wait3A_359, %dma_wait3A_360] : memref<10112x128xf32, #tpu.memory_space<vmem_shared>> -> memref<10112x128xf32, #tpu.memory_space<vmem_shared>>
    tpu.wait_indirect_dma semaphore(%arg10 : memref<!tpu.dma_semaphore, #tpu.memory_space<semaphore_mem>>) src(%dma_wait3A_355 : memref<80x128xf32, #tpu.memory_space<vmem>>) dst(%dma_wait3A_361 : memref<10112x128xf32, #tpu.memory_space<vmem_shared>>)
    %barrier3A_362 = arith.constant 0 : index
    tpu.barrier barrier_id(%barrier3A_362)
    "tpu.region"() ({
      %run_scoped3A_363 = tpu.sem_alloc : memref<!tpu.dma_semaphore, #tpu.memory_space<semaphore_mem>>
      %dma_start3A_364 = arith.constant 0 : i32
      %dma_start3A_365 = tpu.memref_slice %arg4[%arg0, %mul3A_8, %dma_start3A_364] : memref<2x10112x128xf32, #tpu.memory_space<hbm>> -> memref<1x632x128xf32, #tpu.memory_space<hbm>>
      %dma_start3A_366 = tpu.memref_squeeze %dma_start3A_365 : memref<1x632x128xf32, #tpu.memory_space<hbm>> -> memref<632x128xf32, #tpu.memory_space<hbm>>
      %dma_start3A_367 = arith.constant 0 : i32
      %dma_start3A_368 = tpu.memref_slice %arg7[%mul3A_8, %dma_start3A_367] : memref<10112x128xf32, #tpu.memory_space<vmem_shared>> -> memref<632x128xf32, #tpu.memory_space<vmem_shared>>
      tpu.enqueue_dma source(%dma_start3A_368 : memref<632x128xf32, #tpu.memory_space<vmem_shared>>) target(%dma_start3A_366 : memref<632x128xf32, #tpu.memory_space<hbm>>) target_semaphore(%run_scoped3A_363 : memref<!tpu.dma_semaphore, #tpu.memory_space<semaphore_mem>>)
      %dma_wait3A_369 = arith.constant 0 : i32
      %dma_wait3A_370 = tpu.memref_slice %arg4[%arg0, %mul3A_8, %dma_wait3A_369] : memref<2x10112x128xf32, #tpu.memory_space<hbm>> -> memref<1x632x128xf32, #tpu.memory_space<hbm>>
      %dma_wait3A_371 = tpu.memref_squeeze %dma_wait3A_370 : memref<1x632x128xf32, #tpu.memory_space<hbm>> -> memref<632x128xf32, #tpu.memory_space<hbm>>
      %dma_wait3A_372 = arith.constant 0 : i32
      %dma_wait3A_373 = tpu.memref_slice %arg7[%mul3A_8, %dma_wait3A_372] : memref<10112x128xf32, #tpu.memory_space<vmem_shared>> -> memref<632x128xf32, #tpu.memory_space<vmem_shared>>
      tpu.wait_dma2 semaphore(%run_scoped3A_363 : memref<!tpu.dma_semaphore, #tpu.memory_space<semaphore_mem>>) src(%dma_wait3A_373 : memref<632x128xf32, #tpu.memory_space<vmem_shared>>) dst(%dma_wait3A_371 : memref<632x128xf32, #tpu.memory_space<hbm>>)
      tpu.yield
    }) : () -> ()
    return
  }
}

#map = affine_map<(d0, d1) -> (0, 0)>
#map1 = affine_map<(d0, d1) -> (0, 0, 0, 0)>
#map2 = affine_map<(d0, d1) -> (0, 0, 0)>
module attributes {stable_mosaic.version = 14 : i64} {
  func.func @_spmm_body(%arg0: i32, %arg1: i32, %arg2: memref<10112x128xf32, #tpu.memory_space<hbm>>, %arg3: memref<32x125x2x80xi32, #tpu.memory_space<hbm>>, %arg4: memref<2x10112x128xf32, #tpu.memory_space<hbm>>, %arg5: memref<4x2x80xi32, #tpu.memory_space<vmem>>, %arg6: memref<3x80x128xf32, #tpu.memory_space<vmem>>, %arg7: memref<10112x128xf32, #tpu.memory_space<vmem_shared>>, %arg8: memref<2x!tpu.dma_semaphore, #tpu.memory_space<semaphore_mem>>, %arg9: memref<2x!tpu.dma_semaphore, #tpu.memory_space<semaphore_mem>>, %arg10: memref<!tpu.dma_semaphore, #tpu.memory_space<semaphore_mem>>) attributes {dimension_semantics = [#tpu.dimension_semantics<core_parallel>, #tpu.dimension_semantics<subcore_parallel>], iteration_bounds = array<i64: 2, 16>, scalar_prefetch = 0 : i64, scratch_operands = 6 : i64, tpu.core_type = #tpu.core_type<sc_vector_subcore>, window_params = [{transform_indices = #map}, {transform_indices = #map1}, {transform_indices = #map2}]} {
    %mul3A = arith.constant 16 : i32
    %mul3A_0 = arith.muli %arg0, %mul3A : i32
    %add3A = arith.addi %mul3A_0, %arg1 : i32
    %broadcast_in_dim3A = arith.constant 0.000000e+00 : f32
    %broadcast_in_dim3A_1 = vector.broadcast %broadcast_in_dim3A : f32 to vector<16xf32>
    %scan3A = arith.constant 0 : i32
    %scan3A_2 = arith.constant 0 : i32
    %scan3A_3 = arith.constant 640 : i32
    %scan3A_4 = arith.addi %scan3A_2, %scan3A_3 : i32
    %scan3A_5 = arith.constant 1 : i32
    scf.for %scan3A_363 = %scan3A_2 to %scan3A_4 step %scan3A_5  : i32 {
      %jit3A = arith.constant 8 : i32
      %div3A = arith.divsi %scan3A_363, %jit3A : i32
      %sign3A = arith.constant 0 : i32
      %sign3A_364 = arith.cmpi sgt, %scan3A_363, %sign3A : i32
      %sign3A_365 = arith.extui %sign3A_364 : i1 to i32
      %sign3A_366 = arith.constant 0 : i32
      %sign3A_367 = arith.cmpi slt, %scan3A_363, %sign3A_366 : i32
      %sign3A_368 = arith.extui %sign3A_367 : i1 to i32
      %sign3A_369 = arith.subi %sign3A_365, %sign3A_368 : i32
      %sign3A_370 = arith.constant 0 : i32
      %sign3A_371 = arith.cmpi sgt, %jit3A, %sign3A_370 : i32
      %sign3A_372 = arith.extui %sign3A_371 : i1 to i32
      %sign3A_373 = arith.constant 0 : i32
      %sign3A_374 = arith.cmpi slt, %jit3A, %sign3A_373 : i32
      %sign3A_375 = arith.extui %sign3A_374 : i1 to i32
      %sign3A_376 = arith.subi %sign3A_372, %sign3A_375 : i32
      %ne3A = arith.cmpi ne, %sign3A_369, %sign3A_376 : i32
      %rem3A = arith.remsi %scan3A_363, %jit3A : i32
      %ne3A_377 = arith.constant 0 : i32
      %ne3A_378 = arith.cmpi ne, %rem3A, %ne3A_377 : i32
      %and3A = arith.andi %ne3A, %ne3A_378 : i1
      %sub3A = arith.constant 1 : i32
      %sub3A_379 = arith.subi %div3A, %sub3A : i32
      %select_n3A = arith.select %and3A, %sub3A_379, %div3A : i32
      %jit3A_380 = arith.constant 8 : i32
      %eq3A = arith.constant 0 : i32
      %eq3A_381 = arith.cmpi eq, %jit3A_380, %eq3A : i32
      %jit3A_382 = arith.constant 1 : i32
      %select_n3A_383 = arith.select %eq3A_381, %jit3A_382, %jit3A_380 : i32
      %rem3A_384 = arith.remsi %scan3A_363, %select_n3A_383 : i32
      %ne3A_385 = arith.constant 0 : i32
      %ne3A_386 = arith.cmpi ne, %rem3A_384, %ne3A_385 : i32
      %lt3A = arith.constant 0 : i32
      %lt3A_387 = arith.cmpi slt, %rem3A_384, %lt3A : i32
      %lt3A_388 = arith.constant 0 : i32
      %lt3A_389 = arith.cmpi slt, %select_n3A_383, %lt3A_388 : i32
      %ne3A_390 = arith.xori %lt3A_387, %lt3A_389 : i1
      %and3A_391 = arith.andi %ne3A_390, %ne3A_386 : i1
      %add3A_392 = arith.addi %rem3A_384, %select_n3A_383 : i32
      %select_n3A_393 = arith.select %and3A_391, %add3A_392, %rem3A_384 : i32
      %mul3A_394 = arith.constant 16 : i32
      %mul3A_395 = arith.muli %select_n3A_393, %mul3A_394 : i32
      %swap3A = arith.constant 0 : i32
      %swap3A_396 = arith.index_cast %swap3A : i32 to index
      %swap3A_397 = arith.index_cast %select_n3A : i32 to index
      %swap3A_398 = arith.index_cast %mul3A_395 : i32 to index
      %swap3A_399 = tpu.vector_load %arg6[%swap3A_396, %swap3A_397, %swap3A_398] {strides = array<i32>} : memref<3x80x128xf32, #tpu.memory_space<vmem>>, vector<16xf32>,
      tpu.vector_store %arg6[%swap3A_396, %swap3A_397, %swap3A_398], %broadcast_in_dim3A_1 {strides = array<i32>} : memref<3x80x128xf32, #tpu.memory_space<vmem>>, vector<16xf32>,
    }
    %scan3A_6 = arith.constant 640 : i32
    %mul3A_7 = arith.constant 632 : i32
    %mul3A_8 = arith.muli %arg1, %mul3A_7 : i32
    %add3A_9 = arith.constant 0 : i32
    %add3A_10 = arith.addi %mul3A_8, %add3A_9 : i32
    %dma_start3A = arith.constant 0 : i32
    %dma_start3A_11 = arith.constant 0 : i32
    %dma_start3A_12 = arith.constant 0 : i32
    %dma_start3A_13 = tpu.memref_slice %arg6[%dma_start3A, %dma_start3A_11, %dma_start3A_12] : memref<3x80x128xf32, #tpu.memory_space<vmem>> -> memref<1x80x128xf32, #tpu.memory_space<vmem>>
    %dma_start3A_14 = tpu.memref_squeeze %dma_start3A_13 : memref<1x80x128xf32, #tpu.memory_space<vmem>> -> memref<80x128xf32, #tpu.memory_space<vmem>>
    %dma_start3A_15 = arith.constant 0 : i32
    %dma_start3A_16 = tpu.memref_slice %arg7[%add3A_10, %dma_start3A_15] : memref<10112x128xf32, #tpu.memory_space<vmem_shared>> -> memref<80x128xf32, #tpu.memory_space<vmem_shared>>
    %dma_start3A_17 = arith.constant 0 : i32
    %dma_start3A_18 = tpu.memref_slice %arg7[%add3A_10, %dma_start3A_17] : memref<10112x128xf32, #tpu.memory_space<vmem_shared>> -> memref<80x128xf32, #tpu.memory_space<vmem_shared>>
    %dma_start3A_19 = arith.constant 0 : i32
    %dma_start3A_20 = arith.constant 0 : i32
    %dma_start3A_21 = tpu.memref_slice %arg6[%dma_start3A, %dma_start3A_19, %dma_start3A_20] : memref<3x80x128xf32, #tpu.memory_space<vmem>> -> memref<1x80x128xf32, #tpu.memory_space<vmem>>
    %dma_start3A_22 = tpu.memref_squeeze %dma_start3A_21 : memref<1x80x128xf32, #tpu.memory_space<vmem>> -> memref<80x128xf32, #tpu.memory_space<vmem>>
    tpu.enqueue_dma source(%dma_start3A_22 : memref<80x128xf32, #tpu.memory_space<vmem>>) target(%dma_start3A_18 : memref<80x128xf32, #tpu.memory_space<vmem_shared>>) target_semaphore(%arg10 : memref<!tpu.dma_semaphore, #tpu.memory_space<semaphore_mem>>)
    %add3A_23 = arith.constant 80 : i32
    %add3A_24 = arith.addi %mul3A_8, %add3A_23 : i32
    %dma_start3A_25 = arith.constant 0 : i32
    %dma_start3A_26 = arith.constant 0 : i32
    %dma_start3A_27 = arith.constant 0 : i32
    %dma_start3A_28 = tpu.memref_slice %arg6[%dma_start3A_25, %dma_start3A_26, %dma_start3A_27] : memref<3x80x128xf32, #tpu.memory_space<vmem>> -> memref<1x80x128xf32, #tpu.memory_space<vmem>>
    %dma_start3A_29 = tpu.memref_squeeze %dma_start3A_28 : memref<1x80x128xf32, #tpu.memory_space<vmem>> -> memref<80x128xf32, #tpu.memory_space<vmem>>
    %dma_start3A_30 = arith.constant 0 : i32
    %dma_start3A_31 = tpu.memref_slice %arg7[%add3A_24, %dma_start3A_30] : memref<10112x128xf32, #tpu.memory_space<vmem_shared>> -> memref<80x128xf32, #tpu.memory_space<vmem_shared>>
    %dma_start3A_32 = arith.constant 0 : i32
    %dma_start3A_33 = tpu.memref_slice %arg7[%add3A_24, %dma_start3A_32] : memref<10112x128xf32, #tpu.memory_space<vmem_shared>> -> memref<80x128xf32, #tpu.memory_space<vmem_shared>>
    %dma_start3A_34 = arith.constant 0 : i32
    %dma_start3A_35 = arith.constant 0 : i32
    %dma_start3A_36 = tpu.memref_slice %arg6[%dma_start3A_25, %dma_start3A_34, %dma_start3A_35] : memref<3x80x128xf32, #tpu.memory_space<vmem>> -> memref<1x80x128xf32, #tpu.memory_space<vmem>>
    %dma_start3A_37 = tpu.memref_squeeze %dma_start3A_36 : memref<1x80x128xf32, #tpu.memory_space<vmem>> -> memref<80x128xf32, #tpu.memory_space<vmem>>
    tpu.enqueue_dma source(%dma_start3A_37 : memref<80x128xf32, #tpu.memory_space<vmem>>) target(%dma_start3A_33 : memref<80x128xf32, #tpu.memory_space<vmem_shared>>) target_semaphore(%arg10 : memref<!tpu.dma_semaphore, #tpu.memory_space<semaphore_mem>>)
    %add3A_38 = arith.constant 160 : i32
    %add3A_39 = arith.addi %mul3A_8, %add3A_38 : i32
    %dma_start3A_40 = arith.constant 0 : i32
    %dma_start3A_41 = arith.constant 0 : i32
    %dma_start3A_42 = arith.constant 0 : i32
    %dma_start3A_43 = tpu.memref_slice %arg6[%dma_start3A_40, %dma_start3A_41, %dma_start3A_42] : memref<3x80x128xf32, #tpu.memory_space<vmem>> -> memref<1x80x128xf32, #tpu.memory_space<vmem>>
    %dma_start3A_44 = tpu.memref_squeeze %dma_start3A_43 : memref<1x80x128xf32, #tpu.memory_space<vmem>> -> memref<80x128xf32, #tpu.memory_space<vmem>>
    %dma_start3A_45 = arith.constant 0 : i32
    %dma_start3A_46 = tpu.memref_slice %arg7[%add3A_39, %dma_start3A_45] : memref<10112x128xf32, #tpu.memory_space<vmem_shared>> -> memref<80x128xf32, #tpu.memory_space<vmem_shared>>
    %dma_start3A_47 = arith.constant 0 : i32
    %dma_start3A_48 = tpu.memref_slice %arg7[%add3A_39, %dma_start3A_47] : memref<10112x128xf32, #tpu.memory_space<vmem_shared>> -> memref<80x128xf32, #tpu.memory_space<vmem_shared>>
    %dma_start3A_49 = arith.constant 0 : i32
    %dma_start3A_50 = arith.constant 0 : i32
    %dma_start3A_51 = tpu.memref_slice %arg6[%dma_start3A_40, %dma_start3A_49, %dma_start3A_50] : memref<3x80x128xf32, #tpu.memory_space<vmem>> -> memref<1x80x128xf32, #tpu.memory_space<vmem>>
    %dma_start3A_52 = tpu.memref_squeeze %dma_start3A_51 : memref<1x80x128xf32, #tpu.memory_space<vmem>> -> memref<80x128xf32, #tpu.memory_space<vmem>>
    tpu.enqueue_dma source(%dma_start3A_52 : memref<80x128xf32, #tpu.memory_space<vmem>>) target(%dma_start3A_48 : memref<80x128xf32, #tpu.memory_space<vmem_shared>>) target_semaphore(%arg10 : memref<!tpu.dma_semaphore, #tpu.memory_space<semaphore_mem>>)
    %add3A_53 = arith.constant 240 : i32
    %add3A_54 = arith.addi %mul3A_8, %add3A_53 : i32
    %dma_start3A_55 = arith.constant 0 : i32
    %dma_start3A_56 = arith.constant 0 : i32
    %dma_start3A_57 = arith.constant 0 : i32
    %dma_start3A_58 = tpu.memref_slice %arg6[%dma_start3A_55, %dma_start3A_56, %dma_start3A_57] : memref<3x80x128xf32, #tpu.memory_space<vmem>> -> memref<1x80x128xf32, #tpu.memory_space<vmem>>
    %dma_start3A_59 = tpu.memref_squeeze %dma_start3A_58 : memref<1x80x128xf32, #tpu.memory_space<vmem>> -> memref<80x128xf32, #tpu.memory_space<vmem>>
    %dma_start3A_60 = arith.constant 0 : i32
    %dma_start3A_61 = tpu.memref_slice %arg7[%add3A_54, %dma_start3A_60] : memref<10112x128xf32, #tpu.memory_space<vmem_shared>> -> memref<80x128xf32, #tpu.memory_space<vmem_shared>>
    %dma_start3A_62 = arith.constant 0 : i32
    %dma_start3A_63 = tpu.memref_slice %arg7[%add3A_54, %dma_start3A_62] : memref<10112x128xf32, #tpu.memory_space<vmem_shared>> -> memref<80x128xf32, #tpu.memory_space<vmem_shared>>
    %dma_start3A_64 = arith.constant 0 : i32
    %dma_start3A_65 = arith.constant 0 : i32
    %dma_start3A_66 = tpu.memref_slice %arg6[%dma_start3A_55, %dma_start3A_64, %dma_start3A_65] : memref<3x80x128xf32, #tpu.memory_space<vmem>> -> memref<1x80x128xf32, #tpu.memory_space<vmem>>
    %dma_start3A_67 = tpu.memref_squeeze %dma_start3A_66 : memref<1x80x128xf32, #tpu.memory_space<vmem>> -> memref<80x128xf32, #tpu.memory_space<vmem>>
    tpu.enqueue_dma source(%dma_start3A_67 : memref<80x128xf32, #tpu.memory_space<vmem>>) target(%dma_start3A_63 : memref<80x128xf32, #tpu.memory_space<vmem_shared>>) target_semaphore(%arg10 : memref<!tpu.dma_semaphore, #tpu.memory_space<semaphore_mem>>)
    %add3A_68 = arith.constant 320 : i32
    %add3A_69 = arith.addi %mul3A_8, %add3A_68 : i32
    %dma_start3A_70 = arith.constant 0 : i32
    %dma_start3A_71 = arith.constant 0 : i32
    %dma_start3A_72 = arith.constant 0 : i32
    %dma_start3A_73 = tpu.memref_slice %arg6[%dma_start3A_70, %dma_start3A_71, %dma_start3A_72] : memref<3x80x128xf32, #tpu.memory_space<vmem>> -> memref<1x80x128xf32, #tpu.memory_space<vmem>>
    %dma_start3A_74 = tpu.memref_squeeze %dma_start3A_73 : memref<1x80x128xf32, #tpu.memory_space<vmem>> -> memref<80x128xf32, #tpu.memory_space<vmem>>
    %dma_start3A_75 = arith.constant 0 : i32
    %dma_start3A_76 = tpu.memref_slice %arg7[%add3A_69, %dma_start3A_75] : memref<10112x128xf32, #tpu.memory_space<vmem_shared>> -> memref<80x128xf32, #tpu.memory_space<vmem_shared>>
    %dma_start3A_77 = arith.constant 0 : i32
    %dma_start3A_78 = tpu.memref_slice %arg7[%add3A_69, %dma_start3A_77] : memref<10112x128xf32, #tpu.memory_space<vmem_shared>> -> memref<80x128xf32, #tpu.memory_space<vmem_shared>>
    %dma_start3A_79 = arith.constant 0 : i32
    %dma_start3A_80 = arith.constant 0 : i32
    %dma_start3A_81 = tpu.memref_slice %arg6[%dma_start3A_70, %dma_start3A_79, %dma_start3A_80] : memref<3x80x128xf32, #tpu.memory_space<vmem>> -> memref<1x80x128xf32, #tpu.memory_space<vmem>>
    %dma_start3A_82 = tpu.memref_squeeze %dma_start3A_81 : memref<1x80x128xf32, #tpu.memory_space<vmem>> -> memref<80x128xf32, #tpu.memory_space<vmem>>
    tpu.enqueue_dma source(%dma_start3A_82 : memref<80x128xf32, #tpu.memory_space<vmem>>) target(%dma_start3A_78 : memref<80x128xf32, #tpu.memory_space<vmem_shared>>) target_semaphore(%arg10 : memref<!tpu.dma_semaphore, #tpu.memory_space<semaphore_mem>>)
    %add3A_83 = arith.constant 400 : i32
    %add3A_84 = arith.addi %mul3A_8, %add3A_83 : i32
    %dma_start3A_85 = arith.constant 0 : i32
    %dma_start3A_86 = arith.constant 0 : i32
    %dma_start3A_87 = arith.constant 0 : i32
    %dma_start3A_88 = tpu.memref_slice %arg6[%dma_start3A_85, %dma_start3A_86, %dma_start3A_87] : memref<3x80x128xf32, #tpu.memory_space<vmem>> -> memref<1x80x128xf32, #tpu.memory_space<vmem>>
    %dma_start3A_89 = tpu.memref_squeeze %dma_start3A_88 : memref<1x80x128xf32, #tpu.memory_space<vmem>> -> memref<80x128xf32, #tpu.memory_space<vmem>>
    %dma_start3A_90 = arith.constant 0 : i32
    %dma_start3A_91 = tpu.memref_slice %arg7[%add3A_84, %dma_start3A_90] : memref<10112x128xf32, #tpu.memory_space<vmem_shared>> -> memref<80x128xf32, #tpu.memory_space<vmem_shared>>
    %dma_start3A_92 = arith.constant 0 : i32
    %dma_start3A_93 = tpu.memref_slice %arg7[%add3A_84, %dma_start3A_92] : memref<10112x128xf32, #tpu.memory_space<vmem_shared>> -> memref<80x128xf32, #tpu.memory_space<vmem_shared>>
    %dma_start3A_94 = arith.constant 0 : i32
    %dma_start3A_95 = arith.constant 0 : i32
    %dma_start3A_96 = tpu.memref_slice %arg6[%dma_start3A_85, %dma_start3A_94, %dma_start3A_95] : memref<3x80x128xf32, #tpu.memory_space<vmem>> -> memref<1x80x128xf32, #tpu.memory_space<vmem>>
    %dma_start3A_97 = tpu.memref_squeeze %dma_start3A_96 : memref<1x80x128xf32, #tpu.memory_space<vmem>> -> memref<80x128xf32, #tpu.memory_space<vmem>>
    tpu.enqueue_dma source(%dma_start3A_97 : memref<80x128xf32, #tpu.memory_space<vmem>>) target(%dma_start3A_93 : memref<80x128xf32, #tpu.memory_space<vmem_shared>>) target_semaphore(%arg10 : memref<!tpu.dma_semaphore, #tpu.memory_space<semaphore_mem>>)
    %add3A_98 = arith.constant 480 : i32
    %add3A_99 = arith.addi %mul3A_8, %add3A_98 : i32
    %dma_start3A_100 = arith.constant 0 : i32
    %dma_start3A_101 = arith.constant 0 : i32
    %dma_start3A_102 = arith.constant 0 : i32
    %dma_start3A_103 = tpu.memref_slice %arg6[%dma_start3A_100, %dma_start3A_101, %dma_start3A_102] : memref<3x80x128xf32, #tpu.memory_space<vmem>> -> memref<1x80x128xf32, #tpu.memory_space<vmem>>
    %dma_start3A_104 = tpu.memref_squeeze %dma_start3A_103 : memref<1x80x128xf32, #tpu.memory_space<vmem>> -> memref<80x128xf32, #tpu.memory_space<vmem>>
    %dma_start3A_105 = arith.constant 0 : i32
    %dma_start3A_106 = tpu.memref_slice %arg7[%add3A_99, %dma_start3A_105] : memref<10112x128xf32, #tpu.memory_space<vmem_shared>> -> memref<80x128xf32, #tpu.memory_space<vmem_shared>>
    %dma_start3A_107 = arith.constant 0 : i32
    %dma_start3A_108 = tpu.memref_slice %arg7[%add3A_99, %dma_start3A_107] : memref<10112x128xf32, #tpu.memory_space<vmem_shared>> -> memref<80x128xf32, #tpu.memory_space<vmem_shared>>
    %dma_start3A_109 = arith.constant 0 : i32
    %dma_start3A_110 = arith.constant 0 : i32
    %dma_start3A_111 = tpu.memref_slice %arg6[%dma_start3A_100, %dma_start3A_109, %dma_start3A_110] : memref<3x80x128xf32, #tpu.memory_space<vmem>> -> memref<1x80x128xf32, #tpu.memory_space<vmem>>
    %dma_start3A_112 = tpu.memref_squeeze %dma_start3A_111 : memref<1x80x128xf32, #tpu.memory_space<vmem>> -> memref<80x128xf32, #tpu.memory_space<vmem>>
    tpu.enqueue_dma source(%dma_start3A_112 : memref<80x128xf32, #tpu.memory_space<vmem>>) target(%dma_start3A_108 : memref<80x128xf32, #tpu.memory_space<vmem_shared>>) target_semaphore(%arg10 : memref<!tpu.dma_semaphore, #tpu.memory_space<semaphore_mem>>)
    %add3A_113 = arith.constant 560 : i32
    %add3A_114 = arith.addi %mul3A_8, %add3A_113 : i32
    %dma_start3A_115 = arith.constant 0 : i32
    %dma_start3A_116 = arith.constant 0 : i32
    %dma_start3A_117 = arith.constant 0 : i32
    %dma_start3A_118 = tpu.memref_slice %arg6[%dma_start3A_115, %dma_start3A_116, %dma_start3A_117] : memref<3x80x128xf32, #tpu.memory_space<vmem>> -> memref<1x72x128xf32, #tpu.memory_space<vmem>>
    %dma_start3A_119 = tpu.memref_squeeze %dma_start3A_118 : memref<1x72x128xf32, #tpu.memory_space<vmem>> -> memref<72x128xf32, #tpu.memory_space<vmem>>
    %dma_start3A_120 = arith.constant 0 : i32
    %dma_start3A_121 = tpu.memref_slice %arg7[%add3A_114, %dma_start3A_120] : memref<10112x128xf32, #tpu.memory_space<vmem_shared>> -> memref<72x128xf32, #tpu.memory_space<vmem_shared>>
    %dma_start3A_122 = arith.constant 0 : i32
    %dma_start3A_123 = tpu.memref_slice %arg7[%add3A_114, %dma_start3A_122] : memref<10112x128xf32, #tpu.memory_space<vmem_shared>> -> memref<72x128xf32, #tpu.memory_space<vmem_shared>>
    %dma_start3A_124 = arith.constant 0 : i32
    %dma_start3A_125 = arith.constant 0 : i32
    %dma_start3A_126 = tpu.memref_slice %arg6[%dma_start3A_115, %dma_start3A_124, %dma_start3A_125] : memref<3x80x128xf32, #tpu.memory_space<vmem>> -> memref<1x72x128xf32, #tpu.memory_space<vmem>>
    %dma_start3A_127 = tpu.memref_squeeze %dma_start3A_126 : memref<1x72x128xf32, #tpu.memory_space<vmem>> -> memref<72x128xf32, #tpu.memory_space<vmem>>
    tpu.enqueue_dma source(%dma_start3A_127 : memref<72x128xf32, #tpu.memory_space<vmem>>) target(%dma_start3A_123 : memref<72x128xf32, #tpu.memory_space<vmem_shared>>) target_semaphore(%arg10 : memref<!tpu.dma_semaphore, #tpu.memory_space<semaphore_mem>>)
    %add3A_128 = arith.constant 0 : i32
    %add3A_129 = arith.addi %mul3A_8, %add3A_128 : i32
    %dma_wait3A = arith.constant 0 : i32
    %dma_wait3A_130 = arith.constant 0 : i32
    %dma_wait3A_131 = arith.constant 0 : i32
    %dma_wait3A_132 = tpu.memref_slice %arg6[%dma_wait3A, %dma_wait3A_130, %dma_wait3A_131] : memref<3x80x128xf32, #tpu.memory_space<vmem>> -> memref<1x80x128xf32, #tpu.memory_space<vmem>>
    %dma_wait3A_133 = tpu.memref_squeeze %dma_wait3A_132 : memref<1x80x128xf32, #tpu.memory_space<vmem>> -> memref<80x128xf32, #tpu.memory_space<vmem>>
    %dma_wait3A_134 = arith.constant 0 : i32
    %dma_wait3A_135 = tpu.memref_slice %arg7[%add3A_129, %dma_wait3A_134] : memref<10112x128xf32, #tpu.memory_space<vmem_shared>> -> memref<80x128xf32, #tpu.memory_space<vmem_shared>>
    %dma_wait3A_136 = arith.constant 0 : i32
    %dma_wait3A_137 = tpu.memref_slice %arg7[%add3A_129, %dma_wait3A_136] : memref<10112x128xf32, #tpu.memory_space<vmem_shared>> -> memref<80x128xf32, #tpu.memory_space<vmem_shared>>
    %dma_wait3A_138 = arith.constant 0 : i32
    %dma_wait3A_139 = arith.constant 0 : i32
    %dma_wait3A_140 = tpu.memref_slice %arg6[%dma_wait3A, %dma_wait3A_138, %dma_wait3A_139] : memref<3x80x128xf32, #tpu.memory_space<vmem>> -> memref<1x80x128xf32, #tpu.memory_space<vmem>>
    %dma_wait3A_141 = tpu.memref_squeeze %dma_wait3A_140 : memref<1x80x128xf32, #tpu.memory_space<vmem>> -> memref<80x128xf32, #tpu.memory_space<vmem>>
    tpu.wait_dma2 semaphore(%arg10 : memref<!tpu.dma_semaphore, #tpu.memory_space<semaphore_mem>>) src(%dma_wait3A_141 : memref<80x128xf32, #tpu.memory_space<vmem>>) dst(%dma_wait3A_137 : memref<80x128xf32, #tpu.memory_space<vmem_shared>>)
    %add3A_142 = arith.constant 80 : i32
    %add3A_143 = arith.addi %mul3A_8, %add3A_142 : i32
    %dma_wait3A_144 = arith.constant 0 : i32
    %dma_wait3A_145 = arith.constant 0 : i32
    %dma_wait3A_146 = arith.constant 0 : i32
    %dma_wait3A_147 = tpu.memref_slice %arg6[%dma_wait3A_144, %dma_wait3A_145, %dma_wait3A_146] : memref<3x80x128xf32, #tpu.memory_space<vmem>> -> memref<1x80x128xf32, #tpu.memory_space<vmem>>
    %dma_wait3A_148 = tpu.memref_squeeze %dma_wait3A_147 : memref<1x80x128xf32, #tpu.memory_space<vmem>> -> memref<80x128xf32, #tpu.memory_space<vmem>>
    %dma_wait3A_149 = arith.constant 0 : i32
    %dma_wait3A_150 = tpu.memref_slice %arg7[%add3A_143, %dma_wait3A_149] : memref<10112x128xf32, #tpu.memory_space<vmem_shared>> -> memref<80x128xf32, #tpu.memory_space<vmem_shared>>
    %dma_wait3A_151 = arith.constant 0 : i32
    %dma_wait3A_152 = tpu.memref_slice %arg7[%add3A_143, %dma_wait3A_151] : memref<10112x128xf32, #tpu.memory_space<vmem_shared>> -> memref<80x128xf32, #tpu.memory_space<vmem_shared>>
    %dma_wait3A_153 = arith.constant 0 : i32
    %dma_wait3A_154 = arith.constant 0 : i32
    %dma_wait3A_155 = tpu.memref_slice %arg6[%dma_wait3A_144, %dma_wait3A_153, %dma_wait3A_154] : memref<3x80x128xf32, #tpu.memory_space<vmem>> -> memref<1x80x128xf32, #tpu.memory_space<vmem>>
    %dma_wait3A_156 = tpu.memref_squeeze %dma_wait3A_155 : memref<1x80x128xf32, #tpu.memory_space<vmem>> -> memref<80x128xf32, #tpu.memory_space<vmem>>
    tpu.wait_dma2 semaphore(%arg10 : memref<!tpu.dma_semaphore, #tpu.memory_space<semaphore_mem>>) src(%dma_wait3A_156 : memref<80x128xf32, #tpu.memory_space<vmem>>) dst(%dma_wait3A_152 : memref<80x128xf32, #tpu.memory_space<vmem_shared>>)
    %add3A_157 = arith.constant 160 : i32
    %add3A_158 = arith.addi %mul3A_8, %add3A_157 : i32
    %dma_wait3A_159 = arith.constant 0 : i32
    %dma_wait3A_160 = arith.constant 0 : i32
    %dma_wait3A_161 = arith.constant 0 : i32
    %dma_wait3A_162 = tpu.memref_slice %arg6[%dma_wait3A_159, %dma_wait3A_160, %dma_wait3A_161] : memref<3x80x128xf32, #tpu.memory_space<vmem>> -> memref<1x80x128xf32, #tpu.memory_space<vmem>>
    %dma_wait3A_163 = tpu.memref_squeeze %dma_wait3A_162 : memref<1x80x128xf32, #tpu.memory_space<vmem>> -> memref<80x128xf32, #tpu.memory_space<vmem>>
    %dma_wait3A_164 = arith.constant 0 : i32
    %dma_wait3A_165 = tpu.memref_slice %arg7[%add3A_158, %dma_wait3A_164] : memref<10112x128xf32, #tpu.memory_space<vmem_shared>> -> memref<80x128xf32, #tpu.memory_space<vmem_shared>>
    %dma_wait3A_166 = arith.constant 0 : i32
    %dma_wait3A_167 = tpu.memref_slice %arg7[%add3A_158, %dma_wait3A_166] : memref<10112x128xf32, #tpu.memory_space<vmem_shared>> -> memref<80x128xf32, #tpu.memory_space<vmem_shared>>
    %dma_wait3A_168 = arith.constant 0 : i32
    %dma_wait3A_169 = arith.constant 0 : i32
    %dma_wait3A_170 = tpu.memref_slice %arg6[%dma_wait3A_159, %dma_wait3A_168, %dma_wait3A_169] : memref<3x80x128xf32, #tpu.memory_space<vmem>> -> memref<1x80x128xf32, #tpu.memory_space<vmem>>
    %dma_wait3A_171 = tpu.memref_squeeze %dma_wait3A_170 : memref<1x80x128xf32, #tpu.memory_space<vmem>> -> memref<80x128xf32, #tpu.memory_space<vmem>>
    tpu.wait_dma2 semaphore(%arg10 : memref<!tpu.dma_semaphore, #tpu.memory_space<semaphore_mem>>) src(%dma_wait3A_171 : memref<80x128xf32, #tpu.memory_space<vmem>>) dst(%dma_wait3A_167 : memref<80x128xf32, #tpu.memory_space<vmem_shared>>)
    %add3A_172 = arith.constant 240 : i32
    %add3A_173 = arith.addi %mul3A_8, %add3A_172 : i32
    %dma_wait3A_174 = arith.constant 0 : i32
    %dma_wait3A_175 = arith.constant 0 : i32
    %dma_wait3A_176 = arith.constant 0 : i32
    %dma_wait3A_177 = tpu.memref_slice %arg6[%dma_wait3A_174, %dma_wait3A_175, %dma_wait3A_176] : memref<3x80x128xf32, #tpu.memory_space<vmem>> -> memref<1x80x128xf32, #tpu.memory_space<vmem>>
    %dma_wait3A_178 = tpu.memref_squeeze %dma_wait3A_177 : memref<1x80x128xf32, #tpu.memory_space<vmem>> -> memref<80x128xf32, #tpu.memory_space<vmem>>
    %dma_wait3A_179 = arith.constant 0 : i32
    %dma_wait3A_180 = tpu.memref_slice %arg7[%add3A_173, %dma_wait3A_179] : memref<10112x128xf32, #tpu.memory_space<vmem_shared>> -> memref<80x128xf32, #tpu.memory_space<vmem_shared>>
    %dma_wait3A_181 = arith.constant 0 : i32
    %dma_wait3A_182 = tpu.memref_slice %arg7[%add3A_173, %dma_wait3A_181] : memref<10112x128xf32, #tpu.memory_space<vmem_shared>> -> memref<80x128xf32, #tpu.memory_space<vmem_shared>>
    %dma_wait3A_183 = arith.constant 0 : i32
    %dma_wait3A_184 = arith.constant 0 : i32
    %dma_wait3A_185 = tpu.memref_slice %arg6[%dma_wait3A_174, %dma_wait3A_183, %dma_wait3A_184] : memref<3x80x128xf32, #tpu.memory_space<vmem>> -> memref<1x80x128xf32, #tpu.memory_space<vmem>>
    %dma_wait3A_186 = tpu.memref_squeeze %dma_wait3A_185 : memref<1x80x128xf32, #tpu.memory_space<vmem>> -> memref<80x128xf32, #tpu.memory_space<vmem>>
    tpu.wait_dma2 semaphore(%arg10 : memref<!tpu.dma_semaphore, #tpu.memory_space<semaphore_mem>>) src(%dma_wait3A_186 : memref<80x128xf32, #tpu.memory_space<vmem>>) dst(%dma_wait3A_182 : memref<80x128xf32, #tpu.memory_space<vmem_shared>>)
    %add3A_187 = arith.constant 320 : i32
    %add3A_188 = arith.addi %mul3A_8, %add3A_187 : i32
    %dma_wait3A_189 = arith.constant 0 : i32
    %dma_wait3A_190 = arith.constant 0 : i32
    %dma_wait3A_191 = arith.constant 0 : i32
    %dma_wait3A_192 = tpu.memref_slice %arg6[%dma_wait3A_189, %dma_wait3A_190, %dma_wait3A_191] : memref<3x80x128xf32, #tpu.memory_space<vmem>> -> memref<1x80x128xf32, #tpu.memory_space<vmem>>
    %dma_wait3A_193 = tpu.memref_squeeze %dma_wait3A_192 : memref<1x80x128xf32, #tpu.memory_space<vmem>> -> memref<80x128xf32, #tpu.memory_space<vmem>>
    %dma_wait3A_194 = arith.constant 0 : i32
    %dma_wait3A_195 = tpu.memref_slice %arg7[%add3A_188, %dma_wait3A_194] : memref<10112x128xf32, #tpu.memory_space<vmem_shared>> -> memref<80x128xf32, #tpu.memory_space<vmem_shared>>
    %dma_wait3A_196 = arith.constant 0 : i32
    %dma_wait3A_197 = tpu.memref_slice %arg7[%add3A_188, %dma_wait3A_196] : memref<10112x128xf32, #tpu.memory_space<vmem_shared>> -> memref<80x128xf32, #tpu.memory_space<vmem_shared>>
    %dma_wait3A_198 = arith.constant 0 : i32
    %dma_wait3A_199 = arith.constant 0 : i32
    %dma_wait3A_200 = tpu.memref_slice %arg6[%dma_wait3A_189, %dma_wait3A_198, %dma_wait3A_199] : memref<3x80x128xf32, #tpu.memory_space<vmem>> -> memref<1x80x128xf32, #tpu.memory_space<vmem>>
    %dma_wait3A_201 = tpu.memref_squeeze %dma_wait3A_200 : memref<1x80x128xf32, #tpu.memory_space<vmem>> -> memref<80x128xf32, #tpu.memory_space<vmem>>
    tpu.wait_dma2 semaphore(%arg10 : memref<!tpu.dma_semaphore, #tpu.memory_space<semaphore_mem>>) src(%dma_wait3A_201 : memref<80x128xf32, #tpu.memory_space<vmem>>) dst(%dma_wait3A_197 : memref<80x128xf32, #tpu.memory_space<vmem_shared>>)
    %add3A_202 = arith.constant 400 : i32
    %add3A_203 = arith.addi %mul3A_8, %add3A_202 : i32
    %dma_wait3A_204 = arith.constant 0 : i32
    %dma_wait3A_205 = arith.constant 0 : i32
    %dma_wait3A_206 = arith.constant 0 : i32
    %dma_wait3A_207 = tpu.memref_slice %arg6[%dma_wait3A_204, %dma_wait3A_205, %dma_wait3A_206] : memref<3x80x128xf32, #tpu.memory_space<vmem>> -> memref<1x80x128xf32, #tpu.memory_space<vmem>>
    %dma_wait3A_208 = tpu.memref_squeeze %dma_wait3A_207 : memref<1x80x128xf32, #tpu.memory_space<vmem>> -> memref<80x128xf32, #tpu.memory_space<vmem>>
    %dma_wait3A_209 = arith.constant 0 : i32
    %dma_wait3A_210 = tpu.memref_slice %arg7[%add3A_203, %dma_wait3A_209] : memref<10112x128xf32, #tpu.memory_space<vmem_shared>> -> memref<80x128xf32, #tpu.memory_space<vmem_shared>>
    %dma_wait3A_211 = arith.constant 0 : i32
    %dma_wait3A_212 = tpu.memref_slice %arg7[%add3A_203, %dma_wait3A_211] : memref<10112x128xf32, #tpu.memory_space<vmem_shared>> -> memref<80x128xf32, #tpu.memory_space<vmem_shared>>
    %dma_wait3A_213 = arith.constant 0 : i32
    %dma_wait3A_214 = arith.constant 0 : i32
    %dma_wait3A_215 = tpu.memref_slice %arg6[%dma_wait3A_204, %dma_wait3A_213, %dma_wait3A_214] : memref<3x80x128xf32, #tpu.memory_space<vmem>> -> memref<1x80x128xf32, #tpu.memory_space<vmem>>
    %dma_wait3A_216 = tpu.memref_squeeze %dma_wait3A_215 : memref<1x80x128xf32, #tpu.memory_space<vmem>> -> memref<80x128xf32, #tpu.memory_space<vmem>>
    tpu.wait_dma2 semaphore(%arg10 : memref<!tpu.dma_semaphore, #tpu.memory_space<semaphore_mem>>) src(%dma_wait3A_216 : memref<80x128xf32, #tpu.memory_space<vmem>>) dst(%dma_wait3A_212 : memref<80x128xf32, #tpu.memory_space<vmem_shared>>)
    %add3A_217 = arith.constant 480 : i32
    %add3A_218 = arith.addi %mul3A_8, %add3A_217 : i32
    %dma_wait3A_219 = arith.constant 0 : i32
    %dma_wait3A_220 = arith.constant 0 : i32
    %dma_wait3A_221 = arith.constant 0 : i32
    %dma_wait3A_222 = tpu.memref_slice %arg6[%dma_wait3A_219, %dma_wait3A_220, %dma_wait3A_221] : memref<3x80x128xf32, #tpu.memory_space<vmem>> -> memref<1x80x128xf32, #tpu.memory_space<vmem>>
    %dma_wait3A_223 = tpu.memref_squeeze %dma_wait3A_222 : memref<1x80x128xf32, #tpu.memory_space<vmem>> -> memref<80x128xf32, #tpu.memory_space<vmem>>
    %dma_wait3A_224 = arith.constant 0 : i32
    %dma_wait3A_225 = tpu.memref_slice %arg7[%add3A_218, %dma_wait3A_224] : memref<10112x128xf32, #tpu.memory_space<vmem_shared>> -> memref<80x128xf32, #tpu.memory_space<vmem_shared>>
    %dma_wait3A_226 = arith.constant 0 : i32
    %dma_wait3A_227 = tpu.memref_slice %arg7[%add3A_218, %dma_wait3A_226] : memref<10112x128xf32, #tpu.memory_space<vmem_shared>> -> memref<80x128xf32, #tpu.memory_space<vmem_shared>>
    %dma_wait3A_228 = arith.constant 0 : i32
    %dma_wait3A_229 = arith.constant 0 : i32
    %dma_wait3A_230 = tpu.memref_slice %arg6[%dma_wait3A_219, %dma_wait3A_228, %dma_wait3A_229] : memref<3x80x128xf32, #tpu.memory_space<vmem>> -> memref<1x80x128xf32, #tpu.memory_space<vmem>>
    %dma_wait3A_231 = tpu.memref_squeeze %dma_wait3A_230 : memref<1x80x128xf32, #tpu.memory_space<vmem>> -> memref<80x128xf32, #tpu.memory_space<vmem>>
    tpu.wait_dma2 semaphore(%arg10 : memref<!tpu.dma_semaphore, #tpu.memory_space<semaphore_mem>>) src(%dma_wait3A_231 : memref<80x128xf32, #tpu.memory_space<vmem>>) dst(%dma_wait3A_227 : memref<80x128xf32, #tpu.memory_space<vmem_shared>>)
    %add3A_232 = arith.constant 560 : i32
    %add3A_233 = arith.addi %mul3A_8, %add3A_232 : i32
    %dma_wait3A_234 = arith.constant 0 : i32
    %dma_wait3A_235 = arith.constant 0 : i32
    %dma_wait3A_236 = arith.constant 0 : i32
    %dma_wait3A_237 = tpu.memref_slice %arg6[%dma_wait3A_234, %dma_wait3A_235, %dma_wait3A_236] : memref<3x80x128xf32, #tpu.memory_space<vmem>> -> memref<1x72x128xf32, #tpu.memory_space<vmem>>
    %dma_wait3A_238 = tpu.memref_squeeze %dma_wait3A_237 : memref<1x72x128xf32, #tpu.memory_space<vmem>> -> memref<72x128xf32, #tpu.memory_space<vmem>>
    %dma_wait3A_239 = arith.constant 0 : i32
    %dma_wait3A_240 = tpu.memref_slice %arg7[%add3A_233, %dma_wait3A_239] : memref<10112x128xf32, #tpu.memory_space<vmem_shared>> -> memref<72x128xf32, #tpu.memory_space<vmem_shared>>
    %dma_wait3A_241 = arith.constant 0 : i32
    %dma_wait3A_242 = tpu.memref_slice %arg7[%add3A_233, %dma_wait3A_241] : memref<10112x128xf32, #tpu.memory_space<vmem_shared>> -> memref<72x128xf32, #tpu.memory_space<vmem_shared>>
    %dma_wait3A_243 = arith.constant 0 : i32
    %dma_wait3A_244 = arith.constant 0 : i32
    %dma_wait3A_245 = tpu.memref_slice %arg6[%dma_wait3A_234, %dma_wait3A_243, %dma_wait3A_244] : memref<3x80x128xf32, #tpu.memory_space<vmem>> -> memref<1x72x128xf32, #tpu.memory_space<vmem>>
    %dma_wait3A_246 = tpu.memref_squeeze %dma_wait3A_245 : memref<1x72x128xf32, #tpu.memory_space<vmem>> -> memref<72x128xf32, #tpu.memory_space<vmem>>
    tpu.wait_dma2 semaphore(%arg10 : memref<!tpu.dma_semaphore, #tpu.memory_space<semaphore_mem>>) src(%dma_wait3A_246 : memref<72x128xf32, #tpu.memory_space<vmem>>) dst(%dma_wait3A_242 : memref<72x128xf32, #tpu.memory_space<vmem_shared>>)
    %barrier3A = arith.constant 0 : index
    tpu.barrier barrier_id(%barrier3A)
    %run_scoped3A = arith.constant 0 : i32
    %run_scoped3A_247 = arith.constant 0 : i32
    "tpu.region"() ({
      %run_scoped3A_363 = tpu.sem_alloc : memref<!tpu.dma_semaphore, #tpu.memory_space<semaphore_mem>>
      %dma_start3A_364 = arith.constant 0 : i32
      %dma_start3A_365 = arith.constant 0 : i32
      %dma_start3A_366 = tpu.memref_slice %arg5[%run_scoped3A_247, %dma_start3A_364, %dma_start3A_365] : memref<4x2x80xi32, #tpu.memory_space<vmem>> -> memref<1x2x80xi32, #tpu.memory_space<vmem>>
      %dma_start3A_367 = tpu.memref_squeeze %dma_start3A_366 : memref<1x2x80xi32, #tpu.memory_space<vmem>> -> memref<2x80xi32, #tpu.memory_space<vmem>>
      %dma_start3A_368 = arith.constant 0 : i32
      %dma_start3A_369 = arith.constant 0 : i32
      %dma_start3A_370 = tpu.memref_slice %arg3[%add3A, %run_scoped3A, %dma_start3A_368, %dma_start3A_369] : memref<32x125x2x80xi32, #tpu.memory_space<hbm>> -> memref<1x1x2x80xi32, #tpu.memory_space<hbm>>
      %dma_start3A_371 = tpu.memref_squeeze %dma_start3A_370 : memref<1x1x2x80xi32, #tpu.memory_space<hbm>> -> memref<2x80xi32, #tpu.memory_space<hbm>>
      %dma_start3A_372 = arith.constant 0 : i32
      %dma_start3A_373 = arith.constant 0 : i32
      %dma_start3A_374 = tpu.memref_slice %arg5[%run_scoped3A_247, %dma_start3A_372, %dma_start3A_373] : memref<4x2x80xi32, #tpu.memory_space<vmem>> -> memref<1x2x80xi32, #tpu.memory_space<vmem>>
      %dma_start3A_375 = tpu.memref_squeeze %dma_start3A_374 : memref<1x2x80xi32, #tpu.memory_space<vmem>> -> memref<2x80xi32, #tpu.memory_space<vmem>>
      %dma_start3A_376 = arith.constant 0 : i32
      %dma_start3A_377 = arith.constant 0 : i32
      %dma_start3A_378 = tpu.memref_slice %arg3[%add3A, %run_scoped3A, %dma_start3A_376, %dma_start3A_377] : memref<32x125x2x80xi32, #tpu.memory_space<hbm>> -> memref<1x1x2x80xi32, #tpu.memory_space<hbm>>
      %dma_start3A_379 = tpu.memref_squeeze %dma_start3A_378 : memref<1x1x2x80xi32, #tpu.memory_space<hbm>> -> memref<2x80xi32, #tpu.memory_space<hbm>>
      tpu.enqueue_dma source(%dma_start3A_379 : memref<2x80xi32, #tpu.memory_space<hbm>>) target(%dma_start3A_375 : memref<2x80xi32, #tpu.memory_space<vmem>>) target_semaphore(%run_scoped3A_363 : memref<!tpu.dma_semaphore, #tpu.memory_space<semaphore_mem>>)
      %dma_wait3A_380 = arith.constant 0 : i32
      %dma_wait3A_381 = arith.constant 0 : i32
      %dma_wait3A_382 = tpu.memref_slice %arg5[%run_scoped3A_247, %dma_wait3A_380, %dma_wait3A_381] : memref<4x2x80xi32, #tpu.memory_space<vmem>> -> memref<1x2x80xi32, #tpu.memory_space<vmem>>
      %dma_wait3A_383 = tpu.memref_squeeze %dma_wait3A_382 : memref<1x2x80xi32, #tpu.memory_space<vmem>> -> memref<2x80xi32, #tpu.memory_space<vmem>>
      %dma_wait3A_384 = arith.constant 0 : i32
      %dma_wait3A_385 = arith.constant 0 : i32
      %dma_wait3A_386 = tpu.memref_slice %arg3[%add3A, %run_scoped3A, %dma_wait3A_384, %dma_wait3A_385] : memref<32x125x2x80xi32, #tpu.memory_space<hbm>> -> memref<1x1x2x80xi32, #tpu.memory_space<hbm>>
      %dma_wait3A_387 = tpu.memref_squeeze %dma_wait3A_386 : memref<1x1x2x80xi32, #tpu.memory_space<hbm>> -> memref<2x80xi32, #tpu.memory_space<hbm>>
      %dma_wait3A_388 = arith.constant 0 : i32
      %dma_wait3A_389 = arith.constant 0 : i32
      %dma_wait3A_390 = tpu.memref_slice %arg5[%run_scoped3A_247, %dma_wait3A_388, %dma_wait3A_389] : memref<4x2x80xi32, #tpu.memory_space<vmem>> -> memref<1x2x80xi32, #tpu.memory_space<vmem>>
      %dma_wait3A_391 = tpu.memref_squeeze %dma_wait3A_390 : memref<1x2x80xi32, #tpu.memory_space<vmem>> -> memref<2x80xi32, #tpu.memory_space<vmem>>
      %dma_wait3A_392 = arith.constant 0 : i32
      %dma_wait3A_393 = arith.constant 0 : i32
      %dma_wait3A_394 = tpu.memref_slice %arg3[%add3A, %run_scoped3A, %dma_wait3A_392, %dma_wait3A_393] : memref<32x125x2x80xi32, #tpu.memory_space<hbm>> -> memref<1x1x2x80xi32, #tpu.memory_space<hbm>>
      %dma_wait3A_395 = tpu.memref_squeeze %dma_wait3A_394 : memref<1x1x2x80xi32, #tpu.memory_space<hbm>> -> memref<2x80xi32, #tpu.memory_space<hbm>>
      tpu.wait_dma2 semaphore(%run_scoped3A_363 : memref<!tpu.dma_semaphore, #tpu.memory_space<semaphore_mem>>) src(%dma_wait3A_395 : memref<2x80xi32, #tpu.memory_space<hbm>>) dst(%dma_wait3A_391 : memref<2x80xi32, #tpu.memory_space<vmem>>)
      tpu.yield
    }) : () -> ()
    %dma_start3A_248 = arith.constant 0 : i32
    %dma_start3A_249 = arith.constant 0 : i32
    %dma_start3A_250 = arith.constant 0 : i32
    %dma_start3A_251 = arith.constant 0 : i32
    %dma_start3A_252 = arith.constant 0 : i32
    %dma_start3A_253 = arith.constant 0 : i32
    %dma_start3A_254 = tpu.memref_slice %arg6[%dma_start3A_250, %dma_start3A_252, %dma_start3A_253] : memref<3x80x128xf32, #tpu.memory_space<vmem>> -> memref<1x80x128xf32, #tpu.memory_space<vmem>>
    %dma_start3A_255 = tpu.memref_squeeze %dma_start3A_254 : memref<1x80x128xf32, #tpu.memory_space<vmem>> -> memref<80x128xf32, #tpu.memory_space<vmem>>
    %dma_start3A_256 = arith.constant 0 : i32
    %dma_start3A_257 = tpu.memref_slice %arg5[%dma_start3A_248, %dma_start3A_249, %dma_start3A_256] : memref<4x2x80xi32, #tpu.memory_space<vmem>> -> memref<1x1x80xi32, #tpu.memory_space<vmem>>
    %dma_start3A_258 = tpu.memref_squeeze %dma_start3A_257 : memref<1x1x80xi32, #tpu.memory_space<vmem>> -> memref<80xi32, #tpu.memory_space<vmem>>
    %dma_start3A_259 = arith.constant 0 : i32
    %dma_start3A_260 = arith.constant 0 : i32
    %dma_start3A_261 = tpu.memref_slice %arg2[%dma_start3A_259, %dma_start3A_260] : memref<10112x128xf32, #tpu.memory_space<hbm>> -> memref<10112x128xf32, #tpu.memory_space<hbm>>
    %dma_start3A_262 = tpu.memref_slice %arg9[%dma_start3A_251] : memref<2x!tpu.dma_semaphore, #tpu.memory_space<semaphore_mem>> -> memref<1x!tpu.dma_semaphore, #tpu.memory_space<semaphore_mem>>
    %dma_start3A_263 = tpu.memref_squeeze %dma_start3A_262 : memref<1x!tpu.dma_semaphore, #tpu.memory_space<semaphore_mem>> -> memref<!tpu.dma_semaphore, #tpu.memory_space<semaphore_mem>>
    tpu.enqueue_indirect_dma source(%dma_start3A_261 : memref<10112x128xf32, #tpu.memory_space<hbm>>) target(%dma_start3A_255 : memref<80x128xf32, #tpu.memory_space<vmem>>) offsets(%dma_start3A_258 : memref<80xi32, #tpu.memory_space<vmem>>) semaphore(%dma_start3A_263 : memref<!tpu.dma_semaphore, #tpu.memory_space<semaphore_mem>>)
    %dma_start3A_264 = arith.constant 1 : i32
    %dma_start3A_265 = arith.constant 1 : i32
    %dma_start3A_266 = arith.constant 1 : i32
    %dma_start3A_267 = arith.constant 0 : i32
    %dma_start3A_268 = arith.constant 0 : i32
    %dma_start3A_269 = tpu.memref_slice %arg5[%dma_start3A_265, %dma_start3A_267, %dma_start3A_268] : memref<4x2x80xi32, #tpu.memory_space<vmem>> -> memref<1x2x80xi32, #tpu.memory_space<vmem>>
    %dma_start3A_270 = tpu.memref_squeeze %dma_start3A_269 : memref<1x2x80xi32, #tpu.memory_space<vmem>> -> memref<2x80xi32, #tpu.memory_space<vmem>>
    %dma_start3A_271 = arith.constant 0 : i32
    %dma_start3A_272 = arith.constant 0 : i32
    %dma_start3A_273 = tpu.memref_slice %arg3[%add3A, %dma_start3A_264, %dma_start3A_271, %dma_start3A_272] : memref<32x125x2x80xi32, #tpu.memory_space<hbm>> -> memref<1x1x2x80xi32, #tpu.memory_space<hbm>>
    %dma_start3A_274 = tpu.memref_squeeze %dma_start3A_273 : memref<1x1x2x80xi32, #tpu.memory_space<hbm>> -> memref<2x80xi32, #tpu.memory_space<hbm>>
    %dma_start3A_275 = tpu.memref_slice %arg8[%dma_start3A_266] : memref<2x!tpu.dma_semaphore, #tpu.memory_space<semaphore_mem>> -> memref<1x!tpu.dma_semaphore, #tpu.memory_space<semaphore_mem>>
    %dma_start3A_276 = tpu.memref_squeeze %dma_start3A_275 : memref<1x!tpu.dma_semaphore, #tpu.memory_space<semaphore_mem>> -> memref<!tpu.dma_semaphore, #tpu.memory_space<semaphore_mem>>
    %dma_start3A_277 = arith.constant 0 : i32
    %dma_start3A_278 = arith.constant 0 : i32
    %dma_start3A_279 = tpu.memref_slice %arg5[%dma_start3A_265, %dma_start3A_277, %dma_start3A_278] : memref<4x2x80xi32, #tpu.memory_space<vmem>> -> memref<1x2x80xi32, #tpu.memory_space<vmem>>
    %dma_start3A_280 = tpu.memref_squeeze %dma_start3A_279 : memref<1x2x80xi32, #tpu.memory_space<vmem>> -> memref<2x80xi32, #tpu.memory_space<vmem>>
    %dma_start3A_281 = arith.constant 0 : i32
    %dma_start3A_282 = arith.constant 0 : i32
    %dma_start3A_283 = tpu.memref_slice %arg3[%add3A, %dma_start3A_264, %dma_start3A_281, %dma_start3A_282] : memref<32x125x2x80xi32, #tpu.memory_space<hbm>> -> memref<1x1x2x80xi32, #tpu.memory_space<hbm>>
    %dma_start3A_284 = tpu.memref_squeeze %dma_start3A_283 : memref<1x1x2x80xi32, #tpu.memory_space<hbm>> -> memref<2x80xi32, #tpu.memory_space<hbm>>
    tpu.enqueue_dma source(%dma_start3A_284 : memref<2x80xi32, #tpu.memory_space<hbm>>) target(%dma_start3A_280 : memref<2x80xi32, #tpu.memory_space<vmem>>) target_semaphore(%dma_start3A_276 : memref<!tpu.dma_semaphore, #tpu.memory_space<semaphore_mem>>)
    %dma_start3A_285 = arith.constant 2 : i32
    %dma_start3A_286 = arith.constant 2 : i32
    %dma_start3A_287 = arith.constant 0 : i32
    %dma_start3A_288 = arith.constant 0 : i32
    %dma_start3A_289 = arith.constant 0 : i32
    %dma_start3A_290 = tpu.memref_slice %arg5[%dma_start3A_286, %dma_start3A_288, %dma_start3A_289] : memref<4x2x80xi32, #tpu.memory_space<vmem>> -> memref<1x2x80xi32, #tpu.memory_space<vmem>>
    %dma_start3A_291 = tpu.memref_squeeze %dma_start3A_290 : memref<1x2x80xi32, #tpu.memory_space<vmem>> -> memref<2x80xi32, #tpu.memory_space<vmem>>
    %dma_start3A_292 = arith.constant 0 : i32
    %dma_start3A_293 = arith.constant 0 : i32
    %dma_start3A_294 = tpu.memref_slice %arg3[%add3A, %dma_start3A_285, %dma_start3A_292, %dma_start3A_293] : memref<32x125x2x80xi32, #tpu.memory_space<hbm>> -> memref<1x1x2x80xi32, #tpu.memory_space<hbm>>
    %dma_start3A_295 = tpu.memref_squeeze %dma_start3A_294 : memref<1x1x2x80xi32, #tpu.memory_space<hbm>> -> memref<2x80xi32, #tpu.memory_space<hbm>>
    %dma_start3A_296 = tpu.memref_slice %arg8[%dma_start3A_287] : memref<2x!tpu.dma_semaphore, #tpu.memory_space<semaphore_mem>> -> memref<1x!tpu.dma_semaphore, #tpu.memory_space<semaphore_mem>>
    %dma_start3A_297 = tpu.memref_squeeze %dma_start3A_296 : memref<1x!tpu.dma_semaphore, #tpu.memory_space<semaphore_mem>> -> memref<!tpu.dma_semaphore, #tpu.memory_space<semaphore_mem>>
    %dma_start3A_298 = arith.constant 0 : i32
    %dma_start3A_299 = arith.constant 0 : i32
    %dma_start3A_300 = tpu.memref_slice %arg5[%dma_start3A_286, %dma_start3A_298, %dma_start3A_299] : memref<4x2x80xi32, #tpu.memory_space<vmem>> -> memref<1x2x80xi32, #tpu.memory_space<vmem>>
    %dma_start3A_301 = tpu.memref_squeeze %dma_start3A_300 : memref<1x2x80xi32, #tpu.memory_space<vmem>> -> memref<2x80xi32, #tpu.memory_space<vmem>>
    %dma_start3A_302 = arith.constant 0 : i32
    %dma_start3A_303 = arith.constant 0 : i32
    %dma_start3A_304 = tpu.memref_slice %arg3[%add3A, %dma_start3A_285, %dma_start3A_302, %dma_start3A_303] : memref<32x125x2x80xi32, #tpu.memory_space<hbm>> -> memref<1x1x2x80xi32, #tpu.memory_space<hbm>>
    %dma_start3A_305 = tpu.memref_squeeze %dma_start3A_304 : memref<1x1x2x80xi32, #tpu.memory_space<hbm>> -> memref<2x80xi32, #tpu.memory_space<hbm>>
    tpu.enqueue_dma source(%dma_start3A_305 : memref<2x80xi32, #tpu.memory_space<hbm>>) target(%dma_start3A_301 : memref<2x80xi32, #tpu.memory_space<vmem>>) target_semaphore(%dma_start3A_297 : memref<!tpu.dma_semaphore, #tpu.memory_space<semaphore_mem>>)
    %dma_wait3A_306 = arith.constant 1 : i32
    %dma_wait3A_307 = arith.constant 1 : i32
    %dma_wait3A_308 = arith.constant 1 : i32
    %dma_wait3A_309 = arith.constant 0 : i32
    %dma_wait3A_310 = arith.constant 0 : i32
    %dma_wait3A_311 = tpu.memref_slice %arg5[%dma_wait3A_307, %dma_wait3A_309, %dma_wait3A_310] : memref<4x2x80xi32, #tpu.memory_space<vmem>> -> memref<1x2x80xi32, #tpu.memory_space<vmem>>
    %dma_wait3A_312 = tpu.memref_squeeze %dma_wait3A_311 : memref<1x2x80xi32, #tpu.memory_space<vmem>> -> memref<2x80xi32, #tpu.memory_space<vmem>>
    %dma_wait3A_313 = arith.constant 0 : i32
    %dma_wait3A_314 = arith.constant 0 : i32
    %dma_wait3A_315 = tpu.memref_slice %arg3[%add3A, %dma_wait3A_306, %dma_wait3A_313, %dma_wait3A_314] : memref<32x125x2x80xi32, #tpu.memory_space<hbm>> -> memref<1x1x2x80xi32, #tpu.memory_space<hbm>>
    %dma_wait3A_316 = tpu.memref_squeeze %dma_wait3A_315 : memref<1x1x2x80xi32, #tpu.memory_space<hbm>> -> memref<2x80xi32, #tpu.memory_space<hbm>>
    %dma_wait3A_317 = tpu.memref_slice %arg8[%dma_wait3A_308] : memref<2x!tpu.dma_semaphore, #tpu.memory_space<semaphore_mem>> -> memref<1x!tpu.dma_semaphore, #tpu.memory_space<semaphore_mem>>
    %dma_wait3A_318 = tpu.memref_squeeze %dma_wait3A_317 : memref<1x!tpu.dma_semaphore, #tpu.memory_space<semaphore_mem>> -> memref<!tpu.dma_semaphore, #tpu.memory_space<semaphore_mem>>
    %dma_wait3A_319 = arith.constant 0 : i32
    %dma_wait3A_320 = arith.constant 0 : i32
    %dma_wait3A_321 = tpu.memref_slice %arg5[%dma_wait3A_307, %dma_wait3A_319, %dma_wait3A_320] : memref<4x2x80xi32, #tpu.memory_space<vmem>> -> memref<1x2x80xi32, #tpu.memory_space<vmem>>
    %dma_wait3A_322 = tpu.memref_squeeze %dma_wait3A_321 : memref<1x2x80xi32, #tpu.memory_space<vmem>> -> memref<2x80xi32, #tpu.memory_space<vmem>>
    %dma_wait3A_323 = arith.constant 0 : i32
    %dma_wait3A_324 = arith.constant 0 : i32
    %dma_wait3A_325 = tpu.memref_slice %arg3[%add3A, %dma_wait3A_306, %dma_wait3A_323, %dma_wait3A_324] : memref<32x125x2x80xi32, #tpu.memory_space<hbm>> -> memref<1x1x2x80xi32, #tpu.memory_space<hbm>>
    %dma_wait3A_326 = tpu.memref_squeeze %dma_wait3A_325 : memref<1x1x2x80xi32, #tpu.memory_space<hbm>> -> memref<2x80xi32, #tpu.memory_space<hbm>>
    tpu.wait_dma2 semaphore(%dma_wait3A_318 : memref<!tpu.dma_semaphore, #tpu.memory_space<semaphore_mem>>) src(%dma_wait3A_326 : memref<2x80xi32, #tpu.memory_space<hbm>>) dst(%dma_wait3A_322 : memref<2x80xi32, #tpu.memory_space<vmem>>)
    %dma_start3A_327 = arith.constant 1 : i32
    %dma_start3A_328 = arith.constant 0 : i32
    %dma_start3A_329 = arith.constant 1 : i32
    %dma_start3A_330 = arith.constant 1 : i32
    %dma_start3A_331 = arith.constant 0 : i32
    %dma_start3A_332 = arith.constant 0 : i32
    %dma_start3A_333 = tpu.memref_slice %arg6[%dma_start3A_329, %dma_start3A_331, %dma_start3A_332] : memref<3x80x128xf32, #tpu.memory_space<vmem>> -> memref<1x80x128xf32, #tpu.memory_space<vmem>>
    %dma_start3A_334 = tpu.memref_squeeze %dma_start3A_333 : memref<1x80x128xf32, #tpu.memory_space<vmem>> -> memref<80x128xf32, #tpu.memory_space<vmem>>
    %dma_start3A_335 = arith.constant 0 : i32
    %dma_start3A_336 = tpu.memref_slice %arg5[%dma_start3A_327, %dma_start3A_328, %dma_start3A_335] : memref<4x2x80xi32, #tpu.memory_space<vmem>> -> memref<1x1x80xi32, #tpu.memory_space<vmem>>
    %dma_start3A_337 = tpu.memref_squeeze %dma_start3A_336 : memref<1x1x80xi32, #tpu.memory_space<vmem>> -> memref<80xi32, #tpu.memory_space<vmem>>
    %dma_start3A_338 = arith.constant 0 : i32
    %dma_start3A_339 = arith.constant 0 : i32
    %dma_start3A_340 = tpu.memref_slice %arg2[%dma_start3A_338, %dma_start3A_339] : memref<10112x128xf32, #tpu.memory_space<hbm>> -> memref<10112x128xf32, #tpu.memory_space<hbm>>
    %dma_start3A_341 = tpu.memref_slice %arg9[%dma_start3A_330] : memref<2x!tpu.dma_semaphore, #tpu.memory_space<semaphore_mem>> -> memref<1x!tpu.dma_semaphore, #tpu.memory_space<semaphore_mem>>
    %dma_start3A_342 = tpu.memref_squeeze %dma_start3A_341 : memref<1x!tpu.dma_semaphore, #tpu.memory_space<semaphore_mem>> -> memref<!tpu.dma_semaphore, #tpu.memory_space<semaphore_mem>>
    tpu.enqueue_indirect_dma source(%dma_start3A_340 : memref<10112x128xf32, #tpu.memory_space<hbm>>) target(%dma_start3A_334 : memref<80x128xf32, #tpu.memory_space<vmem>>) offsets(%dma_start3A_337 : memref<80xi32, #tpu.memory_space<vmem>>) semaphore(%dma_start3A_342 : memref<!tpu.dma_semaphore, #tpu.memory_space<semaphore_mem>>)
    %scan3A_343 = arith.constant 0 : i32
    %scan3A_344 = arith.constant 0 : i32
    %scan3A_345 = arith.constant 125 : i32
    %scan3A_346 = arith.addi %scan3A_344, %scan3A_345 : i32
    %scan3A_347 = arith.constant 1 : i32
    scf.for %scan3A_363 = %scan3A_344 to %scan3A_346 step %scan3A_347  : i32 {
      %rem3A = arith.constant 2 : i32
      %rem3A_364 = arith.remsi %scan3A_363, %rem3A : i32
      %rem3A_365 = arith.constant 3 : i32
      %rem3A_366 = arith.remsi %scan3A_363, %rem3A_365 : i32
      %rem3A_367 = arith.constant 4 : i32
      %rem3A_368 = arith.remsi %scan3A_363, %rem3A_367 : i32
      %add3A_369 = arith.constant 2 : i32
      %add3A_370 = arith.addi %scan3A_363, %add3A_369 : i32
      %rem3A_371 = arith.constant 3 : i32
      %rem3A_372 = arith.remsi %add3A_370, %rem3A_371 : i32
      %add3A_373 = arith.constant 3 : i32
      %add3A_374 = arith.addi %scan3A_363, %add3A_373 : i32
      %rem3A_375 = arith.constant 4 : i32
      %rem3A_376 = arith.remsi %add3A_374, %rem3A_375 : i32
      %add3A_377 = arith.constant 2 : i32
      %add3A_378 = arith.addi %scan3A_363, %add3A_377 : i32
      %rem3A_379 = arith.constant 3 : i32
      %rem3A_380 = arith.remsi %add3A_378, %rem3A_379 : i32
      %add3A_381 = arith.constant 2 : i32
      %add3A_382 = arith.addi %scan3A_363, %add3A_381 : i32
      %rem3A_383 = arith.constant 4 : i32
      %rem3A_384 = arith.remsi %add3A_382, %rem3A_383 : i32
      %add3A_385 = arith.constant 1 : i32
      %add3A_386 = arith.addi %scan3A_363, %add3A_385 : i32
      %rem3A_387 = arith.constant 2 : i32
      %rem3A_388 = arith.remsi %add3A_386, %rem3A_387 : i32
      %dma_wait3A_389 = arith.constant 0 : i32
      %dma_wait3A_390 = arith.constant 0 : i32
      %dma_wait3A_391 = arith.constant 0 : i32
      %dma_wait3A_392 = tpu.memref_slice %arg6[%rem3A_366, %dma_wait3A_390, %dma_wait3A_391] : memref<3x80x128xf32, #tpu.memory_space<vmem>> -> memref<1x80x128xf32, #tpu.memory_space<vmem>>
      %dma_wait3A_393 = tpu.memref_squeeze %dma_wait3A_392 : memref<1x80x128xf32, #tpu.memory_space<vmem>> -> memref<80x128xf32, #tpu.memory_space<vmem>>
      %dma_wait3A_394 = arith.constant 0 : i32
      %dma_wait3A_395 = tpu.memref_slice %arg5[%rem3A_368, %dma_wait3A_389, %dma_wait3A_394] : memref<4x2x80xi32, #tpu.memory_space<vmem>> -> memref<1x1x80xi32, #tpu.memory_space<vmem>>
      %dma_wait3A_396 = tpu.memref_squeeze %dma_wait3A_395 : memref<1x1x80xi32, #tpu.memory_space<vmem>> -> memref<80xi32, #tpu.memory_space<vmem>>
      %dma_wait3A_397 = arith.constant 0 : i32
      %dma_wait3A_398 = arith.constant 0 : i32
      %dma_wait3A_399 = tpu.memref_slice %arg2[%dma_wait3A_397, %dma_wait3A_398] : memref<10112x128xf32, #tpu.memory_space<hbm>> -> memref<10112x128xf32, #tpu.memory_space<hbm>>
      %dma_wait3A_400 = tpu.memref_slice %arg9[%rem3A_364] : memref<2x!tpu.dma_semaphore, #tpu.memory_space<semaphore_mem>> -> memref<1x!tpu.dma_semaphore, #tpu.memory_space<semaphore_mem>>
      %dma_wait3A_401 = tpu.memref_squeeze %dma_wait3A_400 : memref<1x!tpu.dma_semaphore, #tpu.memory_space<semaphore_mem>> -> memref<!tpu.dma_semaphore, #tpu.memory_space<semaphore_mem>>
      tpu.wait_indirect_dma semaphore(%dma_wait3A_401 : memref<!tpu.dma_semaphore, #tpu.memory_space<semaphore_mem>>) src(%dma_wait3A_399 : memref<10112x128xf32, #tpu.memory_space<hbm>>) dst(%dma_wait3A_393 : memref<80x128xf32, #tpu.memory_space<vmem>>)
      %gt3A = arith.constant 0 : i32
      %gt3A_402 = arith.cmpi sgt, %scan3A_363, %gt3A : i32
      %convert_element_type3A = arith.extui %gt3A_402 : i1 to i32
      %cond3A = arith.constant 0 : i32
      %cond3A_403 = arith.cmpi ne, %convert_element_type3A, %cond3A : i32
      scf.if %cond3A_403 {
        %dma_wait3A_428 = arith.constant 1 : i32
        %dma_wait3A_429 = arith.constant 0 : i32
        %dma_wait3A_430 = arith.constant 0 : i32
        %dma_wait3A_431 = tpu.memref_slice %arg6[%rem3A_372, %dma_wait3A_429, %dma_wait3A_430] : memref<3x80x128xf32, #tpu.memory_space<vmem>> -> memref<1x80x128xf32, #tpu.memory_space<vmem>>
        %dma_wait3A_432 = tpu.memref_squeeze %dma_wait3A_431 : memref<1x80x128xf32, #tpu.memory_space<vmem>> -> memref<80x128xf32, #tpu.memory_space<vmem>>
        %dma_wait3A_433 = arith.constant 0 : i32
        %dma_wait3A_434 = tpu.memref_slice %arg5[%rem3A_376, %dma_wait3A_428, %dma_wait3A_433] : memref<4x2x80xi32, #tpu.memory_space<vmem>> -> memref<1x1x80xi32, #tpu.memory_space<vmem>>
        %dma_wait3A_435 = tpu.memref_squeeze %dma_wait3A_434 : memref<1x1x80xi32, #tpu.memory_space<vmem>> -> memref<80xi32, #tpu.memory_space<vmem>>
        %dma_wait3A_436 = arith.constant 0 : i32
        %dma_wait3A_437 = arith.constant 0 : i32
        %dma_wait3A_438 = tpu.memref_slice %arg7[%dma_wait3A_436, %dma_wait3A_437] : memref<10112x128xf32, #tpu.memory_space<vmem_shared>> -> memref<10112x128xf32, #tpu.memory_space<vmem_shared>>
        tpu.wait_indirect_dma semaphore(%arg10 : memref<!tpu.dma_semaphore, #tpu.memory_space<semaphore_mem>>) src(%dma_wait3A_432 : memref<80x128xf32, #tpu.memory_space<vmem>>) dst(%dma_wait3A_438 : memref<10112x128xf32, #tpu.memory_space<vmem_shared>>)
      } else {
      }
      %dma_start3A_404 = arith.constant 1 : i32
      %dma_start3A_405 = arith.constant 0 : i32
      %dma_start3A_406 = arith.constant 0 : i32
      %dma_start3A_407 = tpu.memref_slice %arg6[%rem3A_366, %dma_start3A_405, %dma_start3A_406] : memref<3x80x128xf32, #tpu.memory_space<vmem>> -> memref<1x80x128xf32, #tpu.memory_space<vmem>>
      %dma_start3A_408 = tpu.memref_squeeze %dma_start3A_407 : memref<1x80x128xf32, #tpu.memory_space<vmem>> -> memref<80x128xf32, #tpu.memory_space<vmem>>
      %dma_start3A_409 = arith.constant 0 : i32
      %dma_start3A_410 = tpu.memref_slice %arg5[%rem3A_368, %dma_start3A_404, %dma_start3A_409] : memref<4x2x80xi32, #tpu.memory_space<vmem>> -> memref<1x1x80xi32, #tpu.memory_space<vmem>>
      %dma_start3A_411 = tpu.memref_squeeze %dma_start3A_410 : memref<1x1x80xi32, #tpu.memory_space<vmem>> -> memref<80xi32, #tpu.memory_space<vmem>>
      %dma_start3A_412 = arith.constant 0 : i32
      %dma_start3A_413 = arith.constant 0 : i32
      %dma_start3A_414 = tpu.memref_slice %arg7[%dma_start3A_412, %dma_start3A_413] : memref<10112x128xf32, #tpu.memory_space<vmem_shared>> -> memref<10112x128xf32, #tpu.memory_space<vmem_shared>>
      tpu.enqueue_indirect_dma source(%dma_start3A_408 : memref<80x128xf32, #tpu.memory_space<vmem>>) target(%dma_start3A_414 : memref<10112x128xf32, #tpu.memory_space<vmem_shared>>) offsets(%dma_start3A_411 : memref<80xi32, #tpu.memory_space<vmem>>) semaphore(%arg10 : memref<!tpu.dma_semaphore, #tpu.memory_space<semaphore_mem>>) {add = true}
      %add3A_415 = arith.constant 2 : i32
      %add3A_416 = arith.addi %scan3A_363, %add3A_415 : i32
      %lt3A = arith.constant 125 : i32
      %lt3A_417 = arith.cmpi slt, %add3A_416, %lt3A : i32
      %convert_element_type3A_418 = arith.extui %lt3A_417 : i1 to i32
      %cond3A_419 = arith.constant 0 : i32
      %cond3A_420 = arith.cmpi ne, %convert_element_type3A_418, %cond3A_419 : i32
      scf.if %cond3A_420 {
        %add3A_428 = arith.constant 2 : i32
        %add3A_429 = arith.addi %scan3A_363, %add3A_428 : i32
        %dma_wait3A_430 = arith.constant 0 : i32
        %dma_wait3A_431 = arith.constant 0 : i32
        %dma_wait3A_432 = tpu.memref_slice %arg5[%rem3A_384, %dma_wait3A_430, %dma_wait3A_431] : memref<4x2x80xi32, #tpu.memory_space<vmem>> -> memref<1x2x80xi32, #tpu.memory_space<vmem>>
        %dma_wait3A_433 = tpu.memref_squeeze %dma_wait3A_432 : memref<1x2x80xi32, #tpu.memory_space<vmem>> -> memref<2x80xi32, #tpu.memory_space<vmem>>
        %dma_wait3A_434 = arith.constant 0 : i32
        %dma_wait3A_435 = arith.constant 0 : i32
        %dma_wait3A_436 = tpu.memref_slice %arg3[%add3A, %add3A_429, %dma_wait3A_434, %dma_wait3A_435] : memref<32x125x2x80xi32, #tpu.memory_space<hbm>> -> memref<1x1x2x80xi32, #tpu.memory_space<hbm>>
        %dma_wait3A_437 = tpu.memref_squeeze %dma_wait3A_436 : memref<1x1x2x80xi32, #tpu.memory_space<hbm>> -> memref<2x80xi32, #tpu.memory_space<hbm>>
        %dma_wait3A_438 = tpu.memref_slice %arg8[%rem3A_364] : memref<2x!tpu.dma_semaphore, #tpu.memory_space<semaphore_mem>> -> memref<1x!tpu.dma_semaphore, #tpu.memory_space<semaphore_mem>>
        %dma_wait3A_439 = tpu.memref_squeeze %dma_wait3A_438 : memref<1x!tpu.dma_semaphore, #tpu.memory_space<semaphore_mem>> -> memref<!tpu.dma_semaphore, #tpu.memory_space<semaphore_mem>>
        %dma_wait3A_440 = arith.constant 0 : i32
        %dma_wait3A_441 = arith.constant 0 : i32
        %dma_wait3A_442 = tpu.memref_slice %arg5[%rem3A_384, %dma_wait3A_440, %dma_wait3A_441] : memref<4x2x80xi32, #tpu.memory_space<vmem>> -> memref<1x2x80xi32, #tpu.memory_space<vmem>>
        %dma_wait3A_443 = tpu.memref_squeeze %dma_wait3A_442 : memref<1x2x80xi32, #tpu.memory_space<vmem>> -> memref<2x80xi32, #tpu.memory_space<vmem>>
        %dma_wait3A_444 = arith.constant 0 : i32
        %dma_wait3A_445 = arith.constant 0 : i32
        %dma_wait3A_446 = tpu.memref_slice %arg3[%add3A, %add3A_429, %dma_wait3A_444, %dma_wait3A_445] : memref<32x125x2x80xi32, #tpu.memory_space<hbm>> -> memref<1x1x2x80xi32, #tpu.memory_space<hbm>>
        %dma_wait3A_447 = tpu.memref_squeeze %dma_wait3A_446 : memref<1x1x2x80xi32, #tpu.memory_space<hbm>> -> memref<2x80xi32, #tpu.memory_space<hbm>>
        tpu.wait_dma2 semaphore(%dma_wait3A_439 : memref<!tpu.dma_semaphore, #tpu.memory_space<semaphore_mem>>) src(%dma_wait3A_447 : memref<2x80xi32, #tpu.memory_space<hbm>>) dst(%dma_wait3A_443 : memref<2x80xi32, #tpu.memory_space<vmem>>)
        %dma_start3A_448 = arith.constant 0 : i32
        %dma_start3A_449 = arith.constant 0 : i32
        %dma_start3A_450 = arith.constant 0 : i32
        %dma_start3A_451 = tpu.memref_slice %arg6[%rem3A_380, %dma_start3A_449, %dma_start3A_450] : memref<3x80x128xf32, #tpu.memory_space<vmem>> -> memref<1x80x128xf32, #tpu.memory_space<vmem>>
        %dma_start3A_452 = tpu.memref_squeeze %dma_start3A_451 : memref<1x80x128xf32, #tpu.memory_space<vmem>> -> memref<80x128xf32, #tpu.memory_space<vmem>>
        %dma_start3A_453 = arith.constant 0 : i32
        %dma_start3A_454 = tpu.memref_slice %arg5[%rem3A_384, %dma_start3A_448, %dma_start3A_453] : memref<4x2x80xi32, #tpu.memory_space<vmem>> -> memref<1x1x80xi32, #tpu.memory_space<vmem>>
        %dma_start3A_455 = tpu.memref_squeeze %dma_start3A_454 : memref<1x1x80xi32, #tpu.memory_space<vmem>> -> memref<80xi32, #tpu.memory_space<vmem>>
        %dma_start3A_456 = arith.constant 0 : i32
        %dma_start3A_457 = arith.constant 0 : i32
        %dma_start3A_458 = tpu.memref_slice %arg2[%dma_start3A_456, %dma_start3A_457] : memref<10112x128xf32, #tpu.memory_space<hbm>> -> memref<10112x128xf32, #tpu.memory_space<hbm>>
        %dma_start3A_459 = tpu.memref_slice %arg9[%rem3A_364] : memref<2x!tpu.dma_semaphore, #tpu.memory_space<semaphore_mem>> -> memref<1x!tpu.dma_semaphore, #tpu.memory_space<semaphore_mem>>
        %dma_start3A_460 = tpu.memref_squeeze %dma_start3A_459 : memref<1x!tpu.dma_semaphore, #tpu.memory_space<semaphore_mem>> -> memref<!tpu.dma_semaphore, #tpu.memory_space<semaphore_mem>>
        tpu.enqueue_indirect_dma source(%dma_start3A_458 : memref<10112x128xf32, #tpu.memory_space<hbm>>) target(%dma_start3A_452 : memref<80x128xf32, #tpu.memory_space<vmem>>) offsets(%dma_start3A_455 : memref<80xi32, #tpu.memory_space<vmem>>) semaphore(%dma_start3A_460 : memref<!tpu.dma_semaphore, #tpu.memory_space<semaphore_mem>>)
      } else {
      }
      %add3A_421 = arith.constant 3 : i32
      %add3A_422 = arith.addi %scan3A_363, %add3A_421 : i32
      %lt3A_423 = arith.constant 125 : i32
      %lt3A_424 = arith.cmpi slt, %add3A_422, %lt3A_423 : i32
      %convert_element_type3A_425 = arith.extui %lt3A_424 : i1 to i32
      %cond3A_426 = arith.constant 0 : i32
      %cond3A_427 = arith.cmpi ne, %convert_element_type3A_425, %cond3A_426 : i32
      scf.if %cond3A_427 {
        %add3A_428 = arith.constant 3 : i32
        %add3A_429 = arith.addi %scan3A_363, %add3A_428 : i32
        %dma_start3A_430 = arith.constant 0 : i32
        %dma_start3A_431 = arith.constant 0 : i32
        %dma_start3A_432 = tpu.memref_slice %arg5[%rem3A_376, %dma_start3A_430, %dma_start3A_431] : memref<4x2x80xi32, #tpu.memory_space<vmem>> -> memref<1x2x80xi32, #tpu.memory_space<vmem>>
        %dma_start3A_433 = tpu.memref_squeeze %dma_start3A_432 : memref<1x2x80xi32, #tpu.memory_space<vmem>> -> memref<2x80xi32, #tpu.memory_space<vmem>>
        %dma_start3A_434 = arith.constant 0 : i32
        %dma_start3A_435 = arith.constant 0 : i32
        %dma_start3A_436 = tpu.memref_slice %arg3[%add3A, %add3A_429, %dma_start3A_434, %dma_start3A_435] : memref<32x125x2x80xi32, #tpu.memory_space<hbm>> -> memref<1x1x2x80xi32, #tpu.memory_space<hbm>>
        %dma_start3A_437 = tpu.memref_squeeze %dma_start3A_436 : memref<1x1x2x80xi32, #tpu.memory_space<hbm>> -> memref<2x80xi32, #tpu.memory_space<hbm>>
        %dma_start3A_438 = tpu.memref_slice %arg8[%rem3A_388] : memref<2x!tpu.dma_semaphore, #tpu.memory_space<semaphore_mem>> -> memref<1x!tpu.dma_semaphore, #tpu.memory_space<semaphore_mem>>
        %dma_start3A_439 = tpu.memref_squeeze %dma_start3A_438 : memref<1x!tpu.dma_semaphore, #tpu.memory_space<semaphore_mem>> -> memref<!tpu.dma_semaphore, #tpu.memory_space<semaphore_mem>>
        %dma_start3A_440 = arith.constant 0 : i32
        %dma_start3A_441 = arith.constant 0 : i32
        %dma_start3A_442 = tpu.memref_slice %arg5[%rem3A_376, %dma_start3A_440, %dma_start3A_441] : memref<4x2x80xi32, #tpu.memory_space<vmem>> -> memref<1x2x80xi32, #tpu.memory_space<vmem>>
        %dma_start3A_443 = tpu.memref_squeeze %dma_start3A_442 : memref<1x2x80xi32, #tpu.memory_space<vmem>> -> memref<2x80xi32, #tpu.memory_space<vmem>>
        %dma_start3A_444 = arith.constant 0 : i32
        %dma_start3A_445 = arith.constant 0 : i32
        %dma_start3A_446 = tpu.memref_slice %arg3[%add3A, %add3A_429, %dma_start3A_444, %dma_start3A_445] : memref<32x125x2x80xi32, #tpu.memory_space<hbm>> -> memref<1x1x2x80xi32, #tpu.memory_space<hbm>>
        %dma_start3A_447 = tpu.memref_squeeze %dma_start3A_446 : memref<1x1x2x80xi32, #tpu.memory_space<hbm>> -> memref<2x80xi32, #tpu.memory_space<hbm>>
        tpu.enqueue_dma source(%dma_start3A_447 : memref<2x80xi32, #tpu.memory_space<hbm>>) target(%dma_start3A_443 : memref<2x80xi32, #tpu.memory_space<vmem>>) target_semaphore(%dma_start3A_439 : memref<!tpu.dma_semaphore, #tpu.memory_space<semaphore_mem>>)
      } else {
      }
    }
    %scan3A_348 = arith.constant 125 : i32
    %dma_wait3A_349 = arith.constant 1 : i32
    %dma_wait3A_350 = arith.constant 0 : i32
    %dma_wait3A_351 = arith.constant 1 : i32
    %dma_wait3A_352 = arith.constant 0 : i32
    %dma_wait3A_353 = arith.constant 0 : i32
    %dma_wait3A_354 = tpu.memref_slice %arg6[%dma_wait3A_349, %dma_wait3A_352, %dma_wait3A_353] : memref<3x80x128xf32, #tpu.memory_space<vmem>> -> memref<1x80x128xf32, #tpu.memory_space<vmem>>
    %dma_wait3A_355 = tpu.memref_squeeze %dma_wait3A_354 : memref<1x80x128xf32, #tpu.memory_space<vmem>> -> memref<80x128xf32, #tpu.memory_space<vmem>>
    %dma_wait3A_356 = arith.constant 0 : i32
    %dma_wait3A_357 = tpu.memref_slice %arg5[%dma_wait3A_350, %dma_wait3A_351, %dma_wait3A_356] : memref<4x2x80xi32, #tpu.memory_space<vmem>> -> memref<1x1x80xi32, #tpu.memory_space<vmem>>
    %dma_wait3A_358 = tpu.memref_squeeze %dma_wait3A_357 : memref<1x1x80xi32, #tpu.memory_space<vmem>> -> memref<80xi32, #tpu.memory_space<vmem>>
    %dma_wait3A_359 = arith.constant 0 : i32
    %dma_wait3A_360 = arith.constant 0 : i32
    %dma_wait3A_361 = tpu.memref_slice %arg7[%dma_wait3A_359, %dma_wait3A_360] : memref<10112x128xf32, #tpu.memory_space<vmem_shared>> -> memref<10112x128xf32, #tpu.memory_space<vmem_shared>>
    tpu.wait_indirect_dma semaphore(%arg10 : memref<!tpu.dma_semaphore, #tpu.memory_space<semaphore_mem>>) src(%dma_wait3A_355 : memref<80x128xf32, #tpu.memory_space<vmem>>) dst(%dma_wait3A_361 : memref<10112x128xf32, #tpu.memory_space<vmem_shared>>)
    %barrier3A_362 = arith.constant 0 : index
    tpu.barrier barrier_id(%barrier3A_362)
    "tpu.region"() ({
      %run_scoped3A_363 = tpu.sem_alloc : memref<!tpu.dma_semaphore, #tpu.memory_space<semaphore_mem>>
      %dma_start3A_364 = arith.constant 0 : i32
      %dma_start3A_365 = tpu.memref_slice %arg4[%arg0, %mul3A_8, %dma_start3A_364] : memref<2x10112x128xf32, #tpu.memory_space<hbm>> -> memref<1x632x128xf32, #tpu.memory_space<hbm>>
      %dma_start3A_366 = tpu.memref_squeeze %dma_start3A_365 : memref<1x632x128xf32, #tpu.memory_space<hbm>> -> memref<632x128xf32, #tpu.memory_space<hbm>>
      %dma_start3A_367 = arith.constant 0 : i32
      %dma_start3A_368 = tpu.memref_slice %arg7[%mul3A_8, %dma_start3A_367] : memref<10112x128xf32, #tpu.memory_space<vmem_shared>> -> memref<632x128xf32, #tpu.memory_space<vmem_shared>>
      tpu.enqueue_dma source(%dma_start3A_368 : memref<632x128xf32, #tpu.memory_space<vmem_shared>>) target(%dma_start3A_366 : memref<632x128xf32, #tpu.memory_space<hbm>>) target_semaphore(%run_scoped3A_363 : memref<!tpu.dma_semaphore, #tpu.memory_space<semaphore_mem>>)
      %dma_wait3A_369 = arith.constant 0 : i32
      %dma_wait3A_370 = tpu.memref_slice %arg4[%arg0, %mul3A_8, %dma_wait3A_369] : memref<2x10112x128xf32, #tpu.memory_space<hbm>> -> memref<1x632x128xf32, #tpu.memory_space<hbm>>
      %dma_wait3A_371 = tpu.memref_squeeze %dma_wait3A_370 : memref<1x632x128xf32, #tpu.memory_space<hbm>> -> memref<632x128xf32, #tpu.memory_space<hbm>>
      %dma_wait3A_372 = arith.constant 0 : i32
      %dma_wait3A_373 = tpu.memref_slice %arg7[%mul3A_8, %dma_wait3A_372] : memref<10112x128xf32, #tpu.memory_space<vmem_shared>> -> memref<632x128xf32, #tpu.memory_space<vmem_shared>>
      tpu.wait_dma2 semaphore(%run_scoped3A_363 : memref<!tpu.dma_semaphore, #tpu.memory_space<semaphore_mem>>) src(%dma_wait3A_373 : memref<632x128xf32, #tpu.memory_space<vmem_shared>>) dst(%dma_wait3A_371 : memref<632x128xf32, #tpu.memory_space<hbm>>)
      tpu.yield
    }) : () -> ()
    return
  }
}

module attributes {stable_mosaic.version = 14 : i64} {
  func.func @_scales_x0_body(%arg0: i32, %arg1: memref<1280x32xf32, #tpu.memory_space<vmem>>, %arg2: memref<1280x32xf32, #tpu.memory_space<vmem>>, %arg3: memref<1280x128xf32, #tpu.memory_space<vmem>>, %arg4: memref<1280x128xf32, #tpu.memory_space<vmem>>, %arg5: memref<1280x1xf32, #tpu.memory_space<vmem>>, %arg6: memref<1280x1xf32, #tpu.memory_space<vmem>>, %arg7: memref<1280x1xf32, #tpu.memory_space<vmem>>, %arg8: memref<1280x1xf32, #tpu.memory_space<vmem>>) attributes {dimension_semantics = [#tpu.dimension_semantics<arbitrary>], iteration_bounds = array<i64: 8>, scalar_prefetch = 0 : i64, scratch_operands = 0 : i64, tpu.core_type = #tpu.core_type<tc>, window_params = [{transform_indices = @transform_0, window_bounds = array<i64: 1280, 32>}, {transform_indices = @transform_1, window_bounds = array<i64: 1280, 32>}, {transform_indices = @transform_2, window_bounds = array<i64: 1280, 128>}, {transform_indices = @transform_3, window_bounds = array<i64: 1280, 128>}, {transform_indices = @transform_4, window_bounds = array<i64: 1280, 1>}, {transform_indices = @transform_5, window_bounds = array<i64: 1280, 1>}, {transform_indices = @transform_6, window_bounds = array<i64: 1280, 1>}, {transform_indices = @transform_7, window_bounds = array<i64: 1280, 1>}]} {
    %get3A = arith.constant 0 : index
    %get3A_0 = arith.constant 0 : index
    %get3A_1 = vector.load %arg1[%get3A, %get3A_0] : memref<1280x32xf32, #tpu.memory_space<vmem>>, vector<1280x32xf32>
    %reduce_sum3A = arith.constant dense<0.000000e+00> : vector<1280xf32>
    %reduce_sum3A_2 = vector.multi_reduction <add>, %get3A_1, %reduce_sum3A [1] : vector<1280x32xf32> to vector<1280xf32>
    %broadcast_in_dim3A = vector.shape_cast %reduce_sum3A_2 : vector<1280xf32> to vector<1280x1xf32>
    %get3A_3 = arith.constant 0 : index
    %get3A_4 = arith.constant 0 : index
    %get3A_5 = vector.load %arg2[%get3A_3, %get3A_4] : memref<1280x32xf32, #tpu.memory_space<vmem>>, vector<1280x32xf32>
    %reduce_sum3A_6 = arith.constant dense<0.000000e+00> : vector<1280xf32>
    %reduce_sum3A_7 = vector.multi_reduction <add>, %get3A_5, %reduce_sum3A_6 [1] : vector<1280x32xf32> to vector<1280xf32>
    %broadcast_in_dim3A_8 = vector.shape_cast %reduce_sum3A_7 : vector<1280xf32> to vector<1280x1xf32>
    %max3A = arith.constant 1.000000e+00 : f32
    %max3A_9 = vector.broadcast %max3A : f32 to vector<1280x1xf32>
    %max3A_10 = arith.maximumf %broadcast_in_dim3A, %max3A_9 : vector<1280x1xf32>
    %rsqrt3A = math.rsqrt %max3A_10 : vector<1280x1xf32>
    %max3A_11 = arith.constant 1.000000e+00 : f32
    %max3A_12 = vector.broadcast %max3A_11 : f32 to vector<1280x1xf32>
    %max3A_13 = arith.maximumf %broadcast_in_dim3A_8, %max3A_12 : vector<1280x1xf32>
    %rsqrt3A_14 = math.rsqrt %max3A_13 : vector<1280x1xf32>
    %get3A_15 = arith.constant 0 : index
    %get3A_16 = arith.constant 0 : index
    %get3A_17 = vector.load %arg3[%get3A_15, %get3A_16] : memref<1280x128xf32, #tpu.memory_space<vmem>>, vector<1280x128xf32>
    %mul3A = vector.broadcast %rsqrt3A : vector<1280x1xf32> to vector<1280x128xf32>
    %mul3A_18 = arith.mulf %get3A_17, %mul3A : vector<1280x128xf32>
    %swap3A = arith.constant 0 : index
    %swap3A_19 = arith.constant 0 : index
    %swap3A_20 = vector.load %arg4[%swap3A, %swap3A_19] : memref<1280x128xf32, #tpu.memory_space<vmem>>, vector<1280x128xf32>
    tpu.vector_store %arg4[%swap3A, %swap3A_19], %mul3A_18 {strides = array<i32>} : memref<1280x128xf32, #tpu.memory_space<vmem>>, vector<1280x128xf32>,
    %mul3A_21 = arith.mulf %rsqrt3A, %rsqrt3A_14 : vector<1280x1xf32>
    %swap3A_22 = arith.constant 0 : index
    %swap3A_23 = arith.constant 0 : index
    %swap3A_24 = vector.load %arg5[%swap3A_22, %swap3A_23] : memref<1280x1xf32, #tpu.memory_space<vmem>>, vector<1280x1xf32>
    tpu.vector_store %arg5[%swap3A_22, %swap3A_23], %mul3A_21 {strides = array<i32>} : memref<1280x1xf32, #tpu.memory_space<vmem>>, vector<1280x1xf32>,
    %swap3A_25 = arith.constant 0 : index
    %swap3A_26 = arith.constant 0 : index
    %swap3A_27 = vector.load %arg6[%swap3A_25, %swap3A_26] : memref<1280x1xf32, #tpu.memory_space<vmem>>, vector<1280x1xf32>
    tpu.vector_store %arg6[%swap3A_25, %swap3A_26], %rsqrt3A {strides = array<i32>} : memref<1280x1xf32, #tpu.memory_space<vmem>>, vector<1280x1xf32>,
    %swap3A_28 = arith.constant 0 : index
    %swap3A_29 = arith.constant 0 : index
    %swap3A_30 = vector.load %arg7[%swap3A_28, %swap3A_29] : memref<1280x1xf32, #tpu.memory_space<vmem>>, vector<1280x1xf32>
    tpu.vector_store %arg7[%swap3A_28, %swap3A_29], %rsqrt3A_14 {strides = array<i32>} : memref<1280x1xf32, #tpu.memory_space<vmem>>, vector<1280x1xf32>,
    %swap3A_31 = arith.constant 0 : index
    %swap3A_32 = arith.constant 0 : index
    %swap3A_33 = vector.load %arg8[%swap3A_31, %swap3A_32] : memref<1280x1xf32, #tpu.memory_space<vmem>>, vector<1280x1xf32>
    tpu.vector_store %arg8[%swap3A_31, %swap3A_32], %broadcast_in_dim3A_8 {strides = array<i32>} : memref<1280x1xf32, #tpu.memory_space<vmem>>, vector<1280x1xf32>,
    return
  }
  func.func @transform_0(%arg0: i32) -> (i32, i32) {
    %c0_i32 = arith.constant 0 : i32
    %c0_i32_0 = arith.constant 0 : i32
    return %arg0, %c0_i32 : i32, i32
  }
  func.func @transform_1(%arg0: i32) -> (i32, i32) {
    %c0_i32 = arith.constant 0 : i32
    %c0_i32_0 = arith.constant 0 : i32
    return %arg0, %c0_i32 : i32, i32
  }
  func.func @transform_2(%arg0: i32) -> (i32, i32) {
    %c0_i32 = arith.constant 0 : i32
    %c0_i32_0 = arith.constant 0 : i32
    return %arg0, %c0_i32 : i32, i32
  }
  func.func @transform_3(%arg0: i32) -> (i32, i32) {
    %c0_i32 = arith.constant 0 : i32
    %c0_i32_0 = arith.constant 0 : i32
    return %arg0, %c0_i32 : i32, i32
  }
  func.func @transform_4(%arg0: i32) -> (i32, i32) {
    %c0_i32 = arith.constant 0 : i32
    %c0_i32_0 = arith.constant 0 : i32
    return %arg0, %c0_i32 : i32, i32
  }
  func.func @transform_5(%arg0: i32) -> (i32, i32) {
    %c0_i32 = arith.constant 0 : i32
    %c0_i32_0 = arith.constant 0 : i32
    return %arg0, %c0_i32 : i32, i32
  }
  func.func @transform_6(%arg0: i32) -> (i32, i32) {
    %c0_i32 = arith.constant 0 : i32
    %c0_i32_0 = arith.constant 0 : i32
    return %arg0, %c0_i32 : i32, i32
  }
  func.func @transform_7(%arg0: i32) -> (i32, i32) {
    %c0_i32 = arith.constant 0 : i32
    %c0_i32_0 = arith.constant 0 : i32
    return %arg0, %c0_i32 : i32, i32
  }
}

module attributes {stable_mosaic.version = 14 : i64} {
  func.func @_combine_body(%arg0: i32, %arg1: memref<1x400x128xf32, #tpu.memory_space<vmem>>, %arg2: memref<1x400x128xf32, #tpu.memory_space<vmem>>, %arg3: memref<400x1xf32, #tpu.memory_space<vmem>>, %arg4: memref<400x1xf32, #tpu.memory_space<vmem>>, %arg5: memref<1x128xf32, #tpu.memory_space<vmem>>, %arg6: memref<400x128xf32, #tpu.memory_space<vmem>>) attributes {dimension_semantics = [#tpu.dimension_semantics<arbitrary>], iteration_bounds = array<i64: 25>, scalar_prefetch = 0 : i64, scratch_operands = 0 : i64, tpu.core_type = #tpu.core_type<tc>, window_params = [{transform_indices = @transform_0, window_bounds = array<i64: 1, 400, 128>}, {transform_indices = @transform_1, window_bounds = array<i64: 1, 400, 128>}, {transform_indices = @transform_2, window_bounds = array<i64: 400, 1>}, {transform_indices = @transform_3, window_bounds = array<i64: 400, 1>}, {pipeline_mode = #tpu.pipeline_mode<synchronous>, transform_indices = @transform_4, window_bounds = array<i64: 1, 128>}, {transform_indices = @transform_5, window_bounds = array<i64: 400, 128>}]} {
    %get3A = arith.constant 0 : index
    %get3A_0 = arith.constant 0 : index
    %get3A_1 = arith.constant 0 : index
    %get3A_2 = vector.load %arg1[%get3A, %get3A_0, %get3A_1] : memref<1x400x128xf32, #tpu.memory_space<vmem>>, vector<1x400x128xf32>
    %get3A_3 = vector.shape_cast %get3A_2 : vector<1x400x128xf32> to vector<400x128xf32>
    %get3A_4 = arith.constant 0 : index
    %get3A_5 = arith.constant 0 : index
    %get3A_6 = arith.constant 0 : index
    %get3A_7 = vector.load %arg2[%get3A_4, %get3A_5, %get3A_6] : memref<1x400x128xf32, #tpu.memory_space<vmem>>, vector<1x400x128xf32>
    %get3A_8 = vector.shape_cast %get3A_7 : vector<1x400x128xf32> to vector<400x128xf32>
    %add3A = arith.addf %get3A_3, %get3A_8 : vector<400x128xf32>
    %get3A_9 = arith.constant 0 : index
    %get3A_10 = arith.constant 0 : index
    %get3A_11 = vector.load %arg3[%get3A_9, %get3A_10] : memref<400x1xf32, #tpu.memory_space<vmem>>, vector<400x1xf32>
    %mul3A = vector.broadcast %get3A_11 : vector<400x1xf32> to vector<400x128xf32>
    %mul3A_12 = arith.mulf %add3A, %mul3A : vector<400x128xf32>
    %get3A_13 = arith.constant 0 : index
    %get3A_14 = arith.constant 0 : index
    %get3A_15 = vector.load %arg4[%get3A_13, %get3A_14] : memref<400x1xf32, #tpu.memory_space<vmem>>, vector<400x1xf32>
    %get3A_16 = arith.constant 0 : index
    %get3A_17 = arith.constant 0 : index
    %get3A_18 = vector.load %arg5[%get3A_16, %get3A_17] : memref<1x128xf32, #tpu.memory_space<vmem>>, vector<1x128xf32>
    %mul3A_19 = vector.broadcast %get3A_15 : vector<400x1xf32> to vector<400x128xf32>
    %mul3A_20 = vector.broadcast %get3A_18 : vector<1x128xf32> to vector<400x128xf32>
    %mul3A_21 = arith.mulf %mul3A_19, %mul3A_20 : vector<400x128xf32>
    %add3A_22 = arith.addf %mul3A_12, %mul3A_21 : vector<400x128xf32>
    %swap3A = arith.constant 0 : index
    %swap3A_23 = arith.constant 0 : index
    %swap3A_24 = vector.load %arg6[%swap3A, %swap3A_23] : memref<400x128xf32, #tpu.memory_space<vmem>>, vector<400x128xf32>
    tpu.vector_store %arg6[%swap3A, %swap3A_23], %add3A_22 {strides = array<i32>} : memref<400x128xf32, #tpu.memory_space<vmem>>, vector<400x128xf32>,
    return
  }
  func.func @transform_0(%arg0: i32) -> (i32, i32, i32) {
    %c0_i32 = arith.constant 0 : i32
    %c0_i32_0 = arith.constant 0 : i32
    %c0_i32_1 = arith.constant 0 : i32
    return %c0_i32, %arg0, %c0_i32_0 : i32, i32, i32
  }
  func.func @transform_1(%arg0: i32) -> (i32, i32, i32) {
    %c1_i32 = arith.constant 1 : i32
    %c0_i32 = arith.constant 0 : i32
    %c0_i32_0 = arith.constant 0 : i32
    return %c1_i32, %arg0, %c0_i32 : i32, i32, i32
  }
  func.func @transform_2(%arg0: i32) -> (i32, i32) {
    %c0_i32 = arith.constant 0 : i32
    %c0_i32_0 = arith.constant 0 : i32
    return %arg0, %c0_i32 : i32, i32
  }
  func.func @transform_3(%arg0: i32) -> (i32, i32) {
    %c0_i32 = arith.constant 0 : i32
    %c0_i32_0 = arith.constant 0 : i32
    return %arg0, %c0_i32 : i32, i32
  }
  func.func @transform_4(%arg0: i32) -> (i32, i32) {
    %c0_i32 = arith.constant 0 : i32
    %c0_i32_0 = arith.constant 0 : i32
    %c0_i32_1 = arith.constant 0 : i32
    return %c0_i32, %c0_i32_0 : i32, i32
  }
  func.func @transform_5(%arg0: i32) -> (i32, i32) {
    %c0_i32 = arith.constant 0 : i32
    %c0_i32_0 = arith.constant 0 : i32
    return %arg0, %c0_i32 : i32, i32
  }
}

module attributes {stable_mosaic.version = 14 : i64} {
  func.func @_matmul_body(%arg0: i32, %arg1: memref<1x400x128xf32, #tpu.memory_space<vmem>>, %arg2: memref<1x400x128xf32, #tpu.memory_space<vmem>>, %arg3: memref<128x128xf32, #tpu.memory_space<vmem>>, %arg4: memref<400x1xf32, #tpu.memory_space<vmem>>, %arg5: memref<1x128xf32, #tpu.memory_space<vmem>>, %arg6: memref<400x128xf32, #tpu.memory_space<vmem>>) attributes {dimension_semantics = [#tpu.dimension_semantics<arbitrary>], iteration_bounds = array<i64: 25>, scalar_prefetch = 0 : i64, scratch_operands = 0 : i64, tpu.core_type = #tpu.core_type<tc>, window_params = [{transform_indices = @transform_0, window_bounds = array<i64: 1, 400, 128>}, {transform_indices = @transform_1, window_bounds = array<i64: 1, 400, 128>}, {pipeline_mode = #tpu.pipeline_mode<synchronous>, transform_indices = @transform_2, window_bounds = array<i64: 128, 128>}, {transform_indices = @transform_3, window_bounds = array<i64: 400, 1>}, {pipeline_mode = #tpu.pipeline_mode<synchronous>, transform_indices = @transform_4, window_bounds = array<i64: 1, 128>}, {transform_indices = @transform_5, window_bounds = array<i64: 400, 128>}]} {
    %get3A = arith.constant 0 : index
    %get3A_0 = arith.constant 0 : index
    %get3A_1 = arith.constant 0 : index
    %get3A_2 = vector.load %arg1[%get3A, %get3A_0, %get3A_1] : memref<1x400x128xf32, #tpu.memory_space<vmem>>, vector<1x400x128xf32>
    %get3A_3 = vector.shape_cast %get3A_2 : vector<1x400x128xf32> to vector<400x128xf32>
    %get3A_4 = arith.constant 0 : index
    %get3A_5 = arith.constant 0 : index
    %get3A_6 = arith.constant 0 : index
    %get3A_7 = vector.load %arg2[%get3A_4, %get3A_5, %get3A_6] : memref<1x400x128xf32, #tpu.memory_space<vmem>>, vector<1x400x128xf32>
    %get3A_8 = vector.shape_cast %get3A_7 : vector<1x400x128xf32> to vector<400x128xf32>
    %add3A = arith.addf %get3A_3, %get3A_8 : vector<400x128xf32>
    %get3A_9 = arith.constant 0 : index
    %get3A_10 = arith.constant 0 : index
    %get3A_11 = vector.load %arg3[%get3A_9, %get3A_10] : memref<128x128xf32, #tpu.memory_space<vmem>>, vector<128x128xf32>
    %dot_general3A = arith.constant dense<0.000000e+00> : vector<400x128xf32>
    %dot_general3A_12 = tpu.matmul %add3A, %get3A_11, %dot_general3A {dimension_numbers = #tpu.dot_dimension_numbers<[1], [0], [0], [1], [0, 0, 1, 1], [], []>, precision = #tpu.contract_precision<fp32>, transpose_lhs_hint = false} : vector<400x128xf32>, vector<128x128xf32>, vector<400x128xf32> -> vector<400x128xf32>
    %get3A_13 = arith.constant 0 : index
    %get3A_14 = arith.constant 0 : index
    %get3A_15 = vector.load %arg4[%get3A_13, %get3A_14] : memref<400x1xf32, #tpu.memory_space<vmem>>, vector<400x1xf32>
    %get3A_16 = arith.constant 0 : index
    %get3A_17 = arith.constant 0 : index
    %get3A_18 = vector.load %arg5[%get3A_16, %get3A_17] : memref<1x128xf32, #tpu.memory_space<vmem>>, vector<1x128xf32>
    %mul3A = vector.broadcast %get3A_15 : vector<400x1xf32> to vector<400x128xf32>
    %mul3A_19 = vector.broadcast %get3A_18 : vector<1x128xf32> to vector<400x128xf32>
    %mul3A_20 = arith.mulf %mul3A, %mul3A_19 : vector<400x128xf32>
    %add3A_21 = arith.addf %dot_general3A_12, %mul3A_20 : vector<400x128xf32>
    %swap3A = arith.constant 0 : index
    %swap3A_22 = arith.constant 0 : index
    %swap3A_23 = vector.load %arg6[%swap3A, %swap3A_22] : memref<400x128xf32, #tpu.memory_space<vmem>>, vector<400x128xf32>
    tpu.vector_store %arg6[%swap3A, %swap3A_22], %add3A_21 {strides = array<i32>} : memref<400x128xf32, #tpu.memory_space<vmem>>, vector<400x128xf32>,
    return
  }
  func.func @transform_0(%arg0: i32) -> (i32, i32, i32) {
    %c0_i32 = arith.constant 0 : i32
    %c0_i32_0 = arith.constant 0 : i32
    %c0_i32_1 = arith.constant 0 : i32
    return %c0_i32, %arg0, %c0_i32_0 : i32, i32, i32
  }
  func.func @transform_1(%arg0: i32) -> (i32, i32, i32) {
    %c1_i32 = arith.constant 1 : i32
    %c0_i32 = arith.constant 0 : i32
    %c0_i32_0 = arith.constant 0 : i32
    return %c1_i32, %arg0, %c0_i32 : i32, i32, i32
  }
  func.func @transform_2(%arg0: i32) -> (i32, i32) {
    %c0_i32 = arith.constant 0 : i32
    %c0_i32_0 = arith.constant 0 : i32
    %c0_i32_1 = arith.constant 0 : i32
    return %c0_i32, %c0_i32_0 : i32, i32
  }
  func.func @transform_3(%arg0: i32) -> (i32, i32) {
    %c0_i32 = arith.constant 0 : i32
    %c0_i32_0 = arith.constant 0 : i32
    return %arg0, %c0_i32 : i32, i32
  }
  func.func @transform_4(%arg0: i32) -> (i32, i32) {
    %c0_i32 = arith.constant 0 : i32
    %c0_i32_0 = arith.constant 0 : i32
    %c0_i32_1 = arith.constant 0 : i32
    return %c0_i32, %c0_i32_0 : i32, i32
  }
  func.func @transform_5(%arg0: i32) -> (i32, i32) {
    %c0_i32 = arith.constant 0 : i32
    %c0_i32_0 = arith.constant 0 : i32
    return %arg0, %c0_i32 : i32, i32
  }
}

</mosaic_0001>

<sc_bundles>
// kernel: kernel.10.cloned.1.call-start
scs
__scs_entry_jumppad:
0x0: {  	(pc) =	sbr.rel $0x88, $3  }
0x1: {  	(tag) =	ssettag $0x0;
	lr =	simm.s32 $0x1  }
0x2: {  	[smem:$0x3F9C] =	sst lr;
	_ =	strace $0xD0000000  }
0x3: {  	_ = 	snop  }
0x4: {  	_ = 	snop  }
0x5: {  	_ = 	snop  }
0x6: {  	_ = 	snop  }
0x7: {  	_ = 	snop  }
__scs_overlays_trampoline_lowered:
0x8: {  	[smem:$0x3FAB] =	sst s0  }
0x9: {  	[smem:$0x3FAC] =	sst s1  }
0xa: {  	[smem:$0x3FAD] =	sst s2  }
0xb: {  	[smem:$0x3FAE] =	sst s3  }
0xc: {  	[smem:$0x3FAF] =	sst s4  }
0xd: {  	[smem:$0x3FB0] =	sst s5  }
0xe: {  	[smem:$0x3FB1] =	sst s6  }
0xf: {  	[smem:$0x3FB2] =	sst s7  }
0x10: {  	[smem:$0x3FB3] =	sst s8  }
0x11: {  	[smem:$0x3FB4] =	sst s9;
	s0 =	simm.s32 @!p0 $0x0  }
0x12: {  	s1 =	sld [smem:$0x3F9A];
	s0 =	simm.s32 @p0 $0x1  }
0x13: {  	[smem:$0x3FB5] =	sst s0;
	s0 =	simm.s32 @!p1 $0x0  }
0x14: {  	s2 =	sld [smem:$0x3F99];
	s0 =	simm.s32 @p1 $0x1  }
0x15: {  	[smem:$0x3FB6] =	sst s0;
	s0 =	simm.s32 @!p2 $0x0  }
0x16: {  	s3 =	sld [smem:$0x3FDB];
	s0 =	simm.s32 @p2 $0x1  }
0x17: {  	s4 =	simm.s32 $0x1BF5;
	[smem:$0x3FB8] =	sst s0  }
0x18: {  	s0 =	sld [smem:$0x3F9B];
	_ =	swait.ge [sflag:s4], $0x0  }
0x19: {  	s7 =	sld [smem:$0x3F9C]  }
0x1a: {  	s8 =	sadd.s32 $0xFFFFE003, lr  }
0x1b: {  	s9 =	sadd.s32 $0xFFFFFEF7, lr;
	s5 =	simm.s32 $0xFFFFFFFF;
	p2 =	slt.u32 s8, $0xFFFFF086  }
0x1c: {  	p1 =	slt.u32 s9, $0xF7A;
	s5 =	simm.s32 @!p2 $0x0  }
0x1d: {  	s5 =	simm.s32 @p1 $0x1;
	p0 =	seq.s32 s7, s2  }
0x1e: {  	s7 =	smul.u32 @!p0 $0xF7A, s2;
	p2 =	seq.s32 @!p0 s5, $0x0  }
0x1f: {  	s9 =	smul.u32 $0xF7A, s1;
	s8 =	simm.s32 @!p0 $0x1BF5;
	p2 =	por !p2, p0  }
0x20: {  	[sflag:s8] =	ssyncset.s32 @!p0 $0xFFFFF086;
	s6 =	sadd.s32 @!p0 s3, s7;
	s7 =	simm.s32 @!p0 $0x108  }
0x21: {  	s3 =	sadd.s32 s3, s9;
	s6 =	sadd.s32 @!p0 $0x88, s6;
	s7 =	simm.s32 @p2 $0x1082  }
0x22: {  	[simem:s7], [sflag:s8] =	dma.local @!p0 [hbm:s6], $0xF7A  }
0x23: {  	s9 =	sor.u32 $0xD0000000, s2;
	s6 =	simm.s32 $0x108;
	_ =	swait.ge @!p0 [sflag:s8], $0x0  }
0x24: {  	s3 =	sadd.s32 $0x88, s3;
	s6 =	simm.s32 @!p1 $0x1082;
	[sflag:s4] =	ssyncset.s32 $0xFFFFF086  }
0x25: {  	[simem:s6], [sflag:s4] =	dma.local [hbm:s3], $0xF7A  }
0x26: {  	[smem:$0x3F9C] =	sst s1;
	(tag) =	ssettag s2;
	_ =	strace s9  }
0x27: {  	s1 =	sld [smem:$0x3FAC]  }
0x28: {  	s2 =	sld [smem:$0x3FAD]  }
0x29: {  	s4 =	sld [smem:$0x3FAF]  }
0x2a: {  	p0 =	seq.s32 s5, $0x0;
	s5 =	sld [smem:$0x3FB0]  }
0x2b: {  	s6 =	sld [smem:$0x3FB1]  }
0x2c: {  	s7 =	sld [smem:$0x3FB2]  }
0x2d: {  	s3 =	simm.s32 $0x108;
	s8 =	sld [smem:$0x3FB3]  }
0x2e: {  	s3 =	simm.s32 @!p0 $0x1082;
	s9 =	sld [smem:$0x3FB4]  }
0x2f: {  	lr =	sadd.s32 s0, s3;
	s0 =	sld [smem:$0x3FAB]  }
0x30: {  	s3 =	sld [smem:$0x3FAE]  }
0x31: {  	[smem:$0x3FB7] =	sst s10  }
0x32: {  	s10 =	sld [smem:$0x3FB5];
	_ =	sdelay $0x3  }
0x33: {  	p0 =	seq.s32 s10, $0x1;
	s10 =	sld [smem:$0x3FB7];
	_ =	sdelay $0x3  }
0x34: {  	[smem:$0x3FB7] =	sst s10  }
0x35: {  	s10 =	sld [smem:$0x3FB6];
	_ =	sdelay $0x3  }
0x36: {  	p1 =	seq.s32 s10, $0x1;
	s10 =	sld [smem:$0x3FB7];
	_ =	sdelay $0x3  }
0x37: {  	[smem:$0x3FB7] =	sst s10  }
0x38: {  	s10 =	sld [smem:$0x3FB8]  }
0x39: {  	_ = 	snop;
	(pc) =	sbr.ind lr, $3  }
0x3a: {  	_ = 	snop  }
0x3b: {  	_ = 	snop  }
0x3c: {  	p2 =	seq.s32 s10, $0x1;
	s10 =	sld [smem:$0x3FB7]  }
0x3d: {  	_ =	shalt  }
0x3e: {  	_ =	shalt  }
0x3f: {  	_ =	shalt  }
0x40: {  	_ =	shalt  }
0x41: {  	_ =	shalt  }
0x42: {  	_ =	shalt  }
0x43: {  	_ =	shalt  }
0x44: {  	_ =	shalt  }
0x45: {  	_ =	shalt  }
0x46: {  	_ =	shalt  }
0x47: {  	_ =	shalt  }
0x48: {  	_ =	shalt  }
0x49: {  	_ =	shalt  }
0x4a: {  	_ =	shalt  }
0x4b: {  	_ =	shalt  }
0x4c: {  	_ =	shalt  }
0x4d: {  	_ =	shalt  }
0x4e: {  	_ =	shalt  }
0x4f: {  	_ =	shalt  }
0x50: {  	_ =	shalt  }
0x51: {  	_ =	shalt  }
0x52: {  	_ =	shalt  }
0x53: {  	_ =	shalt  }
0x54: {  	_ =	shalt  }
0x55: {  	_ =	shalt  }
0x56: {  	_ =	shalt  }
0x57: {  	_ =	shalt  }
0x58: {  	_ =	shalt  }
0x59: {  	_ =	shalt  }
0x5a: {  	_ =	shalt  }
0x5b: {  	_ =	shalt  }
0x5c: {  	_ =	shalt  }
0x5d: {  	_ =	shalt  }
0x5e: {  	_ =	shalt  }
0x5f: {  	_ =	shalt  }
0x60: {  	_ =	shalt  }
0x61: {  	_ =	shalt  }
0x62: {  	_ =	shalt  }
0x63: {  	_ =	shalt  }
0x64: {  	_ =	shalt  }
0x65: {  	_ =	shalt  }
0x66: {  	_ =	shalt  }
0x67: {  	_ =	shalt  }
0x68: {  	_ =	shalt  }
0x69: {  	_ =	shalt  }
0x6a: {  	_ =	shalt  }
0x6b: {  	_ =	shalt  }
0x6c: {  	_ =	shalt  }
0x6d: {  	_ =	shalt  }
0x6e: {  	_ =	shalt  }
0x6f: {  	_ =	shalt  }
0x70: {  	_ =	shalt  }
0x71: {  	_ =	shalt  }
0x72: {  	_ =	shalt  }
0x73: {  	_ =	shalt  }
0x74: {  	_ =	shalt  }
0x75: {  	_ =	shalt  }
0x76: {  	_ =	shalt  }
0x77: {  	_ =	shalt  }
0x78: {  	_ =	shalt  }
0x79: {  	_ =	shalt  }
0x7a: {  	_ =	shalt  }
0x7b: {  	_ =	shalt  }
0x7c: {  	_ =	shalt  }
0x7d: {  	_ =	shalt  }
0x7e: {  	_ =	shalt  }
0x7f: {  	_ =	shalt  }
0x80: {  	_ =	shalt  }
0x81: {  	_ =	shalt  }
0x82: {  	_ =	shalt  }
0x83: {  	_ =	shalt  }
0x84: {  	_ =	shalt  }
0x85: {  	_ =	shalt  }
0x86: {  	_ =	shalt  }
0x87: {  	_ =	shalt  }
.Lfunc_end0:
.L_simem_size_0:
called_computation_lowered:
.L_overlay_start_0:
0x88: {  	s2 =	sld [smem:$0x3FD9]  }
0x89: {  	s3 =	sld [smem:$0x3FFE];
	_ =	sdelay $0x1  }
0x8a: {  	s1 =	srdreg.scid  }
0x8b: {  	s0 =	sand.u32 $0x1, s1  }
0x8c: {  	s16 =	sshll.u32 s0, $0xA;
	s2 =	sadd.s32 s3, s2  }
0x8d: {  	s2 =	sadd.s32 s2, s16  }
0x8e: {  	[smem:$0x3FC3] =	sst s2  }
0x8f: {  	_ = 	snop  }
0x90: {  	(tm) =	ssettm $0x1  }
0x91: {  	s17 =	sld [smem:$0x3FFB];
	_ =	sdelay $0x3  }
0x92: {  	_ =	strace s17  }
0x93: {  	s2 =	sld [smem:$0x3FFC];
	_ =	sdelay $0x3  }
0x94: {  	_ =	strace s2  }
0x95: {  	s2 =	sld [smem:$0x3FFD];
	_ =	sdelay $0x3  }
0x96: {  	_ =	strace s2  }
0x97: {  	_ =	strace $0x8FFFFFFF  }
0x98: {  	s18 =	sld [smem:$0x3FDB];
	_ =	sdelay $0x1  }
0x99: {  	s19 =	simm.s32 $_scs_section_size  }
0x9a: {  	s4 =	simm.s32 $_size__tile_overlayer_lowered;
	s5 =	simm.s32 $_tile_overlayer_lowered  }
0x9b: {  	s22 =	simm.s32 $0x1BFF;
	s21 =	sshll.u32 s5, $0x1;
	s2 =	sadd.s32 s19, s18  }
0x9c: {  	s6 =	simm.s32 $0x0;
	s20 =	sshll.u32 s4, $0x1;
	s4 =	sadd.s32 s21, s2  }
0x9d: {  	[timem:s6], [sflag:s22] =	dma.local [hbm:s4], s20  }
0x9e: {  	_ =	swait.ge [sflag:s22], s20  }
0x9f: {  	s3 =	ssub.s32 $0x0, s20;
	[sflag:s22] =	ssyncset.done $0x0  }
0xa0: {  	[sflag:s22] =	ssyncadd.s32 s3;
	_ =	sdelay $0x1  }
0xa1: {  	s23 =	simm.s32 $0x1B8B  }
0xa2: {  	_ =	swait.ge [sflag:s23], $0x1  }
0xa3: {  	[sflag:s23] =	ssyncset.done $0x0  }
0xa4: {  	s25 =	simm.s32 $0x1B8E;
	s24 =	sld [smem:$0x3FFE];
	[sflag:s23] =	ssyncadd.s32 $0xFFFFFFFF  }
0xa5: {  	s26 =	simm.s32 $execute0_lowered;
	[smem:$0x3FD2] =	sst s25  }
0xa6: {  	s4 =	sshll.u32 s26, $0x1;
	_ =	strace $0x80000046;
	[dreg:$0x1] =	wrdreg $0xFFFFFFFF  }
0xa7: {  	s28 =	simm.s32 $_size_execute0_lowered;
	s2 =	sadd.s32 s2, s4;
	[dreg:$0x0] =	wrdreg $0x0  }
0xa8: {  	s4 =	sshll.u32 s28, $0x1;
	[dreg:$0x2] =	wrdreg s2  }
0xa9: {  	[dreg:$0x3] =	wrdreg s4  }
0xaa: {  	[dreg:$0x4] =	wrdreg $0xC0  }
0xab: {  	_ =	task [dreg:s6], $0x5FFFF  }
0xac: {  	[dreg:$0x1] =	wrdreg $0xFFFFFFFF  }
0xad: {  	[dreg:$0x0] =	wrdreg $0x60  }
0xae: {  	[dreg:$0x2] =	wrdreg s24  }
0xaf: {  	[dreg:$0x3] =	wrdreg $0x9  }
0xb0: {  	_ =	task.clear_ibuf [dreg:s6], $0x4FFFF;
	_ =	strace $0x90000046  }
0xb1: {  	s29 =	simm.s32 $0x9;
	_ =	strace $0x80000048  }
0xb2: {  	_ =	swait.ge [sflag:s29], $0x1  }
0xb3: {  	[sflag:s29] =	ssyncadd.s32 $0xFFFFFFFF  }
0xb4: {  	_ =	strace $0x90000048  }
0xb5: {  	_ =	sfence  }
0xb6: {  	s30 =	sld [smem:$0x0];
	_ =	sdelay $0x2  }
0xb7: {  	s31 =	sshll.u32 s1, $0xD;
	s1 =	sshrl.u32 s1, $0x2  }
0xb8: {  	s3 =	sand.u32 $0x4000, s31;
	s1 =	sadd.s32 s1, s30  }
0xb9: {  	s0 =	sor.u32 s3, s0;
	s1 =	sshll.u32 s1, $0x11  }
0xba: {  	s0 =	sor.u32 s1, s0  }
0xbb: {  	s0 =	sadd.s32 $0x8F2B, s0  }
0xbc: {  	[sflag:s0] =	ssyncadd.remote.s32 $0x1  }
0xbd: {  	_ =	sfence.sel $0xFFFF  }
0xbe: {  	[dreg:$0x0] =	wrdreg $0xFFFFFFFF;
	(pc) =	sbr.abs _section_cstart, $3  }
0xbf: {  	[dreg:$0x1] =	wrdreg $0xFFFFFFFF  }
0xc0: {  	_ =	task.clear_ibuf [dreg:s6], $0x2FFFF;
	_ =	strace $0x9FFFFFFF  }
0xc1: {  	(tm) =	ssettm $0x7FFFFFFF  }
tec
execute0_lowered:
.L_overlay_start_1:
0x0: {  	(tag) =	ssettag $0x1  }
0x1: {  	s0 =	srdreg.scid  }
0x2: {  	s3 =	sand.u32 $0x1, s0  }
0x3: {  	s0 =	stileid.u32;
	s1 =	sshll.u32 s3, $0x4  }
0x4: {  	s5 =	rddreg [dreg:$0x0];
	s2 =	simm.s32 $0x0;
	s1 =	sor.u32 s0, s1  }
0x5: {  	s8 =	simm.s32 $0x80;
	s9 =	simm.s32 $0x400;
	s1 =	sshrl.u32 s1, $0x3  }
0x6: {  	s10 =	simm.s32 $0x1;
	s29 =	sshll.u32 s0, $0x7;
	s4 =	smul.u32 $0x13C00, s1  }
0x7: {  	s11 =	simm.s32 $0x2780;
	s12 =	simm.s32 $0x4F00;
	s6 =	sand.u32 $0x380, s29  }
0x8: {  	s13 =	simm.s32 $0x7680;
	s3 =	ssub.s32 $0x2, s3;
	s4 =	sor.u32 s6, s4  }
0x9: {  	[smem:$0x7FF] =	sst s2;
	s31 =	sshrl.u32 s3, $0x1;
	s4 =	sshrl.u32 s4, $0x3  }
0xa: {  	s7 =	ssub.s32 s3, s31;
	s1 =	rddreg [dreg:$0x1];
	s30 =	sadd.s32 s4, s5  }
0xb: {  	_ =	strace $0x80000047;
	s7 =	smax.u32 s7, $0x1;
	s3 =	sadd.s32 $0x3600, s30  }
0xc: {  	v0 =	vimm.f32 $0.0e+00;
	v1 =	vimm.f32 $1.000000000e+00;
	s4 =	sadd.s32 $0xD400, s30;
	s5 =	sadd.s32 $0x17200, s30;
	s6 =	sadd.s32 $0x21000, s30  }
.LBB2_1:
0xd: {  	s14 =	simm.s32 $0x40;
	s15 =	simm.s32 $0x0  }
.LBB2_2:
0xe: {  	p0 =	sne.s32 s14, $0x9DC0;
	[tilespmem:s15+$0x4F00] =	vst v0;
	s16 =	smov.u32 s14;
	s14 =	sadd.s32 $0x40, s14  }
.Ltmp0:
0xf: {  	[tilespmem:s15+$0x7680] =	vst v0;
	(pc) =	sbr.rel @p0 .LBB2_2-.Ltmp0, $2  }
0x10: {  	_ =	sdelay $0x2  }
0x11: {  	s15 =	sshra.s32 s16, $0x2  }
0x12: {  	[tilespmem:s15+$0x4F00] =	vst v0  }
0x13: {  	[tilespmem:s15+$0x7680] =	vst v0;
	s14 =	simm.s32 $0x0  }
0x14: {  	[tilespmem:s14], [sflag:$0x1] =	stream.strided.gather [hbm4b:s3+s8], $0x2780, s9, s8, $0x38;
	[tilespmem:$0x9E00] =	vst v63  }
0x15: {  	_ =	swait.ge [sflag:s10], $0x2780  }
0x16: {  	[sflag:s10] =	ssyncset.done $0x0  }
0x17: {  	[sflag:s10] =	ssyncadd.s32 $0xFFFFD880  }
0x18: {  	[tilespmem:s11], [sflag:$0x1] =	stream.strided.gather [hbm4b:s4+s8], $0x2780, s9, s8, $0x38;
	[tilespmem:$0x9E00] =	vst v63  }
0x19: {  	_ =	swait.ge [sflag:s10], $0x2780  }
0x1a: {  	[sflag:s10] =	ssyncset.done $0x0  }
0x1b: {  	s15 =	simm.s32 $0x0;
	[sflag:s10] =	ssyncadd.s32 $0xFFFFD880  }
0x1c: {  	s14 =	simm.s32 $0x40;
	v2 =	vld [tilespmem:s15+$0x0]  }
.LBB2_4:
0x1d: {  	p0 =	sne.s32 s14, $0x9C00;
	v3 =	vld [tilespmem:s15+$0x2780];
	_ =	sdelay $0x4  }
.Ltmp1:
0x1e: {  	(pc) =	sbr.rel @p0 .LBB2_4-.Ltmp1, $4  }
0x1f: {  	_ = 	snop  }
0x20: {  	[tilespmem:v2+s12+$0x0] =	vst.idx.add.f32.msk $0xffff, v1  }
0x21: {  	s15 =	sshra.s32 s14, $0x2;
	[tilespmem:v3+s13+$0x0] =	vst.idx.add.f32.msk $0xffff, v1  }
0x22: {  	s14 =	sadd.s32 $0x40, s14;
	v2 =	vld [tilespmem:s15+$0x0]  }
0x23: {  	_ = 	snop  }
0x24: {  	v3 =	vld [tilespmem:s15+$0x2780];
	_ =	sdelay $0x6  }
0x25: {  	[tilespmem:v2+s12+$0x0] =	vst.idx.add.f32.msk $0xffff, v1  }
0x26: {  	[tilespmem:v3+s13+$0x0] =	vst.idx.add.f32.msk $0xffff, v1  }
0x27: {  	[hbm4b:s5+s8] =	stream.strided.scatter [tilespmem:s12], [sflag:$0x1], $0x2780, s9, s8, $0x38;
	[tilespmem:$0x9E00] =	vst v63  }
0x28: {  	s2 =	sadd.s32 $0x1, s2;
	_ =	swait.ge [sflag:s10], $0x2780  }
0x29: {  	p0 =	sne.s32 s2, s7;
	[sflag:s10] =	ssyncset.done $0x0  }
.Ltmp2:
0x2a: {  	[sflag:s10] =	ssyncadd.s32 $0xFFFFD880;
	(pc) =	sbr.rel @p0 .LBB2_1-.Ltmp2, $4  }
0x2b: {  	[hbm4b:s6+s8] =	stream.strided.scatter [tilespmem:s13], [sflag:$0x1], $0x2780, s9, s8, $0x38;
	[tilespmem:$0x9E00] =	vst v63  }
0x2c: {  	_ =	swait.ge [sflag:s10], $0x2780  }
0x2d: {  	[sflag:s10] =	ssyncset.done $0x0  }
0x2e: {  	[sflag:s10] =	ssyncadd.s32 $0xFFFFD880  }
0x2f: {  	_ =	sfence.sel $0x180000  }
0x30: {  	[bflag:$0x0] =	sbarrier.arrive $0xFFFF  }
0x31: {  	p0 =	sne.s32 s0, $0x0;
	_ =	strace $0x90000047  }
0x32: {  	s0 =	sadd.s32 @!p0 $0x100000, s1;
	[bflag:$0x2] =	sbarrier.arrive $0xFFFF  }
0x33: {  	[sflag:s0] =	ssyncadd.tile.s32 @!p0 $0x1;
	_ =	shalt  }
.Lfunc_end2:
_tile_overlayer_lowered:
.L_overlay_start_2:
0x34: {  	(tag) =	ssettag $0x2  }
0x35: {  	s0 =	rddreg [dreg:$0x0];
	s2 =	stileid.u32  }
0x36: {  	s1 =	rddreg [dreg:$0x1];
	p0 =	sne.s32 s2, $0x0  }
0x37: {  	s3 =	rddreg [dreg:$0x2];
	[bflag:$0x3] =	sbarrier.arrive $0xFFFF;
	s2 =	simm.s32 @!p0 $0x1C01  }
0x38: {  	[timem:s3], [sflag:s2] =	dma.local @!p0 [hbm:s0], s1  }
0x39: {  	s0 =	simm.s32 @!p0 $0x1  }
0x3a: {  	_ =	swait.ge @!p0 [sflag:s0], s1  }
0x3b: {  	s1 =	ssub.s32 @!p0 $0x0, s1;
	[sflag:s0] =	ssyncset.done @!p0 $0x0  }
0x3c: {  	[sflag:s0] =	ssyncadd.s32 @!p0 s1  }
0x3d: {  	[bflag:$0x3] =	sbarrier.arrive $0xFFFF  }
0x3e: {  	_ =	shalt  }

// kernel: kernel.13.cloned.1.call-start
scs
__scs_entry_jumppad:
0x0: {  	(pc) =	sbr.rel $0x88, $3  }
0x1: {  	(tag) =	ssettag $0x0;
	lr =	simm.s32 $0x1  }
0x2: {  	[smem:$0x3F9C] =	sst lr;
	_ =	strace $0xD0000000  }
0x3: {  	_ = 	snop  }
0x4: {  	_ = 	snop  }
0x5: {  	_ = 	snop  }
0x6: {  	_ = 	snop  }
0x7: {  	_ = 	snop  }
__scs_overlays_trampoline_lowered:
0x8: {  	[smem:$0x3FAB] =	sst s0  }
0x9: {  	[smem:$0x3FAC] =	sst s1  }
0xa: {  	[smem:$0x3FAD] =	sst s2  }
0xb: {  	[smem:$0x3FAE] =	sst s3  }
0xc: {  	[smem:$0x3FAF] =	sst s4  }
0xd: {  	[smem:$0x3FB0] =	sst s5  }
0xe: {  	[smem:$0x3FB1] =	sst s6  }
0xf: {  	[smem:$0x3FB2] =	sst s7  }
0x10: {  	[smem:$0x3FB3] =	sst s8  }
0x11: {  	[smem:$0x3FB4] =	sst s9;
	s0 =	simm.s32 @!p0 $0x0  }
0x12: {  	s1 =	sld [smem:$0x3F9A];
	s0 =	simm.s32 @p0 $0x1  }
0x13: {  	[smem:$0x3FB5] =	sst s0;
	s0 =	simm.s32 @!p1 $0x0  }
0x14: {  	s2 =	sld [smem:$0x3F99];
	s0 =	simm.s32 @p1 $0x1  }
0x15: {  	[smem:$0x3FB6] =	sst s0;
	s0 =	simm.s32 @!p2 $0x0  }
0x16: {  	s3 =	sld [smem:$0x3FDB];
	s0 =	simm.s32 @p2 $0x1  }
0x17: {  	s4 =	simm.s32 $0x1BF5;
	[smem:$0x3FB8] =	sst s0  }
0x18: {  	s0 =	sld [smem:$0x3F9B];
	_ =	swait.ge [sflag:s4], $0x0  }
0x19: {  	s7 =	sld [smem:$0x3F9C]  }
0x1a: {  	s8 =	sadd.s32 $0xFFFFE003, lr  }
0x1b: {  	s9 =	sadd.s32 $0xFFFFFEF7, lr;
	s5 =	simm.s32 $0xFFFFFFFF;
	p2 =	slt.u32 s8, $0xFFFFF086  }
0x1c: {  	p1 =	slt.u32 s9, $0xF7A;
	s5 =	simm.s32 @!p2 $0x0  }
0x1d: {  	s5 =	simm.s32 @p1 $0x1;
	p0 =	seq.s32 s7, s2  }
0x1e: {  	s7 =	smul.u32 @!p0 $0xF7A, s2;
	p2 =	seq.s32 @!p0 s5, $0x0  }
0x1f: {  	s9 =	smul.u32 $0xF7A, s1;
	s8 =	simm.s32 @!p0 $0x1BF5;
	p2 =	por !p2, p0  }
0x20: {  	[sflag:s8] =	ssyncset.s32 @!p0 $0xFFFFF086;
	s6 =	sadd.s32 @!p0 s3, s7;
	s7 =	simm.s32 @!p0 $0x108  }
0x21: {  	s3 =	sadd.s32 s3, s9;
	s6 =	sadd.s32 @!p0 $0x88, s6;
	s7 =	simm.s32 @p2 $0x1082  }
0x22: {  	[simem:s7], [sflag:s8] =	dma.local @!p0 [hbm:s6], $0xF7A  }
0x23: {  	s9 =	sor.u32 $0xD0000000, s2;
	s6 =	simm.s32 $0x108;
	_ =	swait.ge @!p0 [sflag:s8], $0x0  }
0x24: {  	s3 =	sadd.s32 $0x88, s3;
	s6 =	simm.s32 @!p1 $0x1082;
	[sflag:s4] =	ssyncset.s32 $0xFFFFF086  }
0x25: {  	[simem:s6], [sflag:s4] =	dma.local [hbm:s3], $0xF7A  }
0x26: {  	[smem:$0x3F9C] =	sst s1;
	(tag) =	ssettag s2;
	_ =	strace s9  }
0x27: {  	s1 =	sld [smem:$0x3FAC]  }
0x28: {  	s2 =	sld [smem:$0x3FAD]  }
0x29: {  	s4 =	sld [smem:$0x3FAF]  }
0x2a: {  	p0 =	seq.s32 s5, $0x0;
	s5 =	sld [smem:$0x3FB0]  }
0x2b: {  	s6 =	sld [smem:$0x3FB1]  }
0x2c: {  	s7 =	sld [smem:$0x3FB2]  }
0x2d: {  	s3 =	simm.s32 $0x108;
	s8 =	sld [smem:$0x3FB3]  }
0x2e: {  	s3 =	simm.s32 @!p0 $0x1082;
	s9 =	sld [smem:$0x3FB4]  }
0x2f: {  	lr =	sadd.s32 s0, s3;
	s0 =	sld [smem:$0x3FAB]  }
0x30: {  	s3 =	sld [smem:$0x3FAE]  }
0x31: {  	[smem:$0x3FB7] =	sst s10  }
0x32: {  	s10 =	sld [smem:$0x3FB5];
	_ =	sdelay $0x3  }
0x33: {  	p0 =	seq.s32 s10, $0x1;
	s10 =	sld [smem:$0x3FB7];
	_ =	sdelay $0x3  }
0x34: {  	[smem:$0x3FB7] =	sst s10  }
0x35: {  	s10 =	sld [smem:$0x3FB6];
	_ =	sdelay $0x3  }
0x36: {  	p1 =	seq.s32 s10, $0x1;
	s10 =	sld [smem:$0x3FB7];
	_ =	sdelay $0x3  }
0x37: {  	[smem:$0x3FB7] =	sst s10  }
0x38: {  	s10 =	sld [smem:$0x3FB8]  }
0x39: {  	_ = 	snop;
	(pc) =	sbr.ind lr, $3  }
0x3a: {  	_ = 	snop  }
0x3b: {  	_ = 	snop  }
0x3c: {  	p2 =	seq.s32 s10, $0x1;
	s10 =	sld [smem:$0x3FB7]  }
0x3d: {  	_ =	shalt  }
0x3e: {  	_ =	shalt  }
0x3f: {  	_ =	shalt  }
0x40: {  	_ =	shalt  }
0x41: {  	_ =	shalt  }
0x42: {  	_ =	shalt  }
0x43: {  	_ =	shalt  }
0x44: {  	_ =	shalt  }
0x45: {  	_ =	shalt  }
0x46: {  	_ =	shalt  }
0x47: {  	_ =	shalt  }
0x48: {  	_ =	shalt  }
0x49: {  	_ =	shalt  }
0x4a: {  	_ =	shalt  }
0x4b: {  	_ =	shalt  }
0x4c: {  	_ =	shalt  }
0x4d: {  	_ =	shalt  }
0x4e: {  	_ =	shalt  }
0x4f: {  	_ =	shalt  }
0x50: {  	_ =	shalt  }
0x51: {  	_ =	shalt  }
0x52: {  	_ =	shalt  }
0x53: {  	_ =	shalt  }
0x54: {  	_ =	shalt  }
0x55: {  	_ =	shalt  }
0x56: {  	_ =	shalt  }
0x57: {  	_ =	shalt  }
0x58: {  	_ =	shalt  }
0x59: {  	_ =	shalt  }
0x5a: {  	_ =	shalt  }
0x5b: {  	_ =	shalt  }
0x5c: {  	_ =	shalt  }
0x5d: {  	_ =	shalt  }
0x5e: {  	_ =	shalt  }
0x5f: {  	_ =	shalt  }
0x60: {  	_ =	shalt  }
0x61: {  	_ =	shalt  }
0x62: {  	_ =	shalt  }
0x63: {  	_ =	shalt  }
0x64: {  	_ =	shalt  }
0x65: {  	_ =	shalt  }
0x66: {  	_ =	shalt  }
0x67: {  	_ =	shalt  }
0x68: {  	_ =	shalt  }
0x69: {  	_ =	shalt  }
0x6a: {  	_ =	shalt  }
0x6b: {  	_ =	shalt  }
0x6c: {  	_ =	shalt  }
0x6d: {  	_ =	shalt  }
0x6e: {  	_ =	shalt  }
0x6f: {  	_ =	shalt  }
0x70: {  	_ =	shalt  }
0x71: {  	_ =	shalt  }
0x72: {  	_ =	shalt  }
0x73: {  	_ =	shalt  }
0x74: {  	_ =	shalt  }
0x75: {  	_ =	shalt  }
0x76: {  	_ =	shalt  }
0x77: {  	_ =	shalt  }
0x78: {  	_ =	shalt  }
0x79: {  	_ =	shalt  }
0x7a: {  	_ =	shalt  }
0x7b: {  	_ =	shalt  }
0x7c: {  	_ =	shalt  }
0x7d: {  	_ =	shalt  }
0x7e: {  	_ =	shalt  }
0x7f: {  	_ =	shalt  }
0x80: {  	_ =	shalt  }
0x81: {  	_ =	shalt  }
0x82: {  	_ =	shalt  }
0x83: {  	_ =	shalt  }
0x84: {  	_ =	shalt  }
0x85: {  	_ =	shalt  }
0x86: {  	_ =	shalt  }
0x87: {  	_ =	shalt  }
.Lfunc_end0:
.L_simem_size_0:
called_computation.1_lowered:
.L_overlay_start_0:
0x88: {  	s2 =	sld [smem:$0x3FD9]  }
0x89: {  	s3 =	sld [smem:$0x3FFE];
	_ =	sdelay $0x1  }
0x8a: {  	s1 =	srdreg.scid  }
0x8b: {  	s0 =	sand.u32 $0x1, s1  }
0x8c: {  	s17 =	sshll.u32 s0, $0xA;
	s2 =	sadd.s32 s3, s2  }
0x8d: {  	s2 =	sadd.s32 s2, s17  }
0x8e: {  	[smem:$0x3FC3] =	sst s2  }
0x8f: {  	_ = 	snop  }
0x90: {  	s2 =	sld [smem:$0x3FD0];
	(tm) =	ssettm $0x1  }
0x91: {  	s18 =	sld [smem:$0x3FFB];
	_ =	sdelay $0x3  }
0x92: {  	_ =	strace s18  }
0x93: {  	s3 =	sld [smem:$0x3FFC];
	_ =	sdelay $0x3  }
0x94: {  	_ =	strace s3  }
0x95: {  	s3 =	sld [smem:$0x3FFD];
	_ =	sdelay $0x3  }
0x96: {  	_ =	strace s3  }
0x97: {  	_ =	strace $0x8FFFFFFF  }
0x98: {  	s19 =	sld [smem:$0x3FDB];
	_ =	sdelay $0x1  }
0x99: {  	s4 =	simm.s32 $_scs_section_size  }
0x9a: {  	s5 =	simm.s32 $_size__tile_overlayer_lowered;
	s6 =	simm.s32 $_tile_overlayer_lowered  }
0x9b: {  	s22 =	simm.s32 $0x1BFF;
	s21 =	sshll.u32 s6, $0x1;
	s3 =	sadd.s32 s4, s19  }
0x9c: {  	s7 =	simm.s32 $0x0;
	s20 =	sshll.u32 s5, $0x1;
	s5 =	sadd.s32 s21, s3  }
0x9d: {  	[timem:s7], [sflag:s22] =	dma.local [hbm:s5], s20  }
0x9e: {  	_ =	swait.ge [sflag:s22], s20  }
0x9f: {  	s4 =	ssub.s32 $0x0, s20;
	[sflag:s22] =	ssyncset.done $0x0  }
0xa0: {  	[sflag:s22] =	ssyncadd.s32 s4;
	_ =	sdelay $0x1  }
0xa1: {  	s23 =	simm.s32 $0x1B8B  }
0xa2: {  	_ =	swait.ge [sflag:s23], $0x1  }
0xa3: {  	[sflag:s23] =	ssyncset.done $0x0  }
0xa4: {  	s25 =	simm.s32 $0x1B8E;
	s24 =	sld [smem:$0x3FFE];
	[sflag:s23] =	ssyncadd.s32 $0xFFFFFFFF  }
0xa5: {  	s26 =	simm.s32 $execute0_lowered;
	[smem:$0x3FD2] =	sst s25  }
0xa6: {  	s5 =	sshll.u32 s26, $0x1;
	_ =	strace $0x80000049;
	[dreg:$0x1] =	wrdreg $0xFFFFFFFF  }
0xa7: {  	s28 =	simm.s32 $_size_execute0_lowered;
	s3 =	sadd.s32 s3, s5;
	[dreg:$0x0] =	wrdreg $0x0  }
0xa8: {  	s5 =	sshll.u32 s28, $0x1;
	[dreg:$0x2] =	wrdreg s3  }
0xa9: {  	[dreg:$0x3] =	wrdreg s5  }
0xaa: {  	[dreg:$0x4] =	wrdreg $0xC0  }
0xab: {  	_ =	task [dreg:s7], $0x5FFFF  }
0xac: {  	[dreg:$0x1] =	wrdreg $0xFFFFFFFF  }
0xad: {  	[dreg:$0x0] =	wrdreg $0x60  }
0xae: {  	[dreg:$0x2] =	wrdreg s24  }
0xaf: {  	[dreg:$0x3] =	wrdreg s2  }
0xb0: {  	[dreg:$0x4] =	wrdreg $0x7C000  }
0xb1: {  	[dreg:$0x5] =	wrdreg $0x9  }
0xb2: {  	_ =	task.clear_ibuf [dreg:s7], $0x6FFFF;
	_ =	strace $0x90000049  }
0xb3: {  	s29 =	simm.s32 $0x9;
	_ =	strace $0x8000004B  }
0xb4: {  	_ =	swait.ge [sflag:s29], $0x1  }
0xb5: {  	[sflag:s29] =	ssyncadd.s32 $0xFFFFFFFF  }
0xb6: {  	_ =	strace $0x9000004B  }
0xb7: {  	_ =	sfence  }
0xb8: {  	s30 =	sld [smem:$0x0];
	_ =	sdelay $0x2  }
0xb9: {  	s31 =	sshll.u32 s1, $0xD;
	s1 =	sshrl.u32 s1, $0x2  }
0xba: {  	s3 =	sand.u32 $0x4000, s31;
	s1 =	sadd.s32 s1, s30  }
0xbb: {  	s0 =	sor.u32 s3, s0;
	s1 =	sshll.u32 s1, $0x11  }
0xbc: {  	s0 =	sor.u32 s1, s0  }
0xbd: {  	s0 =	sadd.s32 $0x8F2B, s0  }
0xbe: {  	[sflag:s0] =	ssyncadd.remote.s32 $0x1  }
0xbf: {  	_ =	sfence.sel $0xFFFF  }
0xc0: {  	[dreg:$0x0] =	wrdreg $0xFFFFFFFF;
	(pc) =	sbr.abs _section_cstart, $3  }
0xc1: {  	[dreg:$0x1] =	wrdreg $0xFFFFFFFF  }
0xc2: {  	_ =	task.clear_ibuf [dreg:s7], $0x2FFFF;
	_ =	strace $0x9FFFFFFF  }
0xc3: {  	(tm) =	ssettm $0x7FFFFFFF  }
tec
execute0_lowered:
.L_overlay_start_1:
0x0: {  	(tag) =	ssettag $0x1  }
0x1: {  	s0 =	rddreg [dreg:$0x0]  }
0x2: {  	s1 =	srdreg.scid;
	s3 =	rddreg [dreg:$0x1]  }
0x3: {  	s9 =	stileid.u32;
	s2 =	rddreg [dreg:$0x2]  }
0x4: {  	s6 =	simm.s32 $0x0;
	s19 =	simm.s32 $0x400;
	s20 =	simm.s32 $0x5  }
0x5: {  	s21 =	simm.s32 $0x6;
	s22 =	simm.s32 $0x50;
	s5 =	smul.u32 $0x13C00, s9  }
0x6: {  	s28 =	simm.s32 $0x80;
	s29 =	simm.s32 $0x0;
	s23 =	smul.u32 $0x4F000, s9  }
0x7: {  	s1 =	sand.u32 $0x1, s1;
	[smem:$0x7FF] =	sst s6;
	s13 =	smul.u32 $0x7D00, s9  }
0x8: {  	s4 =	smul.u32 $0x13C000, s1;
	_ =	strace $0x8000004A;
	s24 =	sshll.u32 s1, $0x4  }
0x9: {  	s7 =	ssub.s32 $0x2, s1;
	s1 =	smul.u32 $0x7D000, s1;
	s8 =	sor.u32 s9, s24  }
0xa: {  	s25 =	sshrl.u32 s23, $0x2;
	s26 =	sshrl.u32 s7, $0x1;
	s23 =	simm.s32 $0x100  }
0xb: {  	s4 =	sadd.s32 s5, s4;
	s11 =	smul.u32 $0x7D00, s8;
	s17 =	ssub.s32 s7, s26  }
0xc: {  	s1 =	sadd.s32 s13, s1;
	s5 =	sshrl.u32 s4, $0x3;
	s4 =	sadd.s32 $0x3600, s0  }
0xd: {  	s1 =	sadd.s32 $0x300, s1;
	s17 =	smax.u32 s17, $0x1;
	s0 =	sadd.s32 s5, s0  }
0xe: {  	s5 =	sadd.s32 s25, s2;
	s12 =	sshrl.u32 s11, $0x3;
	s31 =	sshrl.u32 s1, $0x3  }
.Ltmp0:
0xf: {  	s25 =	simm.s32 $0x2;
	s30 =	sadd.s32 $0x2800, s5;
	(pc) =	sbr.rel .LBB2_1-.Ltmp0, $4  }
0x10: {  	s7 =	sadd.s32 $0x5000, s5;
	s8 =	sadd.s32 $0x7800, s5;
	s9 =	sadd.s32 $0xA000, s5  }
0x11: {  	s10 =	sadd.s32 $0xC800, s5;
	s11 =	sadd.s32 $0xF000, s5;
	s12 =	sadd.s32 s3, s12  }
0x12: {  	s13 =	sadd.s32 $0x11800, s5;
	s16 =	sadd.s32 $0xA1600, s0;
	s18 =	sadd.s32 s31, s3  }
0x13: {  	v0 =	vimm.f32 $0.0e+00;
	[dreg:$0x4] =	wrdreg s30;
	s14 =	sadd.s32 $0x20, s12;
	s15 =	sadd.s32 $0x40, s12  }
.LBB2_9:
0x14: {  	_ =	swait.ge [sflag:s20], $0x2800;
	s0 =	stileid.u32  }
0x15: {  	s1 =	sshrl.u32 s5, $0x3;
	s29 =	sadd.s32 $0x1, s29;
	[sflag:s20] =	ssyncset.done $0x0  }
0x16: {  	s0 =	sshll.u32 s0, $0x6;
	p0 =	sne.s32 s29, s17;
	[sflag:s20] =	ssyncadd.s32 $0xFFFFD800  }
.Ltmp1:
0x17: {  	s0 =	sor.u32 $0x1C06, s0;
	[bflag:$0x0] =	sbarrier.arrive $0xFFFF;
	(pc) =	sbr.rel @!p0 .LBB2_10-.Ltmp1, $4  }
0x18: {  	[hbm:s16], [sflag:s0] =	dma.local [spmem:s1], $0x2780  }
0x19: {  	_ =	swait.ge [sflag:s21], $0x2780  }
0x1a: {  	[sflag:s21] =	ssyncset.done $0x0  }
0x1b: {  	[sflag:s21] =	ssyncadd.s32 $0xFFFFD880  }
.LBB2_1:
0x1c: {  	s1 =	simm.s32 $0x0  }
0x1d: {  	s0 =	sand.u32 $0xFE00, s1  }
0x1e: {  	s1 =	sand.u32 $0x70, s1;
	s3 =	sshrl.u32 s0, $0x2  }
0x1f: {  	s0 =	simm.s32 $0x40;
	s3 =	sor.u32 s1, s3;
	s1 =	simm.s32 $0x0  }
.LBB2_2:
0x20: {  	p0 =	sne.s32 s0, $0x9FC0  }
0x21: {  	[tilespmem:s3+$0x400] =	vst v0;
	s1 =	sadd.s32 $0x10, s1;
	s3 =	smov.u32 s0;
	s0 =	sadd.s32 $0x40, s0  }
.Ltmp2:
0x22: {  	(pc) =	sbr.rel @p0 .LBB2_2-.Ltmp2, $4  }
0x23: {  	_ = 	snop  }
0x24: {  	s3 =	sand.u32 $0xFE00, s3  }
0x25: {  	s24 =	sand.u32 $0x70, s1;
	s3 =	sshrl.u32 s3, $0x2  }
0x26: {  	s3 =	sor.u32 s24, s3  }
0x27: {  	[tilespmem:s3+$0x400] =	vst v0  }
0x28: {  	[spmem:s5] =	stream.linear.scatter [tilespmem:s19], [sflag:$0x5], $0x2800, $0x38;
	[tilespmem:$0x1B800] =	vst v63  }
0x29: {  	s0 =	rddreg [dreg:$0x4]  }
0x2a: {  	[spmem:s0] =	stream.linear.scatter [tilespmem:s19], [sflag:$0x5], $0x2800, $0x38;
	[tilespmem:$0x1B800] =	vst v63  }
0x2b: {  	_ = 	snop  }
0x2c: {  	[spmem:s7] =	stream.linear.scatter [tilespmem:s19], [sflag:$0x5], $0x2800, $0x38;
	[tilespmem:$0x1B800] =	vst v63  }
0x2d: {  	_ = 	snop  }
0x2e: {  	[spmem:s8] =	stream.linear.scatter [tilespmem:s19], [sflag:$0x5], $0x2800, $0x38;
	[tilespmem:$0x1B800] =	vst v63  }
0x2f: {  	_ = 	snop  }
0x30: {  	[spmem:s9] =	stream.linear.scatter [tilespmem:s19], [sflag:$0x5], $0x2800, $0x38;
	[tilespmem:$0x1B800] =	vst v63  }
0x31: {  	_ = 	snop  }
0x32: {  	[spmem:s10] =	stream.linear.scatter [tilespmem:s19], [sflag:$0x5], $0x2800, $0x38;
	[tilespmem:$0x1B800] =	vst v63  }
0x33: {  	_ = 	snop  }
0x34: {  	[spmem:s11] =	stream.linear.scatter [tilespmem:s19], [sflag:$0x5], $0x2800, $0x38;
	[tilespmem:$0x1B800] =	vst v63  }
0x35: {  	_ = 	snop  }
0x36: {  	[spmem:s13] =	stream.linear.scatter [tilespmem:s19], [sflag:$0x5], $0x2400, $0x38;
	[tilespmem:$0x1B800] =	vst v63  }
0x37: {  	_ =	swait.ge [sflag:s20], $0x2800  }
0x38: {  	[sflag:s20] =	ssyncset.done $0x0  }
0x39: {  	[sflag:s20] =	ssyncadd.s32 $0xFFFFD800  }
0x3a: {  	_ =	swait.ge [sflag:s20], $0x2800  }
0x3b: {  	[sflag:s20] =	ssyncset.done $0x0  }
0x3c: {  	[sflag:s20] =	ssyncadd.s32 $0xFFFFD800  }
0x3d: {  	_ =	swait.ge [sflag:s20], $0x2800  }
0x3e: {  	[sflag:s20] =	ssyncset.done $0x0  }
0x3f: {  	[sflag:s20] =	ssyncadd.s32 $0xFFFFD800  }
0x40: {  	_ =	swait.ge [sflag:s20], $0x2800  }
0x41: {  	[sflag:s20] =	ssyncset.done $0x0  }
0x42: {  	[sflag:s20] =	ssyncadd.s32 $0xFFFFD800  }
0x43: {  	_ =	swait.ge [sflag:s20], $0x2800  }
0x44: {  	[sflag:s20] =	ssyncset.done $0x0  }
0x45: {  	[sflag:s20] =	ssyncadd.s32 $0xFFFFD800  }
0x46: {  	_ =	swait.ge [sflag:s20], $0x2800  }
0x47: {  	[sflag:s20] =	ssyncset.done $0x0  }
0x48: {  	[sflag:s20] =	ssyncadd.s32 $0xFFFFD800  }
0x49: {  	_ =	swait.ge [sflag:s20], $0x2800  }
0x4a: {  	[sflag:s20] =	ssyncset.done $0x0  }
0x4b: {  	[sflag:s20] =	ssyncadd.s32 $0xFFFFD800  }
0x4c: {  	_ =	swait.ge [sflag:s20], $0x2400  }
0x4d: {  	[sflag:s20] =	ssyncset.done $0x0  }
0x4e: {  	[sflag:s20] =	ssyncadd.s32 $0xFFFFDC00  }
0x4f: {  	s30 =	simm.s32 $0x0;
	[bflag:$0x0] =	sbarrier.arrive $0xFFFF  }
0x50: {  	[tilespmem:s30], [sflag:$0x6] =	stream.linear.gather [hbm4b:s12+s30], $0x100, $0x38;
	[tilespmem:$0x1B800] =	vst v63  }
0x51: {  	_ =	swait.ge [sflag:s21], $0x100  }
0x52: {  	[sflag:s21] =	ssyncset.done $0x0  }
0x53: {  	[sflag:s21] =	ssyncadd.s32 $0xFFFFFF00  }
0x54: {  	[tilespmem:s19], [sflag:$0x3] =	stream.indirect.gather [hbm4b:s4+s22], $0x80, s30, s22, $0xb8;
	[tilespmem:$0x1B800] =	vst v63  }
0x55: {  	_ = 	snop  }
0x56: {  	[tilespmem:s23], [sflag:$0x2] =	stream.linear.gather [hbm4b:s14+s30], $0x100, $0x38;
	[tilespmem:$0x1B800] =	vst v63  }
0x57: {  	s24 =	simm.s32 $0x200  }
0x58: {  	[tilespmem:s24], [sflag:$0x1] =	stream.linear.gather [hbm4b:s15+s30], $0x100, $0x38;
	[tilespmem:$0x1B800] =	vst v63  }
.Ltmp3:
0x59: {  	_ = 	snop;
	(pc) =	sbr.rel .LBB2_4-.Ltmp3, $4  }
0x5a: {  	_ =	swait.ge [sflag:s25], $0x100  }
0x5b: {  	s26 =	simm.s32 $0x2C00;
	[sflag:s25] =	ssyncset.done $0x0  }
0x5c: {  	s31 =	smov.u32 s18;
	s1 =	simm.s32 $0x0;
	[sflag:s25] =	ssyncadd.s32 $0xFFFFFF00  }
0x5d: {  	[tilespmem:s26], [sflag:$0x4] =	stream.indirect.gather [hbm4b:s4+s22], $0x80, s23, s22, $0xb8;
	[tilespmem:$0x1B800] =	vst v63  }
.LBB2_5:
0x5e: {  	s3 =	sor.u32 $0x400, s3  }
0x5f: {  	[spmem:s2] =	stream.indirect.scatter.add.f32 [tilespmem:s3], [sflag:$0x5], $0x80, s28, s22, $0xb8;
	[tilespmem:$0x1B800] =	vst v63  }
.LBB2_7:
0x60: {  	s3 =	sadd.s32 $0x156, s26  }
0x61: {  	s3 =	sshrl.u32 s3, $0x9  }
0x62: {  	s3 =	sand.u32 $0x7F, s3  }
0x63: {  	s3 =	smul.u32 $0x3, s3;
	_ =	sdelay $0x1  }
0x64: {  	s3 =	ssub.s32 s1, s3  }
0x65: {  	s3 =	sadd.s32 $0x2, s3  }
0x66: {  	s3 =	sand.u32 $0xFF, s3  }
0x67: {  	s6 =	sadd.s32 $0x1, s24;
	s3 =	smul.u32 $0xA000, s3  }
0x68: {  	s26 =	sadd.s32 $0x800, s30;
	p0 =	sgt.u32 s1, $0x79;
	_ =	swait.ge [sflag:s6], $0x100  }
0x69: {  	s24 =	sand.u32 $0xC00, s26;
	[sflag:s6] =	ssyncset.done $0x0;
	s3 =	sshrl.u32 s3, $0x2  }
0x6a: {  	s24 =	sshrl.u32 s24, $0x2;
	[sflag:s6] =	ssyncadd.s32 $0xFFFFFF00;
	s3 =	sor.u32 $0x400, s3  }
0x6b: {  	[tilespmem:s3], [sflag:s0] =	stream.indirect.gather [hbm4b:s4+s22], $0x80, s24, s22, $0xb8;
	[tilespmem:$0x1B800] =	vst v63  }
0x6c: {  	s26 =	sxor.u32 $0xFFFFFFFF, s1;
	s3 =	sadd.s32 @!p0 $0xC00, s30  }
0x6d: {  	s0 =	sand.u32 $0x1, s26;
	s3 =	sand.u32 @!p0 $0xC00, s3  }
0x6e: {  	s6 =	simm.s32 @!p0 $0x0;
	s0 =	sadd.s32 @!p0 $0x1, s0;
	s3 =	sshrl.u32 @!p0 s3, $0x2  }
0x6f: {  	[tilespmem:s3], [sflag:s0] =	stream.linear.gather @!p0 [hbm4b:s31+s6], $0x100, $0x38;
	[tilespmem:$0x1B800] =	vst v63  }
.LBB2_8:
0x70: {  	s30 =	sadd.s32 $0x400, s30  }
0x71: {  	p0 =	sne.s32 s30, $0x1F400  }
.Ltmp4:
0x72: {  	_ = 	snop;
	(pc) =	sbr.rel @!p0 .LBB2_9-.Ltmp4, $2  }
0x73: {  	_ =	sdelay $0x2  }
0x74: {  	s31 =	sadd.s32 $0x20, s31;
	s1 =	sadd.s32 $0x1, s1  }
.LBB2_4:
0x75: {  	s26 =	smul.u32 $0xAB, s1;
	_ =	sdelay $0x1  }
0x76: {  	s0 =	sshrl.u32 s26, $0x9  }
0x77: {  	s0 =	sand.u32 $0x7F, s0  }
0x78: {  	s0 =	smul.u32 $0x3, s0  }
0x79: {  	p0 =	sne.s32 s30, $0x0  }
.Ltmp5:
0x7a: {  	s24 =	sand.u32 $0x1, s1;
	s0 =	ssub.s32 s1, s0;
	(pc) =	sbr.rel @!p0 .LBB2_5-.Ltmp5, $4  }
0x7b: {  	s3 =	sand.u32 $0xFF, s0;
	s0 =	sadd.s32 $0x3, s24  }
0x7c: {  	_ =	swait.ge [sflag:s0], $0x2800;
	s3 =	smul.u32 $0xA000, s3  }
0x7d: {  	[sflag:s0] =	ssyncset.done $0x0  }
0x7e: {  	[sflag:s0] =	ssyncadd.s32 $0xFFFFD800;
	s3 =	sshrl.u32 s3, $0x2  }
0x7f: {  	p0 =	sgt.u32 s1, $0x7A  }
.Ltmp6:
0x80: {  	_ = 	snop;
	(pc) =	sbr.rel @p0 .LBB2_8-.Ltmp6, $4  }
.Ltmp7:
0x81: {  	_ =	swait.ge [sflag:s20], $0x2800;
	s6 =	sand.u32 $0xC00, s30;
	(pc) =	sbr.rel @!p0 .LBB2_7-.Ltmp7, $4  }
0x82: {  	[sflag:s20] =	ssyncset.done $0x0;
	s6 =	sshrl.u32 s6, $0x2  }
0x83: {  	s3 =	sor.u32 $0x400, s3;
	[sflag:s20] =	ssyncadd.s32 $0xFFFFD800;
	s6 =	sor.u32 $0x80, s6  }
0x84: {  	[spmem:s2] =	stream.indirect.scatter.add.f32 [tilespmem:s3], [sflag:$0x5], $0x80, s6, s22, $0xb8;
	[tilespmem:$0x1B800] =	vst v63  }
0x85: {  	_ = 	snop  }
.LBB2_10:
0x86: {  	_ =	sfence.sel $0x180000  }
0x87: {  	[bflag:$0x0] =	sbarrier.arrive $0xFFFF  }
0x88: {  	_ =	strace $0x9000004A  }
0x89: {  	s0 =	stileid.u32;
	[bflag:$0x2] =	sbarrier.arrive $0xFFFF  }
0x8a: {  	p0 =	sne.s32 s0, $0x0;
	s0 =	rddreg [dreg:$0x3]  }
0x8b: {  	s0 =	sadd.s32 @!p0 $0x100000, s0  }
0x8c: {  	[sflag:s0] =	ssyncadd.tile.s32 @!p0 $0x1;
	_ =	shalt  }
.Lfunc_end2:
_tile_overlayer_lowered:
.L_overlay_start_2:
0x8d: {  	(tag) =	ssettag $0x2  }
0x8e: {  	s0 =	rddreg [dreg:$0x0];
	s2 =	stileid.u32  }
0x8f: {  	s1 =	rddreg [dreg:$0x1];
	p0 =	sne.s32 s2, $0x0  }
0x90: {  	s3 =	rddreg [dreg:$0x2];
	[bflag:$0x3] =	sbarrier.arrive $0xFFFF;
	s2 =	simm.s32 @!p0 $0x1C06  }
0x91: {  	[timem:s3], [sflag:s2] =	dma.local @!p0 [hbm:s0], s1  }
0x92: {  	s0 =	simm.s32 @!p0 $0x6  }
0x93: {  	_ =	swait.ge @!p0 [sflag:s0], s1  }
0x94: {  	s1 =	ssub.s32 @!p0 $0x0, s1;
	[sflag:s0] =	ssyncset.done @!p0 $0x0  }
0x95: {  	[sflag:s0] =	ssyncadd.s32 @!p0 s1  }
0x96: {  	[bflag:$0x3] =	sbarrier.arrive $0xFFFF  }
0x97: {  	_ =	shalt  }

// kernel: kernel.16.cloned.1.call-start
scs
__scs_entry_jumppad:
0x0: {  	(pc) =	sbr.rel $0x88, $3  }
0x1: {  	(tag) =	ssettag $0x0;
	lr =	simm.s32 $0x1  }
0x2: {  	[smem:$0x3F9C] =	sst lr;
	_ =	strace $0xD0000000  }
0x3: {  	_ = 	snop  }
0x4: {  	_ = 	snop  }
0x5: {  	_ = 	snop  }
0x6: {  	_ = 	snop  }
0x7: {  	_ = 	snop  }
__scs_overlays_trampoline_lowered:
0x8: {  	[smem:$0x3FAB] =	sst s0  }
0x9: {  	[smem:$0x3FAC] =	sst s1  }
0xa: {  	[smem:$0x3FAD] =	sst s2  }
0xb: {  	[smem:$0x3FAE] =	sst s3  }
0xc: {  	[smem:$0x3FAF] =	sst s4  }
0xd: {  	[smem:$0x3FB0] =	sst s5  }
0xe: {  	[smem:$0x3FB1] =	sst s6  }
0xf: {  	[smem:$0x3FB2] =	sst s7  }
0x10: {  	[smem:$0x3FB3] =	sst s8  }
0x11: {  	[smem:$0x3FB4] =	sst s9;
	s0 =	simm.s32 @!p0 $0x0  }
0x12: {  	s1 =	sld [smem:$0x3F9A];
	s0 =	simm.s32 @p0 $0x1  }
0x13: {  	[smem:$0x3FB5] =	sst s0;
	s0 =	simm.s32 @!p1 $0x0  }
0x14: {  	s2 =	sld [smem:$0x3F99];
	s0 =	simm.s32 @p1 $0x1  }
0x15: {  	[smem:$0x3FB6] =	sst s0;
	s0 =	simm.s32 @!p2 $0x0  }
0x16: {  	s3 =	sld [smem:$0x3FDB];
	s0 =	simm.s32 @p2 $0x1  }
0x17: {  	s4 =	simm.s32 $0x1BF5;
	[smem:$0x3FB8] =	sst s0  }
0x18: {  	s0 =	sld [smem:$0x3F9B];
	_ =	swait.ge [sflag:s4], $0x0  }
0x19: {  	s7 =	sld [smem:$0x3F9C]  }
0x1a: {  	s8 =	sadd.s32 $0xFFFFE003, lr  }
0x1b: {  	s9 =	sadd.s32 $0xFFFFFEF7, lr;
	s5 =	simm.s32 $0xFFFFFFFF;
	p2 =	slt.u32 s8, $0xFFFFF086  }
0x1c: {  	p1 =	slt.u32 s9, $0xF7A;
	s5 =	simm.s32 @!p2 $0x0  }
0x1d: {  	s5 =	simm.s32 @p1 $0x1;
	p0 =	seq.s32 s7, s2  }
0x1e: {  	s7 =	smul.u32 @!p0 $0xF7A, s2;
	p2 =	seq.s32 @!p0 s5, $0x0  }
0x1f: {  	s9 =	smul.u32 $0xF7A, s1;
	s8 =	simm.s32 @!p0 $0x1BF5;
	p2 =	por !p2, p0  }
0x20: {  	[sflag:s8] =	ssyncset.s32 @!p0 $0xFFFFF086;
	s6 =	sadd.s32 @!p0 s3, s7;
	s7 =	simm.s32 @!p0 $0x108  }
0x21: {  	s3 =	sadd.s32 s3, s9;
	s6 =	sadd.s32 @!p0 $0x88, s6;
	s7 =	simm.s32 @p2 $0x1082  }
0x22: {  	[simem:s7], [sflag:s8] =	dma.local @!p0 [hbm:s6], $0xF7A  }
0x23: {  	s9 =	sor.u32 $0xD0000000, s2;
	s6 =	simm.s32 $0x108;
	_ =	swait.ge @!p0 [sflag:s8], $0x0  }
0x24: {  	s3 =	sadd.s32 $0x88, s3;
	s6 =	simm.s32 @!p1 $0x1082;
	[sflag:s4] =	ssyncset.s32 $0xFFFFF086  }
0x25: {  	[simem:s6], [sflag:s4] =	dma.local [hbm:s3], $0xF7A  }
0x26: {  	[smem:$0x3F9C] =	sst s1;
	(tag) =	ssettag s2;
	_ =	strace s9  }
0x27: {  	s1 =	sld [smem:$0x3FAC]  }
0x28: {  	s2 =	sld [smem:$0x3FAD]  }
0x29: {  	s4 =	sld [smem:$0x3FAF]  }
0x2a: {  	p0 =	seq.s32 s5, $0x0;
	s5 =	sld [smem:$0x3FB0]  }
0x2b: {  	s6 =	sld [smem:$0x3FB1]  }
0x2c: {  	s7 =	sld [smem:$0x3FB2]  }
0x2d: {  	s3 =	simm.s32 $0x108;
	s8 =	sld [smem:$0x3FB3]  }
0x2e: {  	s3 =	simm.s32 @!p0 $0x1082;
	s9 =	sld [smem:$0x3FB4]  }
0x2f: {  	lr =	sadd.s32 s0, s3;
	s0 =	sld [smem:$0x3FAB]  }
0x30: {  	s3 =	sld [smem:$0x3FAE]  }
0x31: {  	[smem:$0x3FB7] =	sst s10  }
0x32: {  	s10 =	sld [smem:$0x3FB5];
	_ =	sdelay $0x3  }
0x33: {  	p0 =	seq.s32 s10, $0x1;
	s10 =	sld [smem:$0x3FB7];
	_ =	sdelay $0x3  }
0x34: {  	[smem:$0x3FB7] =	sst s10  }
0x35: {  	s10 =	sld [smem:$0x3FB6];
	_ =	sdelay $0x3  }
0x36: {  	p1 =	seq.s32 s10, $0x1;
	s10 =	sld [smem:$0x3FB7];
	_ =	sdelay $0x3  }
0x37: {  	[smem:$0x3FB7] =	sst s10  }
0x38: {  	s10 =	sld [smem:$0x3FB8]  }
0x39: {  	_ = 	snop;
	(pc) =	sbr.ind lr, $3  }
0x3a: {  	_ = 	snop  }
0x3b: {  	_ = 	snop  }
0x3c: {  	p2 =	seq.s32 s10, $0x1;
	s10 =	sld [smem:$0x3FB7]  }
0x3d: {  	_ =	shalt  }
0x3e: {  	_ =	shalt  }
0x3f: {  	_ =	shalt  }
0x40: {  	_ =	shalt  }
0x41: {  	_ =	shalt  }
0x42: {  	_ =	shalt  }
0x43: {  	_ =	shalt  }
0x44: {  	_ =	shalt  }
0x45: {  	_ =	shalt  }
0x46: {  	_ =	shalt  }
0x47: {  	_ =	shalt  }
0x48: {  	_ =	shalt  }
0x49: {  	_ =	shalt  }
0x4a: {  	_ =	shalt  }
0x4b: {  	_ =	shalt  }
0x4c: {  	_ =	shalt  }
0x4d: {  	_ =	shalt  }
0x4e: {  	_ =	shalt  }
0x4f: {  	_ =	shalt  }
0x50: {  	_ =	shalt  }
0x51: {  	_ =	shalt  }
0x52: {  	_ =	shalt  }
0x53: {  	_ =	shalt  }
0x54: {  	_ =	shalt  }
0x55: {  	_ =	shalt  }
0x56: {  	_ =	shalt  }
0x57: {  	_ =	shalt  }
0x58: {  	_ =	shalt  }
0x59: {  	_ =	shalt  }
0x5a: {  	_ =	shalt  }
0x5b: {  	_ =	shalt  }
0x5c: {  	_ =	shalt  }
0x5d: {  	_ =	shalt  }
0x5e: {  	_ =	shalt  }
0x5f: {  	_ =	shalt  }
0x60: {  	_ =	shalt  }
0x61: {  	_ =	shalt  }
0x62: {  	_ =	shalt  }
0x63: {  	_ =	shalt  }
0x64: {  	_ =	shalt  }
0x65: {  	_ =	shalt  }
0x66: {  	_ =	shalt  }
0x67: {  	_ =	shalt  }
0x68: {  	_ =	shalt  }
0x69: {  	_ =	shalt  }
0x6a: {  	_ =	shalt  }
0x6b: {  	_ =	shalt  }
0x6c: {  	_ =	shalt  }
0x6d: {  	_ =	shalt  }
0x6e: {  	_ =	shalt  }
0x6f: {  	_ =	shalt  }
0x70: {  	_ =	shalt  }
0x71: {  	_ =	shalt  }
0x72: {  	_ =	shalt  }
0x73: {  	_ =	shalt  }
0x74: {  	_ =	shalt  }
0x75: {  	_ =	shalt  }
0x76: {  	_ =	shalt  }
0x77: {  	_ =	shalt  }
0x78: {  	_ =	shalt  }
0x79: {  	_ =	shalt  }
0x7a: {  	_ =	shalt  }
0x7b: {  	_ =	shalt  }
0x7c: {  	_ =	shalt  }
0x7d: {  	_ =	shalt  }
0x7e: {  	_ =	shalt  }
0x7f: {  	_ =	shalt  }
0x80: {  	_ =	shalt  }
0x81: {  	_ =	shalt  }
0x82: {  	_ =	shalt  }
0x83: {  	_ =	shalt  }
0x84: {  	_ =	shalt  }
0x85: {  	_ =	shalt  }
0x86: {  	_ =	shalt  }
0x87: {  	_ =	shalt  }
.Lfunc_end0:
.L_simem_size_0:
called_computation.2_lowered:
.L_overlay_start_0:
0x88: {  	s2 =	sld [smem:$0x3FD9]  }
0x89: {  	s3 =	sld [smem:$0x3FFE];
	_ =	sdelay $0x1  }
0x8a: {  	s1 =	srdreg.scid  }
0x8b: {  	s0 =	sand.u32 $0x1, s1  }
0x8c: {  	s17 =	sshll.u32 s0, $0xA;
	s2 =	sadd.s32 s3, s2  }
0x8d: {  	s2 =	sadd.s32 s2, s17  }
0x8e: {  	[smem:$0x3FC3] =	sst s2  }
0x8f: {  	_ = 	snop  }
0x90: {  	s2 =	sld [smem:$0x3FD0];
	(tm) =	ssettm $0x1  }
0x91: {  	s18 =	sld [smem:$0x3FFB];
	_ =	sdelay $0x3  }
0x92: {  	_ =	strace s18  }
0x93: {  	s3 =	sld [smem:$0x3FFC];
	_ =	sdelay $0x3  }
0x94: {  	_ =	strace s3  }
0x95: {  	s3 =	sld [smem:$0x3FFD];
	_ =	sdelay $0x3  }
0x96: {  	_ =	strace s3  }
0x97: {  	_ =	strace $0x8FFFFFFF  }
0x98: {  	s19 =	sld [smem:$0x3FDB];
	_ =	sdelay $0x1  }
0x99: {  	s4 =	simm.s32 $_scs_section_size  }
0x9a: {  	s5 =	simm.s32 $_size__tile_overlayer_lowered;
	s6 =	simm.s32 $_tile_overlayer_lowered  }
0x9b: {  	s22 =	simm.s32 $0x1BFF;
	s21 =	sshll.u32 s6, $0x1;
	s3 =	sadd.s32 s4, s19  }
0x9c: {  	s7 =	simm.s32 $0x0;
	s20 =	sshll.u32 s5, $0x1;
	s5 =	sadd.s32 s21, s3  }
0x9d: {  	[timem:s7], [sflag:s22] =	dma.local [hbm:s5], s20  }
0x9e: {  	_ =	swait.ge [sflag:s22], s20  }
0x9f: {  	s4 =	ssub.s32 $0x0, s20;
	[sflag:s22] =	ssyncset.done $0x0  }
0xa0: {  	[sflag:s22] =	ssyncadd.s32 s4;
	_ =	sdelay $0x1  }
0xa1: {  	s23 =	simm.s32 $0x1B8B  }
0xa2: {  	_ =	swait.ge [sflag:s23], $0x1  }
0xa3: {  	[sflag:s23] =	ssyncset.done $0x0  }
0xa4: {  	s25 =	simm.s32 $0x1B8E;
	s24 =	sld [smem:$0x3FFE];
	[sflag:s23] =	ssyncadd.s32 $0xFFFFFFFF  }
0xa5: {  	s26 =	simm.s32 $execute0_lowered;
	[smem:$0x3FD2] =	sst s25  }
0xa6: {  	s5 =	sshll.u32 s26, $0x1;
	_ =	strace $0x8000004C;
	[dreg:$0x1] =	wrdreg $0xFFFFFFFF  }
0xa7: {  	s28 =	simm.s32 $_size_execute0_lowered;
	s3 =	sadd.s32 s3, s5;
	[dreg:$0x0] =	wrdreg $0x0  }
0xa8: {  	s5 =	sshll.u32 s28, $0x1;
	[dreg:$0x2] =	wrdreg s3  }
0xa9: {  	[dreg:$0x3] =	wrdreg s5  }
0xaa: {  	[dreg:$0x4] =	wrdreg $0xC0  }
0xab: {  	_ =	task [dreg:s7], $0x5FFFF  }
0xac: {  	[dreg:$0x1] =	wrdreg $0xFFFFFFFF  }
0xad: {  	[dreg:$0x0] =	wrdreg $0x60  }
0xae: {  	[dreg:$0x2] =	wrdreg s24  }
0xaf: {  	[dreg:$0x3] =	wrdreg s2  }
0xb0: {  	[dreg:$0x4] =	wrdreg $0x7C000  }
0xb1: {  	[dreg:$0x5] =	wrdreg $0x9  }
0xb2: {  	_ =	task.clear_ibuf [dreg:s7], $0x6FFFF;
	_ =	strace $0x9000004C  }
0xb3: {  	s29 =	simm.s32 $0x9;
	_ =	strace $0x8000004E  }
0xb4: {  	_ =	swait.ge [sflag:s29], $0x1  }
0xb5: {  	[sflag:s29] =	ssyncadd.s32 $0xFFFFFFFF  }
0xb6: {  	_ =	strace $0x9000004E  }
0xb7: {  	_ =	sfence  }
0xb8: {  	s30 =	sld [smem:$0x0];
	_ =	sdelay $0x2  }
0xb9: {  	s31 =	sshll.u32 s1, $0xD;
	s1 =	sshrl.u32 s1, $0x2  }
0xba: {  	s3 =	sand.u32 $0x4000, s31;
	s1 =	sadd.s32 s1, s30  }
0xbb: {  	s0 =	sor.u32 s3, s0;
	s1 =	sshll.u32 s1, $0x11  }
0xbc: {  	s0 =	sor.u32 s1, s0  }
0xbd: {  	s0 =	sadd.s32 $0x8F2B, s0  }
0xbe: {  	[sflag:s0] =	ssyncadd.remote.s32 $0x1  }
0xbf: {  	_ =	sfence.sel $0xFFFF  }
0xc0: {  	[dreg:$0x0] =	wrdreg $0xFFFFFFFF;
	(pc) =	sbr.abs _section_cstart, $3  }
0xc1: {  	[dreg:$0x1] =	wrdreg $0xFFFFFFFF  }
0xc2: {  	_ =	task.clear_ibuf [dreg:s7], $0x2FFFF;
	_ =	strace $0x9FFFFFFF  }
0xc3: {  	(tm) =	ssettm $0x7FFFFFFF  }
tec
execute0_lowered:
.L_overlay_start_1:
0x0: {  	(tag) =	ssettag $0x1  }
0x1: {  	s0 =	rddreg [dreg:$0x0]  }
0x2: {  	s1 =	srdreg.scid;
	s3 =	rddreg [dreg:$0x1]  }
0x3: {  	s9 =	stileid.u32;
	s2 =	rddreg [dreg:$0x2]  }
0x4: {  	s6 =	simm.s32 $0x0;
	s19 =	simm.s32 $0x400;
	s20 =	simm.s32 $0x5  }
0x5: {  	s21 =	simm.s32 $0x6;
	s22 =	simm.s32 $0x50;
	s5 =	smul.u32 $0x13C00, s9  }
0x6: {  	s28 =	simm.s32 $0x80;
	s29 =	simm.s32 $0x0;
	s23 =	smul.u32 $0x4F000, s9  }
0x7: {  	s1 =	sand.u32 $0x1, s1;
	[smem:$0x7FF] =	sst s6;
	s13 =	smul.u32 $0x7D00, s9  }
0x8: {  	s4 =	smul.u32 $0x13C000, s1;
	_ =	strace $0x8000004D;
	s24 =	sshll.u32 s1, $0x4  }
0x9: {  	s7 =	ssub.s32 $0x2, s1;
	s1 =	smul.u32 $0x7D000, s1;
	s8 =	sor.u32 s9, s24  }
0xa: {  	s25 =	sshrl.u32 s23, $0x2;
	s26 =	sshrl.u32 s7, $0x1;
	s23 =	simm.s32 $0x100  }
0xb: {  	s4 =	sadd.s32 s5, s4;
	s11 =	smul.u32 $0x7D00, s8;
	s17 =	ssub.s32 s7, s26  }
0xc: {  	s1 =	sadd.s32 s13, s1;
	s5 =	sshrl.u32 s4, $0x3;
	s4 =	sadd.s32 $0x3600, s0  }
0xd: {  	s1 =	sadd.s32 $0x300, s1;
	s17 =	smax.u32 s17, $0x1;
	s0 =	sadd.s32 s5, s0  }
0xe: {  	s5 =	sadd.s32 s25, s2;
	s12 =	sshrl.u32 s11, $0x3;
	s31 =	sshrl.u32 s1, $0x3  }
.Ltmp0:
0xf: {  	s25 =	simm.s32 $0x2;
	s30 =	sadd.s32 $0x2800, s5;
	(pc) =	sbr.rel .LBB2_1-.Ltmp0, $4  }
0x10: {  	s7 =	sadd.s32 $0x5000, s5;
	s8 =	sadd.s32 $0x7800, s5;
	s9 =	sadd.s32 $0xA000, s5  }
0x11: {  	s10 =	sadd.s32 $0xC800, s5;
	s11 =	sadd.s32 $0xF000, s5;
	s12 =	sadd.s32 s3, s12  }
0x12: {  	s13 =	sadd.s32 $0x11800, s5;
	s16 =	sadd.s32 $0xA1600, s0;
	s18 =	sadd.s32 s31, s3  }
0x13: {  	v0 =	vimm.f32 $0.0e+00;
	[dreg:$0x4] =	wrdreg s30;
	s14 =	sadd.s32 $0x20, s12;
	s15 =	sadd.s32 $0x40, s12  }
.LBB2_9:
0x14: {  	_ =	swait.ge [sflag:s20], $0x2800;
	s0 =	stileid.u32  }
0x15: {  	s1 =	sshrl.u32 s5, $0x3;
	s29 =	sadd.s32 $0x1, s29;
	[sflag:s20] =	ssyncset.done $0x0  }
0x16: {  	s0 =	sshll.u32 s0, $0x6;
	p0 =	sne.s32 s29, s17;
	[sflag:s20] =	ssyncadd.s32 $0xFFFFD800  }
.Ltmp1:
0x17: {  	s0 =	sor.u32 $0x1C06, s0;
	[bflag:$0x0] =	sbarrier.arrive $0xFFFF;
	(pc) =	sbr.rel @!p0 .LBB2_10-.Ltmp1, $4  }
0x18: {  	[hbm:s16], [sflag:s0] =	dma.local [spmem:s1], $0x2780  }
0x19: {  	_ =	swait.ge [sflag:s21], $0x2780  }
0x1a: {  	[sflag:s21] =	ssyncset.done $0x0  }
0x1b: {  	[sflag:s21] =	ssyncadd.s32 $0xFFFFD880  }
.LBB2_1:
0x1c: {  	s1 =	simm.s32 $0x0  }
0x1d: {  	s0 =	sand.u32 $0xFE00, s1  }
0x1e: {  	s1 =	sand.u32 $0x70, s1;
	s3 =	sshrl.u32 s0, $0x2  }
0x1f: {  	s0 =	simm.s32 $0x40;
	s3 =	sor.u32 s1, s3;
	s1 =	simm.s32 $0x0  }
.LBB2_2:
0x20: {  	p0 =	sne.s32 s0, $0x9FC0  }
0x21: {  	[tilespmem:s3+$0x400] =	vst v0;
	s1 =	sadd.s32 $0x10, s1;
	s3 =	smov.u32 s0;
	s0 =	sadd.s32 $0x40, s0  }
.Ltmp2:
0x22: {  	(pc) =	sbr.rel @p0 .LBB2_2-.Ltmp2, $4  }
0x23: {  	_ = 	snop  }
0x24: {  	s3 =	sand.u32 $0xFE00, s3  }
0x25: {  	s24 =	sand.u32 $0x70, s1;
	s3 =	sshrl.u32 s3, $0x2  }
0x26: {  	s3 =	sor.u32 s24, s3  }
0x27: {  	[tilespmem:s3+$0x400] =	vst v0  }
0x28: {  	[spmem:s5] =	stream.linear.scatter [tilespmem:s19], [sflag:$0x5], $0x2800, $0x38;
	[tilespmem:$0x1B800] =	vst v63  }
0x29: {  	s0 =	rddreg [dreg:$0x4]  }
0x2a: {  	[spmem:s0] =	stream.linear.scatter [tilespmem:s19], [sflag:$0x5], $0x2800, $0x38;
	[tilespmem:$0x1B800] =	vst v63  }
0x2b: {  	_ = 	snop  }
0x2c: {  	[spmem:s7] =	stream.linear.scatter [tilespmem:s19], [sflag:$0x5], $0x2800, $0x38;
	[tilespmem:$0x1B800] =	vst v63  }
0x2d: {  	_ = 	snop  }
0x2e: {  	[spmem:s8] =	stream.linear.scatter [tilespmem:s19], [sflag:$0x5], $0x2800, $0x38;
	[tilespmem:$0x1B800] =	vst v63  }
0x2f: {  	_ = 	snop  }
0x30: {  	[spmem:s9] =	stream.linear.scatter [tilespmem:s19], [sflag:$0x5], $0x2800, $0x38;
	[tilespmem:$0x1B800] =	vst v63  }
0x31: {  	_ = 	snop  }
0x32: {  	[spmem:s10] =	stream.linear.scatter [tilespmem:s19], [sflag:$0x5], $0x2800, $0x38;
	[tilespmem:$0x1B800] =	vst v63  }
0x33: {  	_ = 	snop  }
0x34: {  	[spmem:s11] =	stream.linear.scatter [tilespmem:s19], [sflag:$0x5], $0x2800, $0x38;
	[tilespmem:$0x1B800] =	vst v63  }
0x35: {  	_ = 	snop  }
0x36: {  	[spmem:s13] =	stream.linear.scatter [tilespmem:s19], [sflag:$0x5], $0x2400, $0x38;
	[tilespmem:$0x1B800] =	vst v63  }
0x37: {  	_ =	swait.ge [sflag:s20], $0x2800  }
0x38: {  	[sflag:s20] =	ssyncset.done $0x0  }
0x39: {  	[sflag:s20] =	ssyncadd.s32 $0xFFFFD800  }
0x3a: {  	_ =	swait.ge [sflag:s20], $0x2800  }
0x3b: {  	[sflag:s20] =	ssyncset.done $0x0  }
0x3c: {  	[sflag:s20] =	ssyncadd.s32 $0xFFFFD800  }
0x3d: {  	_ =	swait.ge [sflag:s20], $0x2800  }
0x3e: {  	[sflag:s20] =	ssyncset.done $0x0  }
0x3f: {  	[sflag:s20] =	ssyncadd.s32 $0xFFFFD800  }
0x40: {  	_ =	swait.ge [sflag:s20], $0x2800  }
0x41: {  	[sflag:s20] =	ssyncset.done $0x0  }
0x42: {  	[sflag:s20] =	ssyncadd.s32 $0xFFFFD800  }
0x43: {  	_ =	swait.ge [sflag:s20], $0x2800  }
0x44: {  	[sflag:s20] =	ssyncset.done $0x0  }
0x45: {  	[sflag:s20] =	ssyncadd.s32 $0xFFFFD800  }
0x46: {  	_ =	swait.ge [sflag:s20], $0x2800  }
0x47: {  	[sflag:s20] =	ssyncset.done $0x0  }
0x48: {  	[sflag:s20] =	ssyncadd.s32 $0xFFFFD800  }
0x49: {  	_ =	swait.ge [sflag:s20], $0x2800  }
0x4a: {  	[sflag:s20] =	ssyncset.done $0x0  }
0x4b: {  	[sflag:s20] =	ssyncadd.s32 $0xFFFFD800  }
0x4c: {  	_ =	swait.ge [sflag:s20], $0x2400  }
0x4d: {  	[sflag:s20] =	ssyncset.done $0x0  }
0x4e: {  	[sflag:s20] =	ssyncadd.s32 $0xFFFFDC00  }
0x4f: {  	s30 =	simm.s32 $0x0;
	[bflag:$0x0] =	sbarrier.arrive $0xFFFF  }
0x50: {  	[tilespmem:s30], [sflag:$0x6] =	stream.linear.gather [hbm4b:s12+s30], $0x100, $0x38;
	[tilespmem:$0x1B800] =	vst v63  }
0x51: {  	_ =	swait.ge [sflag:s21], $0x100  }
0x52: {  	[sflag:s21] =	ssyncset.done $0x0  }
0x53: {  	[sflag:s21] =	ssyncadd.s32 $0xFFFFFF00  }
0x54: {  	[tilespmem:s19], [sflag:$0x3] =	stream.indirect.gather [hbm4b:s4+s22], $0x80, s30, s22, $0xb8;
	[tilespmem:$0x1B800] =	vst v63  }
0x55: {  	_ = 	snop  }
0x56: {  	[tilespmem:s23], [sflag:$0x2] =	stream.linear.gather [hbm4b:s14+s30], $0x100, $0x38;
	[tilespmem:$0x1B800] =	vst v63  }
0x57: {  	s24 =	simm.s32 $0x200  }
0x58: {  	[tilespmem:s24], [sflag:$0x1] =	stream.linear.gather [hbm4b:s15+s30], $0x100, $0x38;
	[tilespmem:$0x1B800] =	vst v63  }
.Ltmp3:
0x59: {  	_ = 	snop;
	(pc) =	sbr.rel .LBB2_4-.Ltmp3, $4  }
0x5a: {  	_ =	swait.ge [sflag:s25], $0x100  }
0x5b: {  	s26 =	simm.s32 $0x2C00;
	[sflag:s25] =	ssyncset.done $0x0  }
0x5c: {  	s31 =	smov.u32 s18;
	s1 =	simm.s32 $0x0;
	[sflag:s25] =	ssyncadd.s32 $0xFFFFFF00  }
0x5d: {  	[tilespmem:s26], [sflag:$0x4] =	stream.indirect.gather [hbm4b:s4+s22], $0x80, s23, s22, $0xb8;
	[tilespmem:$0x1B800] =	vst v63  }
.LBB2_5:
0x5e: {  	s3 =	sor.u32 $0x400, s3  }
0x5f: {  	[spmem:s2] =	stream.indirect.scatter.add.f32 [tilespmem:s3], [sflag:$0x5], $0x80, s28, s22, $0xb8;
	[tilespmem:$0x1B800] =	vst v63  }
.LBB2_7:
0x60: {  	s3 =	sadd.s32 $0x156, s26  }
0x61: {  	s3 =	sshrl.u32 s3, $0x9  }
0x62: {  	s3 =	sand.u32 $0x7F, s3  }
0x63: {  	s3 =	smul.u32 $0x3, s3;
	_ =	sdelay $0x1  }
0x64: {  	s3 =	ssub.s32 s1, s3  }
0x65: {  	s3 =	sadd.s32 $0x2, s3  }
0x66: {  	s3 =	sand.u32 $0xFF, s3  }
0x67: {  	s6 =	sadd.s32 $0x1, s24;
	s3 =	smul.u32 $0xA000, s3  }
0x68: {  	s26 =	sadd.s32 $0x800, s30;
	p0 =	sgt.u32 s1, $0x79;
	_ =	swait.ge [sflag:s6], $0x100  }
0x69: {  	s24 =	sand.u32 $0xC00, s26;
	[sflag:s6] =	ssyncset.done $0x0;
	s3 =	sshrl.u32 s3, $0x2  }
0x6a: {  	s24 =	sshrl.u32 s24, $0x2;
	[sflag:s6] =	ssyncadd.s32 $0xFFFFFF00;
	s3 =	sor.u32 $0x400, s3  }
0x6b: {  	[tilespmem:s3], [sflag:s0] =	stream.indirect.gather [hbm4b:s4+s22], $0x80, s24, s22, $0xb8;
	[tilespmem:$0x1B800] =	vst v63  }
0x6c: {  	s26 =	sxor.u32 $0xFFFFFFFF, s1;
	s3 =	sadd.s32 @!p0 $0xC00, s30  }
0x6d: {  	s0 =	sand.u32 $0x1, s26;
	s3 =	sand.u32 @!p0 $0xC00, s3  }
0x6e: {  	s6 =	simm.s32 @!p0 $0x0;
	s0 =	sadd.s32 @!p0 $0x1, s0;
	s3 =	sshrl.u32 @!p0 s3, $0x2  }
0x6f: {  	[tilespmem:s3], [sflag:s0] =	stream.linear.gather @!p0 [hbm4b:s31+s6], $0x100, $0x38;
	[tilespmem:$0x1B800] =	vst v63  }
.LBB2_8:
0x70: {  	s30 =	sadd.s32 $0x400, s30  }
0x71: {  	p0 =	sne.s32 s30, $0x1F400  }
.Ltmp4:
0x72: {  	_ = 	snop;
	(pc) =	sbr.rel @!p0 .LBB2_9-.Ltmp4, $2  }
0x73: {  	_ =	sdelay $0x2  }
0x74: {  	s31 =	sadd.s32 $0x20, s31;
	s1 =	sadd.s32 $0x1, s1  }
.LBB2_4:
0x75: {  	s26 =	smul.u32 $0xAB, s1;
	_ =	sdelay $0x1  }
0x76: {  	s0 =	sshrl.u32 s26, $0x9  }
0x77: {  	s0 =	sand.u32 $0x7F, s0  }
0x78: {  	s0 =	smul.u32 $0x3, s0  }
0x79: {  	p0 =	sne.s32 s30, $0x0  }
.Ltmp5:
0x7a: {  	s24 =	sand.u32 $0x1, s1;
	s0 =	ssub.s32 s1, s0;
	(pc) =	sbr.rel @!p0 .LBB2_5-.Ltmp5, $4  }
0x7b: {  	s3 =	sand.u32 $0xFF, s0;
	s0 =	sadd.s32 $0x3, s24  }
0x7c: {  	_ =	swait.ge [sflag:s0], $0x2800;
	s3 =	smul.u32 $0xA000, s3  }
0x7d: {  	[sflag:s0] =	ssyncset.done $0x0  }
0x7e: {  	[sflag:s0] =	ssyncadd.s32 $0xFFFFD800;
	s3 =	sshrl.u32 s3, $0x2  }
0x7f: {  	p0 =	sgt.u32 s1, $0x7A  }
.Ltmp6:
0x80: {  	_ = 	snop;
	(pc) =	sbr.rel @p0 .LBB2_8-.Ltmp6, $4  }
.Ltmp7:
0x81: {  	_ =	swait.ge [sflag:s20], $0x2800;
	s6 =	sand.u32 $0xC00, s30;
	(pc) =	sbr.rel @!p0 .LBB2_7-.Ltmp7, $4  }
0x82: {  	[sflag:s20] =	ssyncset.done $0x0;
	s6 =	sshrl.u32 s6, $0x2  }
0x83: {  	s3 =	sor.u32 $0x400, s3;
	[sflag:s20] =	ssyncadd.s32 $0xFFFFD800;
	s6 =	sor.u32 $0x80, s6  }
0x84: {  	[spmem:s2] =	stream.indirect.scatter.add.f32 [tilespmem:s3], [sflag:$0x5], $0x80, s6, s22, $0xb8;
	[tilespmem:$0x1B800] =	vst v63  }
0x85: {  	_ = 	snop  }
.LBB2_10:
0x86: {  	_ =	sfence.sel $0x180000  }
0x87: {  	[bflag:$0x0] =	sbarrier.arrive $0xFFFF  }
0x88: {  	_ =	strace $0x9000004D  }
0x89: {  	s0 =	stileid.u32;
	[bflag:$0x2] =	sbarrier.arrive $0xFFFF  }
0x8a: {  	p0 =	sne.s32 s0, $0x0;
	s0 =	rddreg [dreg:$0x3]  }
0x8b: {  	s0 =	sadd.s32 @!p0 $0x100000, s0  }
0x8c: {  	[sflag:s0] =	ssyncadd.tile.s32 @!p0 $0x1;
	_ =	shalt  }
.Lfunc_end2:
_tile_overlayer_lowered:
.L_overlay_start_2:
0x8d: {  	(tag) =	ssettag $0x2  }
0x8e: {  	s0 =	rddreg [dreg:$0x0];
	s2 =	stileid.u32  }
0x8f: {  	s1 =	rddreg [dreg:$0x1];
	p0 =	sne.s32 s2, $0x0  }
0x90: {  	s3 =	rddreg [dreg:$0x2];
	[bflag:$0x3] =	sbarrier.arrive $0xFFFF;
	s2 =	simm.s32 @!p0 $0x1C06  }
0x91: {  	[timem:s3], [sflag:s2] =	dma.local @!p0 [hbm:s0], s1  }
0x92: {  	s0 =	simm.s32 @!p0 $0x6  }
0x93: {  	_ =	swait.ge @!p0 [sflag:s0], s1  }
0x94: {  	s1 =	ssub.s32 @!p0 $0x0, s1;
	[sflag:s0] =	ssyncset.done @!p0 $0x0  }
0x95: {  	[sflag:s0] =	ssyncadd.s32 @!p0 s1  }
0x96: {  	[bflag:$0x3] =	sbarrier.arrive $0xFFFF  }
0x97: {  	_ =	shalt  }

// kernel: kernel.19.cloned.1.call-start
scs
__scs_entry_jumppad:
0x0: {  	(pc) =	sbr.rel $0x88, $3  }
0x1: {  	(tag) =	ssettag $0x0;
	lr =	simm.s32 $0x1  }
0x2: {  	[smem:$0x3F9C] =	sst lr;
	_ =	strace $0xD0000000  }
0x3: {  	_ = 	snop  }
0x4: {  	_ = 	snop  }
0x5: {  	_ = 	snop  }
0x6: {  	_ = 	snop  }
0x7: {  	_ = 	snop  }
__scs_overlays_trampoline_lowered:
0x8: {  	[smem:$0x3FAB] =	sst s0  }
0x9: {  	[smem:$0x3FAC] =	sst s1  }
0xa: {  	[smem:$0x3FAD] =	sst s2  }
0xb: {  	[smem:$0x3FAE] =	sst s3  }
0xc: {  	[smem:$0x3FAF] =	sst s4  }
0xd: {  	[smem:$0x3FB0] =	sst s5  }
0xe: {  	[smem:$0x3FB1] =	sst s6  }
0xf: {  	[smem:$0x3FB2] =	sst s7  }
0x10: {  	[smem:$0x3FB3] =	sst s8  }
0x11: {  	[smem:$0x3FB4] =	sst s9;
	s0 =	simm.s32 @!p0 $0x0  }
0x12: {  	s1 =	sld [smem:$0x3F9A];
	s0 =	simm.s32 @p0 $0x1  }
0x13: {  	[smem:$0x3FB5] =	sst s0;
	s0 =	simm.s32 @!p1 $0x0  }
0x14: {  	s2 =	sld [smem:$0x3F99];
	s0 =	simm.s32 @p1 $0x1  }
0x15: {  	[smem:$0x3FB6] =	sst s0;
	s0 =	simm.s32 @!p2 $0x0  }
0x16: {  	s3 =	sld [smem:$0x3FDB];
	s0 =	simm.s32 @p2 $0x1  }
0x17: {  	s4 =	simm.s32 $0x1BF5;
	[smem:$0x3FB8] =	sst s0  }
0x18: {  	s0 =	sld [smem:$0x3F9B];
	_ =	swait.ge [sflag:s4], $0x0  }
0x19: {  	s7 =	sld [smem:$0x3F9C]  }
0x1a: {  	s8 =	sadd.s32 $0xFFFFE003, lr  }
0x1b: {  	s9 =	sadd.s32 $0xFFFFFEF7, lr;
	s5 =	simm.s32 $0xFFFFFFFF;
	p2 =	slt.u32 s8, $0xFFFFF086  }
0x1c: {  	p1 =	slt.u32 s9, $0xF7A;
	s5 =	simm.s32 @!p2 $0x0  }
0x1d: {  	s5 =	simm.s32 @p1 $0x1;
	p0 =	seq.s32 s7, s2  }
0x1e: {  	s7 =	smul.u32 @!p0 $0xF7A, s2;
	p2 =	seq.s32 @!p0 s5, $0x0  }
0x1f: {  	s9 =	smul.u32 $0xF7A, s1;
	s8 =	simm.s32 @!p0 $0x1BF5;
	p2 =	por !p2, p0  }
0x20: {  	[sflag:s8] =	ssyncset.s32 @!p0 $0xFFFFF086;
	s6 =	sadd.s32 @!p0 s3, s7;
	s7 =	simm.s32 @!p0 $0x108  }
0x21: {  	s3 =	sadd.s32 s3, s9;
	s6 =	sadd.s32 @!p0 $0x88, s6;
	s7 =	simm.s32 @p2 $0x1082  }
0x22: {  	[simem:s7], [sflag:s8] =	dma.local @!p0 [hbm:s6], $0xF7A  }
0x23: {  	s9 =	sor.u32 $0xD0000000, s2;
	s6 =	simm.s32 $0x108;
	_ =	swait.ge @!p0 [sflag:s8], $0x0  }
0x24: {  	s3 =	sadd.s32 $0x88, s3;
	s6 =	simm.s32 @!p1 $0x1082;
	[sflag:s4] =	ssyncset.s32 $0xFFFFF086  }
0x25: {  	[simem:s6], [sflag:s4] =	dma.local [hbm:s3], $0xF7A  }
0x26: {  	[smem:$0x3F9C] =	sst s1;
	(tag) =	ssettag s2;
	_ =	strace s9  }
0x27: {  	s1 =	sld [smem:$0x3FAC]  }
0x28: {  	s2 =	sld [smem:$0x3FAD]  }
0x29: {  	s4 =	sld [smem:$0x3FAF]  }
0x2a: {  	p0 =	seq.s32 s5, $0x0;
	s5 =	sld [smem:$0x3FB0]  }
0x2b: {  	s6 =	sld [smem:$0x3FB1]  }
0x2c: {  	s7 =	sld [smem:$0x3FB2]  }
0x2d: {  	s3 =	simm.s32 $0x108;
	s8 =	sld [smem:$0x3FB3]  }
0x2e: {  	s3 =	simm.s32 @!p0 $0x1082;
	s9 =	sld [smem:$0x3FB4]  }
0x2f: {  	lr =	sadd.s32 s0, s3;
	s0 =	sld [smem:$0x3FAB]  }
0x30: {  	s3 =	sld [smem:$0x3FAE]  }
0x31: {  	[smem:$0x3FB7] =	sst s10  }
0x32: {  	s10 =	sld [smem:$0x3FB5];
	_ =	sdelay $0x3  }
0x33: {  	p0 =	seq.s32 s10, $0x1;
	s10 =	sld [smem:$0x3FB7];
	_ =	sdelay $0x3  }
0x34: {  	[smem:$0x3FB7] =	sst s10  }
0x35: {  	s10 =	sld [smem:$0x3FB6];
	_ =	sdelay $0x3  }
0x36: {  	p1 =	seq.s32 s10, $0x1;
	s10 =	sld [smem:$0x3FB7];
	_ =	sdelay $0x3  }
0x37: {  	[smem:$0x3FB7] =	sst s10  }
0x38: {  	s10 =	sld [smem:$0x3FB8]  }
0x39: {  	_ = 	snop;
	(pc) =	sbr.ind lr, $3  }
0x3a: {  	_ = 	snop  }
0x3b: {  	_ = 	snop  }
0x3c: {  	p2 =	seq.s32 s10, $0x1;
	s10 =	sld [smem:$0x3FB7]  }
0x3d: {  	_ =	shalt  }
0x3e: {  	_ =	shalt  }
0x3f: {  	_ =	shalt  }
0x40: {  	_ =	shalt  }
0x41: {  	_ =	shalt  }
0x42: {  	_ =	shalt  }
0x43: {  	_ =	shalt  }
0x44: {  	_ =	shalt  }
0x45: {  	_ =	shalt  }
0x46: {  	_ =	shalt  }
0x47: {  	_ =	shalt  }
0x48: {  	_ =	shalt  }
0x49: {  	_ =	shalt  }
0x4a: {  	_ =	shalt  }
0x4b: {  	_ =	shalt  }
0x4c: {  	_ =	shalt  }
0x4d: {  	_ =	shalt  }
0x4e: {  	_ =	shalt  }
0x4f: {  	_ =	shalt  }
0x50: {  	_ =	shalt  }
0x51: {  	_ =	shalt  }
0x52: {  	_ =	shalt  }
0x53: {  	_ =	shalt  }
0x54: {  	_ =	shalt  }
0x55: {  	_ =	shalt  }
0x56: {  	_ =	shalt  }
0x57: {  	_ =	shalt  }
0x58: {  	_ =	shalt  }
0x59: {  	_ =	shalt  }
0x5a: {  	_ =	shalt  }
0x5b: {  	_ =	shalt  }
0x5c: {  	_ =	shalt  }
0x5d: {  	_ =	shalt  }
0x5e: {  	_ =	shalt  }
0x5f: {  	_ =	shalt  }
0x60: {  	_ =	shalt  }
0x61: {  	_ =	shalt  }
0x62: {  	_ =	shalt  }
0x63: {  	_ =	shalt  }
0x64: {  	_ =	shalt  }
0x65: {  	_ =	shalt  }
0x66: {  	_ =	shalt  }
0x67: {  	_ =	shalt  }
0x68: {  	_ =	shalt  }
0x69: {  	_ =	shalt  }
0x6a: {  	_ =	shalt  }
0x6b: {  	_ =	shalt  }
0x6c: {  	_ =	shalt  }
0x6d: {  	_ =	shalt  }
0x6e: {  	_ =	shalt  }
0x6f: {  	_ =	shalt  }
0x70: {  	_ =	shalt  }
0x71: {  	_ =	shalt  }
0x72: {  	_ =	shalt  }
0x73: {  	_ =	shalt  }
0x74: {  	_ =	shalt  }
0x75: {  	_ =	shalt  }
0x76: {  	_ =	shalt  }
0x77: {  	_ =	shalt  }
0x78: {  	_ =	shalt  }
0x79: {  	_ =	shalt  }
0x7a: {  	_ =	shalt  }
0x7b: {  	_ =	shalt  }
0x7c: {  	_ =	shalt  }
0x7d: {  	_ =	shalt  }
0x7e: {  	_ =	shalt  }
0x7f: {  	_ =	shalt  }
0x80: {  	_ =	shalt  }
0x81: {  	_ =	shalt  }
0x82: {  	_ =	shalt  }
0x83: {  	_ =	shalt  }
0x84: {  	_ =	shalt  }
0x85: {  	_ =	shalt  }
0x86: {  	_ =	shalt  }
0x87: {  	_ =	shalt  }
.Lfunc_end0:
.L_simem_size_0:
called_computation.3_lowered:
.L_overlay_start_0:
0x88: {  	s2 =	sld [smem:$0x3FD9]  }
0x89: {  	s3 =	sld [smem:$0x3FFE];
	_ =	sdelay $0x1  }
0x8a: {  	s1 =	srdreg.scid  }
0x8b: {  	s0 =	sand.u32 $0x1, s1  }
0x8c: {  	s17 =	sshll.u32 s0, $0xA;
	s2 =	sadd.s32 s3, s2  }
0x8d: {  	s2 =	sadd.s32 s2, s17  }
0x8e: {  	[smem:$0x3FC3] =	sst s2  }
0x8f: {  	_ = 	snop  }
0x90: {  	s2 =	sld [smem:$0x3FD0];
	(tm) =	ssettm $0x1  }
0x91: {  	s18 =	sld [smem:$0x3FFB];
	_ =	sdelay $0x3  }
0x92: {  	_ =	strace s18  }
0x93: {  	s3 =	sld [smem:$0x3FFC];
	_ =	sdelay $0x3  }
0x94: {  	_ =	strace s3  }
0x95: {  	s3 =	sld [smem:$0x3FFD];
	_ =	sdelay $0x3  }
0x96: {  	_ =	strace s3  }
0x97: {  	_ =	strace $0x8FFFFFFF  }
0x98: {  	s19 =	sld [smem:$0x3FDB];
	_ =	sdelay $0x1  }
0x99: {  	s4 =	simm.s32 $_scs_section_size  }
0x9a: {  	s5 =	simm.s32 $_size__tile_overlayer_lowered;
	s6 =	simm.s32 $_tile_overlayer_lowered  }
0x9b: {  	s22 =	simm.s32 $0x1BFF;
	s21 =	sshll.u32 s6, $0x1;
	s3 =	sadd.s32 s4, s19  }
0x9c: {  	s7 =	simm.s32 $0x0;
	s20 =	sshll.u32 s5, $0x1;
	s5 =	sadd.s32 s21, s3  }
0x9d: {  	[timem:s7], [sflag:s22] =	dma.local [hbm:s5], s20  }
0x9e: {  	_ =	swait.ge [sflag:s22], s20  }
0x9f: {  	s4 =	ssub.s32 $0x0, s20;
	[sflag:s22] =	ssyncset.done $0x0  }
0xa0: {  	[sflag:s22] =	ssyncadd.s32 s4;
	_ =	sdelay $0x1  }
0xa1: {  	s23 =	simm.s32 $0x1B8B  }
0xa2: {  	_ =	swait.ge [sflag:s23], $0x1  }
0xa3: {  	[sflag:s23] =	ssyncset.done $0x0  }
0xa4: {  	s25 =	simm.s32 $0x1B8E;
	s24 =	sld [smem:$0x3FFE];
	[sflag:s23] =	ssyncadd.s32 $0xFFFFFFFF  }
0xa5: {  	s26 =	simm.s32 $execute0_lowered;
	[smem:$0x3FD2] =	sst s25  }
0xa6: {  	s5 =	sshll.u32 s26, $0x1;
	_ =	strace $0x8000004F;
	[dreg:$0x1] =	wrdreg $0xFFFFFFFF  }
0xa7: {  	s28 =	simm.s32 $_size_execute0_lowered;
	s3 =	sadd.s32 s3, s5;
	[dreg:$0x0] =	wrdreg $0x0  }
0xa8: {  	s5 =	sshll.u32 s28, $0x1;
	[dreg:$0x2] =	wrdreg s3  }
0xa9: {  	[dreg:$0x3] =	wrdreg s5  }
0xaa: {  	[dreg:$0x4] =	wrdreg $0xC0  }
0xab: {  	_ =	task [dreg:s7], $0x5FFFF  }
0xac: {  	[dreg:$0x1] =	wrdreg $0xFFFFFFFF  }
0xad: {  	[dreg:$0x0] =	wrdreg $0x60  }
0xae: {  	[dreg:$0x2] =	wrdreg s24  }
0xaf: {  	[dreg:$0x3] =	wrdreg s2  }
0xb0: {  	[dreg:$0x4] =	wrdreg $0x7C000  }
0xb1: {  	[dreg:$0x5] =	wrdreg $0x9  }
0xb2: {  	_ =	task.clear_ibuf [dreg:s7], $0x6FFFF;
	_ =	strace $0x9000004F  }
0xb3: {  	s29 =	simm.s32 $0x9;
	_ =	strace $0x80000051  }
0xb4: {  	_ =	swait.ge [sflag:s29], $0x1  }
0xb5: {  	[sflag:s29] =	ssyncadd.s32 $0xFFFFFFFF  }
0xb6: {  	_ =	strace $0x90000051  }
0xb7: {  	_ =	sfence  }
0xb8: {  	s30 =	sld [smem:$0x0];
	_ =	sdelay $0x2  }
0xb9: {  	s31 =	sshll.u32 s1, $0xD;
	s1 =	sshrl.u32 s1, $0x2  }
0xba: {  	s3 =	sand.u32 $0x4000, s31;
	s1 =	sadd.s32 s1, s30  }
0xbb: {  	s0 =	sor.u32 s3, s0;
	s1 =	sshll.u32 s1, $0x11  }
0xbc: {  	s0 =	sor.u32 s1, s0  }
0xbd: {  	s0 =	sadd.s32 $0x8F2B, s0  }
0xbe: {  	[sflag:s0] =	ssyncadd.remote.s32 $0x1  }
0xbf: {  	_ =	sfence.sel $0xFFFF  }
0xc0: {  	[dreg:$0x0] =	wrdreg $0xFFFFFFFF;
	(pc) =	sbr.abs _section_cstart, $3  }
0xc1: {  	[dreg:$0x1] =	wrdreg $0xFFFFFFFF  }
0xc2: {  	_ =	task.clear_ibuf [dreg:s7], $0x2FFFF;
	_ =	strace $0x9FFFFFFF  }
0xc3: {  	(tm) =	ssettm $0x7FFFFFFF  }
tec
execute0_lowered:
.L_overlay_start_1:
0x0: {  	(tag) =	ssettag $0x1  }
0x1: {  	s0 =	rddreg [dreg:$0x0]  }
0x2: {  	s1 =	srdreg.scid;
	s3 =	rddreg [dreg:$0x1]  }
0x3: {  	s9 =	stileid.u32;
	s2 =	rddreg [dreg:$0x2]  }
0x4: {  	s6 =	simm.s32 $0x0;
	s19 =	simm.s32 $0x400;
	s20 =	simm.s32 $0x5  }
0x5: {  	s21 =	simm.s32 $0x6;
	s22 =	simm.s32 $0x50;
	s5 =	smul.u32 $0x13C00, s9  }
0x6: {  	s28 =	simm.s32 $0x80;
	s29 =	simm.s32 $0x0;
	s23 =	smul.u32 $0x4F000, s9  }
0x7: {  	s1 =	sand.u32 $0x1, s1;
	[smem:$0x7FF] =	sst s6;
	s13 =	smul.u32 $0x7D00, s9  }
0x8: {  	s4 =	smul.u32 $0x13C000, s1;
	_ =	strace $0x80000050;
	s24 =	sshll.u32 s1, $0x4  }
0x9: {  	s7 =	ssub.s32 $0x2, s1;
	s1 =	smul.u32 $0x7D000, s1;
	s8 =	sor.u32 s9, s24  }
0xa: {  	s25 =	sshrl.u32 s23, $0x2;
	s26 =	sshrl.u32 s7, $0x1;
	s23 =	simm.s32 $0x100  }
0xb: {  	s4 =	sadd.s32 s5, s4;
	s11 =	smul.u32 $0x7D00, s8;
	s17 =	ssub.s32 s7, s26  }
0xc: {  	s1 =	sadd.s32 s13, s1;
	s5 =	sshrl.u32 s4, $0x3;
	s4 =	sadd.s32 $0x3600, s0  }
0xd: {  	s1 =	sadd.s32 $0x300, s1;
	s17 =	smax.u32 s17, $0x1;
	s0 =	sadd.s32 s5, s0  }
0xe: {  	s5 =	sadd.s32 s25, s2;
	s12 =	sshrl.u32 s11, $0x3;
	s31 =	sshrl.u32 s1, $0x3  }
.Ltmp0:
0xf: {  	s25 =	simm.s32 $0x2;
	s30 =	sadd.s32 $0x2800, s5;
	(pc) =	sbr.rel .LBB2_1-.Ltmp0, $4  }
0x10: {  	s7 =	sadd.s32 $0x5000, s5;
	s8 =	sadd.s32 $0x7800, s5;
	s9 =	sadd.s32 $0xA000, s5  }
0x11: {  	s10 =	sadd.s32 $0xC800, s5;
	s11 =	sadd.s32 $0xF000, s5;
	s12 =	sadd.s32 s3, s12  }
0x12: {  	s13 =	sadd.s32 $0x11800, s5;
	s16 =	sadd.s32 $0x2AE00, s0;
	s18 =	sadd.s32 s31, s3  }
0x13: {  	v0 =	vimm.f32 $0.0e+00;
	[dreg:$0x4] =	wrdreg s30;
	s14 =	sadd.s32 $0x20, s12;
	s15 =	sadd.s32 $0x40, s12  }
.LBB2_9:
0x14: {  	_ =	swait.ge [sflag:s20], $0x2800;
	s0 =	stileid.u32  }
0x15: {  	s1 =	sshrl.u32 s5, $0x3;
	s29 =	sadd.s32 $0x1, s29;
	[sflag:s20] =	ssyncset.done $0x0  }
0x16: {  	s0 =	sshll.u32 s0, $0x6;
	p0 =	sne.s32 s29, s17;
	[sflag:s20] =	ssyncadd.s32 $0xFFFFD800  }
.Ltmp1:
0x17: {  	s0 =	sor.u32 $0x1C06, s0;
	[bflag:$0x0] =	sbarrier.arrive $0xFFFF;
	(pc) =	sbr.rel @!p0 .LBB2_10-.Ltmp1, $4  }
0x18: {  	[hbm:s16], [sflag:s0] =	dma.local [spmem:s1], $0x2780  }
0x19: {  	_ =	swait.ge [sflag:s21], $0x2780  }
0x1a: {  	[sflag:s21] =	ssyncset.done $0x0  }
0x1b: {  	[sflag:s21] =	ssyncadd.s32 $0xFFFFD880  }
.LBB2_1:
0x1c: {  	s1 =	simm.s32 $0x0  }
0x1d: {  	s0 =	sand.u32 $0xFE00, s1  }
0x1e: {  	s1 =	sand.u32 $0x70, s1;
	s3 =	sshrl.u32 s0, $0x2  }
0x1f: {  	s0 =	simm.s32 $0x40;
	s3 =	sor.u32 s1, s3;
	s1 =	simm.s32 $0x0  }
.LBB2_2:
0x20: {  	p0 =	sne.s32 s0, $0x9FC0  }
0x21: {  	[tilespmem:s3+$0x400] =	vst v0;
	s1 =	sadd.s32 $0x10, s1;
	s3 =	smov.u32 s0;
	s0 =	sadd.s32 $0x40, s0  }
.Ltmp2:
0x22: {  	(pc) =	sbr.rel @p0 .LBB2_2-.Ltmp2, $4  }
0x23: {  	_ = 	snop  }
0x24: {  	s3 =	sand.u32 $0xFE00, s3  }
0x25: {  	s24 =	sand.u32 $0x70, s1;
	s3 =	sshrl.u32 s3, $0x2  }
0x26: {  	s3 =	sor.u32 s24, s3  }
0x27: {  	[tilespmem:s3+$0x400] =	vst v0  }
0x28: {  	[spmem:s5] =	stream.linear.scatter [tilespmem:s19], [sflag:$0x5], $0x2800, $0x38;
	[tilespmem:$0x1B800] =	vst v63  }
0x29: {  	s0 =	rddreg [dreg:$0x4]  }
0x2a: {  	[spmem:s0] =	stream.linear.scatter [tilespmem:s19], [sflag:$0x5], $0x2800, $0x38;
	[tilespmem:$0x1B800] =	vst v63  }
0x2b: {  	_ = 	snop  }
0x2c: {  	[spmem:s7] =	stream.linear.scatter [tilespmem:s19], [sflag:$0x5], $0x2800, $0x38;
	[tilespmem:$0x1B800] =	vst v63  }
0x2d: {  	_ = 	snop  }
0x2e: {  	[spmem:s8] =	stream.linear.scatter [tilespmem:s19], [sflag:$0x5], $0x2800, $0x38;
	[tilespmem:$0x1B800] =	vst v63  }
0x2f: {  	_ = 	snop  }
0x30: {  	[spmem:s9] =	stream.linear.scatter [tilespmem:s19], [sflag:$0x5], $0x2800, $0x38;
	[tilespmem:$0x1B800] =	vst v63  }
0x31: {  	_ = 	snop  }
0x32: {  	[spmem:s10] =	stream.linear.scatter [tilespmem:s19], [sflag:$0x5], $0x2800, $0x38;
	[tilespmem:$0x1B800] =	vst v63  }
0x33: {  	_ = 	snop  }
0x34: {  	[spmem:s11] =	stream.linear.scatter [tilespmem:s19], [sflag:$0x5], $0x2800, $0x38;
	[tilespmem:$0x1B800] =	vst v63  }
0x35: {  	_ = 	snop  }
0x36: {  	[spmem:s13] =	stream.linear.scatter [tilespmem:s19], [sflag:$0x5], $0x2400, $0x38;
	[tilespmem:$0x1B800] =	vst v63  }
0x37: {  	_ =	swait.ge [sflag:s20], $0x2800  }
0x38: {  	[sflag:s20] =	ssyncset.done $0x0  }
0x39: {  	[sflag:s20] =	ssyncadd.s32 $0xFFFFD800  }
0x3a: {  	_ =	swait.ge [sflag:s20], $0x2800  }
0x3b: {  	[sflag:s20] =	ssyncset.done $0x0  }
0x3c: {  	[sflag:s20] =	ssyncadd.s32 $0xFFFFD800  }
0x3d: {  	_ =	swait.ge [sflag:s20], $0x2800  }
0x3e: {  	[sflag:s20] =	ssyncset.done $0x0  }
0x3f: {  	[sflag:s20] =	ssyncadd.s32 $0xFFFFD800  }
0x40: {  	_ =	swait.ge [sflag:s20], $0x2800  }
0x41: {  	[sflag:s20] =	ssyncset.done $0x0  }
0x42: {  	[sflag:s20] =	ssyncadd.s32 $0xFFFFD800  }
0x43: {  	_ =	swait.ge [sflag:s20], $0x2800  }
0x44: {  	[sflag:s20] =	ssyncset.done $0x0  }
0x45: {  	[sflag:s20] =	ssyncadd.s32 $0xFFFFD800  }
0x46: {  	_ =	swait.ge [sflag:s20], $0x2800  }
0x47: {  	[sflag:s20] =	ssyncset.done $0x0  }
0x48: {  	[sflag:s20] =	ssyncadd.s32 $0xFFFFD800  }
0x49: {  	_ =	swait.ge [sflag:s20], $0x2800  }
0x4a: {  	[sflag:s20] =	ssyncset.done $0x0  }
0x4b: {  	[sflag:s20] =	ssyncadd.s32 $0xFFFFD800  }
0x4c: {  	_ =	swait.ge [sflag:s20], $0x2400  }
0x4d: {  	[sflag:s20] =	ssyncset.done $0x0  }
0x4e: {  	[sflag:s20] =	ssyncadd.s32 $0xFFFFDC00  }
0x4f: {  	s30 =	simm.s32 $0x0;
	[bflag:$0x0] =	sbarrier.arrive $0xFFFF  }
0x50: {  	[tilespmem:s30], [sflag:$0x6] =	stream.linear.gather [hbm4b:s12+s30], $0x100, $0x38;
	[tilespmem:$0x1B800] =	vst v63  }
0x51: {  	_ =	swait.ge [sflag:s21], $0x100  }
0x52: {  	[sflag:s21] =	ssyncset.done $0x0  }
0x53: {  	[sflag:s21] =	ssyncadd.s32 $0xFFFFFF00  }
0x54: {  	[tilespmem:s19], [sflag:$0x3] =	stream.indirect.gather [hbm4b:s4+s22], $0x80, s30, s22, $0xb8;
	[tilespmem:$0x1B800] =	vst v63  }
0x55: {  	_ = 	snop  }
0x56: {  	[tilespmem:s23], [sflag:$0x2] =	stream.linear.gather [hbm4b:s14+s30], $0x100, $0x38;
	[tilespmem:$0x1B800] =	vst v63  }
0x57: {  	s24 =	simm.s32 $0x200  }
0x58: {  	[tilespmem:s24], [sflag:$0x1] =	stream.linear.gather [hbm4b:s15+s30], $0x100, $0x38;
	[tilespmem:$0x1B800] =	vst v63  }
.Ltmp3:
0x59: {  	_ = 	snop;
	(pc) =	sbr.rel .LBB2_4-.Ltmp3, $4  }
0x5a: {  	_ =	swait.ge [sflag:s25], $0x100  }
0x5b: {  	s26 =	simm.s32 $0x2C00;
	[sflag:s25] =	ssyncset.done $0x0  }
0x5c: {  	s31 =	smov.u32 s18;
	s1 =	simm.s32 $0x0;
	[sflag:s25] =	ssyncadd.s32 $0xFFFFFF00  }
0x5d: {  	[tilespmem:s26], [sflag:$0x4] =	stream.indirect.gather [hbm4b:s4+s22], $0x80, s23, s22, $0xb8;
	[tilespmem:$0x1B800] =	vst v63  }
.LBB2_5:
0x5e: {  	s3 =	sor.u32 $0x400, s3  }
0x5f: {  	[spmem:s2] =	stream.indirect.scatter.add.f32 [tilespmem:s3], [sflag:$0x5], $0x80, s28, s22, $0xb8;
	[tilespmem:$0x1B800] =	vst v63  }
.LBB2_7:
0x60: {  	s3 =	sadd.s32 $0x156, s26  }
0x61: {  	s3 =	sshrl.u32 s3, $0x9  }
0x62: {  	s3 =	sand.u32 $0x7F, s3  }
0x63: {  	s3 =	smul.u32 $0x3, s3;
	_ =	sdelay $0x1  }
0x64: {  	s3 =	ssub.s32 s1, s3  }
0x65: {  	s3 =	sadd.s32 $0x2, s3  }
0x66: {  	s3 =	sand.u32 $0xFF, s3  }
0x67: {  	s6 =	sadd.s32 $0x1, s24;
	s3 =	smul.u32 $0xA000, s3  }
0x68: {  	s26 =	sadd.s32 $0x800, s30;
	p0 =	sgt.u32 s1, $0x79;
	_ =	swait.ge [sflag:s6], $0x100  }
0x69: {  	s24 =	sand.u32 $0xC00, s26;
	[sflag:s6] =	ssyncset.done $0x0;
	s3 =	sshrl.u32 s3, $0x2  }
0x6a: {  	s24 =	sshrl.u32 s24, $0x2;
	[sflag:s6] =	ssyncadd.s32 $0xFFFFFF00;
	s3 =	sor.u32 $0x400, s3  }
0x6b: {  	[tilespmem:s3], [sflag:s0] =	stream.indirect.gather [hbm4b:s4+s22], $0x80, s24, s22, $0xb8;
	[tilespmem:$0x1B800] =	vst v63  }
0x6c: {  	s26 =	sxor.u32 $0xFFFFFFFF, s1;
	s3 =	sadd.s32 @!p0 $0xC00, s30  }
0x6d: {  	s0 =	sand.u32 $0x1, s26;
	s3 =	sand.u32 @!p0 $0xC00, s3  }
0x6e: {  	s6 =	simm.s32 @!p0 $0x0;
	s0 =	sadd.s32 @!p0 $0x1, s0;
	s3 =	sshrl.u32 @!p0 s3, $0x2  }
0x6f: {  	[tilespmem:s3], [sflag:s0] =	stream.linear.gather @!p0 [hbm4b:s31+s6], $0x100, $0x38;
	[tilespmem:$0x1B800] =	vst v63  }
.LBB2_8:
0x70: {  	s30 =	sadd.s32 $0x400, s30  }
0x71: {  	p0 =	sne.s32 s30, $0x1F400  }
.Ltmp4:
0x72: {  	_ = 	snop;
	(pc) =	sbr.rel @!p0 .LBB2_9-.Ltmp4, $2  }
0x73: {  	_ =	sdelay $0x2  }
0x74: {  	s31 =	sadd.s32 $0x20, s31;
	s1 =	sadd.s32 $0x1, s1  }
.LBB2_4:
0x75: {  	s26 =	smul.u32 $0xAB, s1;
	_ =	sdelay $0x1  }
0x76: {  	s0 =	sshrl.u32 s26, $0x9  }
0x77: {  	s0 =	sand.u32 $0x7F, s0  }
0x78: {  	s0 =	smul.u32 $0x3, s0  }
0x79: {  	p0 =	sne.s32 s30, $0x0  }
.Ltmp5:
0x7a: {  	s24 =	sand.u32 $0x1, s1;
	s0 =	ssub.s32 s1, s0;
	(pc) =	sbr.rel @!p0 .LBB2_5-.Ltmp5, $4  }
0x7b: {  	s3 =	sand.u32 $0xFF, s0;
	s0 =	sadd.s32 $0x3, s24  }
0x7c: {  	_ =	swait.ge [sflag:s0], $0x2800;
	s3 =	smul.u32 $0xA000, s3  }
0x7d: {  	[sflag:s0] =	ssyncset.done $0x0  }
0x7e: {  	[sflag:s0] =	ssyncadd.s32 $0xFFFFD800;
	s3 =	sshrl.u32 s3, $0x2  }
0x7f: {  	p0 =	sgt.u32 s1, $0x7A  }
.Ltmp6:
0x80: {  	_ = 	snop;
	(pc) =	sbr.rel @p0 .LBB2_8-.Ltmp6, $4  }
.Ltmp7:
0x81: {  	_ =	swait.ge [sflag:s20], $0x2800;
	s6 =	sand.u32 $0xC00, s30;
	(pc) =	sbr.rel @!p0 .LBB2_7-.Ltmp7, $4  }
0x82: {  	[sflag:s20] =	ssyncset.done $0x0;
	s6 =	sshrl.u32 s6, $0x2  }
0x83: {  	s3 =	sor.u32 $0x400, s3;
	[sflag:s20] =	ssyncadd.s32 $0xFFFFD800;
	s6 =	sor.u32 $0x80, s6  }
0x84: {  	[spmem:s2] =	stream.indirect.scatter.add.f32 [tilespmem:s3], [sflag:$0x5], $0x80, s6, s22, $0xb8;
	[tilespmem:$0x1B800] =	vst v63  }
0x85: {  	_ = 	snop  }
.LBB2_10:
0x86: {  	_ =	sfence.sel $0x180000  }
0x87: {  	[bflag:$0x0] =	sbarrier.arrive $0xFFFF  }
0x88: {  	_ =	strace $0x90000050  }
0x89: {  	s0 =	stileid.u32;
	[bflag:$0x2] =	sbarrier.arrive $0xFFFF  }
0x8a: {  	p0 =	sne.s32 s0, $0x0;
	s0 =	rddreg [dreg:$0x3]  }
0x8b: {  	s0 =	sadd.s32 @!p0 $0x100000, s0  }
0x8c: {  	[sflag:s0] =	ssyncadd.tile.s32 @!p0 $0x1;
	_ =	shalt  }
.Lfunc_end2:
_tile_overlayer_lowered:
.L_overlay_start_2:
0x8d: {  	(tag) =	ssettag $0x2  }
0x8e: {  	s0 =	rddreg [dreg:$0x0];
	s2 =	stileid.u32  }
0x8f: {  	s1 =	rddreg [dreg:$0x1];
	p0 =	sne.s32 s2, $0x0  }
0x90: {  	s3 =	rddreg [dreg:$0x2];
	[bflag:$0x3] =	sbarrier.arrive $0xFFFF;
	s2 =	simm.s32 @!p0 $0x1C06  }
0x91: {  	[timem:s3], [sflag:s2] =	dma.local @!p0 [hbm:s0], s1  }
0x92: {  	s0 =	simm.s32 @!p0 $0x6  }
0x93: {  	_ =	swait.ge @!p0 [sflag:s0], s1  }
0x94: {  	s1 =	ssub.s32 @!p0 $0x0, s1;
	[sflag:s0] =	ssyncset.done @!p0 $0x0  }
0x95: {  	[sflag:s0] =	ssyncadd.s32 @!p0 s1  }
0x96: {  	[bflag:$0x3] =	sbarrier.arrive $0xFFFF  }
0x97: {  	_ =	shalt  }

</sc_bundles>
